<compile_context>
chip_gen: v7x
topology: tpu7x:2x2x1
jax: 0.10.2.dev20260603
libtpu: 0.0.44.dev20260713+nightly
codegen_flags: <defaults>
</compile_context>

<pallas_src>
import functools

import jax
import jax.numpy as jnp
import numpy as np
from jax import lax
from jax.experimental import pallas as pl
from jax.experimental.pallas import tpu as pltpu
from jax.experimental.pallas import tpu_sc as plsc

INF = 100000000.0
L = 20000
T = 100
NCORES = 2
NSUB = 16
LANES = 16
NW = NCORES * NSUB
NCOEF = 13

NSC = 6144
PER_TILE = NSC // NW
NVREG = PER_TILE // LANES
KUN = 4
NGRP = NVREG // KUN

LTC = L - NSC
TCROWS = -(-LTC // 1024)
LTCPAD = TCROWS * 1024


def _build_coeffs(corners):
    c = corners.reshape(T, 4, 2)
    xi = c[:, :, 0]
    yi = c[:, :, 1]
    F = jnp.roll(yi, -1, axis=1) - yi
    G = jnp.roll(xi, -1, axis=1) - xi
    inv = 1.0 / (jnp.sqrt(F * F + G * G) + 1e-12)

    def tri(a, b, cc):
        u = a - cc
        v = b - cc
        return 0.5 * jnp.abs(u[..., 0] * v[..., 1] - u[..., 1] * v[..., 0])

    c0, c1, c2, c3 = c[:, 0], c[:, 1], c[:, 2], c[:, 3]
    poly = tri(c0, c1, c2) + tri(c2, c3, c0)
    thr2 = 2.0 * (poly + 0.001)
    return jnp.concatenate([xi, yi, inv, thr2[:, None]], axis=1)


def _sqrt16(x):
    i = lax.bitcast_convert_type(x, jnp.int32)
    i = np.int32(0x5F3759DF) - lax.shift_right_arithmetic(i, 1)
    y = lax.bitcast_convert_type(i, jnp.float32)
    for _ in range(3):
        y = y * (1.5 - 0.5 * x * y * y)
    return jnp.where(x > 0, x * y, jnp.zeros_like(x))



@functools.partial(
    pl.kernel,
    out_type=jax.ShapeDtypeStruct((NSC,), jnp.float32),
    mesh=plsc.VectorSubcoreMesh(core_axis_name="c", subcore_axis_name="s"),
    scratch_types=[
        pltpu.VMEM((T * NCOEF * LANES,), jnp.float32),
        pltpu.VMEM((PER_TILE,), jnp.float32),
        pltpu.VMEM((PER_TILE,), jnp.float32),
        pltpu.VMEM((PER_TILE,), jnp.float32),
        pltpu.SemaphoreType.DMA,
    ],
)
def _sc_ctr(coef_hbm, xs_hbm, ys_hbm, out_hbm, coef_v, xs_v, ys_v, out_v, sem):
    wid = lax.axis_index("s") * NCORES + lax.axis_index("c")
    base = wid * PER_TILE
    c1 = pltpu.make_async_copy(coef_hbm, coef_v, sem)
    c2 = pltpu.make_async_copy(xs_hbm.at[pl.ds(base, PER_TILE)], xs_v, sem)
    c3 = pltpu.make_async_copy(ys_hbm.at[pl.ds(base, PER_TILE)], ys_v, sem)
    c1.start()
    c2.start()
    c3.start()
    c1.wait()
    c2.wait()
    c3.wait()

    big = jnp.full((LANES,), 2.0 * INF, jnp.float32)
    zero = jnp.zeros((LANES,), jnp.float32)
    inf_v = jnp.full((LANES,), INF, jnp.float32)

    for g in range(NGRP):
        xk = [xs_v[pl.ds((g * KUN + k) * LANES, LANES)] for k in range(KUN)]
        yk = [ys_v[pl.ds((g * KUN + k) * LANES, LANES)] for k in range(KUN)]
        init = tuple([big, zero, zero, zero, zero] * KUN)

        TUN = 1

        def body(tt, carry, xk=xk, yk=yk):
            out = list(carry)
            for u in range(TUN):
                row = (tt * TUN + u) * (NCOEF * LANES)
                cxi = [coef_v[pl.ds(row + e * LANES, LANES)] for e in range(4)]
                cyi = [
                    coef_v[pl.ds(row + (4 + e) * LANES, LANES)] for e in range(4)
                ]
                cinv = [
                    coef_v[pl.ds(row + (8 + e) * LANES, LANES)] for e in range(4)
                ]
                thr2 = coef_v[pl.ds(row + 12 * LANES, LANES)]
                for k in range(KUN):
                    best, d0, d1, d2, d3 = out[5 * k : 5 * k + 5]
                    dx = [cxi[e] - xk[k] for e in range(4)]
                    dy = [cyi[e] - yk[k] for e in range(4)]
                    w = [
                        jnp.abs(dx[e] * dy[(e + 1) % 4] - dy[e] * dx[(e + 1) % 4])
                        for e in range(4)
                    ]
                    s = ((w[0] + w[1]) + w[2]) + w[3]
                    d = [w[e] * cinv[e] for e in range(4)]
                    maxd = jnp.maximum(
                        jnp.maximum(d[0], d[2]), jnp.maximum(d[1], d[3])
                    )
                    masked = jnp.where(s <= thr2, maxd, inf_v)
                    upd = masked < best
                    out[5 * k : 5 * k + 5] = [
                        jnp.where(upd, masked, best),
                        jnp.where(upd, d[0], d0),
                        jnp.where(upd, d[1], d1),
                        jnp.where(upd, d[2], d2),
                        jnp.where(upd, d[3], d3),
                    ]
            return tuple(out)

        res = lax.fori_loop(0, T // TUN, body, init)
        for k in range(KUN):
            _, d0, d1, d2, d3 = res[5 * k : 5 * k + 5]
            i02 = jnp.minimum(d0, d2)
            a02 = jnp.maximum(d0, d2)
            i13 = jnp.minimum(d1, d3)
            a13 = jnp.maximum(d1, d3)
            r1 = i02 / jnp.maximum(a02, 1e-12)
            r2 = i13 / jnp.maximum(a13, 1e-12)
            out_v[pl.ds((g * KUN + k) * LANES, LANES)] = _sqrt16(r1 * r2)

    pltpu.sync_copy(out_v, out_hbm.at[pl.ds(base, PER_TILE)])



def _tc_body(coef_smem, xs_ref, ys_ref, out_ref):
    inf_v = jnp.full((8, 128), INF, jnp.float32)
    big = jnp.full((8, 128), 2.0 * INF, jnp.float32)
    zero = jnp.zeros((8, 128), jnp.float32)
    ROWGRP = 3
    chunks = [
        list(range(c, min(c + ROWGRP, TCROWS))) for c in range(0, TCROWS, ROWGRP)
    ]
    for rows in chunks:
        xk = [xs_ref[pl.ds(8 * r, 8), :] for r in rows]
        yk = [ys_ref[pl.ds(8 * r, 8), :] for r in rows]
        init = tuple([big, zero, zero, zero, zero] * len(rows))

        def body(t, carry, xk=xk, yk=yk, nr=len(rows)):
            row = t * NCOEF
            cxi = [coef_smem[row + e] for e in range(4)]
            cyi = [coef_smem[row + 4 + e] for e in range(4)]
            cinv = [coef_smem[row + 8 + e] for e in range(4)]
            thr2 = coef_smem[row + 12]
            out = []
            for k in range(nr):
                best, d0, d1, d2, d3 = carry[5 * k : 5 * k + 5]
                dx = [cxi[e] - xk[k] for e in range(4)]
                dy = [cyi[e] - yk[k] for e in range(4)]
                w = [
                    jnp.abs(dx[e] * dy[(e + 1) % 4] - dy[e] * dx[(e + 1) % 4])
                    for e in range(4)
                ]
                s = ((w[0] + w[1]) + w[2]) + w[3]
                d = [w[e] * cinv[e] for e in range(4)]
                maxd = jnp.maximum(
                    jnp.maximum(d[0], d[2]), jnp.maximum(d[1], d[3])
                )
                masked = jnp.where(s <= thr2, maxd, inf_v)
                upd = masked < best
                out += [
                    jnp.where(upd, masked, best),
                    jnp.where(upd, d[0], d0),
                    jnp.where(upd, d[1], d1),
                    jnp.where(upd, d[2], d2),
                    jnp.where(upd, d[3], d3),
                ]
            return tuple(out)

        res = lax.fori_loop(0, T, body, init)
        for k, r in enumerate(rows):
            _, d0, d1, d2, d3 = res[5 * k : 5 * k + 5]
            i02 = jnp.minimum(d0, d2)
            a02 = jnp.maximum(d0, d2)
            i13 = jnp.minimum(d1, d3)
            a13 = jnp.maximum(d1, d3)
            r1 = i02 / jnp.maximum(a02, 1e-12)
            r2 = i13 / jnp.maximum(a13, 1e-12)
            out_ref[pl.ds(8 * r, 8), :] = jnp.sqrt(r1 * r2)


_tc_ctr = pl.pallas_call(
    _tc_body,
    out_shape=jax.ShapeDtypeStruct((TCROWS * 8, 128), jnp.float32),
    in_specs=[
        pl.BlockSpec(memory_space=pltpu.SMEM),
        pl.BlockSpec(memory_space=pltpu.VMEM),
        pl.BlockSpec(memory_space=pltpu.VMEM),
    ],
    out_specs=pl.BlockSpec(memory_space=pltpu.VMEM),
)


def kernel(corners, xs, ys):
    coef = _build_coeffs(corners)
    coef_rep = jnp.broadcast_to(
        coef.reshape(T * NCOEF, 1), (T * NCOEF, LANES)
    ).reshape(T * NCOEF * LANES)
    coef_flat = coef.reshape(T * NCOEF)
    xs_sc, ys_sc = xs[:NSC], ys[:NSC]
    xs_tc = jnp.pad(xs[NSC:], (0, LTCPAD - LTC)).reshape(TCROWS * 8, 128)
    ys_tc = jnp.pad(ys[NSC:], (0, LTCPAD - LTC)).reshape(TCROWS * 8, 128)
    out_tc = _tc_ctr(coef_flat, xs_tc, ys_tc)
    out_sc = _sc_ctr(coef_rep, xs_sc, ys_sc)
    return jnp.concatenate([out_sc, out_tc.reshape(LTCPAD)[:LTC]])

# --- scband reference (transcript-rebuilt; emitter-appended) ---
"""Pipeline reference for scband-dafne-outputs-70325794505459 (READ-ONLY COPY).

The authoritative reference and input builder live on the scoring server;
editing this copy changes nothing except your own understanding.
"""

import jax, jax.numpy as jnp
import numpy as np

INF = 100000000.0
ALPHA = 2.0

def _cross2d(x, y):
    return x[..., 0] * y[..., 1] - x[..., 1] * y[..., 0]

def _area_triangle(a, b, c):
    return 0.5 * jnp.abs(_cross2d(a - c, b - c))

def _compute_abcd(corners, xs, ys):
    T = corners.shape[0]
    c = corners.reshape(T, 4, 2)[None]
    c0, c1, c2, c3 = c[:, :, 0], c[:, :, 1], c[:, :, 2], c[:, :, 3]
    left = jnp.stack((c0, c1, c2, c3), axis=-1)
    right = jnp.stack((c1, c2, c3, c0), axis=-1)
    x1, y1 = left[:, :, 0, :], left[:, :, 1, :]
    x2, y2 = right[:, :, 0, :], right[:, :, 1, :]
    x0 = xs[:, None, None]
    y0 = ys[:, None, None]
    nom = jnp.abs((y2 - y1) * x0 - (x2 - x1) * y0 + x2 * y1 - y2 * x1)
    denom = jnp.sqrt((y2 - y1) ** 2 + (x2 - x1) ** 2) + 1e-12
    return nom / denom

def setup_inputs(seed: int = 0):
    key = jax.random.key(seed)
    k1, k2, k3 = jax.random.split(key, 3)
    corners = jax.random.uniform(k1, (100, 8), dtype=jnp.float32) * 1024.0
    xs = jax.random.uniform(k2, (20000,), dtype=jnp.float32) * 1024.0
    ys = jax.random.uniform(k3, (20000,), dtype=jnp.float32) * 1024.0
    return {"corners": corners, "xs": xs, "ys": ys}

def reference(corners, xs, ys):
    T = corners.shape[0]
    abcd = _compute_abcd(corners, xs, ys)
    c = corners.reshape(T, 4, 2)[None]
    c0, c1, c2, c3 = c[:, :, 0], c[:, :, 1], c[:, :, 2], c[:, :, 3]
    loc = jnp.stack((xs, ys), axis=-1)[:, None, :]
    poly_area = _area_triangle(c0, c1, c2) + _area_triangle(c2, c3, c0)
    sum_area = (_area_triangle(c0, c1, loc) + _area_triangle(c1, c2, loc)
                + _area_triangle(c2, c3, loc) + _area_triangle(c3, c0, loc))
    inside = ~(sum_area > poly_area + 0.001)
    max_abcd = jnp.max(abcd, axis=-1)
    masked = jnp.where(inside, max_abcd, INF)
    assign = jnp.argmin(masked, axis=1)
    reg = jnp.take_along_axis(abcd, assign[:, None, None], axis=1)[:, 0, :]
    lr = reg[:, jnp.array([0, 2])]
    tb = reg[:, jnp.array([1, 3])]
    ctr = (jnp.min(lr, axis=-1) / jnp.maximum(jnp.max(lr, axis=-1), 1e-12)) * (jnp.min(tb, axis=-1) / jnp.maximum(jnp.max(tb, axis=-1), 1e-12))
    ctr = ctr ** (1.0 / ALPHA)
    ctr = jnp.nan_to_num(ctr, nan=0.0)
    return ctr

if __name__ == "__main__":
    import jax
    _d = setup_inputs()
    print(jax.jit(kernel)(*tuple(_d.values())))

</pallas_src>

<mosaic_0001>
#map = affine_map<(d0, d1) -> (0)>
module attributes {stable_mosaic.version = 14 : i64} {
  func.func @_sc_ctr(%arg0: i32, %arg1: i32, %arg2: memref<20800xf32, #tpu.memory_space<hbm>>, %arg3: memref<6144xf32, #tpu.memory_space<hbm>>, %arg4: memref<6144xf32, #tpu.memory_space<hbm>>, %arg5: memref<6144xf32, #tpu.memory_space<hbm>>, %arg6: memref<20800xf32, #tpu.memory_space<vmem>>, %arg7: memref<192xf32, #tpu.memory_space<vmem>>, %arg8: memref<192xf32, #tpu.memory_space<vmem>>, %arg9: memref<192xf32, #tpu.memory_space<vmem>>, %arg10: memref<!tpu.dma_semaphore, #tpu.memory_space<semaphore_mem>>) attributes {dimension_semantics = [#tpu.dimension_semantics<core_parallel>, #tpu.dimension_semantics<subcore_parallel>], iteration_bounds = array<i64: 2, 16>, scalar_prefetch = 0 : i64, scratch_operands = 5 : i64, tpu.core_type = #tpu.core_type<sc_vector_subcore>, window_params = [{transform_indices = #map}, {transform_indices = #map}, {transform_indices = #map}, {transform_indices = #map}]} {
    %mul3A = arith.constant 2 : i32
    %mul3A_0 = arith.muli %arg1, %mul3A : i32
    %add3A = arith.addi %mul3A_0, %arg0 : i32
    %mul3A_1 = arith.constant 192 : i32
    %mul3A_2 = arith.muli %add3A, %mul3A_1 : i32
    tpu.enqueue_dma source(%arg2 : memref<20800xf32, #tpu.memory_space<hbm>>) target(%arg6 : memref<20800xf32, #tpu.memory_space<vmem>>) target_semaphore(%arg10 : memref<!tpu.dma_semaphore, #tpu.memory_space<semaphore_mem>>)
    %dma_start3A = tpu.memref_slice %arg3[%mul3A_2] : memref<6144xf32, #tpu.memory_space<hbm>> -> memref<192xf32, #tpu.memory_space<hbm>>
    %dma_start3A_3 = tpu.memref_slice %arg3[%mul3A_2] : memref<6144xf32, #tpu.memory_space<hbm>> -> memref<192xf32, #tpu.memory_space<hbm>>
    tpu.enqueue_dma source(%dma_start3A_3 : memref<192xf32, #tpu.memory_space<hbm>>) target(%arg7 : memref<192xf32, #tpu.memory_space<vmem>>) target_semaphore(%arg10 : memref<!tpu.dma_semaphore, #tpu.memory_space<semaphore_mem>>)
    %dma_start3A_4 = tpu.memref_slice %arg4[%mul3A_2] : memref<6144xf32, #tpu.memory_space<hbm>> -> memref<192xf32, #tpu.memory_space<hbm>>
    %dma_start3A_5 = tpu.memref_slice %arg4[%mul3A_2] : memref<6144xf32, #tpu.memory_space<hbm>> -> memref<192xf32, #tpu.memory_space<hbm>>
    tpu.enqueue_dma source(%dma_start3A_5 : memref<192xf32, #tpu.memory_space<hbm>>) target(%arg8 : memref<192xf32, #tpu.memory_space<vmem>>) target_semaphore(%arg10 : memref<!tpu.dma_semaphore, #tpu.memory_space<semaphore_mem>>)
    tpu.wait_dma2 semaphore(%arg10 : memref<!tpu.dma_semaphore, #tpu.memory_space<semaphore_mem>>) src(%arg2 : memref<20800xf32, #tpu.memory_space<hbm>>) dst(%arg6 : memref<20800xf32, #tpu.memory_space<vmem>>)
    %dma_wait3A = tpu.memref_slice %arg3[%mul3A_2] : memref<6144xf32, #tpu.memory_space<hbm>> -> memref<192xf32, #tpu.memory_space<hbm>>
    %dma_wait3A_6 = tpu.memref_slice %arg3[%mul3A_2] : memref<6144xf32, #tpu.memory_space<hbm>> -> memref<192xf32, #tpu.memory_space<hbm>>
    tpu.wait_dma2 semaphore(%arg10 : memref<!tpu.dma_semaphore, #tpu.memory_space<semaphore_mem>>) src(%dma_wait3A_6 : memref<192xf32, #tpu.memory_space<hbm>>) dst(%arg7 : memref<192xf32, #tpu.memory_space<vmem>>)
    %dma_wait3A_7 = tpu.memref_slice %arg4[%mul3A_2] : memref<6144xf32, #tpu.memory_space<hbm>> -> memref<192xf32, #tpu.memory_space<hbm>>
    %dma_wait3A_8 = tpu.memref_slice %arg4[%mul3A_2] : memref<6144xf32, #tpu.memory_space<hbm>> -> memref<192xf32, #tpu.memory_space<hbm>>
    tpu.wait_dma2 semaphore(%arg10 : memref<!tpu.dma_semaphore, #tpu.memory_space<semaphore_mem>>) src(%dma_wait3A_8 : memref<192xf32, #tpu.memory_space<hbm>>) dst(%arg8 : memref<192xf32, #tpu.memory_space<vmem>>)
    %broadcast_in_dim3A = arith.constant 2.000000e+08 : f32
    %broadcast_in_dim3A_9 = vector.broadcast %broadcast_in_dim3A : f32 to vector<16xf32>
    %broadcast_in_dim3A_10 = arith.constant 0.000000e+00 : f32
    %broadcast_in_dim3A_11 = vector.broadcast %broadcast_in_dim3A_10 : f32 to vector<16xf32>
    %broadcast_in_dim3A_12 = arith.constant 1.000000e+08 : f32
    %broadcast_in_dim3A_13 = vector.broadcast %broadcast_in_dim3A_12 : f32 to vector<16xf32>
    %get3A = arith.constant 0 : index
    %get3A_14 = tpu.vector_load %arg7[%get3A] {strides = array<i32>} : memref<192xf32, #tpu.memory_space<vmem>>, vector<16xf32>,
    %get3A_15 = vector.shape_cast %get3A_14 : vector<16xf32> to vector<16xf32>
    %get3A_16 = arith.constant 16 : index
    %get3A_17 = tpu.vector_load %arg7[%get3A_16] {strides = array<i32>} : memref<192xf32, #tpu.memory_space<vmem>>, vector<16xf32>,
    %get3A_18 = vector.shape_cast %get3A_17 : vector<16xf32> to vector<16xf32>
    %get3A_19 = arith.constant 32 : index
    %get3A_20 = tpu.vector_load %arg7[%get3A_19] {strides = array<i32>} : memref<192xf32, #tpu.memory_space<vmem>>, vector<16xf32>,
    %get3A_21 = vector.shape_cast %get3A_20 : vector<16xf32> to vector<16xf32>
    %get3A_22 = arith.constant 48 : index
    %get3A_23 = tpu.vector_load %arg7[%get3A_22] {strides = array<i32>} : memref<192xf32, #tpu.memory_space<vmem>>, vector<16xf32>,
    %get3A_24 = vector.shape_cast %get3A_23 : vector<16xf32> to vector<16xf32>
    %get3A_25 = arith.constant 0 : index
    %get3A_26 = tpu.vector_load %arg8[%get3A_25] {strides = array<i32>} : memref<192xf32, #tpu.memory_space<vmem>>, vector<16xf32>,
    %get3A_27 = vector.shape_cast %get3A_26 : vector<16xf32> to vector<16xf32>
    %get3A_28 = arith.constant 16 : index
    %get3A_29 = tpu.vector_load %arg8[%get3A_28] {strides = array<i32>} : memref<192xf32, #tpu.memory_space<vmem>>, vector<16xf32>,
    %get3A_30 = vector.shape_cast %get3A_29 : vector<16xf32> to vector<16xf32>
    %get3A_31 = arith.constant 32 : index
    %get3A_32 = tpu.vector_load %arg8[%get3A_31] {strides = array<i32>} : memref<192xf32, #tpu.memory_space<vmem>>, vector<16xf32>,
    %get3A_33 = vector.shape_cast %get3A_32 : vector<16xf32> to vector<16xf32>
    %get3A_34 = arith.constant 48 : index
    %get3A_35 = tpu.vector_load %arg8[%get3A_34] {strides = array<i32>} : memref<192xf32, #tpu.memory_space<vmem>>, vector<16xf32>,
    %get3A_36 = vector.shape_cast %get3A_35 : vector<16xf32> to vector<16xf32>
    %scan3A = arith.constant 0 : i32
    %scan3A_37 = arith.constant 100 : i32
    %scan3A_38 = arith.addi %scan3A, %scan3A_37 : i32
    %scan3A_39 = arith.constant 1 : i32
    %scan3A_40:20 = scf.for %scan3A_801 = %scan3A to %scan3A_38 step %scan3A_39 iter_args(%scan3A_802 = %broadcast_in_dim3A_9, %scan3A_803 = %broadcast_in_dim3A_11, %scan3A_804 = %broadcast_in_dim3A_11, %scan3A_805 = %broadcast_in_dim3A_11, %scan3A_806 = %broadcast_in_dim3A_11, %scan3A_807 = %broadcast_in_dim3A_9, %scan3A_808 = %broadcast_in_dim3A_11, %scan3A_809 = %broadcast_in_dim3A_11, %scan3A_810 = %broadcast_in_dim3A_11, %scan3A_811 = %broadcast_in_dim3A_11, %scan3A_812 = %broadcast_in_dim3A_9, %scan3A_813 = %broadcast_in_dim3A_11, %scan3A_814 = %broadcast_in_dim3A_11, %scan3A_815 = %broadcast_in_dim3A_11, %scan3A_816 = %broadcast_in_dim3A_11, %scan3A_817 = %broadcast_in_dim3A_9, %scan3A_818 = %broadcast_in_dim3A_11, %scan3A_819 = %broadcast_in_dim3A_11, %scan3A_820 = %broadcast_in_dim3A_11, %scan3A_821 = %broadcast_in_dim3A_11) -> (vector<16xf32>, vector<16xf32>, vector<16xf32>, vector<16xf32>, vector<16xf32>, vector<16xf32>, vector<16xf32>, vector<16xf32>, vector<16xf32>, vector<16xf32>, vector<16xf32>, vector<16xf32>, vector<16xf32>, vector<16xf32>, vector<16xf32>, vector<16xf32>, vector<16xf32>, vector<16xf32>, vector<16xf32>, vector<16xf32>)  : i32 {
      %mul3A_822 = arith.constant 1 : i32
      %mul3A_823 = arith.muli %scan3A_801, %mul3A_822 : i32
      %add3A_824 = arith.constant 0 : i32
      %add3A_825 = arith.addi %mul3A_823, %add3A_824 : i32
      %mul3A_826 = arith.constant 208 : i32
      %mul3A_827 = arith.muli %add3A_825, %mul3A_826 : i32
      %add3A_828 = arith.constant 0 : i32
      %add3A_829 = arith.addi %mul3A_827, %add3A_828 : i32
      %get3A_830 = arith.index_cast %add3A_829 : i32 to index
      %get3A_831 = tpu.vector_load %arg6[%get3A_830] {strides = array<i32>} : memref<20800xf32, #tpu.memory_space<vmem>>, vector<16xf32>,
      %get3A_832 = vector.shape_cast %get3A_831 : vector<16xf32> to vector<16xf32>
      %add3A_833 = arith.constant 16 : i32
      %add3A_834 = arith.addi %mul3A_827, %add3A_833 : i32
      %get3A_835 = arith.index_cast %add3A_834 : i32 to index
      %get3A_836 = tpu.vector_load %arg6[%get3A_835] {strides = array<i32>} : memref<20800xf32, #tpu.memory_space<vmem>>, vector<16xf32>,
      %get3A_837 = vector.shape_cast %get3A_836 : vector<16xf32> to vector<16xf32>
      %add3A_838 = arith.constant 32 : i32
      %add3A_839 = arith.addi %mul3A_827, %add3A_838 : i32
      %get3A_840 = arith.index_cast %add3A_839 : i32 to index
      %get3A_841 = tpu.vector_load %arg6[%get3A_840] {strides = array<i32>} : memref<20800xf32, #tpu.memory_space<vmem>>, vector<16xf32>,
      %get3A_842 = vector.shape_cast %get3A_841 : vector<16xf32> to vector<16xf32>
      %add3A_843 = arith.constant 48 : i32
      %add3A_844 = arith.addi %mul3A_827, %add3A_843 : i32
      %get3A_845 = arith.index_cast %add3A_844 : i32 to index
      %get3A_846 = tpu.vector_load %arg6[%get3A_845] {strides = array<i32>} : memref<20800xf32, #tpu.memory_space<vmem>>, vector<16xf32>,
      %get3A_847 = vector.shape_cast %get3A_846 : vector<16xf32> to vector<16xf32>
      %add3A_848 = arith.constant 64 : i32
      %add3A_849 = arith.addi %mul3A_827, %add3A_848 : i32
      %get3A_850 = arith.index_cast %add3A_849 : i32 to index
      %get3A_851 = tpu.vector_load %arg6[%get3A_850] {strides = array<i32>} : memref<20800xf32, #tpu.memory_space<vmem>>, vector<16xf32>,
      %get3A_852 = vector.shape_cast %get3A_851 : vector<16xf32> to vector<16xf32>
      %add3A_853 = arith.constant 80 : i32
      %add3A_854 = arith.addi %mul3A_827, %add3A_853 : i32
      %get3A_855 = arith.index_cast %add3A_854 : i32 to index
      %get3A_856 = tpu.vector_load %arg6[%get3A_855] {strides = array<i32>} : memref<20800xf32, #tpu.memory_space<vmem>>, vector<16xf32>,
      %get3A_857 = vector.shape_cast %get3A_856 : vector<16xf32> to vector<16xf32>
      %add3A_858 = arith.constant 96 : i32
      %add3A_859 = arith.addi %mul3A_827, %add3A_858 : i32
      %get3A_860 = arith.index_cast %add3A_859 : i32 to index
      %get3A_861 = tpu.vector_load %arg6[%get3A_860] {strides = array<i32>} : memref<20800xf32, #tpu.memory_space<vmem>>, vector<16xf32>,
      %get3A_862 = vector.shape_cast %get3A_861 : vector<16xf32> to vector<16xf32>
      %add3A_863 = arith.constant 112 : i32
      %add3A_864 = arith.addi %mul3A_827, %add3A_863 : i32
      %get3A_865 = arith.index_cast %add3A_864 : i32 to index
      %get3A_866 = tpu.vector_load %arg6[%get3A_865] {strides = array<i32>} : memref<20800xf32, #tpu.memory_space<vmem>>, vector<16xf32>,
      %get3A_867 = vector.shape_cast %get3A_866 : vector<16xf32> to vector<16xf32>
      %add3A_868 = arith.constant 128 : i32
      %add3A_869 = arith.addi %mul3A_827, %add3A_868 : i32
      %get3A_870 = arith.index_cast %add3A_869 : i32 to index
      %get3A_871 = tpu.vector_load %arg6[%get3A_870] {strides = array<i32>} : memref<20800xf32, #tpu.memory_space<vmem>>, vector<16xf32>,
      %get3A_872 = vector.shape_cast %get3A_871 : vector<16xf32> to vector<16xf32>
      %add3A_873 = arith.constant 144 : i32
      %add3A_874 = arith.addi %mul3A_827, %add3A_873 : i32
      %get3A_875 = arith.index_cast %add3A_874 : i32 to index
      %get3A_876 = tpu.vector_load %arg6[%get3A_875] {strides = array<i32>} : memref<20800xf32, #tpu.memory_space<vmem>>, vector<16xf32>,
      %get3A_877 = vector.shape_cast %get3A_876 : vector<16xf32> to vector<16xf32>
      %add3A_878 = arith.constant 160 : i32
      %add3A_879 = arith.addi %mul3A_827, %add3A_878 : i32
      %get3A_880 = arith.index_cast %add3A_879 : i32 to index
      %get3A_881 = tpu.vector_load %arg6[%get3A_880] {strides = array<i32>} : memref<20800xf32, #tpu.memory_space<vmem>>, vector<16xf32>,
      %get3A_882 = vector.shape_cast %get3A_881 : vector<16xf32> to vector<16xf32>
      %add3A_883 = arith.constant 176 : i32
      %add3A_884 = arith.addi %mul3A_827, %add3A_883 : i32
      %get3A_885 = arith.index_cast %add3A_884 : i32 to index
      %get3A_886 = tpu.vector_load %arg6[%get3A_885] {strides = array<i32>} : memref<20800xf32, #tpu.memory_space<vmem>>, vector<16xf32>,
      %get3A_887 = vector.shape_cast %get3A_886 : vector<16xf32> to vector<16xf32>
      %add3A_888 = arith.constant 192 : i32
      %add3A_889 = arith.addi %mul3A_827, %add3A_888 : i32
      %get3A_890 = arith.index_cast %add3A_889 : i32 to index
      %get3A_891 = tpu.vector_load %arg6[%get3A_890] {strides = array<i32>} : memref<20800xf32, #tpu.memory_space<vmem>>, vector<16xf32>,
      %get3A_892 = vector.shape_cast %get3A_891 : vector<16xf32> to vector<16xf32>
      %sub3A_893 = arith.subf %get3A_832, %get3A_15 : vector<16xf32>
      %sub3A_894 = arith.subf %get3A_837, %get3A_15 : vector<16xf32>
      %sub3A_895 = arith.subf %get3A_842, %get3A_15 : vector<16xf32>
      %sub3A_896 = arith.subf %get3A_847, %get3A_15 : vector<16xf32>
      %sub3A_897 = arith.subf %get3A_852, %get3A_27 : vector<16xf32>
      %sub3A_898 = arith.subf %get3A_857, %get3A_27 : vector<16xf32>
      %sub3A_899 = arith.subf %get3A_862, %get3A_27 : vector<16xf32>
      %sub3A_900 = arith.subf %get3A_867, %get3A_27 : vector<16xf32>
      %mul3A_901 = arith.mulf %sub3A_893, %sub3A_898 : vector<16xf32>
      %mul3A_902 = arith.mulf %sub3A_897, %sub3A_894 : vector<16xf32>
      %sub3A_903 = arith.subf %mul3A_901, %mul3A_902 : vector<16xf32>
      %abs3A = math.absf %sub3A_903 : vector<16xf32>
      %mul3A_904 = arith.mulf %sub3A_894, %sub3A_899 : vector<16xf32>
      %mul3A_905 = arith.mulf %sub3A_898, %sub3A_895 : vector<16xf32>
      %sub3A_906 = arith.subf %mul3A_904, %mul3A_905 : vector<16xf32>
      %abs3A_907 = math.absf %sub3A_906 : vector<16xf32>
      %mul3A_908 = arith.mulf %sub3A_895, %sub3A_900 : vector<16xf32>
      %mul3A_909 = arith.mulf %sub3A_899, %sub3A_896 : vector<16xf32>
      %sub3A_910 = arith.subf %mul3A_908, %mul3A_909 : vector<16xf32>
      %abs3A_911 = math.absf %sub3A_910 : vector<16xf32>
      %mul3A_912 = arith.mulf %sub3A_896, %sub3A_897 : vector<16xf32>
      %mul3A_913 = arith.mulf %sub3A_900, %sub3A_893 : vector<16xf32>
      %sub3A_914 = arith.subf %mul3A_912, %mul3A_913 : vector<16xf32>
      %abs3A_915 = math.absf %sub3A_914 : vector<16xf32>
      %add3A_916 = arith.addf %abs3A, %abs3A_907 : vector<16xf32>
      %add3A_917 = arith.addf %add3A_916, %abs3A_911 : vector<16xf32>
      %add3A_918 = arith.addf %add3A_917, %abs3A_915 : vector<16xf32>
      %mul3A_919 = arith.mulf %abs3A, %get3A_872 : vector<16xf32>
      %mul3A_920 = arith.mulf %abs3A_907, %get3A_877 : vector<16xf32>
      %mul3A_921 = arith.mulf %abs3A_911, %get3A_882 : vector<16xf32>
      %mul3A_922 = arith.mulf %abs3A_915, %get3A_887 : vector<16xf32>
      %max3A_923 = arith.maximumf %mul3A_919, %mul3A_921 : vector<16xf32>
      %max3A_924 = arith.maximumf %mul3A_920, %mul3A_922 : vector<16xf32>
      %max3A_925 = arith.maximumf %max3A_923, %max3A_924 : vector<16xf32>
      %le3A = arith.cmpf ole, %add3A_918, %get3A_892 : vector<16xf32>
      %select_n3A_926 = arith.select %le3A, %max3A_925, %broadcast_in_dim3A_13 : vector<16xi1>, vector<16xf32>
      %lt3A = arith.cmpf olt, %select_n3A_926, %scan3A_802 : vector<16xf32>
      %select_n3A_927 = arith.select %lt3A, %select_n3A_926, %scan3A_802 : vector<16xi1>, vector<16xf32>
      %select_n3A_928 = arith.select %lt3A, %mul3A_919, %scan3A_803 : vector<16xi1>, vector<16xf32>
      %select_n3A_929 = arith.select %lt3A, %mul3A_920, %scan3A_804 : vector<16xi1>, vector<16xf32>
      %select_n3A_930 = arith.select %lt3A, %mul3A_921, %scan3A_805 : vector<16xi1>, vector<16xf32>
      %select_n3A_931 = arith.select %lt3A, %mul3A_922, %scan3A_806 : vector<16xi1>, vector<16xf32>
      %sub3A_932 = arith.subf %get3A_832, %get3A_18 : vector<16xf32>
      %sub3A_933 = arith.subf %get3A_837, %get3A_18 : vector<16xf32>
      %sub3A_934 = arith.subf %get3A_842, %get3A_18 : vector<16xf32>
      %sub3A_935 = arith.subf %get3A_847, %get3A_18 : vector<16xf32>
      %sub3A_936 = arith.subf %get3A_852, %get3A_30 : vector<16xf32>
      %sub3A_937 = arith.subf %get3A_857, %get3A_30 : vector<16xf32>
      %sub3A_938 = arith.subf %get3A_862, %get3A_30 : vector<16xf32>
      %sub3A_939 = arith.subf %get3A_867, %get3A_30 : vector<16xf32>
      %mul3A_940 = arith.mulf %sub3A_932, %sub3A_937 : vector<16xf32>
      %mul3A_941 = arith.mulf %sub3A_936, %sub3A_933 : vector<16xf32>
      %sub3A_942 = arith.subf %mul3A_940, %mul3A_941 : vector<16xf32>
      %abs3A_943 = math.absf %sub3A_942 : vector<16xf32>
      %mul3A_944 = arith.mulf %sub3A_933, %sub3A_938 : vector<16xf32>
      %mul3A_945 = arith.mulf %sub3A_937, %sub3A_934 : vector<16xf32>
      %sub3A_946 = arith.subf %mul3A_944, %mul3A_945 : vector<16xf32>
      %abs3A_947 = math.absf %sub3A_946 : vector<16xf32>
      %mul3A_948 = arith.mulf %sub3A_934, %sub3A_939 : vector<16xf32>
      %mul3A_949 = arith.mulf %sub3A_938, %sub3A_935 : vector<16xf32>
      %sub3A_950 = arith.subf %mul3A_948, %mul3A_949 : vector<16xf32>
      %abs3A_951 = math.absf %sub3A_950 : vector<16xf32>
      %mul3A_952 = arith.mulf %sub3A_935, %sub3A_936 : vector<16xf32>
      %mul3A_953 = arith.mulf %sub3A_939, %sub3A_932 : vector<16xf32>
      %sub3A_954 = arith.subf %mul3A_952, %mul3A_953 : vector<16xf32>
      %abs3A_955 = math.absf %sub3A_954 : vector<16xf32>
      %add3A_956 = arith.addf %abs3A_943, %abs3A_947 : vector<16xf32>
      %add3A_957 = arith.addf %add3A_956, %abs3A_951 : vector<16xf32>
      %add3A_958 = arith.addf %add3A_957, %abs3A_955 : vector<16xf32>
      %mul3A_959 = arith.mulf %abs3A_943, %get3A_872 : vector<16xf32>
      %mul3A_960 = arith.mulf %abs3A_947, %get3A_877 : vector<16xf32>
      %mul3A_961 = arith.mulf %abs3A_951, %get3A_882 : vector<16xf32>
      %mul3A_962 = arith.mulf %abs3A_955, %get3A_887 : vector<16xf32>
      %max3A_963 = arith.maximumf %mul3A_959, %mul3A_961 : vector<16xf32>
      %max3A_964 = arith.maximumf %mul3A_960, %mul3A_962 : vector<16xf32>
      %max3A_965 = arith.maximumf %max3A_963, %max3A_964 : vector<16xf32>
      %le3A_966 = arith.cmpf ole, %add3A_958, %get3A_892 : vector<16xf32>
      %select_n3A_967 = arith.select %le3A_966, %max3A_965, %broadcast_in_dim3A_13 : vector<16xi1>, vector<16xf32>
      %lt3A_968 = arith.cmpf olt, %select_n3A_967, %scan3A_807 : vector<16xf32>
      %select_n3A_969 = arith.select %lt3A_968, %select_n3A_967, %scan3A_807 : vector<16xi1>, vector<16xf32>
      %select_n3A_970 = arith.select %lt3A_968, %mul3A_959, %scan3A_808 : vector<16xi1>, vector<16xf32>
      %select_n3A_971 = arith.select %lt3A_968, %mul3A_960, %scan3A_809 : vector<16xi1>, vector<16xf32>
      %select_n3A_972 = arith.select %lt3A_968, %mul3A_961, %scan3A_810 : vector<16xi1>, vector<16xf32>
      %select_n3A_973 = arith.select %lt3A_968, %mul3A_962, %scan3A_811 : vector<16xi1>, vector<16xf32>
      %sub3A_974 = arith.subf %get3A_832, %get3A_21 : vector<16xf32>
      %sub3A_975 = arith.subf %get3A_837, %get3A_21 : vector<16xf32>
      %sub3A_976 = arith.subf %get3A_842, %get3A_21 : vector<16xf32>
      %sub3A_977 = arith.subf %get3A_847, %get3A_21 : vector<16xf32>
      %sub3A_978 = arith.subf %get3A_852, %get3A_33 : vector<16xf32>
      %sub3A_979 = arith.subf %get3A_857, %get3A_33 : vector<16xf32>
      %sub3A_980 = arith.subf %get3A_862, %get3A_33 : vector<16xf32>
      %sub3A_981 = arith.subf %get3A_867, %get3A_33 : vector<16xf32>
      %mul3A_982 = arith.mulf %sub3A_974, %sub3A_979 : vector<16xf32>
      %mul3A_983 = arith.mulf %sub3A_978, %sub3A_975 : vector<16xf32>
      %sub3A_984 = arith.subf %mul3A_982, %mul3A_983 : vector<16xf32>
      %abs3A_985 = math.absf %sub3A_984 : vector<16xf32>
      %mul3A_986 = arith.mulf %sub3A_975, %sub3A_980 : vector<16xf32>
      %mul3A_987 = arith.mulf %sub3A_979, %sub3A_976 : vector<16xf32>
      %sub3A_988 = arith.subf %mul3A_986, %mul3A_987 : vector<16xf32>
      %abs3A_989 = math.absf %sub3A_988 : vector<16xf32>
      %mul3A_990 = arith.mulf %sub3A_976, %sub3A_981 : vector<16xf32>
      %mul3A_991 = arith.mulf %sub3A_980, %sub3A_977 : vector<16xf32>
      %sub3A_992 = arith.subf %mul3A_990, %mul3A_991 : vector<16xf32>
      %abs3A_993 = math.absf %sub3A_992 : vector<16xf32>
      %mul3A_994 = arith.mulf %sub3A_977, %sub3A_978 : vector<16xf32>
      %mul3A_995 = arith.mulf %sub3A_981, %sub3A_974 : vector<16xf32>
      %sub3A_996 = arith.subf %mul3A_994, %mul3A_995 : vector<16xf32>
      %abs3A_997 = math.absf %sub3A_996 : vector<16xf32>
      %add3A_998 = arith.addf %abs3A_985, %abs3A_989 : vector<16xf32>
      %add3A_999 = arith.addf %add3A_998, %abs3A_993 : vector<16xf32>
      %add3A_1000 = arith.addf %add3A_999, %abs3A_997 : vector<16xf32>
      %mul3A_1001 = arith.mulf %abs3A_985, %get3A_872 : vector<16xf32>
      %mul3A_1002 = arith.mulf %abs3A_989, %get3A_877 : vector<16xf32>
      %mul3A_1003 = arith.mulf %abs3A_993, %get3A_882 : vector<16xf32>
      %mul3A_1004 = arith.mulf %abs3A_997, %get3A_887 : vector<16xf32>
      %max3A_1005 = arith.maximumf %mul3A_1001, %mul3A_1003 : vector<16xf32>
      %max3A_1006 = arith.maximumf %mul3A_1002, %mul3A_1004 : vector<16xf32>
      %max3A_1007 = arith.maximumf %max3A_1005, %max3A_1006 : vector<16xf32>
      %le3A_1008 = arith.cmpf ole, %add3A_1000, %get3A_892 : vector<16xf32>
      %select_n3A_1009 = arith.select %le3A_1008, %max3A_1007, %broadcast_in_dim3A_13 : vector<16xi1>, vector<16xf32>
      %lt3A_1010 = arith.cmpf olt, %select_n3A_1009, %scan3A_812 : vector<16xf32>
      %select_n3A_1011 = arith.select %lt3A_1010, %select_n3A_1009, %scan3A_812 : vector<16xi1>, vector<16xf32>
      %select_n3A_1012 = arith.select %lt3A_1010, %mul3A_1001, %scan3A_813 : vector<16xi1>, vector<16xf32>
      %select_n3A_1013 = arith.select %lt3A_1010, %mul3A_1002, %scan3A_814 : vector<16xi1>, vector<16xf32>
      %select_n3A_1014 = arith.select %lt3A_1010, %mul3A_1003, %scan3A_815 : vector<16xi1>, vector<16xf32>
      %select_n3A_1015 = arith.select %lt3A_1010, %mul3A_1004, %scan3A_816 : vector<16xi1>, vector<16xf32>
      %sub3A_1016 = arith.subf %get3A_832, %get3A_24 : vector<16xf32>
      %sub3A_1017 = arith.subf %get3A_837, %get3A_24 : vector<16xf32>
      %sub3A_1018 = arith.subf %get3A_842, %get3A_24 : vector<16xf32>
      %sub3A_1019 = arith.subf %get3A_847, %get3A_24 : vector<16xf32>
      %sub3A_1020 = arith.subf %get3A_852, %get3A_36 : vector<16xf32>
      %sub3A_1021 = arith.subf %get3A_857, %get3A_36 : vector<16xf32>
      %sub3A_1022 = arith.subf %get3A_862, %get3A_36 : vector<16xf32>
      %sub3A_1023 = arith.subf %get3A_867, %get3A_36 : vector<16xf32>
      %mul3A_1024 = arith.mulf %sub3A_1016, %sub3A_1021 : vector<16xf32>
      %mul3A_1025 = arith.mulf %sub3A_1020, %sub3A_1017 : vector<16xf32>
      %sub3A_1026 = arith.subf %mul3A_1024, %mul3A_1025 : vector<16xf32>
      %abs3A_1027 = math.absf %sub3A_1026 : vector<16xf32>
      %mul3A_1028 = arith.mulf %sub3A_1017, %sub3A_1022 : vector<16xf32>
      %mul3A_1029 = arith.mulf %sub3A_1021, %sub3A_1018 : vector<16xf32>
      %sub3A_1030 = arith.subf %mul3A_1028, %mul3A_1029 : vector<16xf32>
      %abs3A_1031 = math.absf %sub3A_1030 : vector<16xf32>
      %mul3A_1032 = arith.mulf %sub3A_1018, %sub3A_1023 : vector<16xf32>
      %mul3A_1033 = arith.mulf %sub3A_1022, %sub3A_1019 : vector<16xf32>
      %sub3A_1034 = arith.subf %mul3A_1032, %mul3A_1033 : vector<16xf32>
      %abs3A_1035 = math.absf %sub3A_1034 : vector<16xf32>
      %mul3A_1036 = arith.mulf %sub3A_1019, %sub3A_1020 : vector<16xf32>
      %mul3A_1037 = arith.mulf %sub3A_1023, %sub3A_1016 : vector<16xf32>
      %sub3A_1038 = arith.subf %mul3A_1036, %mul3A_1037 : vector<16xf32>
      %abs3A_1039 = math.absf %sub3A_1038 : vector<16xf32>
      %add3A_1040 = arith.addf %abs3A_1027, %abs3A_1031 : vector<16xf32>
      %add3A_1041 = arith.addf %add3A_1040, %abs3A_1035 : vector<16xf32>
      %add3A_1042 = arith.addf %add3A_1041, %abs3A_1039 : vector<16xf32>
      %mul3A_1043 = arith.mulf %abs3A_1027, %get3A_872 : vector<16xf32>
      %mul3A_1044 = arith.mulf %abs3A_1031, %get3A_877 : vector<16xf32>
      %mul3A_1045 = arith.mulf %abs3A_1035, %get3A_882 : vector<16xf32>
      %mul3A_1046 = arith.mulf %abs3A_1039, %get3A_887 : vector<16xf32>
      %max3A_1047 = arith.maximumf %mul3A_1043, %mul3A_1045 : vector<16xf32>
      %max3A_1048 = arith.maximumf %mul3A_1044, %mul3A_1046 : vector<16xf32>
      %max3A_1049 = arith.maximumf %max3A_1047, %max3A_1048 : vector<16xf32>
      %le3A_1050 = arith.cmpf ole, %add3A_1042, %get3A_892 : vector<16xf32>
      %select_n3A_1051 = arith.select %le3A_1050, %max3A_1049, %broadcast_in_dim3A_13 : vector<16xi1>, vector<16xf32>
      %lt3A_1052 = arith.cmpf olt, %select_n3A_1051, %scan3A_817 : vector<16xf32>
      %select_n3A_1053 = arith.select %lt3A_1052, %select_n3A_1051, %scan3A_817 : vector<16xi1>, vector<16xf32>
      %select_n3A_1054 = arith.select %lt3A_1052, %mul3A_1043, %scan3A_818 : vector<16xi1>, vector<16xf32>
      %select_n3A_1055 = arith.select %lt3A_1052, %mul3A_1044, %scan3A_819 : vector<16xi1>, vector<16xf32>
      %select_n3A_1056 = arith.select %lt3A_1052, %mul3A_1045, %scan3A_820 : vector<16xi1>, vector<16xf32>
      %select_n3A_1057 = arith.select %lt3A_1052, %mul3A_1046, %scan3A_821 : vector<16xi1>, vector<16xf32>
      scf.yield %select_n3A_927, %select_n3A_928, %select_n3A_929, %select_n3A_930, %select_n3A_931, %select_n3A_969, %select_n3A_970, %select_n3A_971, %select_n3A_972, %select_n3A_973, %select_n3A_1011, %select_n3A_1012, %select_n3A_1013, %select_n3A_1014, %select_n3A_1015, %select_n3A_1053, %select_n3A_1054, %select_n3A_1055, %select_n3A_1056, %select_n3A_1057 : vector<16xf32>, vector<16xf32>, vector<16xf32>, vector<16xf32>, vector<16xf32>, vector<16xf32>, vector<16xf32>, vector<16xf32>, vector<16xf32>, vector<16xf32>, vector<16xf32>, vector<16xf32>, vector<16xf32>, vector<16xf32>, vector<16xf32>, vector<16xf32>, vector<16xf32>, vector<16xf32>, vector<16xf32>, vector<16xf32>
    }
    %scan3A_41 = arith.constant 100 : i32
    %min3A = arith.minimumf %scan3A_40#1, %scan3A_40#3 : vector<16xf32>
    %max3A = arith.maximumf %scan3A_40#1, %scan3A_40#3 : vector<16xf32>
    %min3A_42 = arith.minimumf %scan3A_40#2, %scan3A_40#4 : vector<16xf32>
    %max3A_43 = arith.maximumf %scan3A_40#2, %scan3A_40#4 : vector<16xf32>
    %max3A_44 = arith.constant 9.99999996E-13 : f32
    %max3A_45 = vector.broadcast %max3A_44 : f32 to vector<16xf32>
    %max3A_46 = arith.maximumf %max3A, %max3A_45 : vector<16xf32>
    %div3A = arith.divf %min3A, %max3A_46 : vector<16xf32>
    %max3A_47 = arith.constant 9.99999996E-13 : f32
    %max3A_48 = vector.broadcast %max3A_47 : f32 to vector<16xf32>
    %max3A_49 = arith.maximumf %max3A_43, %max3A_48 : vector<16xf32>
    %div3A_50 = arith.divf %min3A_42, %max3A_49 : vector<16xf32>
    %mul3A_51 = arith.mulf %div3A, %div3A_50 : vector<16xf32>
    %bitcast_convert_type3A = tpu.bitcast %mul3A_51 : vector<16xf32> -> vector<16xi32>
    %shift_right_arithmetic3A = arith.constant 1 : i32
    %shift_right_arithmetic3A_52 = vector.broadcast %shift_right_arithmetic3A : i32 to vector<16xi32>
    %shift_right_arithmetic3A_53 = arith.shrsi %bitcast_convert_type3A, %shift_right_arithmetic3A_52 : vector<16xi32>
    %sub3A = arith.constant 1597463007 : i32
    %sub3A_54 = vector.broadcast %sub3A : i32 to vector<16xi32>
    %sub3A_55 = arith.subi %sub3A_54, %shift_right_arithmetic3A_53 : vector<16xi32>
    %bitcast_convert_type3A_56 = tpu.bitcast %sub3A_55 : vector<16xi32> -> vector<16xf32>
    %mul3A_57 = arith.constant 5.000000e-01 : f32
    %mul3A_58 = vector.broadcast %mul3A_57 : f32 to vector<16xf32>
    %mul3A_59 = arith.mulf %mul3A_58, %mul3A_51 : vector<16xf32>
    %mul3A_60 = arith.mulf %mul3A_59, %bitcast_convert_type3A_56 : vector<16xf32>
    %mul3A_61 = arith.mulf %mul3A_60, %bitcast_convert_type3A_56 : vector<16xf32>
    %sub3A_62 = arith.constant 1.500000e+00 : f32
    %sub3A_63 = vector.broadcast %sub3A_62 : f32 to vector<16xf32>
    %sub3A_64 = arith.subf %sub3A_63, %mul3A_61 : vector<16xf32>
    %mul3A_65 = arith.mulf %bitcast_convert_type3A_56, %sub3A_64 : vector<16xf32>
    %mul3A_66 = arith.constant 5.000000e-01 : f32
    %mul3A_67 = vector.broadcast %mul3A_66 : f32 to vector<16xf32>
    %mul3A_68 = arith.mulf %mul3A_67, %mul3A_51 : vector<16xf32>
    %mul3A_69 = arith.mulf %mul3A_68, %mul3A_65 : vector<16xf32>
    %mul3A_70 = arith.mulf %mul3A_69, %mul3A_65 : vector<16xf32>
    %sub3A_71 = arith.constant 1.500000e+00 : f32
    %sub3A_72 = vector.broadcast %sub3A_71 : f32 to vector<16xf32>
    %sub3A_73 = arith.subf %sub3A_72, %mul3A_70 : vector<16xf32>
    %mul3A_74 = arith.mulf %mul3A_65, %sub3A_73 : vector<16xf32>
    %mul3A_75 = arith.constant 5.000000e-01 : f32
    %mul3A_76 = vector.broadcast %mul3A_75 : f32 to vector<16xf32>
    %mul3A_77 = arith.mulf %mul3A_76, %mul3A_51 : vector<16xf32>
    %mul3A_78 = arith.mulf %mul3A_77, %mul3A_74 : vector<16xf32>
    %mul3A_79 = arith.mulf %mul3A_78, %mul3A_74 : vector<16xf32>
    %sub3A_80 = arith.constant 1.500000e+00 : f32
    %sub3A_81 = vector.broadcast %sub3A_80 : f32 to vector<16xf32>
    %sub3A_82 = arith.subf %sub3A_81, %mul3A_79 : vector<16xf32>
    %mul3A_83 = arith.mulf %mul3A_74, %sub3A_82 : vector<16xf32>
    %gt3A = arith.constant 0.000000e+00 : f32
    %gt3A_84 = vector.broadcast %gt3A : f32 to vector<16xf32>
    %gt3A_85 = arith.cmpf ogt, %mul3A_51, %gt3A_84 : vector<16xf32>
    %mul3A_86 = arith.mulf %mul3A_51, %mul3A_83 : vector<16xf32>
    %broadcast_in_dim3A_87 = arith.constant 0.000000e+00 : f32
    %broadcast_in_dim3A_88 = vector.broadcast %broadcast_in_dim3A_87 : f32 to vector<16xf32>
    %select_n3A = arith.select %gt3A_85, %mul3A_86, %broadcast_in_dim3A_88 : vector<16xi1>, vector<16xf32>
    %swap3A = arith.constant 0 : index
    %swap3A_89 = tpu.vector_load %arg9[%swap3A] {strides = array<i32>} : memref<192xf32, #tpu.memory_space<vmem>>, vector<16xf32>,
    %swap3A_90 = vector.shape_cast %swap3A_89 : vector<16xf32> to vector<16xf32>
    %swap3A_91 = vector.shape_cast %select_n3A : vector<16xf32> to vector<16xf32>
    tpu.vector_store %arg9[%swap3A], %swap3A_91 {strides = array<i32>} : memref<192xf32, #tpu.memory_space<vmem>>, vector<16xf32>,
    %min3A_92 = arith.minimumf %scan3A_40#6, %scan3A_40#8 : vector<16xf32>
    %max3A_93 = arith.maximumf %scan3A_40#6, %scan3A_40#8 : vector<16xf32>
    %min3A_94 = arith.minimumf %scan3A_40#7, %scan3A_40#9 : vector<16xf32>
    %max3A_95 = arith.maximumf %scan3A_40#7, %scan3A_40#9 : vector<16xf32>
    %max3A_96 = arith.constant 9.99999996E-13 : f32
    %max3A_97 = vector.broadcast %max3A_96 : f32 to vector<16xf32>
    %max3A_98 = arith.maximumf %max3A_93, %max3A_97 : vector<16xf32>
    %div3A_99 = arith.divf %min3A_92, %max3A_98 : vector<16xf32>
    %max3A_100 = arith.constant 9.99999996E-13 : f32
    %max3A_101 = vector.broadcast %max3A_100 : f32 to vector<16xf32>
    %max3A_102 = arith.maximumf %max3A_95, %max3A_101 : vector<16xf32>
    %div3A_103 = arith.divf %min3A_94, %max3A_102 : vector<16xf32>
    %mul3A_104 = arith.mulf %div3A_99, %div3A_103 : vector<16xf32>
    %bitcast_convert_type3A_105 = tpu.bitcast %mul3A_104 : vector<16xf32> -> vector<16xi32>
    %shift_right_arithmetic3A_106 = arith.constant 1 : i32
    %shift_right_arithmetic3A_107 = vector.broadcast %shift_right_arithmetic3A_106 : i32 to vector<16xi32>
    %shift_right_arithmetic3A_108 = arith.shrsi %bitcast_convert_type3A_105, %shift_right_arithmetic3A_107 : vector<16xi32>
    %sub3A_109 = arith.constant 1597463007 : i32
    %sub3A_110 = vector.broadcast %sub3A_109 : i32 to vector<16xi32>
    %sub3A_111 = arith.subi %sub3A_110, %shift_right_arithmetic3A_108 : vector<16xi32>
    %bitcast_convert_type3A_112 = tpu.bitcast %sub3A_111 : vector<16xi32> -> vector<16xf32>
    %mul3A_113 = arith.constant 5.000000e-01 : f32
    %mul3A_114 = vector.broadcast %mul3A_113 : f32 to vector<16xf32>
    %mul3A_115 = arith.mulf %mul3A_114, %mul3A_104 : vector<16xf32>
    %mul3A_116 = arith.mulf %mul3A_115, %bitcast_convert_type3A_112 : vector<16xf32>
    %mul3A_117 = arith.mulf %mul3A_116, %bitcast_convert_type3A_112 : vector<16xf32>
    %sub3A_118 = arith.constant 1.500000e+00 : f32
    %sub3A_119 = vector.broadcast %sub3A_118 : f32 to vector<16xf32>
    %sub3A_120 = arith.subf %sub3A_119, %mul3A_117 : vector<16xf32>
    %mul3A_121 = arith.mulf %bitcast_convert_type3A_112, %sub3A_120 : vector<16xf32>
    %mul3A_122 = arith.constant 5.000000e-01 : f32
    %mul3A_123 = vector.broadcast %mul3A_122 : f32 to vector<16xf32>
    %mul3A_124 = arith.mulf %mul3A_123, %mul3A_104 : vector<16xf32>
    %mul3A_125 = arith.mulf %mul3A_124, %mul3A_121 : vector<16xf32>
    %mul3A_126 = arith.mulf %mul3A_125, %mul3A_121 : vector<16xf32>
    %sub3A_127 = arith.constant 1.500000e+00 : f32
    %sub3A_128 = vector.broadcast %sub3A_127 : f32 to vector<16xf32>
    %sub3A_129 = arith.subf %sub3A_128, %mul3A_126 : vector<16xf32>
    %mul3A_130 = arith.mulf %mul3A_121, %sub3A_129 : vector<16xf32>
    %mul3A_131 = arith.constant 5.000000e-01 : f32
    %mul3A_132 = vector.broadcast %mul3A_131 : f32 to vector<16xf32>
    %mul3A_133 = arith.mulf %mul3A_132, %mul3A_104 : vector<16xf32>
    %mul3A_134 = arith.mulf %mul3A_133, %mul3A_130 : vector<16xf32>
    %mul3A_135 = arith.mulf %mul3A_134, %mul3A_130 : vector<16xf32>
    %sub3A_136 = arith.constant 1.500000e+00 : f32
    %sub3A_137 = vector.broadcast %sub3A_136 : f32 to vector<16xf32>
    %sub3A_138 = arith.subf %sub3A_137, %mul3A_135 : vector<16xf32>
    %mul3A_139 = arith.mulf %mul3A_130, %sub3A_138 : vector<16xf32>
    %gt3A_140 = arith.constant 0.000000e+00 : f32
    %gt3A_141 = vector.broadcast %gt3A_140 : f32 to vector<16xf32>
    %gt3A_142 = arith.cmpf ogt, %mul3A_104, %gt3A_141 : vector<16xf32>
    %mul3A_143 = arith.mulf %mul3A_104, %mul3A_139 : vector<16xf32>
    %broadcast_in_dim3A_144 = arith.constant 0.000000e+00 : f32
    %broadcast_in_dim3A_145 = vector.broadcast %broadcast_in_dim3A_144 : f32 to vector<16xf32>
    %select_n3A_146 = arith.select %gt3A_142, %mul3A_143, %broadcast_in_dim3A_145 : vector<16xi1>, vector<16xf32>
    %swap3A_147 = arith.constant 16 : index
    %swap3A_148 = tpu.vector_load %arg9[%swap3A_147] {strides = array<i32>} : memref<192xf32, #tpu.memory_space<vmem>>, vector<16xf32>,
    %swap3A_149 = vector.shape_cast %swap3A_148 : vector<16xf32> to vector<16xf32>
    %swap3A_150 = vector.shape_cast %select_n3A_146 : vector<16xf32> to vector<16xf32>
    tpu.vector_store %arg9[%swap3A_147], %swap3A_150 {strides = array<i32>} : memref<192xf32, #tpu.memory_space<vmem>>, vector<16xf32>,
    %min3A_151 = arith.minimumf %scan3A_40#11, %scan3A_40#13 : vector<16xf32>
    %max3A_152 = arith.maximumf %scan3A_40#11, %scan3A_40#13 : vector<16xf32>
    %min3A_153 = arith.minimumf %scan3A_40#12, %scan3A_40#14 : vector<16xf32>
    %max3A_154 = arith.maximumf %scan3A_40#12, %scan3A_40#14 : vector<16xf32>
    %max3A_155 = arith.constant 9.99999996E-13 : f32
    %max3A_156 = vector.broadcast %max3A_155 : f32 to vector<16xf32>
    %max3A_157 = arith.maximumf %max3A_152, %max3A_156 : vector<16xf32>
    %div3A_158 = arith.divf %min3A_151, %max3A_157 : vector<16xf32>
    %max3A_159 = arith.constant 9.99999996E-13 : f32
    %max3A_160 = vector.broadcast %max3A_159 : f32 to vector<16xf32>
    %max3A_161 = arith.maximumf %max3A_154, %max3A_160 : vector<16xf32>
    %div3A_162 = arith.divf %min3A_153, %max3A_161 : vector<16xf32>
    %mul3A_163 = arith.mulf %div3A_158, %div3A_162 : vector<16xf32>
    %bitcast_convert_type3A_164 = tpu.bitcast %mul3A_163 : vector<16xf32> -> vector<16xi32>
    %shift_right_arithmetic3A_165 = arith.constant 1 : i32
    %shift_right_arithmetic3A_166 = vector.broadcast %shift_right_arithmetic3A_165 : i32 to vector<16xi32>
    %shift_right_arithmetic3A_167 = arith.shrsi %bitcast_convert_type3A_164, %shift_right_arithmetic3A_166 : vector<16xi32>
    %sub3A_168 = arith.constant 1597463007 : i32
    %sub3A_169 = vector.broadcast %sub3A_168 : i32 to vector<16xi32>
    %sub3A_170 = arith.subi %sub3A_169, %shift_right_arithmetic3A_167 : vector<16xi32>
    %bitcast_convert_type3A_171 = tpu.bitcast %sub3A_170 : vector<16xi32> -> vector<16xf32>
    %mul3A_172 = arith.constant 5.000000e-01 : f32
    %mul3A_173 = vector.broadcast %mul3A_172 : f32 to vector<16xf32>
    %mul3A_174 = arith.mulf %mul3A_173, %mul3A_163 : vector<16xf32>
    %mul3A_175 = arith.mulf %mul3A_174, %bitcast_convert_type3A_171 : vector<16xf32>
    %mul3A_176 = arith.mulf %mul3A_175, %bitcast_convert_type3A_171 : vector<16xf32>
    %sub3A_177 = arith.constant 1.500000e+00 : f32
    %sub3A_178 = vector.broadcast %sub3A_177 : f32 to vector<16xf32>
    %sub3A_179 = arith.subf %sub3A_178, %mul3A_176 : vector<16xf32>
    %mul3A_180 = arith.mulf %bitcast_convert_type3A_171, %sub3A_179 : vector<16xf32>
    %mul3A_181 = arith.constant 5.000000e-01 : f32
    %mul3A_182 = vector.broadcast %mul3A_181 : f32 to vector<16xf32>
    %mul3A_183 = arith.mulf %mul3A_182, %mul3A_163 : vector<16xf32>
    %mul3A_184 = arith.mulf %mul3A_183, %mul3A_180 : vector<16xf32>
    %mul3A_185 = arith.mulf %mul3A_184, %mul3A_180 : vector<16xf32>
    %sub3A_186 = arith.constant 1.500000e+00 : f32
    %sub3A_187 = vector.broadcast %sub3A_186 : f32 to vector<16xf32>
    %sub3A_188 = arith.subf %sub3A_187, %mul3A_185 : vector<16xf32>
    %mul3A_189 = arith.mulf %mul3A_180, %sub3A_188 : vector<16xf32>
    %mul3A_190 = arith.constant 5.000000e-01 : f32
    %mul3A_191 = vector.broadcast %mul3A_190 : f32 to vector<16xf32>
    %mul3A_192 = arith.mulf %mul3A_191, %mul3A_163 : vector<16xf32>
    %mul3A_193 = arith.mulf %mul3A_192, %mul3A_189 : vector<16xf32>
    %mul3A_194 = arith.mulf %mul3A_193, %mul3A_189 : vector<16xf32>
    %sub3A_195 = arith.constant 1.500000e+00 : f32
    %sub3A_196 = vector.broadcast %sub3A_195 : f32 to vector<16xf32>
    %sub3A_197 = arith.subf %sub3A_196, %mul3A_194 : vector<16xf32>
    %mul3A_198 = arith.mulf %mul3A_189, %sub3A_197 : vector<16xf32>
    %gt3A_199 = arith.constant 0.000000e+00 : f32
    %gt3A_200 = vector.broadcast %gt3A_199 : f32 to vector<16xf32>
    %gt3A_201 = arith.cmpf ogt, %mul3A_163, %gt3A_200 : vector<16xf32>
    %mul3A_202 = arith.mulf %mul3A_163, %mul3A_198 : vector<16xf32>
    %broadcast_in_dim3A_203 = arith.constant 0.000000e+00 : f32
    %broadcast_in_dim3A_204 = vector.broadcast %broadcast_in_dim3A_203 : f32 to vector<16xf32>
    %select_n3A_205 = arith.select %gt3A_201, %mul3A_202, %broadcast_in_dim3A_204 : vector<16xi1>, vector<16xf32>
    %swap3A_206 = arith.constant 32 : index
    %swap3A_207 = tpu.vector_load %arg9[%swap3A_206] {strides = array<i32>} : memref<192xf32, #tpu.memory_space<vmem>>, vector<16xf32>,
    %swap3A_208 = vector.shape_cast %swap3A_207 : vector<16xf32> to vector<16xf32>
    %swap3A_209 = vector.shape_cast %select_n3A_205 : vector<16xf32> to vector<16xf32>
    tpu.vector_store %arg9[%swap3A_206], %swap3A_209 {strides = array<i32>} : memref<192xf32, #tpu.memory_space<vmem>>, vector<16xf32>,
    %min3A_210 = arith.minimumf %scan3A_40#16, %scan3A_40#18 : vector<16xf32>
    %max3A_211 = arith.maximumf %scan3A_40#16, %scan3A_40#18 : vector<16xf32>
    %min3A_212 = arith.minimumf %scan3A_40#17, %scan3A_40#19 : vector<16xf32>
    %max3A_213 = arith.maximumf %scan3A_40#17, %scan3A_40#19 : vector<16xf32>
    %max3A_214 = arith.constant 9.99999996E-13 : f32
    %max3A_215 = vector.broadcast %max3A_214 : f32 to vector<16xf32>
    %max3A_216 = arith.maximumf %max3A_211, %max3A_215 : vector<16xf32>
    %div3A_217 = arith.divf %min3A_210, %max3A_216 : vector<16xf32>
    %max3A_218 = arith.constant 9.99999996E-13 : f32
    %max3A_219 = vector.broadcast %max3A_218 : f32 to vector<16xf32>
    %max3A_220 = arith.maximumf %max3A_213, %max3A_219 : vector<16xf32>
    %div3A_221 = arith.divf %min3A_212, %max3A_220 : vector<16xf32>
    %mul3A_222 = arith.mulf %div3A_217, %div3A_221 : vector<16xf32>
    %bitcast_convert_type3A_223 = tpu.bitcast %mul3A_222 : vector<16xf32> -> vector<16xi32>
    %shift_right_arithmetic3A_224 = arith.constant 1 : i32
    %shift_right_arithmetic3A_225 = vector.broadcast %shift_right_arithmetic3A_224 : i32 to vector<16xi32>
    %shift_right_arithmetic3A_226 = arith.shrsi %bitcast_convert_type3A_223, %shift_right_arithmetic3A_225 : vector<16xi32>
    %sub3A_227 = arith.constant 1597463007 : i32
    %sub3A_228 = vector.broadcast %sub3A_227 : i32 to vector<16xi32>
    %sub3A_229 = arith.subi %sub3A_228, %shift_right_arithmetic3A_226 : vector<16xi32>
    %bitcast_convert_type3A_230 = tpu.bitcast %sub3A_229 : vector<16xi32> -> vector<16xf32>
    %mul3A_231 = arith.constant 5.000000e-01 : f32
    %mul3A_232 = vector.broadcast %mul3A_231 : f32 to vector<16xf32>
    %mul3A_233 = arith.mulf %mul3A_232, %mul3A_222 : vector<16xf32>
    %mul3A_234 = arith.mulf %mul3A_233, %bitcast_convert_type3A_230 : vector<16xf32>
    %mul3A_235 = arith.mulf %mul3A_234, %bitcast_convert_type3A_230 : vector<16xf32>
    %sub3A_236 = arith.constant 1.500000e+00 : f32
    %sub3A_237 = vector.broadcast %sub3A_236 : f32 to vector<16xf32>
    %sub3A_238 = arith.subf %sub3A_237, %mul3A_235 : vector<16xf32>
    %mul3A_239 = arith.mulf %bitcast_convert_type3A_230, %sub3A_238 : vector<16xf32>
    %mul3A_240 = arith.constant 5.000000e-01 : f32
    %mul3A_241 = vector.broadcast %mul3A_240 : f32 to vector<16xf32>
    %mul3A_242 = arith.mulf %mul3A_241, %mul3A_222 : vector<16xf32>
    %mul3A_243 = arith.mulf %mul3A_242, %mul3A_239 : vector<16xf32>
    %mul3A_244 = arith.mulf %mul3A_243, %mul3A_239 : vector<16xf32>
    %sub3A_245 = arith.constant 1.500000e+00 : f32
    %sub3A_246 = vector.broadcast %sub3A_245 : f32 to vector<16xf32>
    %sub3A_247 = arith.subf %sub3A_246, %mul3A_244 : vector<16xf32>
    %mul3A_248 = arith.mulf %mul3A_239, %sub3A_247 : vector<16xf32>
    %mul3A_249 = arith.constant 5.000000e-01 : f32
    %mul3A_250 = vector.broadcast %mul3A_249 : f32 to vector<16xf32>
    %mul3A_251 = arith.mulf %mul3A_250, %mul3A_222 : vector<16xf32>
    %mul3A_252 = arith.mulf %mul3A_251, %mul3A_248 : vector<16xf32>
    %mul3A_253 = arith.mulf %mul3A_252, %mul3A_248 : vector<16xf32>
    %sub3A_254 = arith.constant 1.500000e+00 : f32
    %sub3A_255 = vector.broadcast %sub3A_254 : f32 to vector<16xf32>
    %sub3A_256 = arith.subf %sub3A_255, %mul3A_253 : vector<16xf32>
    %mul3A_257 = arith.mulf %mul3A_248, %sub3A_256 : vector<16xf32>
    %gt3A_258 = arith.constant 0.000000e+00 : f32
    %gt3A_259 = vector.broadcast %gt3A_258 : f32 to vector<16xf32>
    %gt3A_260 = arith.cmpf ogt, %mul3A_222, %gt3A_259 : vector<16xf32>
    %mul3A_261 = arith.mulf %mul3A_222, %mul3A_257 : vector<16xf32>
    %broadcast_in_dim3A_262 = arith.constant 0.000000e+00 : f32
    %broadcast_in_dim3A_263 = vector.broadcast %broadcast_in_dim3A_262 : f32 to vector<16xf32>
    %select_n3A_264 = arith.select %gt3A_260, %mul3A_261, %broadcast_in_dim3A_263 : vector<16xi1>, vector<16xf32>
    %swap3A_265 = arith.constant 48 : index
    %swap3A_266 = tpu.vector_load %arg9[%swap3A_265] {strides = array<i32>} : memref<192xf32, #tpu.memory_space<vmem>>, vector<16xf32>,
    %swap3A_267 = vector.shape_cast %swap3A_266 : vector<16xf32> to vector<16xf32>
    %swap3A_268 = vector.shape_cast %select_n3A_264 : vector<16xf32> to vector<16xf32>
    tpu.vector_store %arg9[%swap3A_265], %swap3A_268 {strides = array<i32>} : memref<192xf32, #tpu.memory_space<vmem>>, vector<16xf32>,
    %get3A_269 = arith.constant 64 : index
    %get3A_270 = tpu.vector_load %arg7[%get3A_269] {strides = array<i32>} : memref<192xf32, #tpu.memory_space<vmem>>, vector<16xf32>,
    %get3A_271 = vector.shape_cast %get3A_270 : vector<16xf32> to vector<16xf32>
    %get3A_272 = arith.constant 80 : index
    %get3A_273 = tpu.vector_load %arg7[%get3A_272] {strides = array<i32>} : memref<192xf32, #tpu.memory_space<vmem>>, vector<16xf32>,
    %get3A_274 = vector.shape_cast %get3A_273 : vector<16xf32> to vector<16xf32>
    %get3A_275 = arith.constant 96 : index
    %get3A_276 = tpu.vector_load %arg7[%get3A_275] {strides = array<i32>} : memref<192xf32, #tpu.memory_space<vmem>>, vector<16xf32>,
    %get3A_277 = vector.shape_cast %get3A_276 : vector<16xf32> to vector<16xf32>
    %get3A_278 = arith.constant 112 : index
    %get3A_279 = tpu.vector_load %arg7[%get3A_278] {strides = array<i32>} : memref<192xf32, #tpu.memory_space<vmem>>, vector<16xf32>,
    %get3A_280 = vector.shape_cast %get3A_279 : vector<16xf32> to vector<16xf32>
    %get3A_281 = arith.constant 64 : index
    %get3A_282 = tpu.vector_load %arg8[%get3A_281] {strides = array<i32>} : memref<192xf32, #tpu.memory_space<vmem>>, vector<16xf32>,
    %get3A_283 = vector.shape_cast %get3A_282 : vector<16xf32> to vector<16xf32>
    %get3A_284 = arith.constant 80 : index
    %get3A_285 = tpu.vector_load %arg8[%get3A_284] {strides = array<i32>} : memref<192xf32, #tpu.memory_space<vmem>>, vector<16xf32>,
    %get3A_286 = vector.shape_cast %get3A_285 : vector<16xf32> to vector<16xf32>
    %get3A_287 = arith.constant 96 : index
    %get3A_288 = tpu.vector_load %arg8[%get3A_287] {strides = array<i32>} : memref<192xf32, #tpu.memory_space<vmem>>, vector<16xf32>,
    %get3A_289 = vector.shape_cast %get3A_288 : vector<16xf32> to vector<16xf32>
    %get3A_290 = arith.constant 112 : index
    %get3A_291 = tpu.vector_load %arg8[%get3A_290] {strides = array<i32>} : memref<192xf32, #tpu.memory_space<vmem>>, vector<16xf32>,
    %get3A_292 = vector.shape_cast %get3A_291 : vector<16xf32> to vector<16xf32>
    %scan3A_293 = arith.constant 0 : i32
    %scan3A_294 = arith.constant 100 : i32
    %scan3A_295 = arith.addi %scan3A_293, %scan3A_294 : i32
    %scan3A_296 = arith.constant 1 : i32
    %scan3A_297:20 = scf.for %scan3A_801 = %scan3A_293 to %scan3A_295 step %scan3A_296 iter_args(%scan3A_802 = %broadcast_in_dim3A_9, %scan3A_803 = %broadcast_in_dim3A_11, %scan3A_804 = %broadcast_in_dim3A_11, %scan3A_805 = %broadcast_in_dim3A_11, %scan3A_806 = %broadcast_in_dim3A_11, %scan3A_807 = %broadcast_in_dim3A_9, %scan3A_808 = %broadcast_in_dim3A_11, %scan3A_809 = %broadcast_in_dim3A_11, %scan3A_810 = %broadcast_in_dim3A_11, %scan3A_811 = %broadcast_in_dim3A_11, %scan3A_812 = %broadcast_in_dim3A_9, %scan3A_813 = %broadcast_in_dim3A_11, %scan3A_814 = %broadcast_in_dim3A_11, %scan3A_815 = %broadcast_in_dim3A_11, %scan3A_816 = %broadcast_in_dim3A_11, %scan3A_817 = %broadcast_in_dim3A_9, %scan3A_818 = %broadcast_in_dim3A_11, %scan3A_819 = %broadcast_in_dim3A_11, %scan3A_820 = %broadcast_in_dim3A_11, %scan3A_821 = %broadcast_in_dim3A_11) -> (vector<16xf32>, vector<16xf32>, vector<16xf32>, vector<16xf32>, vector<16xf32>, vector<16xf32>, vector<16xf32>, vector<16xf32>, vector<16xf32>, vector<16xf32>, vector<16xf32>, vector<16xf32>, vector<16xf32>, vector<16xf32>, vector<16xf32>, vector<16xf32>, vector<16xf32>, vector<16xf32>, vector<16xf32>, vector<16xf32>)  : i32 {
      %mul3A_822 = arith.constant 1 : i32
      %mul3A_823 = arith.muli %scan3A_801, %mul3A_822 : i32
      %add3A_824 = arith.constant 0 : i32
      %add3A_825 = arith.addi %mul3A_823, %add3A_824 : i32
      %mul3A_826 = arith.constant 208 : i32
      %mul3A_827 = arith.muli %add3A_825, %mul3A_826 : i32
      %add3A_828 = arith.constant 0 : i32
      %add3A_829 = arith.addi %mul3A_827, %add3A_828 : i32
      %get3A_830 = arith.index_cast %add3A_829 : i32 to index
      %get3A_831 = tpu.vector_load %arg6[%get3A_830] {strides = array<i32>} : memref<20800xf32, #tpu.memory_space<vmem>>, vector<16xf32>,
      %get3A_832 = vector.shape_cast %get3A_831 : vector<16xf32> to vector<16xf32>
      %add3A_833 = arith.constant 16 : i32
      %add3A_834 = arith.addi %mul3A_827, %add3A_833 : i32
      %get3A_835 = arith.index_cast %add3A_834 : i32 to index
      %get3A_836 = tpu.vector_load %arg6[%get3A_835] {strides = array<i32>} : memref<20800xf32, #tpu.memory_space<vmem>>, vector<16xf32>,
      %get3A_837 = vector.shape_cast %get3A_836 : vector<16xf32> to vector<16xf32>
      %add3A_838 = arith.constant 32 : i32
      %add3A_839 = arith.addi %mul3A_827, %add3A_838 : i32
      %get3A_840 = arith.index_cast %add3A_839 : i32 to index
      %get3A_841 = tpu.vector_load %arg6[%get3A_840] {strides = array<i32>} : memref<20800xf32, #tpu.memory_space<vmem>>, vector<16xf32>,
      %get3A_842 = vector.shape_cast %get3A_841 : vector<16xf32> to vector<16xf32>
      %add3A_843 = arith.constant 48 : i32
      %add3A_844 = arith.addi %mul3A_827, %add3A_843 : i32
      %get3A_845 = arith.index_cast %add3A_844 : i32 to index
      %get3A_846 = tpu.vector_load %arg6[%get3A_845] {strides = array<i32>} : memref<20800xf32, #tpu.memory_space<vmem>>, vector<16xf32>,
      %get3A_847 = vector.shape_cast %get3A_846 : vector<16xf32> to vector<16xf32>
      %add3A_848 = arith.constant 64 : i32
      %add3A_849 = arith.addi %mul3A_827, %add3A_848 : i32
      %get3A_850 = arith.index_cast %add3A_849 : i32 to index
      %get3A_851 = tpu.vector_load %arg6[%get3A_850] {strides = array<i32>} : memref<20800xf32, #tpu.memory_space<vmem>>, vector<16xf32>,
      %get3A_852 = vector.shape_cast %get3A_851 : vector<16xf32> to vector<16xf32>
      %add3A_853 = arith.constant 80 : i32
      %add3A_854 = arith.addi %mul3A_827, %add3A_853 : i32
      %get3A_855 = arith.index_cast %add3A_854 : i32 to index
      %get3A_856 = tpu.vector_load %arg6[%get3A_855] {strides = array<i32>} : memref<20800xf32, #tpu.memory_space<vmem>>, vector<16xf32>,
      %get3A_857 = vector.shape_cast %get3A_856 : vector<16xf32> to vector<16xf32>
      %add3A_858 = arith.constant 96 : i32
      %add3A_859 = arith.addi %mul3A_827, %add3A_858 : i32
      %get3A_860 = arith.index_cast %add3A_859 : i32 to index
      %get3A_861 = tpu.vector_load %arg6[%get3A_860] {strides = array<i32>} : memref<20800xf32, #tpu.memory_space<vmem>>, vector<16xf32>,
      %get3A_862 = vector.shape_cast %get3A_861 : vector<16xf32> to vector<16xf32>
      %add3A_863 = arith.constant 112 : i32
      %add3A_864 = arith.addi %mul3A_827, %add3A_863 : i32
      %get3A_865 = arith.index_cast %add3A_864 : i32 to index
      %get3A_866 = tpu.vector_load %arg6[%get3A_865] {strides = array<i32>} : memref<20800xf32, #tpu.memory_space<vmem>>, vector<16xf32>,
      %get3A_867 = vector.shape_cast %get3A_866 : vector<16xf32> to vector<16xf32>
      %add3A_868 = arith.constant 128 : i32
      %add3A_869 = arith.addi %mul3A_827, %add3A_868 : i32
      %get3A_870 = arith.index_cast %add3A_869 : i32 to index
      %get3A_871 = tpu.vector_load %arg6[%get3A_870] {strides = array<i32>} : memref<20800xf32, #tpu.memory_space<vmem>>, vector<16xf32>,
      %get3A_872 = vector.shape_cast %get3A_871 : vector<16xf32> to vector<16xf32>
      %add3A_873 = arith.constant 144 : i32
      %add3A_874 = arith.addi %mul3A_827, %add3A_873 : i32
      %get3A_875 = arith.index_cast %add3A_874 : i32 to index
      %get3A_876 = tpu.vector_load %arg6[%get3A_875] {strides = array<i32>} : memref<20800xf32, #tpu.memory_space<vmem>>, vector<16xf32>,
      %get3A_877 = vector.shape_cast %get3A_876 : vector<16xf32> to vector<16xf32>
      %add3A_878 = arith.constant 160 : i32
      %add3A_879 = arith.addi %mul3A_827, %add3A_878 : i32
      %get3A_880 = arith.index_cast %add3A_879 : i32 to index
      %get3A_881 = tpu.vector_load %arg6[%get3A_880] {strides = array<i32>} : memref<20800xf32, #tpu.memory_space<vmem>>, vector<16xf32>,
      %get3A_882 = vector.shape_cast %get3A_881 : vector<16xf32> to vector<16xf32>
      %add3A_883 = arith.constant 176 : i32
      %add3A_884 = arith.addi %mul3A_827, %add3A_883 : i32
      %get3A_885 = arith.index_cast %add3A_884 : i32 to index
      %get3A_886 = tpu.vector_load %arg6[%get3A_885] {strides = array<i32>} : memref<20800xf32, #tpu.memory_space<vmem>>, vector<16xf32>,
      %get3A_887 = vector.shape_cast %get3A_886 : vector<16xf32> to vector<16xf32>
      %add3A_888 = arith.constant 192 : i32
      %add3A_889 = arith.addi %mul3A_827, %add3A_888 : i32
      %get3A_890 = arith.index_cast %add3A_889 : i32 to index
      %get3A_891 = tpu.vector_load %arg6[%get3A_890] {strides = array<i32>} : memref<20800xf32, #tpu.memory_space<vmem>>, vector<16xf32>,
      %get3A_892 = vector.shape_cast %get3A_891 : vector<16xf32> to vector<16xf32>
      %sub3A_893 = arith.subf %get3A_832, %get3A_271 : vector<16xf32>
      %sub3A_894 = arith.subf %get3A_837, %get3A_271 : vector<16xf32>
      %sub3A_895 = arith.subf %get3A_842, %get3A_271 : vector<16xf32>
      %sub3A_896 = arith.subf %get3A_847, %get3A_271 : vector<16xf32>
      %sub3A_897 = arith.subf %get3A_852, %get3A_283 : vector<16xf32>
      %sub3A_898 = arith.subf %get3A_857, %get3A_283 : vector<16xf32>
      %sub3A_899 = arith.subf %get3A_862, %get3A_283 : vector<16xf32>
      %sub3A_900 = arith.subf %get3A_867, %get3A_283 : vector<16xf32>
      %mul3A_901 = arith.mulf %sub3A_893, %sub3A_898 : vector<16xf32>
      %mul3A_902 = arith.mulf %sub3A_897, %sub3A_894 : vector<16xf32>
      %sub3A_903 = arith.subf %mul3A_901, %mul3A_902 : vector<16xf32>
      %abs3A = math.absf %sub3A_903 : vector<16xf32>
      %mul3A_904 = arith.mulf %sub3A_894, %sub3A_899 : vector<16xf32>
      %mul3A_905 = arith.mulf %sub3A_898, %sub3A_895 : vector<16xf32>
      %sub3A_906 = arith.subf %mul3A_904, %mul3A_905 : vector<16xf32>
      %abs3A_907 = math.absf %sub3A_906 : vector<16xf32>
      %mul3A_908 = arith.mulf %sub3A_895, %sub3A_900 : vector<16xf32>
      %mul3A_909 = arith.mulf %sub3A_899, %sub3A_896 : vector<16xf32>
      %sub3A_910 = arith.subf %mul3A_908, %mul3A_909 : vector<16xf32>
      %abs3A_911 = math.absf %sub3A_910 : vector<16xf32>
      %mul3A_912 = arith.mulf %sub3A_896, %sub3A_897 : vector<16xf32>
      %mul3A_913 = arith.mulf %sub3A_900, %sub3A_893 : vector<16xf32>
      %sub3A_914 = arith.subf %mul3A_912, %mul3A_913 : vector<16xf32>
      %abs3A_915 = math.absf %sub3A_914 : vector<16xf32>
      %add3A_916 = arith.addf %abs3A, %abs3A_907 : vector<16xf32>
      %add3A_917 = arith.addf %add3A_916, %abs3A_911 : vector<16xf32>
      %add3A_918 = arith.addf %add3A_917, %abs3A_915 : vector<16xf32>
      %mul3A_919 = arith.mulf %abs3A, %get3A_872 : vector<16xf32>
      %mul3A_920 = arith.mulf %abs3A_907, %get3A_877 : vector<16xf32>
      %mul3A_921 = arith.mulf %abs3A_911, %get3A_882 : vector<16xf32>
      %mul3A_922 = arith.mulf %abs3A_915, %get3A_887 : vector<16xf32>
      %max3A_923 = arith.maximumf %mul3A_919, %mul3A_921 : vector<16xf32>
      %max3A_924 = arith.maximumf %mul3A_920, %mul3A_922 : vector<16xf32>
      %max3A_925 = arith.maximumf %max3A_923, %max3A_924 : vector<16xf32>
      %le3A = arith.cmpf ole, %add3A_918, %get3A_892 : vector<16xf32>
      %select_n3A_926 = arith.select %le3A, %max3A_925, %broadcast_in_dim3A_13 : vector<16xi1>, vector<16xf32>
      %lt3A = arith.cmpf olt, %select_n3A_926, %scan3A_802 : vector<16xf32>
      %select_n3A_927 = arith.select %lt3A, %select_n3A_926, %scan3A_802 : vector<16xi1>, vector<16xf32>
      %select_n3A_928 = arith.select %lt3A, %mul3A_919, %scan3A_803 : vector<16xi1>, vector<16xf32>
      %select_n3A_929 = arith.select %lt3A, %mul3A_920, %scan3A_804 : vector<16xi1>, vector<16xf32>
      %select_n3A_930 = arith.select %lt3A, %mul3A_921, %scan3A_805 : vector<16xi1>, vector<16xf32>
      %select_n3A_931 = arith.select %lt3A, %mul3A_922, %scan3A_806 : vector<16xi1>, vector<16xf32>
      %sub3A_932 = arith.subf %get3A_832, %get3A_274 : vector<16xf32>
      %sub3A_933 = arith.subf %get3A_837, %get3A_274 : vector<16xf32>
      %sub3A_934 = arith.subf %get3A_842, %get3A_274 : vector<16xf32>
      %sub3A_935 = arith.subf %get3A_847, %get3A_274 : vector<16xf32>
      %sub3A_936 = arith.subf %get3A_852, %get3A_286 : vector<16xf32>
      %sub3A_937 = arith.subf %get3A_857, %get3A_286 : vector<16xf32>
      %sub3A_938 = arith.subf %get3A_862, %get3A_286 : vector<16xf32>
      %sub3A_939 = arith.subf %get3A_867, %get3A_286 : vector<16xf32>
      %mul3A_940 = arith.mulf %sub3A_932, %sub3A_937 : vector<16xf32>
      %mul3A_941 = arith.mulf %sub3A_936, %sub3A_933 : vector<16xf32>
      %sub3A_942 = arith.subf %mul3A_940, %mul3A_941 : vector<16xf32>
      %abs3A_943 = math.absf %sub3A_942 : vector<16xf32>
      %mul3A_944 = arith.mulf %sub3A_933, %sub3A_938 : vector<16xf32>
      %mul3A_945 = arith.mulf %sub3A_937, %sub3A_934 : vector<16xf32>
      %sub3A_946 = arith.subf %mul3A_944, %mul3A_945 : vector<16xf32>
      %abs3A_947 = math.absf %sub3A_946 : vector<16xf32>
      %mul3A_948 = arith.mulf %sub3A_934, %sub3A_939 : vector<16xf32>
      %mul3A_949 = arith.mulf %sub3A_938, %sub3A_935 : vector<16xf32>
      %sub3A_950 = arith.subf %mul3A_948, %mul3A_949 : vector<16xf32>
      %abs3A_951 = math.absf %sub3A_950 : vector<16xf32>
      %mul3A_952 = arith.mulf %sub3A_935, %sub3A_936 : vector<16xf32>
      %mul3A_953 = arith.mulf %sub3A_939, %sub3A_932 : vector<16xf32>
      %sub3A_954 = arith.subf %mul3A_952, %mul3A_953 : vector<16xf32>
      %abs3A_955 = math.absf %sub3A_954 : vector<16xf32>
      %add3A_956 = arith.addf %abs3A_943, %abs3A_947 : vector<16xf32>
      %add3A_957 = arith.addf %add3A_956, %abs3A_951 : vector<16xf32>
      %add3A_958 = arith.addf %add3A_957, %abs3A_955 : vector<16xf32>
      %mul3A_959 = arith.mulf %abs3A_943, %get3A_872 : vector<16xf32>
      %mul3A_960 = arith.mulf %abs3A_947, %get3A_877 : vector<16xf32>
      %mul3A_961 = arith.mulf %abs3A_951, %get3A_882 : vector<16xf32>
      %mul3A_962 = arith.mulf %abs3A_955, %get3A_887 : vector<16xf32>
      %max3A_963 = arith.maximumf %mul3A_959, %mul3A_961 : vector<16xf32>
      %max3A_964 = arith.maximumf %mul3A_960, %mul3A_962 : vector<16xf32>
      %max3A_965 = arith.maximumf %max3A_963, %max3A_964 : vector<16xf32>
      %le3A_966 = arith.cmpf ole, %add3A_958, %get3A_892 : vector<16xf32>
      %select_n3A_967 = arith.select %le3A_966, %max3A_965, %broadcast_in_dim3A_13 : vector<16xi1>, vector<16xf32>
      %lt3A_968 = arith.cmpf olt, %select_n3A_967, %scan3A_807 : vector<16xf32>
      %select_n3A_969 = arith.select %lt3A_968, %select_n3A_967, %scan3A_807 : vector<16xi1>, vector<16xf32>
      %select_n3A_970 = arith.select %lt3A_968, %mul3A_959, %scan3A_808 : vector<16xi1>, vector<16xf32>
      %select_n3A_971 = arith.select %lt3A_968, %mul3A_960, %scan3A_809 : vector<16xi1>, vector<16xf32>
      %select_n3A_972 = arith.select %lt3A_968, %mul3A_961, %scan3A_810 : vector<16xi1>, vector<16xf32>
      %select_n3A_973 = arith.select %lt3A_968, %mul3A_962, %scan3A_811 : vector<16xi1>, vector<16xf32>
      %sub3A_974 = arith.subf %get3A_832, %get3A_277 : vector<16xf32>
      %sub3A_975 = arith.subf %get3A_837, %get3A_277 : vector<16xf32>
      %sub3A_976 = arith.subf %get3A_842, %get3A_277 : vector<16xf32>
      %sub3A_977 = arith.subf %get3A_847, %get3A_277 : vector<16xf32>
      %sub3A_978 = arith.subf %get3A_852, %get3A_289 : vector<16xf32>
      %sub3A_979 = arith.subf %get3A_857, %get3A_289 : vector<16xf32>
      %sub3A_980 = arith.subf %get3A_862, %get3A_289 : vector<16xf32>
      %sub3A_981 = arith.subf %get3A_867, %get3A_289 : vector<16xf32>
      %mul3A_982 = arith.mulf %sub3A_974, %sub3A_979 : vector<16xf32>
      %mul3A_983 = arith.mulf %sub3A_978, %sub3A_975 : vector<16xf32>
      %sub3A_984 = arith.subf %mul3A_982, %mul3A_983 : vector<16xf32>
      %abs3A_985 = math.absf %sub3A_984 : vector<16xf32>
      %mul3A_986 = arith.mulf %sub3A_975, %sub3A_980 : vector<16xf32>
      %mul3A_987 = arith.mulf %sub3A_979, %sub3A_976 : vector<16xf32>
      %sub3A_988 = arith.subf %mul3A_986, %mul3A_987 : vector<16xf32>
      %abs3A_989 = math.absf %sub3A_988 : vector<16xf32>
      %mul3A_990 = arith.mulf %sub3A_976, %sub3A_981 : vector<16xf32>
      %mul3A_991 = arith.mulf %sub3A_980, %sub3A_977 : vector<16xf32>
      %sub3A_992 = arith.subf %mul3A_990, %mul3A_991 : vector<16xf32>
      %abs3A_993 = math.absf %sub3A_992 : vector<16xf32>
      %mul3A_994 = arith.mulf %sub3A_977, %sub3A_978 : vector<16xf32>
      %mul3A_995 = arith.mulf %sub3A_981, %sub3A_974 : vector<16xf32>
      %sub3A_996 = arith.subf %mul3A_994, %mul3A_995 : vector<16xf32>
      %abs3A_997 = math.absf %sub3A_996 : vector<16xf32>
      %add3A_998 = arith.addf %abs3A_985, %abs3A_989 : vector<16xf32>
      %add3A_999 = arith.addf %add3A_998, %abs3A_993 : vector<16xf32>
      %add3A_1000 = arith.addf %add3A_999, %abs3A_997 : vector<16xf32>
      %mul3A_1001 = arith.mulf %abs3A_985, %get3A_872 : vector<16xf32>
      %mul3A_1002 = arith.mulf %abs3A_989, %get3A_877 : vector<16xf32>
      %mul3A_1003 = arith.mulf %abs3A_993, %get3A_882 : vector<16xf32>
      %mul3A_1004 = arith.mulf %abs3A_997, %get3A_887 : vector<16xf32>
      %max3A_1005 = arith.maximumf %mul3A_1001, %mul3A_1003 : vector<16xf32>
      %max3A_1006 = arith.maximumf %mul3A_1002, %mul3A_1004 : vector<16xf32>
      %max3A_1007 = arith.maximumf %max3A_1005, %max3A_1006 : vector<16xf32>
      %le3A_1008 = arith.cmpf ole, %add3A_1000, %get3A_892 : vector<16xf32>
      %select_n3A_1009 = arith.select %le3A_1008, %max3A_1007, %broadcast_in_dim3A_13 : vector<16xi1>, vector<16xf32>
      %lt3A_1010 = arith.cmpf olt, %select_n3A_1009, %scan3A_812 : vector<16xf32>
      %select_n3A_1011 = arith.select %lt3A_1010, %select_n3A_1009, %scan3A_812 : vector<16xi1>, vector<16xf32>
      %select_n3A_1012 = arith.select %lt3A_1010, %mul3A_1001, %scan3A_813 : vector<16xi1>, vector<16xf32>
      %select_n3A_1013 = arith.select %lt3A_1010, %mul3A_1002, %scan3A_814 : vector<16xi1>, vector<16xf32>
      %select_n3A_1014 = arith.select %lt3A_1010, %mul3A_1003, %scan3A_815 : vector<16xi1>, vector<16xf32>
      %select_n3A_1015 = arith.select %lt3A_1010, %mul3A_1004, %scan3A_816 : vector<16xi1>, vector<16xf32>
      %sub3A_1016 = arith.subf %get3A_832, %get3A_280 : vector<16xf32>
      %sub3A_1017 = arith.subf %get3A_837, %get3A_280 : vector<16xf32>
      %sub3A_1018 = arith.subf %get3A_842, %get3A_280 : vector<16xf32>
      %sub3A_1019 = arith.subf %get3A_847, %get3A_280 : vector<16xf32>
      %sub3A_1020 = arith.subf %get3A_852, %get3A_292 : vector<16xf32>
      %sub3A_1021 = arith.subf %get3A_857, %get3A_292 : vector<16xf32>
      %sub3A_1022 = arith.subf %get3A_862, %get3A_292 : vector<16xf32>
      %sub3A_1023 = arith.subf %get3A_867, %get3A_292 : vector<16xf32>
      %mul3A_1024 = arith.mulf %sub3A_1016, %sub3A_1021 : vector<16xf32>
      %mul3A_1025 = arith.mulf %sub3A_1020, %sub3A_1017 : vector<16xf32>
      %sub3A_1026 = arith.subf %mul3A_1024, %mul3A_1025 : vector<16xf32>
      %abs3A_1027 = math.absf %sub3A_1026 : vector<16xf32>
      %mul3A_1028 = arith.mulf %sub3A_1017, %sub3A_1022 : vector<16xf32>
      %mul3A_1029 = arith.mulf %sub3A_1021, %sub3A_1018 : vector<16xf32>
      %sub3A_1030 = arith.subf %mul3A_1028, %mul3A_1029 : vector<16xf32>
      %abs3A_1031 = math.absf %sub3A_1030 : vector<16xf32>
      %mul3A_1032 = arith.mulf %sub3A_1018, %sub3A_1023 : vector<16xf32>
      %mul3A_1033 = arith.mulf %sub3A_1022, %sub3A_1019 : vector<16xf32>
      %sub3A_1034 = arith.subf %mul3A_1032, %mul3A_1033 : vector<16xf32>
      %abs3A_1035 = math.absf %sub3A_1034 : vector<16xf32>
      %mul3A_1036 = arith.mulf %sub3A_1019, %sub3A_1020 : vector<16xf32>
      %mul3A_1037 = arith.mulf %sub3A_1023, %sub3A_1016 : vector<16xf32>
      %sub3A_1038 = arith.subf %mul3A_1036, %mul3A_1037 : vector<16xf32>
      %abs3A_1039 = math.absf %sub3A_1038 : vector<16xf32>
      %add3A_1040 = arith.addf %abs3A_1027, %abs3A_1031 : vector<16xf32>
      %add3A_1041 = arith.addf %add3A_1040, %abs3A_1035 : vector<16xf32>
      %add3A_1042 = arith.addf %add3A_1041, %abs3A_1039 : vector<16xf32>
      %mul3A_1043 = arith.mulf %abs3A_1027, %get3A_872 : vector<16xf32>
      %mul3A_1044 = arith.mulf %abs3A_1031, %get3A_877 : vector<16xf32>
      %mul3A_1045 = arith.mulf %abs3A_1035, %get3A_882 : vector<16xf32>
      %mul3A_1046 = arith.mulf %abs3A_1039, %get3A_887 : vector<16xf32>
      %max3A_1047 = arith.maximumf %mul3A_1043, %mul3A_1045 : vector<16xf32>
      %max3A_1048 = arith.maximumf %mul3A_1044, %mul3A_1046 : vector<16xf32>
      %max3A_1049 = arith.maximumf %max3A_1047, %max3A_1048 : vector<16xf32>
      %le3A_1050 = arith.cmpf ole, %add3A_1042, %get3A_892 : vector<16xf32>
      %select_n3A_1051 = arith.select %le3A_1050, %max3A_1049, %broadcast_in_dim3A_13 : vector<16xi1>, vector<16xf32>
      %lt3A_1052 = arith.cmpf olt, %select_n3A_1051, %scan3A_817 : vector<16xf32>
      %select_n3A_1053 = arith.select %lt3A_1052, %select_n3A_1051, %scan3A_817 : vector<16xi1>, vector<16xf32>
      %select_n3A_1054 = arith.select %lt3A_1052, %mul3A_1043, %scan3A_818 : vector<16xi1>, vector<16xf32>
      %select_n3A_1055 = arith.select %lt3A_1052, %mul3A_1044, %scan3A_819 : vector<16xi1>, vector<16xf32>
      %select_n3A_1056 = arith.select %lt3A_1052, %mul3A_1045, %scan3A_820 : vector<16xi1>, vector<16xf32>
      %select_n3A_1057 = arith.select %lt3A_1052, %mul3A_1046, %scan3A_821 : vector<16xi1>, vector<16xf32>
      scf.yield %select_n3A_927, %select_n3A_928, %select_n3A_929, %select_n3A_930, %select_n3A_931, %select_n3A_969, %select_n3A_970, %select_n3A_971, %select_n3A_972, %select_n3A_973, %select_n3A_1011, %select_n3A_1012, %select_n3A_1013, %select_n3A_1014, %select_n3A_1015, %select_n3A_1053, %select_n3A_1054, %select_n3A_1055, %select_n3A_1056, %select_n3A_1057 : vector<16xf32>, vector<16xf32>, vector<16xf32>, vector<16xf32>, vector<16xf32>, vector<16xf32>, vector<16xf32>, vector<16xf32>, vector<16xf32>, vector<16xf32>, vector<16xf32>, vector<16xf32>, vector<16xf32>, vector<16xf32>, vector<16xf32>, vector<16xf32>, vector<16xf32>, vector<16xf32>, vector<16xf32>, vector<16xf32>
    }
    %scan3A_298 = arith.constant 100 : i32
    %min3A_299 = arith.minimumf %scan3A_297#1, %scan3A_297#3 : vector<16xf32>
    %max3A_300 = arith.maximumf %scan3A_297#1, %scan3A_297#3 : vector<16xf32>
    %min3A_301 = arith.minimumf %scan3A_297#2, %scan3A_297#4 : vector<16xf32>
    %max3A_302 = arith.maximumf %scan3A_297#2, %scan3A_297#4 : vector<16xf32>
    %max3A_303 = arith.constant 9.99999996E-13 : f32
    %max3A_304 = vector.broadcast %max3A_303 : f32 to vector<16xf32>
    %max3A_305 = arith.maximumf %max3A_300, %max3A_304 : vector<16xf32>
    %div3A_306 = arith.divf %min3A_299, %max3A_305 : vector<16xf32>
    %max3A_307 = arith.constant 9.99999996E-13 : f32
    %max3A_308 = vector.broadcast %max3A_307 : f32 to vector<16xf32>
    %max3A_309 = arith.maximumf %max3A_302, %max3A_308 : vector<16xf32>
    %div3A_310 = arith.divf %min3A_301, %max3A_309 : vector<16xf32>
    %mul3A_311 = arith.mulf %div3A_306, %div3A_310 : vector<16xf32>
    %bitcast_convert_type3A_312 = tpu.bitcast %mul3A_311 : vector<16xf32> -> vector<16xi32>
    %shift_right_arithmetic3A_313 = arith.constant 1 : i32
    %shift_right_arithmetic3A_314 = vector.broadcast %shift_right_arithmetic3A_313 : i32 to vector<16xi32>
    %shift_right_arithmetic3A_315 = arith.shrsi %bitcast_convert_type3A_312, %shift_right_arithmetic3A_314 : vector<16xi32>
    %sub3A_316 = arith.constant 1597463007 : i32
    %sub3A_317 = vector.broadcast %sub3A_316 : i32 to vector<16xi32>
    %sub3A_318 = arith.subi %sub3A_317, %shift_right_arithmetic3A_315 : vector<16xi32>
    %bitcast_convert_type3A_319 = tpu.bitcast %sub3A_318 : vector<16xi32> -> vector<16xf32>
    %mul3A_320 = arith.constant 5.000000e-01 : f32
    %mul3A_321 = vector.broadcast %mul3A_320 : f32 to vector<16xf32>
    %mul3A_322 = arith.mulf %mul3A_321, %mul3A_311 : vector<16xf32>
    %mul3A_323 = arith.mulf %mul3A_322, %bitcast_convert_type3A_319 : vector<16xf32>
    %mul3A_324 = arith.mulf %mul3A_323, %bitcast_convert_type3A_319 : vector<16xf32>
    %sub3A_325 = arith.constant 1.500000e+00 : f32
    %sub3A_326 = vector.broadcast %sub3A_325 : f32 to vector<16xf32>
    %sub3A_327 = arith.subf %sub3A_326, %mul3A_324 : vector<16xf32>
    %mul3A_328 = arith.mulf %bitcast_convert_type3A_319, %sub3A_327 : vector<16xf32>
    %mul3A_329 = arith.constant 5.000000e-01 : f32
    %mul3A_330 = vector.broadcast %mul3A_329 : f32 to vector<16xf32>
    %mul3A_331 = arith.mulf %mul3A_330, %mul3A_311 : vector<16xf32>
    %mul3A_332 = arith.mulf %mul3A_331, %mul3A_328 : vector<16xf32>
    %mul3A_333 = arith.mulf %mul3A_332, %mul3A_328 : vector<16xf32>
    %sub3A_334 = arith.constant 1.500000e+00 : f32
    %sub3A_335 = vector.broadcast %sub3A_334 : f32 to vector<16xf32>
    %sub3A_336 = arith.subf %sub3A_335, %mul3A_333 : vector<16xf32>
    %mul3A_337 = arith.mulf %mul3A_328, %sub3A_336 : vector<16xf32>
    %mul3A_338 = arith.constant 5.000000e-01 : f32
    %mul3A_339 = vector.broadcast %mul3A_338 : f32 to vector<16xf32>
    %mul3A_340 = arith.mulf %mul3A_339, %mul3A_311 : vector<16xf32>
    %mul3A_341 = arith.mulf %mul3A_340, %mul3A_337 : vector<16xf32>
    %mul3A_342 = arith.mulf %mul3A_341, %mul3A_337 : vector<16xf32>
    %sub3A_343 = arith.constant 1.500000e+00 : f32
    %sub3A_344 = vector.broadcast %sub3A_343 : f32 to vector<16xf32>
    %sub3A_345 = arith.subf %sub3A_344, %mul3A_342 : vector<16xf32>
    %mul3A_346 = arith.mulf %mul3A_337, %sub3A_345 : vector<16xf32>
    %gt3A_347 = arith.constant 0.000000e+00 : f32
    %gt3A_348 = vector.broadcast %gt3A_347 : f32 to vector<16xf32>
    %gt3A_349 = arith.cmpf ogt, %mul3A_311, %gt3A_348 : vector<16xf32>
    %mul3A_350 = arith.mulf %mul3A_311, %mul3A_346 : vector<16xf32>
    %broadcast_in_dim3A_351 = arith.constant 0.000000e+00 : f32
    %broadcast_in_dim3A_352 = vector.broadcast %broadcast_in_dim3A_351 : f32 to vector<16xf32>
    %select_n3A_353 = arith.select %gt3A_349, %mul3A_350, %broadcast_in_dim3A_352 : vector<16xi1>, vector<16xf32>
    %swap3A_354 = arith.constant 64 : index
    %swap3A_355 = tpu.vector_load %arg9[%swap3A_354] {strides = array<i32>} : memref<192xf32, #tpu.memory_space<vmem>>, vector<16xf32>,
    %swap3A_356 = vector.shape_cast %swap3A_355 : vector<16xf32> to vector<16xf32>
    %swap3A_357 = vector.shape_cast %select_n3A_353 : vector<16xf32> to vector<16xf32>
    tpu.vector_store %arg9[%swap3A_354], %swap3A_357 {strides = array<i32>} : memref<192xf32, #tpu.memory_space<vmem>>, vector<16xf32>,
    %min3A_358 = arith.minimumf %scan3A_297#6, %scan3A_297#8 : vector<16xf32>
    %max3A_359 = arith.maximumf %scan3A_297#6, %scan3A_297#8 : vector<16xf32>
    %min3A_360 = arith.minimumf %scan3A_297#7, %scan3A_297#9 : vector<16xf32>
    %max3A_361 = arith.maximumf %scan3A_297#7, %scan3A_297#9 : vector<16xf32>
    %max3A_362 = arith.constant 9.99999996E-13 : f32
    %max3A_363 = vector.broadcast %max3A_362 : f32 to vector<16xf32>
    %max3A_364 = arith.maximumf %max3A_359, %max3A_363 : vector<16xf32>
    %div3A_365 = arith.divf %min3A_358, %max3A_364 : vector<16xf32>
    %max3A_366 = arith.constant 9.99999996E-13 : f32
    %max3A_367 = vector.broadcast %max3A_366 : f32 to vector<16xf32>
    %max3A_368 = arith.maximumf %max3A_361, %max3A_367 : vector<16xf32>
    %div3A_369 = arith.divf %min3A_360, %max3A_368 : vector<16xf32>
    %mul3A_370 = arith.mulf %div3A_365, %div3A_369 : vector<16xf32>
    %bitcast_convert_type3A_371 = tpu.bitcast %mul3A_370 : vector<16xf32> -> vector<16xi32>
    %shift_right_arithmetic3A_372 = arith.constant 1 : i32
    %shift_right_arithmetic3A_373 = vector.broadcast %shift_right_arithmetic3A_372 : i32 to vector<16xi32>
    %shift_right_arithmetic3A_374 = arith.shrsi %bitcast_convert_type3A_371, %shift_right_arithmetic3A_373 : vector<16xi32>
    %sub3A_375 = arith.constant 1597463007 : i32
    %sub3A_376 = vector.broadcast %sub3A_375 : i32 to vector<16xi32>
    %sub3A_377 = arith.subi %sub3A_376, %shift_right_arithmetic3A_374 : vector<16xi32>
    %bitcast_convert_type3A_378 = tpu.bitcast %sub3A_377 : vector<16xi32> -> vector<16xf32>
    %mul3A_379 = arith.constant 5.000000e-01 : f32
    %mul3A_380 = vector.broadcast %mul3A_379 : f32 to vector<16xf32>
    %mul3A_381 = arith.mulf %mul3A_380, %mul3A_370 : vector<16xf32>
    %mul3A_382 = arith.mulf %mul3A_381, %bitcast_convert_type3A_378 : vector<16xf32>
    %mul3A_383 = arith.mulf %mul3A_382, %bitcast_convert_type3A_378 : vector<16xf32>
    %sub3A_384 = arith.constant 1.500000e+00 : f32
    %sub3A_385 = vector.broadcast %sub3A_384 : f32 to vector<16xf32>
    %sub3A_386 = arith.subf %sub3A_385, %mul3A_383 : vector<16xf32>
    %mul3A_387 = arith.mulf %bitcast_convert_type3A_378, %sub3A_386 : vector<16xf32>
    %mul3A_388 = arith.constant 5.000000e-01 : f32
    %mul3A_389 = vector.broadcast %mul3A_388 : f32 to vector<16xf32>
    %mul3A_390 = arith.mulf %mul3A_389, %mul3A_370 : vector<16xf32>
    %mul3A_391 = arith.mulf %mul3A_390, %mul3A_387 : vector<16xf32>
    %mul3A_392 = arith.mulf %mul3A_391, %mul3A_387 : vector<16xf32>
    %sub3A_393 = arith.constant 1.500000e+00 : f32
    %sub3A_394 = vector.broadcast %sub3A_393 : f32 to vector<16xf32>
    %sub3A_395 = arith.subf %sub3A_394, %mul3A_392 : vector<16xf32>
    %mul3A_396 = arith.mulf %mul3A_387, %sub3A_395 : vector<16xf32>
    %mul3A_397 = arith.constant 5.000000e-01 : f32
    %mul3A_398 = vector.broadcast %mul3A_397 : f32 to vector<16xf32>
    %mul3A_399 = arith.mulf %mul3A_398, %mul3A_370 : vector<16xf32>
    %mul3A_400 = arith.mulf %mul3A_399, %mul3A_396 : vector<16xf32>
    %mul3A_401 = arith.mulf %mul3A_400, %mul3A_396 : vector<16xf32>
    %sub3A_402 = arith.constant 1.500000e+00 : f32
    %sub3A_403 = vector.broadcast %sub3A_402 : f32 to vector<16xf32>
    %sub3A_404 = arith.subf %sub3A_403, %mul3A_401 : vector<16xf32>
    %mul3A_405 = arith.mulf %mul3A_396, %sub3A_404 : vector<16xf32>
    %gt3A_406 = arith.constant 0.000000e+00 : f32
    %gt3A_407 = vector.broadcast %gt3A_406 : f32 to vector<16xf32>
    %gt3A_408 = arith.cmpf ogt, %mul3A_370, %gt3A_407 : vector<16xf32>
    %mul3A_409 = arith.mulf %mul3A_370, %mul3A_405 : vector<16xf32>
    %broadcast_in_dim3A_410 = arith.constant 0.000000e+00 : f32
    %broadcast_in_dim3A_411 = vector.broadcast %broadcast_in_dim3A_410 : f32 to vector<16xf32>
    %select_n3A_412 = arith.select %gt3A_408, %mul3A_409, %broadcast_in_dim3A_411 : vector<16xi1>, vector<16xf32>
    %swap3A_413 = arith.constant 80 : index
    %swap3A_414 = tpu.vector_load %arg9[%swap3A_413] {strides = array<i32>} : memref<192xf32, #tpu.memory_space<vmem>>, vector<16xf32>,
    %swap3A_415 = vector.shape_cast %swap3A_414 : vector<16xf32> to vector<16xf32>
    %swap3A_416 = vector.shape_cast %select_n3A_412 : vector<16xf32> to vector<16xf32>
    tpu.vector_store %arg9[%swap3A_413], %swap3A_416 {strides = array<i32>} : memref<192xf32, #tpu.memory_space<vmem>>, vector<16xf32>,
    %min3A_417 = arith.minimumf %scan3A_297#11, %scan3A_297#13 : vector<16xf32>
    %max3A_418 = arith.maximumf %scan3A_297#11, %scan3A_297#13 : vector<16xf32>
    %min3A_419 = arith.minimumf %scan3A_297#12, %scan3A_297#14 : vector<16xf32>
    %max3A_420 = arith.maximumf %scan3A_297#12, %scan3A_297#14 : vector<16xf32>
    %max3A_421 = arith.constant 9.99999996E-13 : f32
    %max3A_422 = vector.broadcast %max3A_421 : f32 to vector<16xf32>
    %max3A_423 = arith.maximumf %max3A_418, %max3A_422 : vector<16xf32>
    %div3A_424 = arith.divf %min3A_417, %max3A_423 : vector<16xf32>
    %max3A_425 = arith.constant 9.99999996E-13 : f32
    %max3A_426 = vector.broadcast %max3A_425 : f32 to vector<16xf32>
    %max3A_427 = arith.maximumf %max3A_420, %max3A_426 : vector<16xf32>
    %div3A_428 = arith.divf %min3A_419, %max3A_427 : vector<16xf32>
    %mul3A_429 = arith.mulf %div3A_424, %div3A_428 : vector<16xf32>
    %bitcast_convert_type3A_430 = tpu.bitcast %mul3A_429 : vector<16xf32> -> vector<16xi32>
    %shift_right_arithmetic3A_431 = arith.constant 1 : i32
    %shift_right_arithmetic3A_432 = vector.broadcast %shift_right_arithmetic3A_431 : i32 to vector<16xi32>
    %shift_right_arithmetic3A_433 = arith.shrsi %bitcast_convert_type3A_430, %shift_right_arithmetic3A_432 : vector<16xi32>
    %sub3A_434 = arith.constant 1597463007 : i32
    %sub3A_435 = vector.broadcast %sub3A_434 : i32 to vector<16xi32>
    %sub3A_436 = arith.subi %sub3A_435, %shift_right_arithmetic3A_433 : vector<16xi32>
    %bitcast_convert_type3A_437 = tpu.bitcast %sub3A_436 : vector<16xi32> -> vector<16xf32>
    %mul3A_438 = arith.constant 5.000000e-01 : f32
    %mul3A_439 = vector.broadcast %mul3A_438 : f32 to vector<16xf32>
    %mul3A_440 = arith.mulf %mul3A_439, %mul3A_429 : vector<16xf32>
    %mul3A_441 = arith.mulf %mul3A_440, %bitcast_convert_type3A_437 : vector<16xf32>
    %mul3A_442 = arith.mulf %mul3A_441, %bitcast_convert_type3A_437 : vector<16xf32>
    %sub3A_443 = arith.constant 1.500000e+00 : f32
    %sub3A_444 = vector.broadcast %sub3A_443 : f32 to vector<16xf32>
    %sub3A_445 = arith.subf %sub3A_444, %mul3A_442 : vector<16xf32>
    %mul3A_446 = arith.mulf %bitcast_convert_type3A_437, %sub3A_445 : vector<16xf32>
    %mul3A_447 = arith.constant 5.000000e-01 : f32
    %mul3A_448 = vector.broadcast %mul3A_447 : f32 to vector<16xf32>
    %mul3A_449 = arith.mulf %mul3A_448, %mul3A_429 : vector<16xf32>
    %mul3A_450 = arith.mulf %mul3A_449, %mul3A_446 : vector<16xf32>
    %mul3A_451 = arith.mulf %mul3A_450, %mul3A_446 : vector<16xf32>
    %sub3A_452 = arith.constant 1.500000e+00 : f32
    %sub3A_453 = vector.broadcast %sub3A_452 : f32 to vector<16xf32>
    %sub3A_454 = arith.subf %sub3A_453, %mul3A_451 : vector<16xf32>
    %mul3A_455 = arith.mulf %mul3A_446, %sub3A_454 : vector<16xf32>
    %mul3A_456 = arith.constant 5.000000e-01 : f32
    %mul3A_457 = vector.broadcast %mul3A_456 : f32 to vector<16xf32>
    %mul3A_458 = arith.mulf %mul3A_457, %mul3A_429 : vector<16xf32>
    %mul3A_459 = arith.mulf %mul3A_458, %mul3A_455 : vector<16xf32>
    %mul3A_460 = arith.mulf %mul3A_459, %mul3A_455 : vector<16xf32>
    %sub3A_461 = arith.constant 1.500000e+00 : f32
    %sub3A_462 = vector.broadcast %sub3A_461 : f32 to vector<16xf32>
    %sub3A_463 = arith.subf %sub3A_462, %mul3A_460 : vector<16xf32>
    %mul3A_464 = arith.mulf %mul3A_455, %sub3A_463 : vector<16xf32>
    %gt3A_465 = arith.constant 0.000000e+00 : f32
    %gt3A_466 = vector.broadcast %gt3A_465 : f32 to vector<16xf32>
    %gt3A_467 = arith.cmpf ogt, %mul3A_429, %gt3A_466 : vector<16xf32>
    %mul3A_468 = arith.mulf %mul3A_429, %mul3A_464 : vector<16xf32>
    %broadcast_in_dim3A_469 = arith.constant 0.000000e+00 : f32
    %broadcast_in_dim3A_470 = vector.broadcast %broadcast_in_dim3A_469 : f32 to vector<16xf32>
    %select_n3A_471 = arith.select %gt3A_467, %mul3A_468, %broadcast_in_dim3A_470 : vector<16xi1>, vector<16xf32>
    %swap3A_472 = arith.constant 96 : index
    %swap3A_473 = tpu.vector_load %arg9[%swap3A_472] {strides = array<i32>} : memref<192xf32, #tpu.memory_space<vmem>>, vector<16xf32>,
    %swap3A_474 = vector.shape_cast %swap3A_473 : vector<16xf32> to vector<16xf32>
    %swap3A_475 = vector.shape_cast %select_n3A_471 : vector<16xf32> to vector<16xf32>
    tpu.vector_store %arg9[%swap3A_472], %swap3A_475 {strides = array<i32>} : memref<192xf32, #tpu.memory_space<vmem>>, vector<16xf32>,
    %min3A_476 = arith.minimumf %scan3A_297#16, %scan3A_297#18 : vector<16xf32>
    %max3A_477 = arith.maximumf %scan3A_297#16, %scan3A_297#18 : vector<16xf32>
    %min3A_478 = arith.minimumf %scan3A_297#17, %scan3A_297#19 : vector<16xf32>
    %max3A_479 = arith.maximumf %scan3A_297#17, %scan3A_297#19 : vector<16xf32>
    %max3A_480 = arith.constant 9.99999996E-13 : f32
    %max3A_481 = vector.broadcast %max3A_480 : f32 to vector<16xf32>
    %max3A_482 = arith.maximumf %max3A_477, %max3A_481 : vector<16xf32>
    %div3A_483 = arith.divf %min3A_476, %max3A_482 : vector<16xf32>
    %max3A_484 = arith.constant 9.99999996E-13 : f32
    %max3A_485 = vector.broadcast %max3A_484 : f32 to vector<16xf32>
    %max3A_486 = arith.maximumf %max3A_479, %max3A_485 : vector<16xf32>
    %div3A_487 = arith.divf %min3A_478, %max3A_486 : vector<16xf32>
    %mul3A_488 = arith.mulf %div3A_483, %div3A_487 : vector<16xf32>
    %bitcast_convert_type3A_489 = tpu.bitcast %mul3A_488 : vector<16xf32> -> vector<16xi32>
    %shift_right_arithmetic3A_490 = arith.constant 1 : i32
    %shift_right_arithmetic3A_491 = vector.broadcast %shift_right_arithmetic3A_490 : i32 to vector<16xi32>
    %shift_right_arithmetic3A_492 = arith.shrsi %bitcast_convert_type3A_489, %shift_right_arithmetic3A_491 : vector<16xi32>
    %sub3A_493 = arith.constant 1597463007 : i32
    %sub3A_494 = vector.broadcast %sub3A_493 : i32 to vector<16xi32>
    %sub3A_495 = arith.subi %sub3A_494, %shift_right_arithmetic3A_492 : vector<16xi32>
    %bitcast_convert_type3A_496 = tpu.bitcast %sub3A_495 : vector<16xi32> -> vector<16xf32>
    %mul3A_497 = arith.constant 5.000000e-01 : f32
    %mul3A_498 = vector.broadcast %mul3A_497 : f32 to vector<16xf32>
    %mul3A_499 = arith.mulf %mul3A_498, %mul3A_488 : vector<16xf32>
    %mul3A_500 = arith.mulf %mul3A_499, %bitcast_convert_type3A_496 : vector<16xf32>
    %mul3A_501 = arith.mulf %mul3A_500, %bitcast_convert_type3A_496 : vector<16xf32>
    %sub3A_502 = arith.constant 1.500000e+00 : f32
    %sub3A_503 = vector.broadcast %sub3A_502 : f32 to vector<16xf32>
    %sub3A_504 = arith.subf %sub3A_503, %mul3A_501 : vector<16xf32>
    %mul3A_505 = arith.mulf %bitcast_convert_type3A_496, %sub3A_504 : vector<16xf32>
    %mul3A_506 = arith.constant 5.000000e-01 : f32
    %mul3A_507 = vector.broadcast %mul3A_506 : f32 to vector<16xf32>
    %mul3A_508 = arith.mulf %mul3A_507, %mul3A_488 : vector<16xf32>
    %mul3A_509 = arith.mulf %mul3A_508, %mul3A_505 : vector<16xf32>
    %mul3A_510 = arith.mulf %mul3A_509, %mul3A_505 : vector<16xf32>
    %sub3A_511 = arith.constant 1.500000e+00 : f32
    %sub3A_512 = vector.broadcast %sub3A_511 : f32 to vector<16xf32>
    %sub3A_513 = arith.subf %sub3A_512, %mul3A_510 : vector<16xf32>
    %mul3A_514 = arith.mulf %mul3A_505, %sub3A_513 : vector<16xf32>
    %mul3A_515 = arith.constant 5.000000e-01 : f32
    %mul3A_516 = vector.broadcast %mul3A_515 : f32 to vector<16xf32>
    %mul3A_517 = arith.mulf %mul3A_516, %mul3A_488 : vector<16xf32>
    %mul3A_518 = arith.mulf %mul3A_517, %mul3A_514 : vector<16xf32>
    %mul3A_519 = arith.mulf %mul3A_518, %mul3A_514 : vector<16xf32>
    %sub3A_520 = arith.constant 1.500000e+00 : f32
    %sub3A_521 = vector.broadcast %sub3A_520 : f32 to vector<16xf32>
    %sub3A_522 = arith.subf %sub3A_521, %mul3A_519 : vector<16xf32>
    %mul3A_523 = arith.mulf %mul3A_514, %sub3A_522 : vector<16xf32>
    %gt3A_524 = arith.constant 0.000000e+00 : f32
    %gt3A_525 = vector.broadcast %gt3A_524 : f32 to vector<16xf32>
    %gt3A_526 = arith.cmpf ogt, %mul3A_488, %gt3A_525 : vector<16xf32>
    %mul3A_527 = arith.mulf %mul3A_488, %mul3A_523 : vector<16xf32>
    %broadcast_in_dim3A_528 = arith.constant 0.000000e+00 : f32
    %broadcast_in_dim3A_529 = vector.broadcast %broadcast_in_dim3A_528 : f32 to vector<16xf32>
    %select_n3A_530 = arith.select %gt3A_526, %mul3A_527, %broadcast_in_dim3A_529 : vector<16xi1>, vector<16xf32>
    %swap3A_531 = arith.constant 112 : index
    %swap3A_532 = tpu.vector_load %arg9[%swap3A_531] {strides = array<i32>} : memref<192xf32, #tpu.memory_space<vmem>>, vector<16xf32>,
    %swap3A_533 = vector.shape_cast %swap3A_532 : vector<16xf32> to vector<16xf32>
    %swap3A_534 = vector.shape_cast %select_n3A_530 : vector<16xf32> to vector<16xf32>
    tpu.vector_store %arg9[%swap3A_531], %swap3A_534 {strides = array<i32>} : memref<192xf32, #tpu.memory_space<vmem>>, vector<16xf32>,
    %get3A_535 = arith.constant 128 : index
    %get3A_536 = tpu.vector_load %arg7[%get3A_535] {strides = array<i32>} : memref<192xf32, #tpu.memory_space<vmem>>, vector<16xf32>,
    %get3A_537 = vector.shape_cast %get3A_536 : vector<16xf32> to vector<16xf32>
    %get3A_538 = arith.constant 144 : index
    %get3A_539 = tpu.vector_load %arg7[%get3A_538] {strides = array<i32>} : memref<192xf32, #tpu.memory_space<vmem>>, vector<16xf32>,
    %get3A_540 = vector.shape_cast %get3A_539 : vector<16xf32> to vector<16xf32>
    %get3A_541 = arith.constant 160 : index
    %get3A_542 = tpu.vector_load %arg7[%get3A_541] {strides = array<i32>} : memref<192xf32, #tpu.memory_space<vmem>>, vector<16xf32>,
    %get3A_543 = vector.shape_cast %get3A_542 : vector<16xf32> to vector<16xf32>
    %get3A_544 = arith.constant 176 : index
    %get3A_545 = tpu.vector_load %arg7[%get3A_544] {strides = array<i32>} : memref<192xf32, #tpu.memory_space<vmem>>, vector<16xf32>,
    %get3A_546 = vector.shape_cast %get3A_545 : vector<16xf32> to vector<16xf32>
    %get3A_547 = arith.constant 128 : index
    %get3A_548 = tpu.vector_load %arg8[%get3A_547] {strides = array<i32>} : memref<192xf32, #tpu.memory_space<vmem>>, vector<16xf32>,
    %get3A_549 = vector.shape_cast %get3A_548 : vector<16xf32> to vector<16xf32>
    %get3A_550 = arith.constant 144 : index
    %get3A_551 = tpu.vector_load %arg8[%get3A_550] {strides = array<i32>} : memref<192xf32, #tpu.memory_space<vmem>>, vector<16xf32>,
    %get3A_552 = vector.shape_cast %get3A_551 : vector<16xf32> to vector<16xf32>
    %get3A_553 = arith.constant 160 : index
    %get3A_554 = tpu.vector_load %arg8[%get3A_553] {strides = array<i32>} : memref<192xf32, #tpu.memory_space<vmem>>, vector<16xf32>,
    %get3A_555 = vector.shape_cast %get3A_554 : vector<16xf32> to vector<16xf32>
    %get3A_556 = arith.constant 176 : index
    %get3A_557 = tpu.vector_load %arg8[%get3A_556] {strides = array<i32>} : memref<192xf32, #tpu.memory_space<vmem>>, vector<16xf32>,
    %get3A_558 = vector.shape_cast %get3A_557 : vector<16xf32> to vector<16xf32>
    %scan3A_559 = arith.constant 0 : i32
    %scan3A_560 = arith.constant 100 : i32
    %scan3A_561 = arith.addi %scan3A_559, %scan3A_560 : i32
    %scan3A_562 = arith.constant 1 : i32
    %scan3A_563:20 = scf.for %scan3A_801 = %scan3A_559 to %scan3A_561 step %scan3A_562 iter_args(%scan3A_802 = %broadcast_in_dim3A_9, %scan3A_803 = %broadcast_in_dim3A_11, %scan3A_804 = %broadcast_in_dim3A_11, %scan3A_805 = %broadcast_in_dim3A_11, %scan3A_806 = %broadcast_in_dim3A_11, %scan3A_807 = %broadcast_in_dim3A_9, %scan3A_808 = %broadcast_in_dim3A_11, %scan3A_809 = %broadcast_in_dim3A_11, %scan3A_810 = %broadcast_in_dim3A_11, %scan3A_811 = %broadcast_in_dim3A_11, %scan3A_812 = %broadcast_in_dim3A_9, %scan3A_813 = %broadcast_in_dim3A_11, %scan3A_814 = %broadcast_in_dim3A_11, %scan3A_815 = %broadcast_in_dim3A_11, %scan3A_816 = %broadcast_in_dim3A_11, %scan3A_817 = %broadcast_in_dim3A_9, %scan3A_818 = %broadcast_in_dim3A_11, %scan3A_819 = %broadcast_in_dim3A_11, %scan3A_820 = %broadcast_in_dim3A_11, %scan3A_821 = %broadcast_in_dim3A_11) -> (vector<16xf32>, vector<16xf32>, vector<16xf32>, vector<16xf32>, vector<16xf32>, vector<16xf32>, vector<16xf32>, vector<16xf32>, vector<16xf32>, vector<16xf32>, vector<16xf32>, vector<16xf32>, vector<16xf32>, vector<16xf32>, vector<16xf32>, vector<16xf32>, vector<16xf32>, vector<16xf32>, vector<16xf32>, vector<16xf32>)  : i32 {
      %mul3A_822 = arith.constant 1 : i32
      %mul3A_823 = arith.muli %scan3A_801, %mul3A_822 : i32
      %add3A_824 = arith.constant 0 : i32
      %add3A_825 = arith.addi %mul3A_823, %add3A_824 : i32
      %mul3A_826 = arith.constant 208 : i32
      %mul3A_827 = arith.muli %add3A_825, %mul3A_826 : i32
      %add3A_828 = arith.constant 0 : i32
      %add3A_829 = arith.addi %mul3A_827, %add3A_828 : i32
      %get3A_830 = arith.index_cast %add3A_829 : i32 to index
      %get3A_831 = tpu.vector_load %arg6[%get3A_830] {strides = array<i32>} : memref<20800xf32, #tpu.memory_space<vmem>>, vector<16xf32>,
      %get3A_832 = vector.shape_cast %get3A_831 : vector<16xf32> to vector<16xf32>
      %add3A_833 = arith.constant 16 : i32
      %add3A_834 = arith.addi %mul3A_827, %add3A_833 : i32
      %get3A_835 = arith.index_cast %add3A_834 : i32 to index
      %get3A_836 = tpu.vector_load %arg6[%get3A_835] {strides = array<i32>} : memref<20800xf32, #tpu.memory_space<vmem>>, vector<16xf32>,
      %get3A_837 = vector.shape_cast %get3A_836 : vector<16xf32> to vector<16xf32>
      %add3A_838 = arith.constant 32 : i32
      %add3A_839 = arith.addi %mul3A_827, %add3A_838 : i32
      %get3A_840 = arith.index_cast %add3A_839 : i32 to index
      %get3A_841 = tpu.vector_load %arg6[%get3A_840] {strides = array<i32>} : memref<20800xf32, #tpu.memory_space<vmem>>, vector<16xf32>,
      %get3A_842 = vector.shape_cast %get3A_841 : vector<16xf32> to vector<16xf32>
      %add3A_843 = arith.constant 48 : i32
      %add3A_844 = arith.addi %mul3A_827, %add3A_843 : i32
      %get3A_845 = arith.index_cast %add3A_844 : i32 to index
      %get3A_846 = tpu.vector_load %arg6[%get3A_845] {strides = array<i32>} : memref<20800xf32, #tpu.memory_space<vmem>>, vector<16xf32>,
      %get3A_847 = vector.shape_cast %get3A_846 : vector<16xf32> to vector<16xf32>
      %add3A_848 = arith.constant 64 : i32
      %add3A_849 = arith.addi %mul3A_827, %add3A_848 : i32
      %get3A_850 = arith.index_cast %add3A_849 : i32 to index
      %get3A_851 = tpu.vector_load %arg6[%get3A_850] {strides = array<i32>} : memref<20800xf32, #tpu.memory_space<vmem>>, vector<16xf32>,
      %get3A_852 = vector.shape_cast %get3A_851 : vector<16xf32> to vector<16xf32>
      %add3A_853 = arith.constant 80 : i32
      %add3A_854 = arith.addi %mul3A_827, %add3A_853 : i32
      %get3A_855 = arith.index_cast %add3A_854 : i32 to index
      %get3A_856 = tpu.vector_load %arg6[%get3A_855] {strides = array<i32>} : memref<20800xf32, #tpu.memory_space<vmem>>, vector<16xf32>,
      %get3A_857 = vector.shape_cast %get3A_856 : vector<16xf32> to vector<16xf32>
      %add3A_858 = arith.constant 96 : i32
      %add3A_859 = arith.addi %mul3A_827, %add3A_858 : i32
      %get3A_860 = arith.index_cast %add3A_859 : i32 to index
      %get3A_861 = tpu.vector_load %arg6[%get3A_860] {strides = array<i32>} : memref<20800xf32, #tpu.memory_space<vmem>>, vector<16xf32>,
      %get3A_862 = vector.shape_cast %get3A_861 : vector<16xf32> to vector<16xf32>
      %add3A_863 = arith.constant 112 : i32
      %add3A_864 = arith.addi %mul3A_827, %add3A_863 : i32
      %get3A_865 = arith.index_cast %add3A_864 : i32 to index
      %get3A_866 = tpu.vector_load %arg6[%get3A_865] {strides = array<i32>} : memref<20800xf32, #tpu.memory_space<vmem>>, vector<16xf32>,
      %get3A_867 = vector.shape_cast %get3A_866 : vector<16xf32> to vector<16xf32>
      %add3A_868 = arith.constant 128 : i32
      %add3A_869 = arith.addi %mul3A_827, %add3A_868 : i32
      %get3A_870 = arith.index_cast %add3A_869 : i32 to index
      %get3A_871 = tpu.vector_load %arg6[%get3A_870] {strides = array<i32>} : memref<20800xf32, #tpu.memory_space<vmem>>, vector<16xf32>,
      %get3A_872 = vector.shape_cast %get3A_871 : vector<16xf32> to vector<16xf32>
      %add3A_873 = arith.constant 144 : i32
      %add3A_874 = arith.addi %mul3A_827, %add3A_873 : i32
      %get3A_875 = arith.index_cast %add3A_874 : i32 to index
      %get3A_876 = tpu.vector_load %arg6[%get3A_875] {strides = array<i32>} : memref<20800xf32, #tpu.memory_space<vmem>>, vector<16xf32>,
      %get3A_877 = vector.shape_cast %get3A_876 : vector<16xf32> to vector<16xf32>
      %add3A_878 = arith.constant 160 : i32
      %add3A_879 = arith.addi %mul3A_827, %add3A_878 : i32
      %get3A_880 = arith.index_cast %add3A_879 : i32 to index
      %get3A_881 = tpu.vector_load %arg6[%get3A_880] {strides = array<i32>} : memref<20800xf32, #tpu.memory_space<vmem>>, vector<16xf32>,
      %get3A_882 = vector.shape_cast %get3A_881 : vector<16xf32> to vector<16xf32>
      %add3A_883 = arith.constant 176 : i32
      %add3A_884 = arith.addi %mul3A_827, %add3A_883 : i32
      %get3A_885 = arith.index_cast %add3A_884 : i32 to index
      %get3A_886 = tpu.vector_load %arg6[%get3A_885] {strides = array<i32>} : memref<20800xf32, #tpu.memory_space<vmem>>, vector<16xf32>,
      %get3A_887 = vector.shape_cast %get3A_886 : vector<16xf32> to vector<16xf32>
      %add3A_888 = arith.constant 192 : i32
      %add3A_889 = arith.addi %mul3A_827, %add3A_888 : i32
      %get3A_890 = arith.index_cast %add3A_889 : i32 to index
      %get3A_891 = tpu.vector_load %arg6[%get3A_890] {strides = array<i32>} : memref<20800xf32, #tpu.memory_space<vmem>>, vector<16xf32>,
      %get3A_892 = vector.shape_cast %get3A_891 : vector<16xf32> to vector<16xf32>
      %sub3A_893 = arith.subf %get3A_832, %get3A_537 : vector<16xf32>
      %sub3A_894 = arith.subf %get3A_837, %get3A_537 : vector<16xf32>
      %sub3A_895 = arith.subf %get3A_842, %get3A_537 : vector<16xf32>
      %sub3A_896 = arith.subf %get3A_847, %get3A_537 : vector<16xf32>
      %sub3A_897 = arith.subf %get3A_852, %get3A_549 : vector<16xf32>
      %sub3A_898 = arith.subf %get3A_857, %get3A_549 : vector<16xf32>
      %sub3A_899 = arith.subf %get3A_862, %get3A_549 : vector<16xf32>
      %sub3A_900 = arith.subf %get3A_867, %get3A_549 : vector<16xf32>
      %mul3A_901 = arith.mulf %sub3A_893, %sub3A_898 : vector<16xf32>
      %mul3A_902 = arith.mulf %sub3A_897, %sub3A_894 : vector<16xf32>
      %sub3A_903 = arith.subf %mul3A_901, %mul3A_902 : vector<16xf32>
      %abs3A = math.absf %sub3A_903 : vector<16xf32>
      %mul3A_904 = arith.mulf %sub3A_894, %sub3A_899 : vector<16xf32>
      %mul3A_905 = arith.mulf %sub3A_898, %sub3A_895 : vector<16xf32>
      %sub3A_906 = arith.subf %mul3A_904, %mul3A_905 : vector<16xf32>
      %abs3A_907 = math.absf %sub3A_906 : vector<16xf32>
      %mul3A_908 = arith.mulf %sub3A_895, %sub3A_900 : vector<16xf32>
      %mul3A_909 = arith.mulf %sub3A_899, %sub3A_896 : vector<16xf32>
      %sub3A_910 = arith.subf %mul3A_908, %mul3A_909 : vector<16xf32>
      %abs3A_911 = math.absf %sub3A_910 : vector<16xf32>
      %mul3A_912 = arith.mulf %sub3A_896, %sub3A_897 : vector<16xf32>
      %mul3A_913 = arith.mulf %sub3A_900, %sub3A_893 : vector<16xf32>
      %sub3A_914 = arith.subf %mul3A_912, %mul3A_913 : vector<16xf32>
      %abs3A_915 = math.absf %sub3A_914 : vector<16xf32>
      %add3A_916 = arith.addf %abs3A, %abs3A_907 : vector<16xf32>
      %add3A_917 = arith.addf %add3A_916, %abs3A_911 : vector<16xf32>
      %add3A_918 = arith.addf %add3A_917, %abs3A_915 : vector<16xf32>
      %mul3A_919 = arith.mulf %abs3A, %get3A_872 : vector<16xf32>
      %mul3A_920 = arith.mulf %abs3A_907, %get3A_877 : vector<16xf32>
      %mul3A_921 = arith.mulf %abs3A_911, %get3A_882 : vector<16xf32>
      %mul3A_922 = arith.mulf %abs3A_915, %get3A_887 : vector<16xf32>
      %max3A_923 = arith.maximumf %mul3A_919, %mul3A_921 : vector<16xf32>
      %max3A_924 = arith.maximumf %mul3A_920, %mul3A_922 : vector<16xf32>
      %max3A_925 = arith.maximumf %max3A_923, %max3A_924 : vector<16xf32>
      %le3A = arith.cmpf ole, %add3A_918, %get3A_892 : vector<16xf32>
      %select_n3A_926 = arith.select %le3A, %max3A_925, %broadcast_in_dim3A_13 : vector<16xi1>, vector<16xf32>
      %lt3A = arith.cmpf olt, %select_n3A_926, %scan3A_802 : vector<16xf32>
      %select_n3A_927 = arith.select %lt3A, %select_n3A_926, %scan3A_802 : vector<16xi1>, vector<16xf32>
      %select_n3A_928 = arith.select %lt3A, %mul3A_919, %scan3A_803 : vector<16xi1>, vector<16xf32>
      %select_n3A_929 = arith.select %lt3A, %mul3A_920, %scan3A_804 : vector<16xi1>, vector<16xf32>
      %select_n3A_930 = arith.select %lt3A, %mul3A_921, %scan3A_805 : vector<16xi1>, vector<16xf32>
      %select_n3A_931 = arith.select %lt3A, %mul3A_922, %scan3A_806 : vector<16xi1>, vector<16xf32>
      %sub3A_932 = arith.subf %get3A_832, %get3A_540 : vector<16xf32>
      %sub3A_933 = arith.subf %get3A_837, %get3A_540 : vector<16xf32>
      %sub3A_934 = arith.subf %get3A_842, %get3A_540 : vector<16xf32>
      %sub3A_935 = arith.subf %get3A_847, %get3A_540 : vector<16xf32>
      %sub3A_936 = arith.subf %get3A_852, %get3A_552 : vector<16xf32>
      %sub3A_937 = arith.subf %get3A_857, %get3A_552 : vector<16xf32>
      %sub3A_938 = arith.subf %get3A_862, %get3A_552 : vector<16xf32>
      %sub3A_939 = arith.subf %get3A_867, %get3A_552 : vector<16xf32>
      %mul3A_940 = arith.mulf %sub3A_932, %sub3A_937 : vector<16xf32>
      %mul3A_941 = arith.mulf %sub3A_936, %sub3A_933 : vector<16xf32>
      %sub3A_942 = arith.subf %mul3A_940, %mul3A_941 : vector<16xf32>
      %abs3A_943 = math.absf %sub3A_942 : vector<16xf32>
      %mul3A_944 = arith.mulf %sub3A_933, %sub3A_938 : vector<16xf32>
      %mul3A_945 = arith.mulf %sub3A_937, %sub3A_934 : vector<16xf32>
      %sub3A_946 = arith.subf %mul3A_944, %mul3A_945 : vector<16xf32>
      %abs3A_947 = math.absf %sub3A_946 : vector<16xf32>
      %mul3A_948 = arith.mulf %sub3A_934, %sub3A_939 : vector<16xf32>
      %mul3A_949 = arith.mulf %sub3A_938, %sub3A_935 : vector<16xf32>
      %sub3A_950 = arith.subf %mul3A_948, %mul3A_949 : vector<16xf32>
      %abs3A_951 = math.absf %sub3A_950 : vector<16xf32>
      %mul3A_952 = arith.mulf %sub3A_935, %sub3A_936 : vector<16xf32>
      %mul3A_953 = arith.mulf %sub3A_939, %sub3A_932 : vector<16xf32>
      %sub3A_954 = arith.subf %mul3A_952, %mul3A_953 : vector<16xf32>
      %abs3A_955 = math.absf %sub3A_954 : vector<16xf32>
      %add3A_956 = arith.addf %abs3A_943, %abs3A_947 : vector<16xf32>
      %add3A_957 = arith.addf %add3A_956, %abs3A_951 : vector<16xf32>
      %add3A_958 = arith.addf %add3A_957, %abs3A_955 : vector<16xf32>
      %mul3A_959 = arith.mulf %abs3A_943, %get3A_872 : vector<16xf32>
      %mul3A_960 = arith.mulf %abs3A_947, %get3A_877 : vector<16xf32>
      %mul3A_961 = arith.mulf %abs3A_951, %get3A_882 : vector<16xf32>
      %mul3A_962 = arith.mulf %abs3A_955, %get3A_887 : vector<16xf32>
      %max3A_963 = arith.maximumf %mul3A_959, %mul3A_961 : vector<16xf32>
      %max3A_964 = arith.maximumf %mul3A_960, %mul3A_962 : vector<16xf32>
      %max3A_965 = arith.maximumf %max3A_963, %max3A_964 : vector<16xf32>
      %le3A_966 = arith.cmpf ole, %add3A_958, %get3A_892 : vector<16xf32>
      %select_n3A_967 = arith.select %le3A_966, %max3A_965, %broadcast_in_dim3A_13 : vector<16xi1>, vector<16xf32>
      %lt3A_968 = arith.cmpf olt, %select_n3A_967, %scan3A_807 : vector<16xf32>
      %select_n3A_969 = arith.select %lt3A_968, %select_n3A_967, %scan3A_807 : vector<16xi1>, vector<16xf32>
      %select_n3A_970 = arith.select %lt3A_968, %mul3A_959, %scan3A_808 : vector<16xi1>, vector<16xf32>
      %select_n3A_971 = arith.select %lt3A_968, %mul3A_960, %scan3A_809 : vector<16xi1>, vector<16xf32>
      %select_n3A_972 = arith.select %lt3A_968, %mul3A_961, %scan3A_810 : vector<16xi1>, vector<16xf32>
      %select_n3A_973 = arith.select %lt3A_968, %mul3A_962, %scan3A_811 : vector<16xi1>, vector<16xf32>
      %sub3A_974 = arith.subf %get3A_832, %get3A_543 : vector<16xf32>
      %sub3A_975 = arith.subf %get3A_837, %get3A_543 : vector<16xf32>
      %sub3A_976 = arith.subf %get3A_842, %get3A_543 : vector<16xf32>
      %sub3A_977 = arith.subf %get3A_847, %get3A_543 : vector<16xf32>
      %sub3A_978 = arith.subf %get3A_852, %get3A_555 : vector<16xf32>
      %sub3A_979 = arith.subf %get3A_857, %get3A_555 : vector<16xf32>
      %sub3A_980 = arith.subf %get3A_862, %get3A_555 : vector<16xf32>
      %sub3A_981 = arith.subf %get3A_867, %get3A_555 : vector<16xf32>
      %mul3A_982 = arith.mulf %sub3A_974, %sub3A_979 : vector<16xf32>
      %mul3A_983 = arith.mulf %sub3A_978, %sub3A_975 : vector<16xf32>
      %sub3A_984 = arith.subf %mul3A_982, %mul3A_983 : vector<16xf32>
      %abs3A_985 = math.absf %sub3A_984 : vector<16xf32>
      %mul3A_986 = arith.mulf %sub3A_975, %sub3A_980 : vector<16xf32>
      %mul3A_987 = arith.mulf %sub3A_979, %sub3A_976 : vector<16xf32>
      %sub3A_988 = arith.subf %mul3A_986, %mul3A_987 : vector<16xf32>
      %abs3A_989 = math.absf %sub3A_988 : vector<16xf32>
      %mul3A_990 = arith.mulf %sub3A_976, %sub3A_981 : vector<16xf32>
      %mul3A_991 = arith.mulf %sub3A_980, %sub3A_977 : vector<16xf32>
      %sub3A_992 = arith.subf %mul3A_990, %mul3A_991 : vector<16xf32>
      %abs3A_993 = math.absf %sub3A_992 : vector<16xf32>
      %mul3A_994 = arith.mulf %sub3A_977, %sub3A_978 : vector<16xf32>
      %mul3A_995 = arith.mulf %sub3A_981, %sub3A_974 : vector<16xf32>
      %sub3A_996 = arith.subf %mul3A_994, %mul3A_995 : vector<16xf32>
      %abs3A_997 = math.absf %sub3A_996 : vector<16xf32>
      %add3A_998 = arith.addf %abs3A_985, %abs3A_989 : vector<16xf32>
      %add3A_999 = arith.addf %add3A_998, %abs3A_993 : vector<16xf32>
      %add3A_1000 = arith.addf %add3A_999, %abs3A_997 : vector<16xf32>
      %mul3A_1001 = arith.mulf %abs3A_985, %get3A_872 : vector<16xf32>
      %mul3A_1002 = arith.mulf %abs3A_989, %get3A_877 : vector<16xf32>
      %mul3A_1003 = arith.mulf %abs3A_993, %get3A_882 : vector<16xf32>
      %mul3A_1004 = arith.mulf %abs3A_997, %get3A_887 : vector<16xf32>
      %max3A_1005 = arith.maximumf %mul3A_1001, %mul3A_1003 : vector<16xf32>
      %max3A_1006 = arith.maximumf %mul3A_1002, %mul3A_1004 : vector<16xf32>
      %max3A_1007 = arith.maximumf %max3A_1005, %max3A_1006 : vector<16xf32>
      %le3A_1008 = arith.cmpf ole, %add3A_1000, %get3A_892 : vector<16xf32>
      %select_n3A_1009 = arith.select %le3A_1008, %max3A_1007, %broadcast_in_dim3A_13 : vector<16xi1>, vector<16xf32>
      %lt3A_1010 = arith.cmpf olt, %select_n3A_1009, %scan3A_812 : vector<16xf32>
      %select_n3A_1011 = arith.select %lt3A_1010, %select_n3A_1009, %scan3A_812 : vector<16xi1>, vector<16xf32>
      %select_n3A_1012 = arith.select %lt3A_1010, %mul3A_1001, %scan3A_813 : vector<16xi1>, vector<16xf32>
      %select_n3A_1013 = arith.select %lt3A_1010, %mul3A_1002, %scan3A_814 : vector<16xi1>, vector<16xf32>
      %select_n3A_1014 = arith.select %lt3A_1010, %mul3A_1003, %scan3A_815 : vector<16xi1>, vector<16xf32>
      %select_n3A_1015 = arith.select %lt3A_1010, %mul3A_1004, %scan3A_816 : vector<16xi1>, vector<16xf32>
      %sub3A_1016 = arith.subf %get3A_832, %get3A_546 : vector<16xf32>
      %sub3A_1017 = arith.subf %get3A_837, %get3A_546 : vector<16xf32>
      %sub3A_1018 = arith.subf %get3A_842, %get3A_546 : vector<16xf32>
      %sub3A_1019 = arith.subf %get3A_847, %get3A_546 : vector<16xf32>
      %sub3A_1020 = arith.subf %get3A_852, %get3A_558 : vector<16xf32>
      %sub3A_1021 = arith.subf %get3A_857, %get3A_558 : vector<16xf32>
      %sub3A_1022 = arith.subf %get3A_862, %get3A_558 : vector<16xf32>
      %sub3A_1023 = arith.subf %get3A_867, %get3A_558 : vector<16xf32>
      %mul3A_1024 = arith.mulf %sub3A_1016, %sub3A_1021 : vector<16xf32>
      %mul3A_1025 = arith.mulf %sub3A_1020, %sub3A_1017 : vector<16xf32>
      %sub3A_1026 = arith.subf %mul3A_1024, %mul3A_1025 : vector<16xf32>
      %abs3A_1027 = math.absf %sub3A_1026 : vector<16xf32>
      %mul3A_1028 = arith.mulf %sub3A_1017, %sub3A_1022 : vector<16xf32>
      %mul3A_1029 = arith.mulf %sub3A_1021, %sub3A_1018 : vector<16xf32>
      %sub3A_1030 = arith.subf %mul3A_1028, %mul3A_1029 : vector<16xf32>
      %abs3A_1031 = math.absf %sub3A_1030 : vector<16xf32>
      %mul3A_1032 = arith.mulf %sub3A_1018, %sub3A_1023 : vector<16xf32>
      %mul3A_1033 = arith.mulf %sub3A_1022, %sub3A_1019 : vector<16xf32>
      %sub3A_1034 = arith.subf %mul3A_1032, %mul3A_1033 : vector<16xf32>
      %abs3A_1035 = math.absf %sub3A_1034 : vector<16xf32>
      %mul3A_1036 = arith.mulf %sub3A_1019, %sub3A_1020 : vector<16xf32>
      %mul3A_1037 = arith.mulf %sub3A_1023, %sub3A_1016 : vector<16xf32>
      %sub3A_1038 = arith.subf %mul3A_1036, %mul3A_1037 : vector<16xf32>
      %abs3A_1039 = math.absf %sub3A_1038 : vector<16xf32>
      %add3A_1040 = arith.addf %abs3A_1027, %abs3A_1031 : vector<16xf32>
      %add3A_1041 = arith.addf %add3A_1040, %abs3A_1035 : vector<16xf32>
      %add3A_1042 = arith.addf %add3A_1041, %abs3A_1039 : vector<16xf32>
      %mul3A_1043 = arith.mulf %abs3A_1027, %get3A_872 : vector<16xf32>
      %mul3A_1044 = arith.mulf %abs3A_1031, %get3A_877 : vector<16xf32>
      %mul3A_1045 = arith.mulf %abs3A_1035, %get3A_882 : vector<16xf32>
      %mul3A_1046 = arith.mulf %abs3A_1039, %get3A_887 : vector<16xf32>
      %max3A_1047 = arith.maximumf %mul3A_1043, %mul3A_1045 : vector<16xf32>
      %max3A_1048 = arith.maximumf %mul3A_1044, %mul3A_1046 : vector<16xf32>
      %max3A_1049 = arith.maximumf %max3A_1047, %max3A_1048 : vector<16xf32>
      %le3A_1050 = arith.cmpf ole, %add3A_1042, %get3A_892 : vector<16xf32>
      %select_n3A_1051 = arith.select %le3A_1050, %max3A_1049, %broadcast_in_dim3A_13 : vector<16xi1>, vector<16xf32>
      %lt3A_1052 = arith.cmpf olt, %select_n3A_1051, %scan3A_817 : vector<16xf32>
      %select_n3A_1053 = arith.select %lt3A_1052, %select_n3A_1051, %scan3A_817 : vector<16xi1>, vector<16xf32>
      %select_n3A_1054 = arith.select %lt3A_1052, %mul3A_1043, %scan3A_818 : vector<16xi1>, vector<16xf32>
      %select_n3A_1055 = arith.select %lt3A_1052, %mul3A_1044, %scan3A_819 : vector<16xi1>, vector<16xf32>
      %select_n3A_1056 = arith.select %lt3A_1052, %mul3A_1045, %scan3A_820 : vector<16xi1>, vector<16xf32>
      %select_n3A_1057 = arith.select %lt3A_1052, %mul3A_1046, %scan3A_821 : vector<16xi1>, vector<16xf32>
      scf.yield %select_n3A_927, %select_n3A_928, %select_n3A_929, %select_n3A_930, %select_n3A_931, %select_n3A_969, %select_n3A_970, %select_n3A_971, %select_n3A_972, %select_n3A_973, %select_n3A_1011, %select_n3A_1012, %select_n3A_1013, %select_n3A_1014, %select_n3A_1015, %select_n3A_1053, %select_n3A_1054, %select_n3A_1055, %select_n3A_1056, %select_n3A_1057 : vector<16xf32>, vector<16xf32>, vector<16xf32>, vector<16xf32>, vector<16xf32>, vector<16xf32>, vector<16xf32>, vector<16xf32>, vector<16xf32>, vector<16xf32>, vector<16xf32>, vector<16xf32>, vector<16xf32>, vector<16xf32>, vector<16xf32>, vector<16xf32>, vector<16xf32>, vector<16xf32>, vector<16xf32>, vector<16xf32>
    }
    %scan3A_564 = arith.constant 100 : i32
    %min3A_565 = arith.minimumf %scan3A_563#1, %scan3A_563#3 : vector<16xf32>
    %max3A_566 = arith.maximumf %scan3A_563#1, %scan3A_563#3 : vector<16xf32>
    %min3A_567 = arith.minimumf %scan3A_563#2, %scan3A_563#4 : vector<16xf32>
    %max3A_568 = arith.maximumf %scan3A_563#2, %scan3A_563#4 : vector<16xf32>
    %max3A_569 = arith.constant 9.99999996E-13 : f32
    %max3A_570 = vector.broadcast %max3A_569 : f32 to vector<16xf32>
    %max3A_571 = arith.maximumf %max3A_566, %max3A_570 : vector<16xf32>
    %div3A_572 = arith.divf %min3A_565, %max3A_571 : vector<16xf32>
    %max3A_573 = arith.constant 9.99999996E-13 : f32
    %max3A_574 = vector.broadcast %max3A_573 : f32 to vector<16xf32>
    %max3A_575 = arith.maximumf %max3A_568, %max3A_574 : vector<16xf32>
    %div3A_576 = arith.divf %min3A_567, %max3A_575 : vector<16xf32>
    %mul3A_577 = arith.mulf %div3A_572, %div3A_576 : vector<16xf32>
    %bitcast_convert_type3A_578 = tpu.bitcast %mul3A_577 : vector<16xf32> -> vector<16xi32>
    %shift_right_arithmetic3A_579 = arith.constant 1 : i32
    %shift_right_arithmetic3A_580 = vector.broadcast %shift_right_arithmetic3A_579 : i32 to vector<16xi32>
    %shift_right_arithmetic3A_581 = arith.shrsi %bitcast_convert_type3A_578, %shift_right_arithmetic3A_580 : vector<16xi32>
    %sub3A_582 = arith.constant 1597463007 : i32
    %sub3A_583 = vector.broadcast %sub3A_582 : i32 to vector<16xi32>
    %sub3A_584 = arith.subi %sub3A_583, %shift_right_arithmetic3A_581 : vector<16xi32>
    %bitcast_convert_type3A_585 = tpu.bitcast %sub3A_584 : vector<16xi32> -> vector<16xf32>
    %mul3A_586 = arith.constant 5.000000e-01 : f32
    %mul3A_587 = vector.broadcast %mul3A_586 : f32 to vector<16xf32>
    %mul3A_588 = arith.mulf %mul3A_587, %mul3A_577 : vector<16xf32>
    %mul3A_589 = arith.mulf %mul3A_588, %bitcast_convert_type3A_585 : vector<16xf32>
    %mul3A_590 = arith.mulf %mul3A_589, %bitcast_convert_type3A_585 : vector<16xf32>
    %sub3A_591 = arith.constant 1.500000e+00 : f32
    %sub3A_592 = vector.broadcast %sub3A_591 : f32 to vector<16xf32>
    %sub3A_593 = arith.subf %sub3A_592, %mul3A_590 : vector<16xf32>
    %mul3A_594 = arith.mulf %bitcast_convert_type3A_585, %sub3A_593 : vector<16xf32>
    %mul3A_595 = arith.constant 5.000000e-01 : f32
    %mul3A_596 = vector.broadcast %mul3A_595 : f32 to vector<16xf32>
    %mul3A_597 = arith.mulf %mul3A_596, %mul3A_577 : vector<16xf32>
    %mul3A_598 = arith.mulf %mul3A_597, %mul3A_594 : vector<16xf32>
    %mul3A_599 = arith.mulf %mul3A_598, %mul3A_594 : vector<16xf32>
    %sub3A_600 = arith.constant 1.500000e+00 : f32
    %sub3A_601 = vector.broadcast %sub3A_600 : f32 to vector<16xf32>
    %sub3A_602 = arith.subf %sub3A_601, %mul3A_599 : vector<16xf32>
    %mul3A_603 = arith.mulf %mul3A_594, %sub3A_602 : vector<16xf32>
    %mul3A_604 = arith.constant 5.000000e-01 : f32
    %mul3A_605 = vector.broadcast %mul3A_604 : f32 to vector<16xf32>
    %mul3A_606 = arith.mulf %mul3A_605, %mul3A_577 : vector<16xf32>
    %mul3A_607 = arith.mulf %mul3A_606, %mul3A_603 : vector<16xf32>
    %mul3A_608 = arith.mulf %mul3A_607, %mul3A_603 : vector<16xf32>
    %sub3A_609 = arith.constant 1.500000e+00 : f32
    %sub3A_610 = vector.broadcast %sub3A_609 : f32 to vector<16xf32>
    %sub3A_611 = arith.subf %sub3A_610, %mul3A_608 : vector<16xf32>
    %mul3A_612 = arith.mulf %mul3A_603, %sub3A_611 : vector<16xf32>
    %gt3A_613 = arith.constant 0.000000e+00 : f32
    %gt3A_614 = vector.broadcast %gt3A_613 : f32 to vector<16xf32>
    %gt3A_615 = arith.cmpf ogt, %mul3A_577, %gt3A_614 : vector<16xf32>
    %mul3A_616 = arith.mulf %mul3A_577, %mul3A_612 : vector<16xf32>
    %broadcast_in_dim3A_617 = arith.constant 0.000000e+00 : f32
    %broadcast_in_dim3A_618 = vector.broadcast %broadcast_in_dim3A_617 : f32 to vector<16xf32>
    %select_n3A_619 = arith.select %gt3A_615, %mul3A_616, %broadcast_in_dim3A_618 : vector<16xi1>, vector<16xf32>
    %swap3A_620 = arith.constant 128 : index
    %swap3A_621 = tpu.vector_load %arg9[%swap3A_620] {strides = array<i32>} : memref<192xf32, #tpu.memory_space<vmem>>, vector<16xf32>,
    %swap3A_622 = vector.shape_cast %swap3A_621 : vector<16xf32> to vector<16xf32>
    %swap3A_623 = vector.shape_cast %select_n3A_619 : vector<16xf32> to vector<16xf32>
    tpu.vector_store %arg9[%swap3A_620], %swap3A_623 {strides = array<i32>} : memref<192xf32, #tpu.memory_space<vmem>>, vector<16xf32>,
    %min3A_624 = arith.minimumf %scan3A_563#6, %scan3A_563#8 : vector<16xf32>
    %max3A_625 = arith.maximumf %scan3A_563#6, %scan3A_563#8 : vector<16xf32>
    %min3A_626 = arith.minimumf %scan3A_563#7, %scan3A_563#9 : vector<16xf32>
    %max3A_627 = arith.maximumf %scan3A_563#7, %scan3A_563#9 : vector<16xf32>
    %max3A_628 = arith.constant 9.99999996E-13 : f32
    %max3A_629 = vector.broadcast %max3A_628 : f32 to vector<16xf32>
    %max3A_630 = arith.maximumf %max3A_625, %max3A_629 : vector<16xf32>
    %div3A_631 = arith.divf %min3A_624, %max3A_630 : vector<16xf32>
    %max3A_632 = arith.constant 9.99999996E-13 : f32
    %max3A_633 = vector.broadcast %max3A_632 : f32 to vector<16xf32>
    %max3A_634 = arith.maximumf %max3A_627, %max3A_633 : vector<16xf32>
    %div3A_635 = arith.divf %min3A_626, %max3A_634 : vector<16xf32>
    %mul3A_636 = arith.mulf %div3A_631, %div3A_635 : vector<16xf32>
    %bitcast_convert_type3A_637 = tpu.bitcast %mul3A_636 : vector<16xf32> -> vector<16xi32>
    %shift_right_arithmetic3A_638 = arith.constant 1 : i32
    %shift_right_arithmetic3A_639 = vector.broadcast %shift_right_arithmetic3A_638 : i32 to vector<16xi32>
    %shift_right_arithmetic3A_640 = arith.shrsi %bitcast_convert_type3A_637, %shift_right_arithmetic3A_639 : vector<16xi32>
    %sub3A_641 = arith.constant 1597463007 : i32
    %sub3A_642 = vector.broadcast %sub3A_641 : i32 to vector<16xi32>
    %sub3A_643 = arith.subi %sub3A_642, %shift_right_arithmetic3A_640 : vector<16xi32>
    %bitcast_convert_type3A_644 = tpu.bitcast %sub3A_643 : vector<16xi32> -> vector<16xf32>
    %mul3A_645 = arith.constant 5.000000e-01 : f32
    %mul3A_646 = vector.broadcast %mul3A_645 : f32 to vector<16xf32>
    %mul3A_647 = arith.mulf %mul3A_646, %mul3A_636 : vector<16xf32>
    %mul3A_648 = arith.mulf %mul3A_647, %bitcast_convert_type3A_644 : vector<16xf32>
    %mul3A_649 = arith.mulf %mul3A_648, %bitcast_convert_type3A_644 : vector<16xf32>
    %sub3A_650 = arith.constant 1.500000e+00 : f32
    %sub3A_651 = vector.broadcast %sub3A_650 : f32 to vector<16xf32>
    %sub3A_652 = arith.subf %sub3A_651, %mul3A_649 : vector<16xf32>
    %mul3A_653 = arith.mulf %bitcast_convert_type3A_644, %sub3A_652 : vector<16xf32>
    %mul3A_654 = arith.constant 5.000000e-01 : f32
    %mul3A_655 = vector.broadcast %mul3A_654 : f32 to vector<16xf32>
    %mul3A_656 = arith.mulf %mul3A_655, %mul3A_636 : vector<16xf32>
    %mul3A_657 = arith.mulf %mul3A_656, %mul3A_653 : vector<16xf32>
    %mul3A_658 = arith.mulf %mul3A_657, %mul3A_653 : vector<16xf32>
    %sub3A_659 = arith.constant 1.500000e+00 : f32
    %sub3A_660 = vector.broadcast %sub3A_659 : f32 to vector<16xf32>
    %sub3A_661 = arith.subf %sub3A_660, %mul3A_658 : vector<16xf32>
    %mul3A_662 = arith.mulf %mul3A_653, %sub3A_661 : vector<16xf32>
    %mul3A_663 = arith.constant 5.000000e-01 : f32
    %mul3A_664 = vector.broadcast %mul3A_663 : f32 to vector<16xf32>
    %mul3A_665 = arith.mulf %mul3A_664, %mul3A_636 : vector<16xf32>
    %mul3A_666 = arith.mulf %mul3A_665, %mul3A_662 : vector<16xf32>
    %mul3A_667 = arith.mulf %mul3A_666, %mul3A_662 : vector<16xf32>
    %sub3A_668 = arith.constant 1.500000e+00 : f32
    %sub3A_669 = vector.broadcast %sub3A_668 : f32 to vector<16xf32>
    %sub3A_670 = arith.subf %sub3A_669, %mul3A_667 : vector<16xf32>
    %mul3A_671 = arith.mulf %mul3A_662, %sub3A_670 : vector<16xf32>
    %gt3A_672 = arith.constant 0.000000e+00 : f32
    %gt3A_673 = vector.broadcast %gt3A_672 : f32 to vector<16xf32>
    %gt3A_674 = arith.cmpf ogt, %mul3A_636, %gt3A_673 : vector<16xf32>
    %mul3A_675 = arith.mulf %mul3A_636, %mul3A_671 : vector<16xf32>
    %broadcast_in_dim3A_676 = arith.constant 0.000000e+00 : f32
    %broadcast_in_dim3A_677 = vector.broadcast %broadcast_in_dim3A_676 : f32 to vector<16xf32>
    %select_n3A_678 = arith.select %gt3A_674, %mul3A_675, %broadcast_in_dim3A_677 : vector<16xi1>, vector<16xf32>
    %swap3A_679 = arith.constant 144 : index
    %swap3A_680 = tpu.vector_load %arg9[%swap3A_679] {strides = array<i32>} : memref<192xf32, #tpu.memory_space<vmem>>, vector<16xf32>,
    %swap3A_681 = vector.shape_cast %swap3A_680 : vector<16xf32> to vector<16xf32>
    %swap3A_682 = vector.shape_cast %select_n3A_678 : vector<16xf32> to vector<16xf32>
    tpu.vector_store %arg9[%swap3A_679], %swap3A_682 {strides = array<i32>} : memref<192xf32, #tpu.memory_space<vmem>>, vector<16xf32>,
    %min3A_683 = arith.minimumf %scan3A_563#11, %scan3A_563#13 : vector<16xf32>
    %max3A_684 = arith.maximumf %scan3A_563#11, %scan3A_563#13 : vector<16xf32>
    %min3A_685 = arith.minimumf %scan3A_563#12, %scan3A_563#14 : vector<16xf32>
    %max3A_686 = arith.maximumf %scan3A_563#12, %scan3A_563#14 : vector<16xf32>
    %max3A_687 = arith.constant 9.99999996E-13 : f32
    %max3A_688 = vector.broadcast %max3A_687 : f32 to vector<16xf32>
    %max3A_689 = arith.maximumf %max3A_684, %max3A_688 : vector<16xf32>
    %div3A_690 = arith.divf %min3A_683, %max3A_689 : vector<16xf32>
    %max3A_691 = arith.constant 9.99999996E-13 : f32
    %max3A_692 = vector.broadcast %max3A_691 : f32 to vector<16xf32>
    %max3A_693 = arith.maximumf %max3A_686, %max3A_692 : vector<16xf32>
    %div3A_694 = arith.divf %min3A_685, %max3A_693 : vector<16xf32>
    %mul3A_695 = arith.mulf %div3A_690, %div3A_694 : vector<16xf32>
    %bitcast_convert_type3A_696 = tpu.bitcast %mul3A_695 : vector<16xf32> -> vector<16xi32>
    %shift_right_arithmetic3A_697 = arith.constant 1 : i32
    %shift_right_arithmetic3A_698 = vector.broadcast %shift_right_arithmetic3A_697 : i32 to vector<16xi32>
    %shift_right_arithmetic3A_699 = arith.shrsi %bitcast_convert_type3A_696, %shift_right_arithmetic3A_698 : vector<16xi32>
    %sub3A_700 = arith.constant 1597463007 : i32
    %sub3A_701 = vector.broadcast %sub3A_700 : i32 to vector<16xi32>
    %sub3A_702 = arith.subi %sub3A_701, %shift_right_arithmetic3A_699 : vector<16xi32>
    %bitcast_convert_type3A_703 = tpu.bitcast %sub3A_702 : vector<16xi32> -> vector<16xf32>
    %mul3A_704 = arith.constant 5.000000e-01 : f32
    %mul3A_705 = vector.broadcast %mul3A_704 : f32 to vector<16xf32>
    %mul3A_706 = arith.mulf %mul3A_705, %mul3A_695 : vector<16xf32>
    %mul3A_707 = arith.mulf %mul3A_706, %bitcast_convert_type3A_703 : vector<16xf32>
    %mul3A_708 = arith.mulf %mul3A_707, %bitcast_convert_type3A_703 : vector<16xf32>
    %sub3A_709 = arith.constant 1.500000e+00 : f32
    %sub3A_710 = vector.broadcast %sub3A_709 : f32 to vector<16xf32>
    %sub3A_711 = arith.subf %sub3A_710, %mul3A_708 : vector<16xf32>
    %mul3A_712 = arith.mulf %bitcast_convert_type3A_703, %sub3A_711 : vector<16xf32>
    %mul3A_713 = arith.constant 5.000000e-01 : f32
    %mul3A_714 = vector.broadcast %mul3A_713 : f32 to vector<16xf32>
    %mul3A_715 = arith.mulf %mul3A_714, %mul3A_695 : vector<16xf32>
    %mul3A_716 = arith.mulf %mul3A_715, %mul3A_712 : vector<16xf32>
    %mul3A_717 = arith.mulf %mul3A_716, %mul3A_712 : vector<16xf32>
    %sub3A_718 = arith.constant 1.500000e+00 : f32
    %sub3A_719 = vector.broadcast %sub3A_718 : f32 to vector<16xf32>
    %sub3A_720 = arith.subf %sub3A_719, %mul3A_717 : vector<16xf32>
    %mul3A_721 = arith.mulf %mul3A_712, %sub3A_720 : vector<16xf32>
    %mul3A_722 = arith.constant 5.000000e-01 : f32
    %mul3A_723 = vector.broadcast %mul3A_722 : f32 to vector<16xf32>
    %mul3A_724 = arith.mulf %mul3A_723, %mul3A_695 : vector<16xf32>
    %mul3A_725 = arith.mulf %mul3A_724, %mul3A_721 : vector<16xf32>
    %mul3A_726 = arith.mulf %mul3A_725, %mul3A_721 : vector<16xf32>
    %sub3A_727 = arith.constant 1.500000e+00 : f32
    %sub3A_728 = vector.broadcast %sub3A_727 : f32 to vector<16xf32>
    %sub3A_729 = arith.subf %sub3A_728, %mul3A_726 : vector<16xf32>
    %mul3A_730 = arith.mulf %mul3A_721, %sub3A_729 : vector<16xf32>
    %gt3A_731 = arith.constant 0.000000e+00 : f32
    %gt3A_732 = vector.broadcast %gt3A_731 : f32 to vector<16xf32>
    %gt3A_733 = arith.cmpf ogt, %mul3A_695, %gt3A_732 : vector<16xf32>
    %mul3A_734 = arith.mulf %mul3A_695, %mul3A_730 : vector<16xf32>
    %broadcast_in_dim3A_735 = arith.constant 0.000000e+00 : f32
    %broadcast_in_dim3A_736 = vector.broadcast %broadcast_in_dim3A_735 : f32 to vector<16xf32>
    %select_n3A_737 = arith.select %gt3A_733, %mul3A_734, %broadcast_in_dim3A_736 : vector<16xi1>, vector<16xf32>
    %swap3A_738 = arith.constant 160 : index
    %swap3A_739 = tpu.vector_load %arg9[%swap3A_738] {strides = array<i32>} : memref<192xf32, #tpu.memory_space<vmem>>, vector<16xf32>,
    %swap3A_740 = vector.shape_cast %swap3A_739 : vector<16xf32> to vector<16xf32>
    %swap3A_741 = vector.shape_cast %select_n3A_737 : vector<16xf32> to vector<16xf32>
    tpu.vector_store %arg9[%swap3A_738], %swap3A_741 {strides = array<i32>} : memref<192xf32, #tpu.memory_space<vmem>>, vector<16xf32>,
    %min3A_742 = arith.minimumf %scan3A_563#16, %scan3A_563#18 : vector<16xf32>
    %max3A_743 = arith.maximumf %scan3A_563#16, %scan3A_563#18 : vector<16xf32>
    %min3A_744 = arith.minimumf %scan3A_563#17, %scan3A_563#19 : vector<16xf32>
    %max3A_745 = arith.maximumf %scan3A_563#17, %scan3A_563#19 : vector<16xf32>
    %max3A_746 = arith.constant 9.99999996E-13 : f32
    %max3A_747 = vector.broadcast %max3A_746 : f32 to vector<16xf32>
    %max3A_748 = arith.maximumf %max3A_743, %max3A_747 : vector<16xf32>
    %div3A_749 = arith.divf %min3A_742, %max3A_748 : vector<16xf32>
    %max3A_750 = arith.constant 9.99999996E-13 : f32
    %max3A_751 = vector.broadcast %max3A_750 : f32 to vector<16xf32>
    %max3A_752 = arith.maximumf %max3A_745, %max3A_751 : vector<16xf32>
    %div3A_753 = arith.divf %min3A_744, %max3A_752 : vector<16xf32>
    %mul3A_754 = arith.mulf %div3A_749, %div3A_753 : vector<16xf32>
    %bitcast_convert_type3A_755 = tpu.bitcast %mul3A_754 : vector<16xf32> -> vector<16xi32>
    %shift_right_arithmetic3A_756 = arith.constant 1 : i32
    %shift_right_arithmetic3A_757 = vector.broadcast %shift_right_arithmetic3A_756 : i32 to vector<16xi32>
    %shift_right_arithmetic3A_758 = arith.shrsi %bitcast_convert_type3A_755, %shift_right_arithmetic3A_757 : vector<16xi32>
    %sub3A_759 = arith.constant 1597463007 : i32
    %sub3A_760 = vector.broadcast %sub3A_759 : i32 to vector<16xi32>
    %sub3A_761 = arith.subi %sub3A_760, %shift_right_arithmetic3A_758 : vector<16xi32>
    %bitcast_convert_type3A_762 = tpu.bitcast %sub3A_761 : vector<16xi32> -> vector<16xf32>
    %mul3A_763 = arith.constant 5.000000e-01 : f32
    %mul3A_764 = vector.broadcast %mul3A_763 : f32 to vector<16xf32>
    %mul3A_765 = arith.mulf %mul3A_764, %mul3A_754 : vector<16xf32>
    %mul3A_766 = arith.mulf %mul3A_765, %bitcast_convert_type3A_762 : vector<16xf32>
    %mul3A_767 = arith.mulf %mul3A_766, %bitcast_convert_type3A_762 : vector<16xf32>
    %sub3A_768 = arith.constant 1.500000e+00 : f32
    %sub3A_769 = vector.broadcast %sub3A_768 : f32 to vector<16xf32>
    %sub3A_770 = arith.subf %sub3A_769, %mul3A_767 : vector<16xf32>
    %mul3A_771 = arith.mulf %bitcast_convert_type3A_762, %sub3A_770 : vector<16xf32>
    %mul3A_772 = arith.constant 5.000000e-01 : f32
    %mul3A_773 = vector.broadcast %mul3A_772 : f32 to vector<16xf32>
    %mul3A_774 = arith.mulf %mul3A_773, %mul3A_754 : vector<16xf32>
    %mul3A_775 = arith.mulf %mul3A_774, %mul3A_771 : vector<16xf32>
    %mul3A_776 = arith.mulf %mul3A_775, %mul3A_771 : vector<16xf32>
    %sub3A_777 = arith.constant 1.500000e+00 : f32
    %sub3A_778 = vector.broadcast %sub3A_777 : f32 to vector<16xf32>
    %sub3A_779 = arith.subf %sub3A_778, %mul3A_776 : vector<16xf32>
    %mul3A_780 = arith.mulf %mul3A_771, %sub3A_779 : vector<16xf32>
    %mul3A_781 = arith.constant 5.000000e-01 : f32
    %mul3A_782 = vector.broadcast %mul3A_781 : f32 to vector<16xf32>
    %mul3A_783 = arith.mulf %mul3A_782, %mul3A_754 : vector<16xf32>
    %mul3A_784 = arith.mulf %mul3A_783, %mul3A_780 : vector<16xf32>
    %mul3A_785 = arith.mulf %mul3A_784, %mul3A_780 : vector<16xf32>
    %sub3A_786 = arith.constant 1.500000e+00 : f32
    %sub3A_787 = vector.broadcast %sub3A_786 : f32 to vector<16xf32>
    %sub3A_788 = arith.subf %sub3A_787, %mul3A_785 : vector<16xf32>
    %mul3A_789 = arith.mulf %mul3A_780, %sub3A_788 : vector<16xf32>
    %gt3A_790 = arith.constant 0.000000e+00 : f32
    %gt3A_791 = vector.broadcast %gt3A_790 : f32 to vector<16xf32>
    %gt3A_792 = arith.cmpf ogt, %mul3A_754, %gt3A_791 : vector<16xf32>
    %mul3A_793 = arith.mulf %mul3A_754, %mul3A_789 : vector<16xf32>
    %broadcast_in_dim3A_794 = arith.constant 0.000000e+00 : f32
    %broadcast_in_dim3A_795 = vector.broadcast %broadcast_in_dim3A_794 : f32 to vector<16xf32>
    %select_n3A_796 = arith.select %gt3A_792, %mul3A_793, %broadcast_in_dim3A_795 : vector<16xi1>, vector<16xf32>
    %swap3A_797 = arith.constant 176 : index
    %swap3A_798 = tpu.vector_load %arg9[%swap3A_797] {strides = array<i32>} : memref<192xf32, #tpu.memory_space<vmem>>, vector<16xf32>,
    %swap3A_799 = vector.shape_cast %swap3A_798 : vector<16xf32> to vector<16xf32>
    %swap3A_800 = vector.shape_cast %select_n3A_796 : vector<16xf32> to vector<16xf32>
    tpu.vector_store %arg9[%swap3A_797], %swap3A_800 {strides = array<i32>} : memref<192xf32, #tpu.memory_space<vmem>>, vector<16xf32>,
    "tpu.region"() ({
      %run_scoped3A = tpu.sem_alloc : memref<!tpu.dma_semaphore, #tpu.memory_space<semaphore_mem>>
      %dma_start3A_801 = tpu.memref_slice %arg5[%mul3A_2] : memref<6144xf32, #tpu.memory_space<hbm>> -> memref<192xf32, #tpu.memory_space<hbm>>
      %dma_start3A_802 = tpu.memref_slice %arg5[%mul3A_2] : memref<6144xf32, #tpu.memory_space<hbm>> -> memref<192xf32, #tpu.memory_space<hbm>>
      tpu.enqueue_dma source(%arg9 : memref<192xf32, #tpu.memory_space<vmem>>) target(%dma_start3A_802 : memref<192xf32, #tpu.memory_space<hbm>>) target_semaphore(%run_scoped3A : memref<!tpu.dma_semaphore, #tpu.memory_space<semaphore_mem>>)
      %dma_wait3A_803 = tpu.memref_slice %arg5[%mul3A_2] : memref<6144xf32, #tpu.memory_space<hbm>> -> memref<192xf32, #tpu.memory_space<hbm>>
      %dma_wait3A_804 = tpu.memref_slice %arg5[%mul3A_2] : memref<6144xf32, #tpu.memory_space<hbm>> -> memref<192xf32, #tpu.memory_space<hbm>>
      tpu.wait_dma2 semaphore(%run_scoped3A : memref<!tpu.dma_semaphore, #tpu.memory_space<semaphore_mem>>) src(%arg9 : memref<192xf32, #tpu.memory_space<vmem>>) dst(%dma_wait3A_804 : memref<192xf32, #tpu.memory_space<hbm>>)
      tpu.yield
    }) : () -> ()
    return
  }
}

module attributes {stable_mosaic.version = 14 : i64} {
  func.func @_tc_body(%arg0: memref<1300xf32, #tpu.memory_space<smem>>, %arg1: memref<112x128xf32, #tpu.memory_space<vmem>>, %arg2: memref<112x128xf32, #tpu.memory_space<vmem>>, %arg3: memref<112x128xf32, #tpu.memory_space<vmem>>) attributes {dimension_semantics = [], scalar_prefetch = 0 : i64, scratch_operands = 0 : i64, tpu.core_type = #tpu.core_type<tc>} {
    %broadcast_in_dim3A = arith.constant 1.000000e+08 : f32
    %broadcast_in_dim3A_0 = vector.broadcast %broadcast_in_dim3A : f32 to vector<8x128xf32>
    %broadcast_in_dim3A_1 = arith.constant 2.000000e+08 : f32
    %broadcast_in_dim3A_2 = vector.broadcast %broadcast_in_dim3A_1 : f32 to vector<8x128xf32>
    %broadcast_in_dim3A_3 = arith.constant 0.000000e+00 : f32
    %broadcast_in_dim3A_4 = vector.broadcast %broadcast_in_dim3A_3 : f32 to vector<8x128xf32>
    %get3A = arith.constant 0 : index
    %get3A_5 = arith.constant 0 : index
    %get3A_6 = vector.load %arg1[%get3A, %get3A_5] : memref<112x128xf32, #tpu.memory_space<vmem>>, vector<8x128xf32>
    %get3A_7 = arith.constant 8 : index
    %get3A_8 = arith.constant 0 : index
    %get3A_9 = vector.load %arg1[%get3A_7, %get3A_8] : memref<112x128xf32, #tpu.memory_space<vmem>>, vector<8x128xf32>
    %get3A_10 = arith.constant 16 : index
    %get3A_11 = arith.constant 0 : index
    %get3A_12 = vector.load %arg1[%get3A_10, %get3A_11] : memref<112x128xf32, #tpu.memory_space<vmem>>, vector<8x128xf32>
    %get3A_13 = arith.constant 0 : index
    %get3A_14 = arith.constant 0 : index
    %get3A_15 = vector.load %arg2[%get3A_13, %get3A_14] : memref<112x128xf32, #tpu.memory_space<vmem>>, vector<8x128xf32>
    %get3A_16 = arith.constant 8 : index
    %get3A_17 = arith.constant 0 : index
    %get3A_18 = vector.load %arg2[%get3A_16, %get3A_17] : memref<112x128xf32, #tpu.memory_space<vmem>>, vector<8x128xf32>
    %get3A_19 = arith.constant 16 : index
    %get3A_20 = arith.constant 0 : index
    %get3A_21 = vector.load %arg2[%get3A_19, %get3A_20] : memref<112x128xf32, #tpu.memory_space<vmem>>, vector<8x128xf32>
    %scan3A = arith.constant 0 : i32
    %scan3A_22 = arith.constant 100 : i32
    %scan3A_23 = arith.addi %scan3A, %scan3A_22 : i32
    %scan3A_24 = arith.constant 1 : i32
    %scan3A_25:15 = scf.for %scan3A_349 = %scan3A to %scan3A_23 step %scan3A_24 iter_args(%scan3A_350 = %broadcast_in_dim3A_2, %scan3A_351 = %broadcast_in_dim3A_4, %scan3A_352 = %broadcast_in_dim3A_4, %scan3A_353 = %broadcast_in_dim3A_4, %scan3A_354 = %broadcast_in_dim3A_4, %scan3A_355 = %broadcast_in_dim3A_2, %scan3A_356 = %broadcast_in_dim3A_4, %scan3A_357 = %broadcast_in_dim3A_4, %scan3A_358 = %broadcast_in_dim3A_4, %scan3A_359 = %broadcast_in_dim3A_4, %scan3A_360 = %broadcast_in_dim3A_2, %scan3A_361 = %broadcast_in_dim3A_4, %scan3A_362 = %broadcast_in_dim3A_4, %scan3A_363 = %broadcast_in_dim3A_4, %scan3A_364 = %broadcast_in_dim3A_4) -> (vector<8x128xf32>, vector<8x128xf32>, vector<8x128xf32>, vector<8x128xf32>, vector<8x128xf32>, vector<8x128xf32>, vector<8x128xf32>, vector<8x128xf32>, vector<8x128xf32>, vector<8x128xf32>, vector<8x128xf32>, vector<8x128xf32>, vector<8x128xf32>, vector<8x128xf32>, vector<8x128xf32>)  : i32 {
      %mul3A_365 = arith.constant 13 : i32
      %mul3A_366 = arith.muli %scan3A_349, %mul3A_365 : i32
      %add3A = arith.constant 0 : i32
      %add3A_367 = arith.addi %mul3A_366, %add3A : i32
      %get3A_368 = arith.index_cast %add3A_367 : i32 to index
      %get3A_369 = memref.load %arg0[%get3A_368] : memref<1300xf32, #tpu.memory_space<smem>>
      %add3A_370 = arith.constant 1 : i32
      %add3A_371 = arith.addi %mul3A_366, %add3A_370 : i32
      %get3A_372 = arith.index_cast %add3A_371 : i32 to index
      %get3A_373 = memref.load %arg0[%get3A_372] : memref<1300xf32, #tpu.memory_space<smem>>
      %add3A_374 = arith.constant 2 : i32
      %add3A_375 = arith.addi %mul3A_366, %add3A_374 : i32
      %get3A_376 = arith.index_cast %add3A_375 : i32 to index
      %get3A_377 = memref.load %arg0[%get3A_376] : memref<1300xf32, #tpu.memory_space<smem>>
      %add3A_378 = arith.constant 3 : i32
      %add3A_379 = arith.addi %mul3A_366, %add3A_378 : i32
      %get3A_380 = arith.index_cast %add3A_379 : i32 to index
      %get3A_381 = memref.load %arg0[%get3A_380] : memref<1300xf32, #tpu.memory_space<smem>>
      %add3A_382 = arith.constant 4 : i32
      %add3A_383 = arith.addi %mul3A_366, %add3A_382 : i32
      %add3A_384 = arith.constant 0 : i32
      %add3A_385 = arith.addi %add3A_383, %add3A_384 : i32
      %get3A_386 = arith.index_cast %add3A_385 : i32 to index
      %get3A_387 = memref.load %arg0[%get3A_386] : memref<1300xf32, #tpu.memory_space<smem>>
      %add3A_388 = arith.constant 4 : i32
      %add3A_389 = arith.addi %mul3A_366, %add3A_388 : i32
      %add3A_390 = arith.constant 1 : i32
      %add3A_391 = arith.addi %add3A_389, %add3A_390 : i32
      %get3A_392 = arith.index_cast %add3A_391 : i32 to index
      %get3A_393 = memref.load %arg0[%get3A_392] : memref<1300xf32, #tpu.memory_space<smem>>
      %add3A_394 = arith.constant 4 : i32
      %add3A_395 = arith.addi %mul3A_366, %add3A_394 : i32
      %add3A_396 = arith.constant 2 : i32
      %add3A_397 = arith.addi %add3A_395, %add3A_396 : i32
      %get3A_398 = arith.index_cast %add3A_397 : i32 to index
      %get3A_399 = memref.load %arg0[%get3A_398] : memref<1300xf32, #tpu.memory_space<smem>>
      %add3A_400 = arith.constant 4 : i32
      %add3A_401 = arith.addi %mul3A_366, %add3A_400 : i32
      %add3A_402 = arith.constant 3 : i32
      %add3A_403 = arith.addi %add3A_401, %add3A_402 : i32
      %get3A_404 = arith.index_cast %add3A_403 : i32 to index
      %get3A_405 = memref.load %arg0[%get3A_404] : memref<1300xf32, #tpu.memory_space<smem>>
      %add3A_406 = arith.constant 8 : i32
      %add3A_407 = arith.addi %mul3A_366, %add3A_406 : i32
      %add3A_408 = arith.constant 0 : i32
      %add3A_409 = arith.addi %add3A_407, %add3A_408 : i32
      %get3A_410 = arith.index_cast %add3A_409 : i32 to index
      %get3A_411 = memref.load %arg0[%get3A_410] : memref<1300xf32, #tpu.memory_space<smem>>
      %add3A_412 = arith.constant 8 : i32
      %add3A_413 = arith.addi %mul3A_366, %add3A_412 : i32
      %add3A_414 = arith.constant 1 : i32
      %add3A_415 = arith.addi %add3A_413, %add3A_414 : i32
      %get3A_416 = arith.index_cast %add3A_415 : i32 to index
      %get3A_417 = memref.load %arg0[%get3A_416] : memref<1300xf32, #tpu.memory_space<smem>>
      %add3A_418 = arith.constant 8 : i32
      %add3A_419 = arith.addi %mul3A_366, %add3A_418 : i32
      %add3A_420 = arith.constant 2 : i32
      %add3A_421 = arith.addi %add3A_419, %add3A_420 : i32
      %get3A_422 = arith.index_cast %add3A_421 : i32 to index
      %get3A_423 = memref.load %arg0[%get3A_422] : memref<1300xf32, #tpu.memory_space<smem>>
      %add3A_424 = arith.constant 8 : i32
      %add3A_425 = arith.addi %mul3A_366, %add3A_424 : i32
      %add3A_426 = arith.constant 3 : i32
      %add3A_427 = arith.addi %add3A_425, %add3A_426 : i32
      %get3A_428 = arith.index_cast %add3A_427 : i32 to index
      %get3A_429 = memref.load %arg0[%get3A_428] : memref<1300xf32, #tpu.memory_space<smem>>
      %add3A_430 = arith.constant 12 : i32
      %add3A_431 = arith.addi %mul3A_366, %add3A_430 : i32
      %get3A_432 = arith.index_cast %add3A_431 : i32 to index
      %get3A_433 = memref.load %arg0[%get3A_432] : memref<1300xf32, #tpu.memory_space<smem>>
      %sub3A = vector.broadcast %get3A_369 : f32 to vector<8x128xf32>
      %sub3A_434 = arith.subf %sub3A, %get3A_6 : vector<8x128xf32>
      %sub3A_435 = vector.broadcast %get3A_373 : f32 to vector<8x128xf32>
      %sub3A_436 = arith.subf %sub3A_435, %get3A_6 : vector<8x128xf32>
      %sub3A_437 = vector.broadcast %get3A_377 : f32 to vector<8x128xf32>
      %sub3A_438 = arith.subf %sub3A_437, %get3A_6 : vector<8x128xf32>
      %sub3A_439 = vector.broadcast %get3A_381 : f32 to vector<8x128xf32>
      %sub3A_440 = arith.subf %sub3A_439, %get3A_6 : vector<8x128xf32>
      %sub3A_441 = vector.broadcast %get3A_387 : f32 to vector<8x128xf32>
      %sub3A_442 = arith.subf %sub3A_441, %get3A_15 : vector<8x128xf32>
      %sub3A_443 = vector.broadcast %get3A_393 : f32 to vector<8x128xf32>
      %sub3A_444 = arith.subf %sub3A_443, %get3A_15 : vector<8x128xf32>
      %sub3A_445 = vector.broadcast %get3A_399 : f32 to vector<8x128xf32>
      %sub3A_446 = arith.subf %sub3A_445, %get3A_15 : vector<8x128xf32>
      %sub3A_447 = vector.broadcast %get3A_405 : f32 to vector<8x128xf32>
      %sub3A_448 = arith.subf %sub3A_447, %get3A_15 : vector<8x128xf32>
      %mul3A_449 = arith.mulf %sub3A_434, %sub3A_444 : vector<8x128xf32>
      %mul3A_450 = arith.mulf %sub3A_442, %sub3A_436 : vector<8x128xf32>
      %sub3A_451 = arith.subf %mul3A_449, %mul3A_450 : vector<8x128xf32>
      %abs3A = math.absf %sub3A_451 : vector<8x128xf32>
      %mul3A_452 = arith.mulf %sub3A_436, %sub3A_446 : vector<8x128xf32>
      %mul3A_453 = arith.mulf %sub3A_444, %sub3A_438 : vector<8x128xf32>
      %sub3A_454 = arith.subf %mul3A_452, %mul3A_453 : vector<8x128xf32>
      %abs3A_455 = math.absf %sub3A_454 : vector<8x128xf32>
      %mul3A_456 = arith.mulf %sub3A_438, %sub3A_448 : vector<8x128xf32>
      %mul3A_457 = arith.mulf %sub3A_446, %sub3A_440 : vector<8x128xf32>
      %sub3A_458 = arith.subf %mul3A_456, %mul3A_457 : vector<8x128xf32>
      %abs3A_459 = math.absf %sub3A_458 : vector<8x128xf32>
      %mul3A_460 = arith.mulf %sub3A_440, %sub3A_442 : vector<8x128xf32>
      %mul3A_461 = arith.mulf %sub3A_448, %sub3A_434 : vector<8x128xf32>
      %sub3A_462 = arith.subf %mul3A_460, %mul3A_461 : vector<8x128xf32>
      %abs3A_463 = math.absf %sub3A_462 : vector<8x128xf32>
      %add3A_464 = arith.addf %abs3A, %abs3A_455 : vector<8x128xf32>
      %add3A_465 = arith.addf %add3A_464, %abs3A_459 : vector<8x128xf32>
      %add3A_466 = arith.addf %add3A_465, %abs3A_463 : vector<8x128xf32>
      %mul3A_467 = vector.broadcast %get3A_411 : f32 to vector<8x128xf32>
      %mul3A_468 = arith.mulf %abs3A, %mul3A_467 : vector<8x128xf32>
      %mul3A_469 = vector.broadcast %get3A_417 : f32 to vector<8x128xf32>
      %mul3A_470 = arith.mulf %abs3A_455, %mul3A_469 : vector<8x128xf32>
      %mul3A_471 = vector.broadcast %get3A_423 : f32 to vector<8x128xf32>
      %mul3A_472 = arith.mulf %abs3A_459, %mul3A_471 : vector<8x128xf32>
      %mul3A_473 = vector.broadcast %get3A_429 : f32 to vector<8x128xf32>
      %mul3A_474 = arith.mulf %abs3A_463, %mul3A_473 : vector<8x128xf32>
      %max3A_475 = arith.maximumf %mul3A_468, %mul3A_472 : vector<8x128xf32>
      %max3A_476 = arith.maximumf %mul3A_470, %mul3A_474 : vector<8x128xf32>
      %max3A_477 = arith.maximumf %max3A_475, %max3A_476 : vector<8x128xf32>
      %le3A = vector.broadcast %get3A_433 : f32 to vector<8x128xf32>
      %le3A_478 = arith.cmpf ole, %add3A_466, %le3A : vector<8x128xf32>
      %select_n3A = arith.select %le3A_478, %max3A_477, %broadcast_in_dim3A_0 : vector<8x128xi1>, vector<8x128xf32>
      %lt3A = arith.cmpf olt, %select_n3A, %scan3A_350 : vector<8x128xf32>
      %select_n3A_479 = arith.select %lt3A, %select_n3A, %scan3A_350 : vector<8x128xi1>, vector<8x128xf32>
      %select_n3A_480 = arith.select %lt3A, %mul3A_468, %scan3A_351 : vector<8x128xi1>, vector<8x128xf32>
      %select_n3A_481 = arith.select %lt3A, %mul3A_470, %scan3A_352 : vector<8x128xi1>, vector<8x128xf32>
      %select_n3A_482 = arith.select %lt3A, %mul3A_472, %scan3A_353 : vector<8x128xi1>, vector<8x128xf32>
      %select_n3A_483 = arith.select %lt3A, %mul3A_474, %scan3A_354 : vector<8x128xi1>, vector<8x128xf32>
      %sub3A_484 = vector.broadcast %get3A_369 : f32 to vector<8x128xf32>
      %sub3A_485 = arith.subf %sub3A_484, %get3A_9 : vector<8x128xf32>
      %sub3A_486 = vector.broadcast %get3A_373 : f32 to vector<8x128xf32>
      %sub3A_487 = arith.subf %sub3A_486, %get3A_9 : vector<8x128xf32>
      %sub3A_488 = vector.broadcast %get3A_377 : f32 to vector<8x128xf32>
      %sub3A_489 = arith.subf %sub3A_488, %get3A_9 : vector<8x128xf32>
      %sub3A_490 = vector.broadcast %get3A_381 : f32 to vector<8x128xf32>
      %sub3A_491 = arith.subf %sub3A_490, %get3A_9 : vector<8x128xf32>
      %sub3A_492 = vector.broadcast %get3A_387 : f32 to vector<8x128xf32>
      %sub3A_493 = arith.subf %sub3A_492, %get3A_18 : vector<8x128xf32>
      %sub3A_494 = vector.broadcast %get3A_393 : f32 to vector<8x128xf32>
      %sub3A_495 = arith.subf %sub3A_494, %get3A_18 : vector<8x128xf32>
      %sub3A_496 = vector.broadcast %get3A_399 : f32 to vector<8x128xf32>
      %sub3A_497 = arith.subf %sub3A_496, %get3A_18 : vector<8x128xf32>
      %sub3A_498 = vector.broadcast %get3A_405 : f32 to vector<8x128xf32>
      %sub3A_499 = arith.subf %sub3A_498, %get3A_18 : vector<8x128xf32>
      %mul3A_500 = arith.mulf %sub3A_485, %sub3A_495 : vector<8x128xf32>
      %mul3A_501 = arith.mulf %sub3A_493, %sub3A_487 : vector<8x128xf32>
      %sub3A_502 = arith.subf %mul3A_500, %mul3A_501 : vector<8x128xf32>
      %abs3A_503 = math.absf %sub3A_502 : vector<8x128xf32>
      %mul3A_504 = arith.mulf %sub3A_487, %sub3A_497 : vector<8x128xf32>
      %mul3A_505 = arith.mulf %sub3A_495, %sub3A_489 : vector<8x128xf32>
      %sub3A_506 = arith.subf %mul3A_504, %mul3A_505 : vector<8x128xf32>
      %abs3A_507 = math.absf %sub3A_506 : vector<8x128xf32>
      %mul3A_508 = arith.mulf %sub3A_489, %sub3A_499 : vector<8x128xf32>
      %mul3A_509 = arith.mulf %sub3A_497, %sub3A_491 : vector<8x128xf32>
      %sub3A_510 = arith.subf %mul3A_508, %mul3A_509 : vector<8x128xf32>
      %abs3A_511 = math.absf %sub3A_510 : vector<8x128xf32>
      %mul3A_512 = arith.mulf %sub3A_491, %sub3A_493 : vector<8x128xf32>
      %mul3A_513 = arith.mulf %sub3A_499, %sub3A_485 : vector<8x128xf32>
      %sub3A_514 = arith.subf %mul3A_512, %mul3A_513 : vector<8x128xf32>
      %abs3A_515 = math.absf %sub3A_514 : vector<8x128xf32>
      %add3A_516 = arith.addf %abs3A_503, %abs3A_507 : vector<8x128xf32>
      %add3A_517 = arith.addf %add3A_516, %abs3A_511 : vector<8x128xf32>
      %add3A_518 = arith.addf %add3A_517, %abs3A_515 : vector<8x128xf32>
      %mul3A_519 = vector.broadcast %get3A_411 : f32 to vector<8x128xf32>
      %mul3A_520 = arith.mulf %abs3A_503, %mul3A_519 : vector<8x128xf32>
      %mul3A_521 = vector.broadcast %get3A_417 : f32 to vector<8x128xf32>
      %mul3A_522 = arith.mulf %abs3A_507, %mul3A_521 : vector<8x128xf32>
      %mul3A_523 = vector.broadcast %get3A_423 : f32 to vector<8x128xf32>
      %mul3A_524 = arith.mulf %abs3A_511, %mul3A_523 : vector<8x128xf32>
      %mul3A_525 = vector.broadcast %get3A_429 : f32 to vector<8x128xf32>
      %mul3A_526 = arith.mulf %abs3A_515, %mul3A_525 : vector<8x128xf32>
      %max3A_527 = arith.maximumf %mul3A_520, %mul3A_524 : vector<8x128xf32>
      %max3A_528 = arith.maximumf %mul3A_522, %mul3A_526 : vector<8x128xf32>
      %max3A_529 = arith.maximumf %max3A_527, %max3A_528 : vector<8x128xf32>
      %le3A_530 = vector.broadcast %get3A_433 : f32 to vector<8x128xf32>
      %le3A_531 = arith.cmpf ole, %add3A_518, %le3A_530 : vector<8x128xf32>
      %select_n3A_532 = arith.select %le3A_531, %max3A_529, %broadcast_in_dim3A_0 : vector<8x128xi1>, vector<8x128xf32>
      %lt3A_533 = arith.cmpf olt, %select_n3A_532, %scan3A_355 : vector<8x128xf32>
      %select_n3A_534 = arith.select %lt3A_533, %select_n3A_532, %scan3A_355 : vector<8x128xi1>, vector<8x128xf32>
      %select_n3A_535 = arith.select %lt3A_533, %mul3A_520, %scan3A_356 : vector<8x128xi1>, vector<8x128xf32>
      %select_n3A_536 = arith.select %lt3A_533, %mul3A_522, %scan3A_357 : vector<8x128xi1>, vector<8x128xf32>
      %select_n3A_537 = arith.select %lt3A_533, %mul3A_524, %scan3A_358 : vector<8x128xi1>, vector<8x128xf32>
      %select_n3A_538 = arith.select %lt3A_533, %mul3A_526, %scan3A_359 : vector<8x128xi1>, vector<8x128xf32>
      %sub3A_539 = vector.broadcast %get3A_369 : f32 to vector<8x128xf32>
      %sub3A_540 = arith.subf %sub3A_539, %get3A_12 : vector<8x128xf32>
      %sub3A_541 = vector.broadcast %get3A_373 : f32 to vector<8x128xf32>
      %sub3A_542 = arith.subf %sub3A_541, %get3A_12 : vector<8x128xf32>
      %sub3A_543 = vector.broadcast %get3A_377 : f32 to vector<8x128xf32>
      %sub3A_544 = arith.subf %sub3A_543, %get3A_12 : vector<8x128xf32>
      %sub3A_545 = vector.broadcast %get3A_381 : f32 to vector<8x128xf32>
      %sub3A_546 = arith.subf %sub3A_545, %get3A_12 : vector<8x128xf32>
      %sub3A_547 = vector.broadcast %get3A_387 : f32 to vector<8x128xf32>
      %sub3A_548 = arith.subf %sub3A_547, %get3A_21 : vector<8x128xf32>
      %sub3A_549 = vector.broadcast %get3A_393 : f32 to vector<8x128xf32>
      %sub3A_550 = arith.subf %sub3A_549, %get3A_21 : vector<8x128xf32>
      %sub3A_551 = vector.broadcast %get3A_399 : f32 to vector<8x128xf32>
      %sub3A_552 = arith.subf %sub3A_551, %get3A_21 : vector<8x128xf32>
      %sub3A_553 = vector.broadcast %get3A_405 : f32 to vector<8x128xf32>
      %sub3A_554 = arith.subf %sub3A_553, %get3A_21 : vector<8x128xf32>
      %mul3A_555 = arith.mulf %sub3A_540, %sub3A_550 : vector<8x128xf32>
      %mul3A_556 = arith.mulf %sub3A_548, %sub3A_542 : vector<8x128xf32>
      %sub3A_557 = arith.subf %mul3A_555, %mul3A_556 : vector<8x128xf32>
      %abs3A_558 = math.absf %sub3A_557 : vector<8x128xf32>
      %mul3A_559 = arith.mulf %sub3A_542, %sub3A_552 : vector<8x128xf32>
      %mul3A_560 = arith.mulf %sub3A_550, %sub3A_544 : vector<8x128xf32>
      %sub3A_561 = arith.subf %mul3A_559, %mul3A_560 : vector<8x128xf32>
      %abs3A_562 = math.absf %sub3A_561 : vector<8x128xf32>
      %mul3A_563 = arith.mulf %sub3A_544, %sub3A_554 : vector<8x128xf32>
      %mul3A_564 = arith.mulf %sub3A_552, %sub3A_546 : vector<8x128xf32>
      %sub3A_565 = arith.subf %mul3A_563, %mul3A_564 : vector<8x128xf32>
      %abs3A_566 = math.absf %sub3A_565 : vector<8x128xf32>
      %mul3A_567 = arith.mulf %sub3A_546, %sub3A_548 : vector<8x128xf32>
      %mul3A_568 = arith.mulf %sub3A_554, %sub3A_540 : vector<8x128xf32>
      %sub3A_569 = arith.subf %mul3A_567, %mul3A_568 : vector<8x128xf32>
      %abs3A_570 = math.absf %sub3A_569 : vector<8x128xf32>
      %add3A_571 = arith.addf %abs3A_558, %abs3A_562 : vector<8x128xf32>
      %add3A_572 = arith.addf %add3A_571, %abs3A_566 : vector<8x128xf32>
      %add3A_573 = arith.addf %add3A_572, %abs3A_570 : vector<8x128xf32>
      %mul3A_574 = vector.broadcast %get3A_411 : f32 to vector<8x128xf32>
      %mul3A_575 = arith.mulf %abs3A_558, %mul3A_574 : vector<8x128xf32>
      %mul3A_576 = vector.broadcast %get3A_417 : f32 to vector<8x128xf32>
      %mul3A_577 = arith.mulf %abs3A_562, %mul3A_576 : vector<8x128xf32>
      %mul3A_578 = vector.broadcast %get3A_423 : f32 to vector<8x128xf32>
      %mul3A_579 = arith.mulf %abs3A_566, %mul3A_578 : vector<8x128xf32>
      %mul3A_580 = vector.broadcast %get3A_429 : f32 to vector<8x128xf32>
      %mul3A_581 = arith.mulf %abs3A_570, %mul3A_580 : vector<8x128xf32>
      %max3A_582 = arith.maximumf %mul3A_575, %mul3A_579 : vector<8x128xf32>
      %max3A_583 = arith.maximumf %mul3A_577, %mul3A_581 : vector<8x128xf32>
      %max3A_584 = arith.maximumf %max3A_582, %max3A_583 : vector<8x128xf32>
      %le3A_585 = vector.broadcast %get3A_433 : f32 to vector<8x128xf32>
      %le3A_586 = arith.cmpf ole, %add3A_573, %le3A_585 : vector<8x128xf32>
      %select_n3A_587 = arith.select %le3A_586, %max3A_584, %broadcast_in_dim3A_0 : vector<8x128xi1>, vector<8x128xf32>
      %lt3A_588 = arith.cmpf olt, %select_n3A_587, %scan3A_360 : vector<8x128xf32>
      %select_n3A_589 = arith.select %lt3A_588, %select_n3A_587, %scan3A_360 : vector<8x128xi1>, vector<8x128xf32>
      %select_n3A_590 = arith.select %lt3A_588, %mul3A_575, %scan3A_361 : vector<8x128xi1>, vector<8x128xf32>
      %select_n3A_591 = arith.select %lt3A_588, %mul3A_577, %scan3A_362 : vector<8x128xi1>, vector<8x128xf32>
      %select_n3A_592 = arith.select %lt3A_588, %mul3A_579, %scan3A_363 : vector<8x128xi1>, vector<8x128xf32>
      %select_n3A_593 = arith.select %lt3A_588, %mul3A_581, %scan3A_364 : vector<8x128xi1>, vector<8x128xf32>
      scf.yield %select_n3A_479, %select_n3A_480, %select_n3A_481, %select_n3A_482, %select_n3A_483, %select_n3A_534, %select_n3A_535, %select_n3A_536, %select_n3A_537, %select_n3A_538, %select_n3A_589, %select_n3A_590, %select_n3A_591, %select_n3A_592, %select_n3A_593 : vector<8x128xf32>, vector<8x128xf32>, vector<8x128xf32>, vector<8x128xf32>, vector<8x128xf32>, vector<8x128xf32>, vector<8x128xf32>, vector<8x128xf32>, vector<8x128xf32>, vector<8x128xf32>, vector<8x128xf32>, vector<8x128xf32>, vector<8x128xf32>, vector<8x128xf32>, vector<8x128xf32>
    }
    %scan3A_26 = arith.constant 100 : i32
    %min3A = arith.minimumf %scan3A_25#1, %scan3A_25#3 : vector<8x128xf32>
    %max3A = arith.maximumf %scan3A_25#1, %scan3A_25#3 : vector<8x128xf32>
    %min3A_27 = arith.minimumf %scan3A_25#2, %scan3A_25#4 : vector<8x128xf32>
    %max3A_28 = arith.maximumf %scan3A_25#2, %scan3A_25#4 : vector<8x128xf32>
    %max3A_29 = arith.constant 9.99999996E-13 : f32
    %max3A_30 = vector.broadcast %max3A_29 : f32 to vector<8x128xf32>
    %max3A_31 = arith.maximumf %max3A, %max3A_30 : vector<8x128xf32>
    %div3A = arith.divf %min3A, %max3A_31 : vector<8x128xf32>
    %max3A_32 = arith.constant 9.99999996E-13 : f32
    %max3A_33 = vector.broadcast %max3A_32 : f32 to vector<8x128xf32>
    %max3A_34 = arith.maximumf %max3A_28, %max3A_33 : vector<8x128xf32>
    %div3A_35 = arith.divf %min3A_27, %max3A_34 : vector<8x128xf32>
    %mul3A = arith.mulf %div3A, %div3A_35 : vector<8x128xf32>
    %sqrt3A = math.sqrt %mul3A : vector<8x128xf32>
    %swap3A = arith.constant 0 : index
    %swap3A_36 = arith.constant 0 : index
    %swap3A_37 = vector.load %arg3[%swap3A, %swap3A_36] : memref<112x128xf32, #tpu.memory_space<vmem>>, vector<8x128xf32>
    tpu.vector_store %arg3[%swap3A, %swap3A_36], %sqrt3A {strides = array<i32>} : memref<112x128xf32, #tpu.memory_space<vmem>>, vector<8x128xf32>,
    %min3A_38 = arith.minimumf %scan3A_25#6, %scan3A_25#8 : vector<8x128xf32>
    %max3A_39 = arith.maximumf %scan3A_25#6, %scan3A_25#8 : vector<8x128xf32>
    %min3A_40 = arith.minimumf %scan3A_25#7, %scan3A_25#9 : vector<8x128xf32>
    %max3A_41 = arith.maximumf %scan3A_25#7, %scan3A_25#9 : vector<8x128xf32>
    %max3A_42 = arith.constant 9.99999996E-13 : f32
    %max3A_43 = vector.broadcast %max3A_42 : f32 to vector<8x128xf32>
    %max3A_44 = arith.maximumf %max3A_39, %max3A_43 : vector<8x128xf32>
    %div3A_45 = arith.divf %min3A_38, %max3A_44 : vector<8x128xf32>
    %max3A_46 = arith.constant 9.99999996E-13 : f32
    %max3A_47 = vector.broadcast %max3A_46 : f32 to vector<8x128xf32>
    %max3A_48 = arith.maximumf %max3A_41, %max3A_47 : vector<8x128xf32>
    %div3A_49 = arith.divf %min3A_40, %max3A_48 : vector<8x128xf32>
    %mul3A_50 = arith.mulf %div3A_45, %div3A_49 : vector<8x128xf32>
    %sqrt3A_51 = math.sqrt %mul3A_50 : vector<8x128xf32>
    %swap3A_52 = arith.constant 8 : index
    %swap3A_53 = arith.constant 0 : index
    %swap3A_54 = vector.load %arg3[%swap3A_52, %swap3A_53] : memref<112x128xf32, #tpu.memory_space<vmem>>, vector<8x128xf32>
    tpu.vector_store %arg3[%swap3A_52, %swap3A_53], %sqrt3A_51 {strides = array<i32>} : memref<112x128xf32, #tpu.memory_space<vmem>>, vector<8x128xf32>,
    %min3A_55 = arith.minimumf %scan3A_25#11, %scan3A_25#13 : vector<8x128xf32>
    %max3A_56 = arith.maximumf %scan3A_25#11, %scan3A_25#13 : vector<8x128xf32>
    %min3A_57 = arith.minimumf %scan3A_25#12, %scan3A_25#14 : vector<8x128xf32>
    %max3A_58 = arith.maximumf %scan3A_25#12, %scan3A_25#14 : vector<8x128xf32>
    %max3A_59 = arith.constant 9.99999996E-13 : f32
    %max3A_60 = vector.broadcast %max3A_59 : f32 to vector<8x128xf32>
    %max3A_61 = arith.maximumf %max3A_56, %max3A_60 : vector<8x128xf32>
    %div3A_62 = arith.divf %min3A_55, %max3A_61 : vector<8x128xf32>
    %max3A_63 = arith.constant 9.99999996E-13 : f32
    %max3A_64 = vector.broadcast %max3A_63 : f32 to vector<8x128xf32>
    %max3A_65 = arith.maximumf %max3A_58, %max3A_64 : vector<8x128xf32>
    %div3A_66 = arith.divf %min3A_57, %max3A_65 : vector<8x128xf32>
    %mul3A_67 = arith.mulf %div3A_62, %div3A_66 : vector<8x128xf32>
    %sqrt3A_68 = math.sqrt %mul3A_67 : vector<8x128xf32>
    %swap3A_69 = arith.constant 16 : index
    %swap3A_70 = arith.constant 0 : index
    %swap3A_71 = vector.load %arg3[%swap3A_69, %swap3A_70] : memref<112x128xf32, #tpu.memory_space<vmem>>, vector<8x128xf32>
    tpu.vector_store %arg3[%swap3A_69, %swap3A_70], %sqrt3A_68 {strides = array<i32>} : memref<112x128xf32, #tpu.memory_space<vmem>>, vector<8x128xf32>,
    %get3A_72 = arith.constant 24 : index
    %get3A_73 = arith.constant 0 : index
    %get3A_74 = vector.load %arg1[%get3A_72, %get3A_73] : memref<112x128xf32, #tpu.memory_space<vmem>>, vector<8x128xf32>
    %get3A_75 = arith.constant 32 : index
    %get3A_76 = arith.constant 0 : index
    %get3A_77 = vector.load %arg1[%get3A_75, %get3A_76] : memref<112x128xf32, #tpu.memory_space<vmem>>, vector<8x128xf32>
    %get3A_78 = arith.constant 40 : index
    %get3A_79 = arith.constant 0 : index
    %get3A_80 = vector.load %arg1[%get3A_78, %get3A_79] : memref<112x128xf32, #tpu.memory_space<vmem>>, vector<8x128xf32>
    %get3A_81 = arith.constant 24 : index
    %get3A_82 = arith.constant 0 : index
    %get3A_83 = vector.load %arg2[%get3A_81, %get3A_82] : memref<112x128xf32, #tpu.memory_space<vmem>>, vector<8x128xf32>
    %get3A_84 = arith.constant 32 : index
    %get3A_85 = arith.constant 0 : index
    %get3A_86 = vector.load %arg2[%get3A_84, %get3A_85] : memref<112x128xf32, #tpu.memory_space<vmem>>, vector<8x128xf32>
    %get3A_87 = arith.constant 40 : index
    %get3A_88 = arith.constant 0 : index
    %get3A_89 = vector.load %arg2[%get3A_87, %get3A_88] : memref<112x128xf32, #tpu.memory_space<vmem>>, vector<8x128xf32>
    %scan3A_90 = arith.constant 0 : i32
    %scan3A_91 = arith.constant 100 : i32
    %scan3A_92 = arith.addi %scan3A_90, %scan3A_91 : i32
    %scan3A_93 = arith.constant 1 : i32
    %scan3A_94:15 = scf.for %scan3A_349 = %scan3A_90 to %scan3A_92 step %scan3A_93 iter_args(%scan3A_350 = %broadcast_in_dim3A_2, %scan3A_351 = %broadcast_in_dim3A_4, %scan3A_352 = %broadcast_in_dim3A_4, %scan3A_353 = %broadcast_in_dim3A_4, %scan3A_354 = %broadcast_in_dim3A_4, %scan3A_355 = %broadcast_in_dim3A_2, %scan3A_356 = %broadcast_in_dim3A_4, %scan3A_357 = %broadcast_in_dim3A_4, %scan3A_358 = %broadcast_in_dim3A_4, %scan3A_359 = %broadcast_in_dim3A_4, %scan3A_360 = %broadcast_in_dim3A_2, %scan3A_361 = %broadcast_in_dim3A_4, %scan3A_362 = %broadcast_in_dim3A_4, %scan3A_363 = %broadcast_in_dim3A_4, %scan3A_364 = %broadcast_in_dim3A_4) -> (vector<8x128xf32>, vector<8x128xf32>, vector<8x128xf32>, vector<8x128xf32>, vector<8x128xf32>, vector<8x128xf32>, vector<8x128xf32>, vector<8x128xf32>, vector<8x128xf32>, vector<8x128xf32>, vector<8x128xf32>, vector<8x128xf32>, vector<8x128xf32>, vector<8x128xf32>, vector<8x128xf32>)  : i32 {
      %mul3A_365 = arith.constant 13 : i32
      %mul3A_366 = arith.muli %scan3A_349, %mul3A_365 : i32
      %add3A = arith.constant 0 : i32
      %add3A_367 = arith.addi %mul3A_366, %add3A : i32
      %get3A_368 = arith.index_cast %add3A_367 : i32 to index
      %get3A_369 = memref.load %arg0[%get3A_368] : memref<1300xf32, #tpu.memory_space<smem>>
      %add3A_370 = arith.constant 1 : i32
      %add3A_371 = arith.addi %mul3A_366, %add3A_370 : i32
      %get3A_372 = arith.index_cast %add3A_371 : i32 to index
      %get3A_373 = memref.load %arg0[%get3A_372] : memref<1300xf32, #tpu.memory_space<smem>>
      %add3A_374 = arith.constant 2 : i32
      %add3A_375 = arith.addi %mul3A_366, %add3A_374 : i32
      %get3A_376 = arith.index_cast %add3A_375 : i32 to index
      %get3A_377 = memref.load %arg0[%get3A_376] : memref<1300xf32, #tpu.memory_space<smem>>
      %add3A_378 = arith.constant 3 : i32
      %add3A_379 = arith.addi %mul3A_366, %add3A_378 : i32
      %get3A_380 = arith.index_cast %add3A_379 : i32 to index
      %get3A_381 = memref.load %arg0[%get3A_380] : memref<1300xf32, #tpu.memory_space<smem>>
      %add3A_382 = arith.constant 4 : i32
      %add3A_383 = arith.addi %mul3A_366, %add3A_382 : i32
      %add3A_384 = arith.constant 0 : i32
      %add3A_385 = arith.addi %add3A_383, %add3A_384 : i32
      %get3A_386 = arith.index_cast %add3A_385 : i32 to index
      %get3A_387 = memref.load %arg0[%get3A_386] : memref<1300xf32, #tpu.memory_space<smem>>
      %add3A_388 = arith.constant 4 : i32
      %add3A_389 = arith.addi %mul3A_366, %add3A_388 : i32
      %add3A_390 = arith.constant 1 : i32
      %add3A_391 = arith.addi %add3A_389, %add3A_390 : i32
      %get3A_392 = arith.index_cast %add3A_391 : i32 to index
      %get3A_393 = memref.load %arg0[%get3A_392] : memref<1300xf32, #tpu.memory_space<smem>>
      %add3A_394 = arith.constant 4 : i32
      %add3A_395 = arith.addi %mul3A_366, %add3A_394 : i32
      %add3A_396 = arith.constant 2 : i32
      %add3A_397 = arith.addi %add3A_395, %add3A_396 : i32
      %get3A_398 = arith.index_cast %add3A_397 : i32 to index
      %get3A_399 = memref.load %arg0[%get3A_398] : memref<1300xf32, #tpu.memory_space<smem>>
      %add3A_400 = arith.constant 4 : i32
      %add3A_401 = arith.addi %mul3A_366, %add3A_400 : i32
      %add3A_402 = arith.constant 3 : i32
      %add3A_403 = arith.addi %add3A_401, %add3A_402 : i32
      %get3A_404 = arith.index_cast %add3A_403 : i32 to index
      %get3A_405 = memref.load %arg0[%get3A_404] : memref<1300xf32, #tpu.memory_space<smem>>
      %add3A_406 = arith.constant 8 : i32
      %add3A_407 = arith.addi %mul3A_366, %add3A_406 : i32
      %add3A_408 = arith.constant 0 : i32
      %add3A_409 = arith.addi %add3A_407, %add3A_408 : i32
      %get3A_410 = arith.index_cast %add3A_409 : i32 to index
      %get3A_411 = memref.load %arg0[%get3A_410] : memref<1300xf32, #tpu.memory_space<smem>>
      %add3A_412 = arith.constant 8 : i32
      %add3A_413 = arith.addi %mul3A_366, %add3A_412 : i32
      %add3A_414 = arith.constant 1 : i32
      %add3A_415 = arith.addi %add3A_413, %add3A_414 : i32
      %get3A_416 = arith.index_cast %add3A_415 : i32 to index
      %get3A_417 = memref.load %arg0[%get3A_416] : memref<1300xf32, #tpu.memory_space<smem>>
      %add3A_418 = arith.constant 8 : i32
      %add3A_419 = arith.addi %mul3A_366, %add3A_418 : i32
      %add3A_420 = arith.constant 2 : i32
      %add3A_421 = arith.addi %add3A_419, %add3A_420 : i32
      %get3A_422 = arith.index_cast %add3A_421 : i32 to index
      %get3A_423 = memref.load %arg0[%get3A_422] : memref<1300xf32, #tpu.memory_space<smem>>
      %add3A_424 = arith.constant 8 : i32
      %add3A_425 = arith.addi %mul3A_366, %add3A_424 : i32
      %add3A_426 = arith.constant 3 : i32
      %add3A_427 = arith.addi %add3A_425, %add3A_426 : i32
      %get3A_428 = arith.index_cast %add3A_427 : i32 to index
      %get3A_429 = memref.load %arg0[%get3A_428] : memref<1300xf32, #tpu.memory_space<smem>>
      %add3A_430 = arith.constant 12 : i32
      %add3A_431 = arith.addi %mul3A_366, %add3A_430 : i32
      %get3A_432 = arith.index_cast %add3A_431 : i32 to index
      %get3A_433 = memref.load %arg0[%get3A_432] : memref<1300xf32, #tpu.memory_space<smem>>
      %sub3A = vector.broadcast %get3A_369 : f32 to vector<8x128xf32>
      %sub3A_434 = arith.subf %sub3A, %get3A_74 : vector<8x128xf32>
      %sub3A_435 = vector.broadcast %get3A_373 : f32 to vector<8x128xf32>
      %sub3A_436 = arith.subf %sub3A_435, %get3A_74 : vector<8x128xf32>
      %sub3A_437 = vector.broadcast %get3A_377 : f32 to vector<8x128xf32>
      %sub3A_438 = arith.subf %sub3A_437, %get3A_74 : vector<8x128xf32>
      %sub3A_439 = vector.broadcast %get3A_381 : f32 to vector<8x128xf32>
      %sub3A_440 = arith.subf %sub3A_439, %get3A_74 : vector<8x128xf32>
      %sub3A_441 = vector.broadcast %get3A_387 : f32 to vector<8x128xf32>
      %sub3A_442 = arith.subf %sub3A_441, %get3A_83 : vector<8x128xf32>
      %sub3A_443 = vector.broadcast %get3A_393 : f32 to vector<8x128xf32>
      %sub3A_444 = arith.subf %sub3A_443, %get3A_83 : vector<8x128xf32>
      %sub3A_445 = vector.broadcast %get3A_399 : f32 to vector<8x128xf32>
      %sub3A_446 = arith.subf %sub3A_445, %get3A_83 : vector<8x128xf32>
      %sub3A_447 = vector.broadcast %get3A_405 : f32 to vector<8x128xf32>
      %sub3A_448 = arith.subf %sub3A_447, %get3A_83 : vector<8x128xf32>
      %mul3A_449 = arith.mulf %sub3A_434, %sub3A_444 : vector<8x128xf32>
      %mul3A_450 = arith.mulf %sub3A_442, %sub3A_436 : vector<8x128xf32>
      %sub3A_451 = arith.subf %mul3A_449, %mul3A_450 : vector<8x128xf32>
      %abs3A = math.absf %sub3A_451 : vector<8x128xf32>
      %mul3A_452 = arith.mulf %sub3A_436, %sub3A_446 : vector<8x128xf32>
      %mul3A_453 = arith.mulf %sub3A_444, %sub3A_438 : vector<8x128xf32>
      %sub3A_454 = arith.subf %mul3A_452, %mul3A_453 : vector<8x128xf32>
      %abs3A_455 = math.absf %sub3A_454 : vector<8x128xf32>
      %mul3A_456 = arith.mulf %sub3A_438, %sub3A_448 : vector<8x128xf32>
      %mul3A_457 = arith.mulf %sub3A_446, %sub3A_440 : vector<8x128xf32>
      %sub3A_458 = arith.subf %mul3A_456, %mul3A_457 : vector<8x128xf32>
      %abs3A_459 = math.absf %sub3A_458 : vector<8x128xf32>
      %mul3A_460 = arith.mulf %sub3A_440, %sub3A_442 : vector<8x128xf32>
      %mul3A_461 = arith.mulf %sub3A_448, %sub3A_434 : vector<8x128xf32>
      %sub3A_462 = arith.subf %mul3A_460, %mul3A_461 : vector<8x128xf32>
      %abs3A_463 = math.absf %sub3A_462 : vector<8x128xf32>
      %add3A_464 = arith.addf %abs3A, %abs3A_455 : vector<8x128xf32>
      %add3A_465 = arith.addf %add3A_464, %abs3A_459 : vector<8x128xf32>
      %add3A_466 = arith.addf %add3A_465, %abs3A_463 : vector<8x128xf32>
      %mul3A_467 = vector.broadcast %get3A_411 : f32 to vector<8x128xf32>
      %mul3A_468 = arith.mulf %abs3A, %mul3A_467 : vector<8x128xf32>
      %mul3A_469 = vector.broadcast %get3A_417 : f32 to vector<8x128xf32>
      %mul3A_470 = arith.mulf %abs3A_455, %mul3A_469 : vector<8x128xf32>
      %mul3A_471 = vector.broadcast %get3A_423 : f32 to vector<8x128xf32>
      %mul3A_472 = arith.mulf %abs3A_459, %mul3A_471 : vector<8x128xf32>
      %mul3A_473 = vector.broadcast %get3A_429 : f32 to vector<8x128xf32>
      %mul3A_474 = arith.mulf %abs3A_463, %mul3A_473 : vector<8x128xf32>
      %max3A_475 = arith.maximumf %mul3A_468, %mul3A_472 : vector<8x128xf32>
      %max3A_476 = arith.maximumf %mul3A_470, %mul3A_474 : vector<8x128xf32>
      %max3A_477 = arith.maximumf %max3A_475, %max3A_476 : vector<8x128xf32>
      %le3A = vector.broadcast %get3A_433 : f32 to vector<8x128xf32>
      %le3A_478 = arith.cmpf ole, %add3A_466, %le3A : vector<8x128xf32>
      %select_n3A = arith.select %le3A_478, %max3A_477, %broadcast_in_dim3A_0 : vector<8x128xi1>, vector<8x128xf32>
      %lt3A = arith.cmpf olt, %select_n3A, %scan3A_350 : vector<8x128xf32>
      %select_n3A_479 = arith.select %lt3A, %select_n3A, %scan3A_350 : vector<8x128xi1>, vector<8x128xf32>
      %select_n3A_480 = arith.select %lt3A, %mul3A_468, %scan3A_351 : vector<8x128xi1>, vector<8x128xf32>
      %select_n3A_481 = arith.select %lt3A, %mul3A_470, %scan3A_352 : vector<8x128xi1>, vector<8x128xf32>
      %select_n3A_482 = arith.select %lt3A, %mul3A_472, %scan3A_353 : vector<8x128xi1>, vector<8x128xf32>
      %select_n3A_483 = arith.select %lt3A, %mul3A_474, %scan3A_354 : vector<8x128xi1>, vector<8x128xf32>
      %sub3A_484 = vector.broadcast %get3A_369 : f32 to vector<8x128xf32>
      %sub3A_485 = arith.subf %sub3A_484, %get3A_77 : vector<8x128xf32>
      %sub3A_486 = vector.broadcast %get3A_373 : f32 to vector<8x128xf32>
      %sub3A_487 = arith.subf %sub3A_486, %get3A_77 : vector<8x128xf32>
      %sub3A_488 = vector.broadcast %get3A_377 : f32 to vector<8x128xf32>
      %sub3A_489 = arith.subf %sub3A_488, %get3A_77 : vector<8x128xf32>
      %sub3A_490 = vector.broadcast %get3A_381 : f32 to vector<8x128xf32>
      %sub3A_491 = arith.subf %sub3A_490, %get3A_77 : vector<8x128xf32>
      %sub3A_492 = vector.broadcast %get3A_387 : f32 to vector<8x128xf32>
      %sub3A_493 = arith.subf %sub3A_492, %get3A_86 : vector<8x128xf32>
      %sub3A_494 = vector.broadcast %get3A_393 : f32 to vector<8x128xf32>
      %sub3A_495 = arith.subf %sub3A_494, %get3A_86 : vector<8x128xf32>
      %sub3A_496 = vector.broadcast %get3A_399 : f32 to vector<8x128xf32>
      %sub3A_497 = arith.subf %sub3A_496, %get3A_86 : vector<8x128xf32>
      %sub3A_498 = vector.broadcast %get3A_405 : f32 to vector<8x128xf32>
      %sub3A_499 = arith.subf %sub3A_498, %get3A_86 : vector<8x128xf32>
      %mul3A_500 = arith.mulf %sub3A_485, %sub3A_495 : vector<8x128xf32>
      %mul3A_501 = arith.mulf %sub3A_493, %sub3A_487 : vector<8x128xf32>
      %sub3A_502 = arith.subf %mul3A_500, %mul3A_501 : vector<8x128xf32>
      %abs3A_503 = math.absf %sub3A_502 : vector<8x128xf32>
      %mul3A_504 = arith.mulf %sub3A_487, %sub3A_497 : vector<8x128xf32>
      %mul3A_505 = arith.mulf %sub3A_495, %sub3A_489 : vector<8x128xf32>
      %sub3A_506 = arith.subf %mul3A_504, %mul3A_505 : vector<8x128xf32>
      %abs3A_507 = math.absf %sub3A_506 : vector<8x128xf32>
      %mul3A_508 = arith.mulf %sub3A_489, %sub3A_499 : vector<8x128xf32>
      %mul3A_509 = arith.mulf %sub3A_497, %sub3A_491 : vector<8x128xf32>
      %sub3A_510 = arith.subf %mul3A_508, %mul3A_509 : vector<8x128xf32>
      %abs3A_511 = math.absf %sub3A_510 : vector<8x128xf32>
      %mul3A_512 = arith.mulf %sub3A_491, %sub3A_493 : vector<8x128xf32>
      %mul3A_513 = arith.mulf %sub3A_499, %sub3A_485 : vector<8x128xf32>
      %sub3A_514 = arith.subf %mul3A_512, %mul3A_513 : vector<8x128xf32>
      %abs3A_515 = math.absf %sub3A_514 : vector<8x128xf32>
      %add3A_516 = arith.addf %abs3A_503, %abs3A_507 : vector<8x128xf32>
      %add3A_517 = arith.addf %add3A_516, %abs3A_511 : vector<8x128xf32>
      %add3A_518 = arith.addf %add3A_517, %abs3A_515 : vector<8x128xf32>
      %mul3A_519 = vector.broadcast %get3A_411 : f32 to vector<8x128xf32>
      %mul3A_520 = arith.mulf %abs3A_503, %mul3A_519 : vector<8x128xf32>
      %mul3A_521 = vector.broadcast %get3A_417 : f32 to vector<8x128xf32>
      %mul3A_522 = arith.mulf %abs3A_507, %mul3A_521 : vector<8x128xf32>
      %mul3A_523 = vector.broadcast %get3A_423 : f32 to vector<8x128xf32>
      %mul3A_524 = arith.mulf %abs3A_511, %mul3A_523 : vector<8x128xf32>
      %mul3A_525 = vector.broadcast %get3A_429 : f32 to vector<8x128xf32>
      %mul3A_526 = arith.mulf %abs3A_515, %mul3A_525 : vector<8x128xf32>
      %max3A_527 = arith.maximumf %mul3A_520, %mul3A_524 : vector<8x128xf32>
      %max3A_528 = arith.maximumf %mul3A_522, %mul3A_526 : vector<8x128xf32>
      %max3A_529 = arith.maximumf %max3A_527, %max3A_528 : vector<8x128xf32>
      %le3A_530 = vector.broadcast %get3A_433 : f32 to vector<8x128xf32>
      %le3A_531 = arith.cmpf ole, %add3A_518, %le3A_530 : vector<8x128xf32>
      %select_n3A_532 = arith.select %le3A_531, %max3A_529, %broadcast_in_dim3A_0 : vector<8x128xi1>, vector<8x128xf32>
      %lt3A_533 = arith.cmpf olt, %select_n3A_532, %scan3A_355 : vector<8x128xf32>
      %select_n3A_534 = arith.select %lt3A_533, %select_n3A_532, %scan3A_355 : vector<8x128xi1>, vector<8x128xf32>
      %select_n3A_535 = arith.select %lt3A_533, %mul3A_520, %scan3A_356 : vector<8x128xi1>, vector<8x128xf32>
      %select_n3A_536 = arith.select %lt3A_533, %mul3A_522, %scan3A_357 : vector<8x128xi1>, vector<8x128xf32>
      %select_n3A_537 = arith.select %lt3A_533, %mul3A_524, %scan3A_358 : vector<8x128xi1>, vector<8x128xf32>
      %select_n3A_538 = arith.select %lt3A_533, %mul3A_526, %scan3A_359 : vector<8x128xi1>, vector<8x128xf32>
      %sub3A_539 = vector.broadcast %get3A_369 : f32 to vector<8x128xf32>
      %sub3A_540 = arith.subf %sub3A_539, %get3A_80 : vector<8x128xf32>
      %sub3A_541 = vector.broadcast %get3A_373 : f32 to vector<8x128xf32>
      %sub3A_542 = arith.subf %sub3A_541, %get3A_80 : vector<8x128xf32>
      %sub3A_543 = vector.broadcast %get3A_377 : f32 to vector<8x128xf32>
      %sub3A_544 = arith.subf %sub3A_543, %get3A_80 : vector<8x128xf32>
      %sub3A_545 = vector.broadcast %get3A_381 : f32 to vector<8x128xf32>
      %sub3A_546 = arith.subf %sub3A_545, %get3A_80 : vector<8x128xf32>
      %sub3A_547 = vector.broadcast %get3A_387 : f32 to vector<8x128xf32>
      %sub3A_548 = arith.subf %sub3A_547, %get3A_89 : vector<8x128xf32>
      %sub3A_549 = vector.broadcast %get3A_393 : f32 to vector<8x128xf32>
      %sub3A_550 = arith.subf %sub3A_549, %get3A_89 : vector<8x128xf32>
      %sub3A_551 = vector.broadcast %get3A_399 : f32 to vector<8x128xf32>
      %sub3A_552 = arith.subf %sub3A_551, %get3A_89 : vector<8x128xf32>
      %sub3A_553 = vector.broadcast %get3A_405 : f32 to vector<8x128xf32>
      %sub3A_554 = arith.subf %sub3A_553, %get3A_89 : vector<8x128xf32>
      %mul3A_555 = arith.mulf %sub3A_540, %sub3A_550 : vector<8x128xf32>
      %mul3A_556 = arith.mulf %sub3A_548, %sub3A_542 : vector<8x128xf32>
      %sub3A_557 = arith.subf %mul3A_555, %mul3A_556 : vector<8x128xf32>
      %abs3A_558 = math.absf %sub3A_557 : vector<8x128xf32>
      %mul3A_559 = arith.mulf %sub3A_542, %sub3A_552 : vector<8x128xf32>
      %mul3A_560 = arith.mulf %sub3A_550, %sub3A_544 : vector<8x128xf32>
      %sub3A_561 = arith.subf %mul3A_559, %mul3A_560 : vector<8x128xf32>
      %abs3A_562 = math.absf %sub3A_561 : vector<8x128xf32>
      %mul3A_563 = arith.mulf %sub3A_544, %sub3A_554 : vector<8x128xf32>
      %mul3A_564 = arith.mulf %sub3A_552, %sub3A_546 : vector<8x128xf32>
      %sub3A_565 = arith.subf %mul3A_563, %mul3A_564 : vector<8x128xf32>
      %abs3A_566 = math.absf %sub3A_565 : vector<8x128xf32>
      %mul3A_567 = arith.mulf %sub3A_546, %sub3A_548 : vector<8x128xf32>
      %mul3A_568 = arith.mulf %sub3A_554, %sub3A_540 : vector<8x128xf32>
      %sub3A_569 = arith.subf %mul3A_567, %mul3A_568 : vector<8x128xf32>
      %abs3A_570 = math.absf %sub3A_569 : vector<8x128xf32>
      %add3A_571 = arith.addf %abs3A_558, %abs3A_562 : vector<8x128xf32>
      %add3A_572 = arith.addf %add3A_571, %abs3A_566 : vector<8x128xf32>
      %add3A_573 = arith.addf %add3A_572, %abs3A_570 : vector<8x128xf32>
      %mul3A_574 = vector.broadcast %get3A_411 : f32 to vector<8x128xf32>
      %mul3A_575 = arith.mulf %abs3A_558, %mul3A_574 : vector<8x128xf32>
      %mul3A_576 = vector.broadcast %get3A_417 : f32 to vector<8x128xf32>
      %mul3A_577 = arith.mulf %abs3A_562, %mul3A_576 : vector<8x128xf32>
      %mul3A_578 = vector.broadcast %get3A_423 : f32 to vector<8x128xf32>
      %mul3A_579 = arith.mulf %abs3A_566, %mul3A_578 : vector<8x128xf32>
      %mul3A_580 = vector.broadcast %get3A_429 : f32 to vector<8x128xf32>
      %mul3A_581 = arith.mulf %abs3A_570, %mul3A_580 : vector<8x128xf32>
      %max3A_582 = arith.maximumf %mul3A_575, %mul3A_579 : vector<8x128xf32>
      %max3A_583 = arith.maximumf %mul3A_577, %mul3A_581 : vector<8x128xf32>
      %max3A_584 = arith.maximumf %max3A_582, %max3A_583 : vector<8x128xf32>
      %le3A_585 = vector.broadcast %get3A_433 : f32 to vector<8x128xf32>
      %le3A_586 = arith.cmpf ole, %add3A_573, %le3A_585 : vector<8x128xf32>
      %select_n3A_587 = arith.select %le3A_586, %max3A_584, %broadcast_in_dim3A_0 : vector<8x128xi1>, vector<8x128xf32>
      %lt3A_588 = arith.cmpf olt, %select_n3A_587, %scan3A_360 : vector<8x128xf32>
      %select_n3A_589 = arith.select %lt3A_588, %select_n3A_587, %scan3A_360 : vector<8x128xi1>, vector<8x128xf32>
      %select_n3A_590 = arith.select %lt3A_588, %mul3A_575, %scan3A_361 : vector<8x128xi1>, vector<8x128xf32>
      %select_n3A_591 = arith.select %lt3A_588, %mul3A_577, %scan3A_362 : vector<8x128xi1>, vector<8x128xf32>
      %select_n3A_592 = arith.select %lt3A_588, %mul3A_579, %scan3A_363 : vector<8x128xi1>, vector<8x128xf32>
      %select_n3A_593 = arith.select %lt3A_588, %mul3A_581, %scan3A_364 : vector<8x128xi1>, vector<8x128xf32>
      scf.yield %select_n3A_479, %select_n3A_480, %select_n3A_481, %select_n3A_482, %select_n3A_483, %select_n3A_534, %select_n3A_535, %select_n3A_536, %select_n3A_537, %select_n3A_538, %select_n3A_589, %select_n3A_590, %select_n3A_591, %select_n3A_592, %select_n3A_593 : vector<8x128xf32>, vector<8x128xf32>, vector<8x128xf32>, vector<8x128xf32>, vector<8x128xf32>, vector<8x128xf32>, vector<8x128xf32>, vector<8x128xf32>, vector<8x128xf32>, vector<8x128xf32>, vector<8x128xf32>, vector<8x128xf32>, vector<8x128xf32>, vector<8x128xf32>, vector<8x128xf32>
    }
    %scan3A_95 = arith.constant 100 : i32
    %min3A_96 = arith.minimumf %scan3A_94#1, %scan3A_94#3 : vector<8x128xf32>
    %max3A_97 = arith.maximumf %scan3A_94#1, %scan3A_94#3 : vector<8x128xf32>
    %min3A_98 = arith.minimumf %scan3A_94#2, %scan3A_94#4 : vector<8x128xf32>
    %max3A_99 = arith.maximumf %scan3A_94#2, %scan3A_94#4 : vector<8x128xf32>
    %max3A_100 = arith.constant 9.99999996E-13 : f32
    %max3A_101 = vector.broadcast %max3A_100 : f32 to vector<8x128xf32>
    %max3A_102 = arith.maximumf %max3A_97, %max3A_101 : vector<8x128xf32>
    %div3A_103 = arith.divf %min3A_96, %max3A_102 : vector<8x128xf32>
    %max3A_104 = arith.constant 9.99999996E-13 : f32
    %max3A_105 = vector.broadcast %max3A_104 : f32 to vector<8x128xf32>
    %max3A_106 = arith.maximumf %max3A_99, %max3A_105 : vector<8x128xf32>
    %div3A_107 = arith.divf %min3A_98, %max3A_106 : vector<8x128xf32>
    %mul3A_108 = arith.mulf %div3A_103, %div3A_107 : vector<8x128xf32>
    %sqrt3A_109 = math.sqrt %mul3A_108 : vector<8x128xf32>
    %swap3A_110 = arith.constant 24 : index
    %swap3A_111 = arith.constant 0 : index
    %swap3A_112 = vector.load %arg3[%swap3A_110, %swap3A_111] : memref<112x128xf32, #tpu.memory_space<vmem>>, vector<8x128xf32>
    tpu.vector_store %arg3[%swap3A_110, %swap3A_111], %sqrt3A_109 {strides = array<i32>} : memref<112x128xf32, #tpu.memory_space<vmem>>, vector<8x128xf32>,
    %min3A_113 = arith.minimumf %scan3A_94#6, %scan3A_94#8 : vector<8x128xf32>
    %max3A_114 = arith.maximumf %scan3A_94#6, %scan3A_94#8 : vector<8x128xf32>
    %min3A_115 = arith.minimumf %scan3A_94#7, %scan3A_94#9 : vector<8x128xf32>
    %max3A_116 = arith.maximumf %scan3A_94#7, %scan3A_94#9 : vector<8x128xf32>
    %max3A_117 = arith.constant 9.99999996E-13 : f32
    %max3A_118 = vector.broadcast %max3A_117 : f32 to vector<8x128xf32>
    %max3A_119 = arith.maximumf %max3A_114, %max3A_118 : vector<8x128xf32>
    %div3A_120 = arith.divf %min3A_113, %max3A_119 : vector<8x128xf32>
    %max3A_121 = arith.constant 9.99999996E-13 : f32
    %max3A_122 = vector.broadcast %max3A_121 : f32 to vector<8x128xf32>
    %max3A_123 = arith.maximumf %max3A_116, %max3A_122 : vector<8x128xf32>
    %div3A_124 = arith.divf %min3A_115, %max3A_123 : vector<8x128xf32>
    %mul3A_125 = arith.mulf %div3A_120, %div3A_124 : vector<8x128xf32>
    %sqrt3A_126 = math.sqrt %mul3A_125 : vector<8x128xf32>
    %swap3A_127 = arith.constant 32 : index
    %swap3A_128 = arith.constant 0 : index
    %swap3A_129 = vector.load %arg3[%swap3A_127, %swap3A_128] : memref<112x128xf32, #tpu.memory_space<vmem>>, vector<8x128xf32>
    tpu.vector_store %arg3[%swap3A_127, %swap3A_128], %sqrt3A_126 {strides = array<i32>} : memref<112x128xf32, #tpu.memory_space<vmem>>, vector<8x128xf32>,
    %min3A_130 = arith.minimumf %scan3A_94#11, %scan3A_94#13 : vector<8x128xf32>
    %max3A_131 = arith.maximumf %scan3A_94#11, %scan3A_94#13 : vector<8x128xf32>
    %min3A_132 = arith.minimumf %scan3A_94#12, %scan3A_94#14 : vector<8x128xf32>
    %max3A_133 = arith.maximumf %scan3A_94#12, %scan3A_94#14 : vector<8x128xf32>
    %max3A_134 = arith.constant 9.99999996E-13 : f32
    %max3A_135 = vector.broadcast %max3A_134 : f32 to vector<8x128xf32>
    %max3A_136 = arith.maximumf %max3A_131, %max3A_135 : vector<8x128xf32>
    %div3A_137 = arith.divf %min3A_130, %max3A_136 : vector<8x128xf32>
    %max3A_138 = arith.constant 9.99999996E-13 : f32
    %max3A_139 = vector.broadcast %max3A_138 : f32 to vector<8x128xf32>
    %max3A_140 = arith.maximumf %max3A_133, %max3A_139 : vector<8x128xf32>
    %div3A_141 = arith.divf %min3A_132, %max3A_140 : vector<8x128xf32>
    %mul3A_142 = arith.mulf %div3A_137, %div3A_141 : vector<8x128xf32>
    %sqrt3A_143 = math.sqrt %mul3A_142 : vector<8x128xf32>
    %swap3A_144 = arith.constant 40 : index
    %swap3A_145 = arith.constant 0 : index
    %swap3A_146 = vector.load %arg3[%swap3A_144, %swap3A_145] : memref<112x128xf32, #tpu.memory_space<vmem>>, vector<8x128xf32>
    tpu.vector_store %arg3[%swap3A_144, %swap3A_145], %sqrt3A_143 {strides = array<i32>} : memref<112x128xf32, #tpu.memory_space<vmem>>, vector<8x128xf32>,
    %get3A_147 = arith.constant 48 : index
    %get3A_148 = arith.constant 0 : index
    %get3A_149 = vector.load %arg1[%get3A_147, %get3A_148] : memref<112x128xf32, #tpu.memory_space<vmem>>, vector<8x128xf32>
    %get3A_150 = arith.constant 56 : index
    %get3A_151 = arith.constant 0 : index
    %get3A_152 = vector.load %arg1[%get3A_150, %get3A_151] : memref<112x128xf32, #tpu.memory_space<vmem>>, vector<8x128xf32>
    %get3A_153 = arith.constant 64 : index
    %get3A_154 = arith.constant 0 : index
    %get3A_155 = vector.load %arg1[%get3A_153, %get3A_154] : memref<112x128xf32, #tpu.memory_space<vmem>>, vector<8x128xf32>
    %get3A_156 = arith.constant 48 : index
    %get3A_157 = arith.constant 0 : index
    %get3A_158 = vector.load %arg2[%get3A_156, %get3A_157] : memref<112x128xf32, #tpu.memory_space<vmem>>, vector<8x128xf32>
    %get3A_159 = arith.constant 56 : index
    %get3A_160 = arith.constant 0 : index
    %get3A_161 = vector.load %arg2[%get3A_159, %get3A_160] : memref<112x128xf32, #tpu.memory_space<vmem>>, vector<8x128xf32>
    %get3A_162 = arith.constant 64 : index
    %get3A_163 = arith.constant 0 : index
    %get3A_164 = vector.load %arg2[%get3A_162, %get3A_163] : memref<112x128xf32, #tpu.memory_space<vmem>>, vector<8x128xf32>
    %scan3A_165 = arith.constant 0 : i32
    %scan3A_166 = arith.constant 100 : i32
    %scan3A_167 = arith.addi %scan3A_165, %scan3A_166 : i32
    %scan3A_168 = arith.constant 1 : i32
    %scan3A_169:15 = scf.for %scan3A_349 = %scan3A_165 to %scan3A_167 step %scan3A_168 iter_args(%scan3A_350 = %broadcast_in_dim3A_2, %scan3A_351 = %broadcast_in_dim3A_4, %scan3A_352 = %broadcast_in_dim3A_4, %scan3A_353 = %broadcast_in_dim3A_4, %scan3A_354 = %broadcast_in_dim3A_4, %scan3A_355 = %broadcast_in_dim3A_2, %scan3A_356 = %broadcast_in_dim3A_4, %scan3A_357 = %broadcast_in_dim3A_4, %scan3A_358 = %broadcast_in_dim3A_4, %scan3A_359 = %broadcast_in_dim3A_4, %scan3A_360 = %broadcast_in_dim3A_2, %scan3A_361 = %broadcast_in_dim3A_4, %scan3A_362 = %broadcast_in_dim3A_4, %scan3A_363 = %broadcast_in_dim3A_4, %scan3A_364 = %broadcast_in_dim3A_4) -> (vector<8x128xf32>, vector<8x128xf32>, vector<8x128xf32>, vector<8x128xf32>, vector<8x128xf32>, vector<8x128xf32>, vector<8x128xf32>, vector<8x128xf32>, vector<8x128xf32>, vector<8x128xf32>, vector<8x128xf32>, vector<8x128xf32>, vector<8x128xf32>, vector<8x128xf32>, vector<8x128xf32>)  : i32 {
      %mul3A_365 = arith.constant 13 : i32
      %mul3A_366 = arith.muli %scan3A_349, %mul3A_365 : i32
      %add3A = arith.constant 0 : i32
      %add3A_367 = arith.addi %mul3A_366, %add3A : i32
      %get3A_368 = arith.index_cast %add3A_367 : i32 to index
      %get3A_369 = memref.load %arg0[%get3A_368] : memref<1300xf32, #tpu.memory_space<smem>>
      %add3A_370 = arith.constant 1 : i32
      %add3A_371 = arith.addi %mul3A_366, %add3A_370 : i32
      %get3A_372 = arith.index_cast %add3A_371 : i32 to index
      %get3A_373 = memref.load %arg0[%get3A_372] : memref<1300xf32, #tpu.memory_space<smem>>
      %add3A_374 = arith.constant 2 : i32
      %add3A_375 = arith.addi %mul3A_366, %add3A_374 : i32
      %get3A_376 = arith.index_cast %add3A_375 : i32 to index
      %get3A_377 = memref.load %arg0[%get3A_376] : memref<1300xf32, #tpu.memory_space<smem>>
      %add3A_378 = arith.constant 3 : i32
      %add3A_379 = arith.addi %mul3A_366, %add3A_378 : i32
      %get3A_380 = arith.index_cast %add3A_379 : i32 to index
      %get3A_381 = memref.load %arg0[%get3A_380] : memref<1300xf32, #tpu.memory_space<smem>>
      %add3A_382 = arith.constant 4 : i32
      %add3A_383 = arith.addi %mul3A_366, %add3A_382 : i32
      %add3A_384 = arith.constant 0 : i32
      %add3A_385 = arith.addi %add3A_383, %add3A_384 : i32
      %get3A_386 = arith.index_cast %add3A_385 : i32 to index
      %get3A_387 = memref.load %arg0[%get3A_386] : memref<1300xf32, #tpu.memory_space<smem>>
      %add3A_388 = arith.constant 4 : i32
      %add3A_389 = arith.addi %mul3A_366, %add3A_388 : i32
      %add3A_390 = arith.constant 1 : i32
      %add3A_391 = arith.addi %add3A_389, %add3A_390 : i32
      %get3A_392 = arith.index_cast %add3A_391 : i32 to index
      %get3A_393 = memref.load %arg0[%get3A_392] : memref<1300xf32, #tpu.memory_space<smem>>
      %add3A_394 = arith.constant 4 : i32
      %add3A_395 = arith.addi %mul3A_366, %add3A_394 : i32
      %add3A_396 = arith.constant 2 : i32
      %add3A_397 = arith.addi %add3A_395, %add3A_396 : i32
      %get3A_398 = arith.index_cast %add3A_397 : i32 to index
      %get3A_399 = memref.load %arg0[%get3A_398] : memref<1300xf32, #tpu.memory_space<smem>>
      %add3A_400 = arith.constant 4 : i32
      %add3A_401 = arith.addi %mul3A_366, %add3A_400 : i32
      %add3A_402 = arith.constant 3 : i32
      %add3A_403 = arith.addi %add3A_401, %add3A_402 : i32
      %get3A_404 = arith.index_cast %add3A_403 : i32 to index
      %get3A_405 = memref.load %arg0[%get3A_404] : memref<1300xf32, #tpu.memory_space<smem>>
      %add3A_406 = arith.constant 8 : i32
      %add3A_407 = arith.addi %mul3A_366, %add3A_406 : i32
      %add3A_408 = arith.constant 0 : i32
      %add3A_409 = arith.addi %add3A_407, %add3A_408 : i32
      %get3A_410 = arith.index_cast %add3A_409 : i32 to index
      %get3A_411 = memref.load %arg0[%get3A_410] : memref<1300xf32, #tpu.memory_space<smem>>
      %add3A_412 = arith.constant 8 : i32
      %add3A_413 = arith.addi %mul3A_366, %add3A_412 : i32
      %add3A_414 = arith.constant 1 : i32
      %add3A_415 = arith.addi %add3A_413, %add3A_414 : i32
      %get3A_416 = arith.index_cast %add3A_415 : i32 to index
      %get3A_417 = memref.load %arg0[%get3A_416] : memref<1300xf32, #tpu.memory_space<smem>>
      %add3A_418 = arith.constant 8 : i32
      %add3A_419 = arith.addi %mul3A_366, %add3A_418 : i32
      %add3A_420 = arith.constant 2 : i32
      %add3A_421 = arith.addi %add3A_419, %add3A_420 : i32
      %get3A_422 = arith.index_cast %add3A_421 : i32 to index
      %get3A_423 = memref.load %arg0[%get3A_422] : memref<1300xf32, #tpu.memory_space<smem>>
      %add3A_424 = arith.constant 8 : i32
      %add3A_425 = arith.addi %mul3A_366, %add3A_424 : i32
      %add3A_426 = arith.constant 3 : i32
      %add3A_427 = arith.addi %add3A_425, %add3A_426 : i32
      %get3A_428 = arith.index_cast %add3A_427 : i32 to index
      %get3A_429 = memref.load %arg0[%get3A_428] : memref<1300xf32, #tpu.memory_space<smem>>
      %add3A_430 = arith.constant 12 : i32
      %add3A_431 = arith.addi %mul3A_366, %add3A_430 : i32
      %get3A_432 = arith.index_cast %add3A_431 : i32 to index
      %get3A_433 = memref.load %arg0[%get3A_432] : memref<1300xf32, #tpu.memory_space<smem>>
      %sub3A = vector.broadcast %get3A_369 : f32 to vector<8x128xf32>
      %sub3A_434 = arith.subf %sub3A, %get3A_149 : vector<8x128xf32>
      %sub3A_435 = vector.broadcast %get3A_373 : f32 to vector<8x128xf32>
      %sub3A_436 = arith.subf %sub3A_435, %get3A_149 : vector<8x128xf32>
      %sub3A_437 = vector.broadcast %get3A_377 : f32 to vector<8x128xf32>
      %sub3A_438 = arith.subf %sub3A_437, %get3A_149 : vector<8x128xf32>
      %sub3A_439 = vector.broadcast %get3A_381 : f32 to vector<8x128xf32>
      %sub3A_440 = arith.subf %sub3A_439, %get3A_149 : vector<8x128xf32>
      %sub3A_441 = vector.broadcast %get3A_387 : f32 to vector<8x128xf32>
      %sub3A_442 = arith.subf %sub3A_441, %get3A_158 : vector<8x128xf32>
      %sub3A_443 = vector.broadcast %get3A_393 : f32 to vector<8x128xf32>
      %sub3A_444 = arith.subf %sub3A_443, %get3A_158 : vector<8x128xf32>
      %sub3A_445 = vector.broadcast %get3A_399 : f32 to vector<8x128xf32>
      %sub3A_446 = arith.subf %sub3A_445, %get3A_158 : vector<8x128xf32>
      %sub3A_447 = vector.broadcast %get3A_405 : f32 to vector<8x128xf32>
      %sub3A_448 = arith.subf %sub3A_447, %get3A_158 : vector<8x128xf32>
      %mul3A_449 = arith.mulf %sub3A_434, %sub3A_444 : vector<8x128xf32>
      %mul3A_450 = arith.mulf %sub3A_442, %sub3A_436 : vector<8x128xf32>
      %sub3A_451 = arith.subf %mul3A_449, %mul3A_450 : vector<8x128xf32>
      %abs3A = math.absf %sub3A_451 : vector<8x128xf32>
      %mul3A_452 = arith.mulf %sub3A_436, %sub3A_446 : vector<8x128xf32>
      %mul3A_453 = arith.mulf %sub3A_444, %sub3A_438 : vector<8x128xf32>
      %sub3A_454 = arith.subf %mul3A_452, %mul3A_453 : vector<8x128xf32>
      %abs3A_455 = math.absf %sub3A_454 : vector<8x128xf32>
      %mul3A_456 = arith.mulf %sub3A_438, %sub3A_448 : vector<8x128xf32>
      %mul3A_457 = arith.mulf %sub3A_446, %sub3A_440 : vector<8x128xf32>
      %sub3A_458 = arith.subf %mul3A_456, %mul3A_457 : vector<8x128xf32>
      %abs3A_459 = math.absf %sub3A_458 : vector<8x128xf32>
      %mul3A_460 = arith.mulf %sub3A_440, %sub3A_442 : vector<8x128xf32>
      %mul3A_461 = arith.mulf %sub3A_448, %sub3A_434 : vector<8x128xf32>
      %sub3A_462 = arith.subf %mul3A_460, %mul3A_461 : vector<8x128xf32>
      %abs3A_463 = math.absf %sub3A_462 : vector<8x128xf32>
      %add3A_464 = arith.addf %abs3A, %abs3A_455 : vector<8x128xf32>
      %add3A_465 = arith.addf %add3A_464, %abs3A_459 : vector<8x128xf32>
      %add3A_466 = arith.addf %add3A_465, %abs3A_463 : vector<8x128xf32>
      %mul3A_467 = vector.broadcast %get3A_411 : f32 to vector<8x128xf32>
      %mul3A_468 = arith.mulf %abs3A, %mul3A_467 : vector<8x128xf32>
      %mul3A_469 = vector.broadcast %get3A_417 : f32 to vector<8x128xf32>
      %mul3A_470 = arith.mulf %abs3A_455, %mul3A_469 : vector<8x128xf32>
      %mul3A_471 = vector.broadcast %get3A_423 : f32 to vector<8x128xf32>
      %mul3A_472 = arith.mulf %abs3A_459, %mul3A_471 : vector<8x128xf32>
      %mul3A_473 = vector.broadcast %get3A_429 : f32 to vector<8x128xf32>
      %mul3A_474 = arith.mulf %abs3A_463, %mul3A_473 : vector<8x128xf32>
      %max3A_475 = arith.maximumf %mul3A_468, %mul3A_472 : vector<8x128xf32>
      %max3A_476 = arith.maximumf %mul3A_470, %mul3A_474 : vector<8x128xf32>
      %max3A_477 = arith.maximumf %max3A_475, %max3A_476 : vector<8x128xf32>
      %le3A = vector.broadcast %get3A_433 : f32 to vector<8x128xf32>
      %le3A_478 = arith.cmpf ole, %add3A_466, %le3A : vector<8x128xf32>
      %select_n3A = arith.select %le3A_478, %max3A_477, %broadcast_in_dim3A_0 : vector<8x128xi1>, vector<8x128xf32>
      %lt3A = arith.cmpf olt, %select_n3A, %scan3A_350 : vector<8x128xf32>
      %select_n3A_479 = arith.select %lt3A, %select_n3A, %scan3A_350 : vector<8x128xi1>, vector<8x128xf32>
      %select_n3A_480 = arith.select %lt3A, %mul3A_468, %scan3A_351 : vector<8x128xi1>, vector<8x128xf32>
      %select_n3A_481 = arith.select %lt3A, %mul3A_470, %scan3A_352 : vector<8x128xi1>, vector<8x128xf32>
      %select_n3A_482 = arith.select %lt3A, %mul3A_472, %scan3A_353 : vector<8x128xi1>, vector<8x128xf32>
      %select_n3A_483 = arith.select %lt3A, %mul3A_474, %scan3A_354 : vector<8x128xi1>, vector<8x128xf32>
      %sub3A_484 = vector.broadcast %get3A_369 : f32 to vector<8x128xf32>
      %sub3A_485 = arith.subf %sub3A_484, %get3A_152 : vector<8x128xf32>
      %sub3A_486 = vector.broadcast %get3A_373 : f32 to vector<8x128xf32>
      %sub3A_487 = arith.subf %sub3A_486, %get3A_152 : vector<8x128xf32>
      %sub3A_488 = vector.broadcast %get3A_377 : f32 to vector<8x128xf32>
      %sub3A_489 = arith.subf %sub3A_488, %get3A_152 : vector<8x128xf32>
      %sub3A_490 = vector.broadcast %get3A_381 : f32 to vector<8x128xf32>
      %sub3A_491 = arith.subf %sub3A_490, %get3A_152 : vector<8x128xf32>
      %sub3A_492 = vector.broadcast %get3A_387 : f32 to vector<8x128xf32>
      %sub3A_493 = arith.subf %sub3A_492, %get3A_161 : vector<8x128xf32>
      %sub3A_494 = vector.broadcast %get3A_393 : f32 to vector<8x128xf32>
      %sub3A_495 = arith.subf %sub3A_494, %get3A_161 : vector<8x128xf32>
      %sub3A_496 = vector.broadcast %get3A_399 : f32 to vector<8x128xf32>
      %sub3A_497 = arith.subf %sub3A_496, %get3A_161 : vector<8x128xf32>
      %sub3A_498 = vector.broadcast %get3A_405 : f32 to vector<8x128xf32>
      %sub3A_499 = arith.subf %sub3A_498, %get3A_161 : vector<8x128xf32>
      %mul3A_500 = arith.mulf %sub3A_485, %sub3A_495 : vector<8x128xf32>
      %mul3A_501 = arith.mulf %sub3A_493, %sub3A_487 : vector<8x128xf32>
      %sub3A_502 = arith.subf %mul3A_500, %mul3A_501 : vector<8x128xf32>
      %abs3A_503 = math.absf %sub3A_502 : vector<8x128xf32>
      %mul3A_504 = arith.mulf %sub3A_487, %sub3A_497 : vector<8x128xf32>
      %mul3A_505 = arith.mulf %sub3A_495, %sub3A_489 : vector<8x128xf32>
      %sub3A_506 = arith.subf %mul3A_504, %mul3A_505 : vector<8x128xf32>
      %abs3A_507 = math.absf %sub3A_506 : vector<8x128xf32>
      %mul3A_508 = arith.mulf %sub3A_489, %sub3A_499 : vector<8x128xf32>
      %mul3A_509 = arith.mulf %sub3A_497, %sub3A_491 : vector<8x128xf32>
      %sub3A_510 = arith.subf %mul3A_508, %mul3A_509 : vector<8x128xf32>
      %abs3A_511 = math.absf %sub3A_510 : vector<8x128xf32>
      %mul3A_512 = arith.mulf %sub3A_491, %sub3A_493 : vector<8x128xf32>
      %mul3A_513 = arith.mulf %sub3A_499, %sub3A_485 : vector<8x128xf32>
      %sub3A_514 = arith.subf %mul3A_512, %mul3A_513 : vector<8x128xf32>
      %abs3A_515 = math.absf %sub3A_514 : vector<8x128xf32>
      %add3A_516 = arith.addf %abs3A_503, %abs3A_507 : vector<8x128xf32>
      %add3A_517 = arith.addf %add3A_516, %abs3A_511 : vector<8x128xf32>
      %add3A_518 = arith.addf %add3A_517, %abs3A_515 : vector<8x128xf32>
      %mul3A_519 = vector.broadcast %get3A_411 : f32 to vector<8x128xf32>
      %mul3A_520 = arith.mulf %abs3A_503, %mul3A_519 : vector<8x128xf32>
      %mul3A_521 = vector.broadcast %get3A_417 : f32 to vector<8x128xf32>
      %mul3A_522 = arith.mulf %abs3A_507, %mul3A_521 : vector<8x128xf32>
      %mul3A_523 = vector.broadcast %get3A_423 : f32 to vector<8x128xf32>
      %mul3A_524 = arith.mulf %abs3A_511, %mul3A_523 : vector<8x128xf32>
      %mul3A_525 = vector.broadcast %get3A_429 : f32 to vector<8x128xf32>
      %mul3A_526 = arith.mulf %abs3A_515, %mul3A_525 : vector<8x128xf32>
      %max3A_527 = arith.maximumf %mul3A_520, %mul3A_524 : vector<8x128xf32>
      %max3A_528 = arith.maximumf %mul3A_522, %mul3A_526 : vector<8x128xf32>
      %max3A_529 = arith.maximumf %max3A_527, %max3A_528 : vector<8x128xf32>
      %le3A_530 = vector.broadcast %get3A_433 : f32 to vector<8x128xf32>
      %le3A_531 = arith.cmpf ole, %add3A_518, %le3A_530 : vector<8x128xf32>
      %select_n3A_532 = arith.select %le3A_531, %max3A_529, %broadcast_in_dim3A_0 : vector<8x128xi1>, vector<8x128xf32>
      %lt3A_533 = arith.cmpf olt, %select_n3A_532, %scan3A_355 : vector<8x128xf32>
      %select_n3A_534 = arith.select %lt3A_533, %select_n3A_532, %scan3A_355 : vector<8x128xi1>, vector<8x128xf32>
      %select_n3A_535 = arith.select %lt3A_533, %mul3A_520, %scan3A_356 : vector<8x128xi1>, vector<8x128xf32>
      %select_n3A_536 = arith.select %lt3A_533, %mul3A_522, %scan3A_357 : vector<8x128xi1>, vector<8x128xf32>
      %select_n3A_537 = arith.select %lt3A_533, %mul3A_524, %scan3A_358 : vector<8x128xi1>, vector<8x128xf32>
      %select_n3A_538 = arith.select %lt3A_533, %mul3A_526, %scan3A_359 : vector<8x128xi1>, vector<8x128xf32>
      %sub3A_539 = vector.broadcast %get3A_369 : f32 to vector<8x128xf32>
      %sub3A_540 = arith.subf %sub3A_539, %get3A_155 : vector<8x128xf32>
      %sub3A_541 = vector.broadcast %get3A_373 : f32 to vector<8x128xf32>
      %sub3A_542 = arith.subf %sub3A_541, %get3A_155 : vector<8x128xf32>
      %sub3A_543 = vector.broadcast %get3A_377 : f32 to vector<8x128xf32>
      %sub3A_544 = arith.subf %sub3A_543, %get3A_155 : vector<8x128xf32>
      %sub3A_545 = vector.broadcast %get3A_381 : f32 to vector<8x128xf32>
      %sub3A_546 = arith.subf %sub3A_545, %get3A_155 : vector<8x128xf32>
      %sub3A_547 = vector.broadcast %get3A_387 : f32 to vector<8x128xf32>
      %sub3A_548 = arith.subf %sub3A_547, %get3A_164 : vector<8x128xf32>
      %sub3A_549 = vector.broadcast %get3A_393 : f32 to vector<8x128xf32>
      %sub3A_550 = arith.subf %sub3A_549, %get3A_164 : vector<8x128xf32>
      %sub3A_551 = vector.broadcast %get3A_399 : f32 to vector<8x128xf32>
      %sub3A_552 = arith.subf %sub3A_551, %get3A_164 : vector<8x128xf32>
      %sub3A_553 = vector.broadcast %get3A_405 : f32 to vector<8x128xf32>
      %sub3A_554 = arith.subf %sub3A_553, %get3A_164 : vector<8x128xf32>
      %mul3A_555 = arith.mulf %sub3A_540, %sub3A_550 : vector<8x128xf32>
      %mul3A_556 = arith.mulf %sub3A_548, %sub3A_542 : vector<8x128xf32>
      %sub3A_557 = arith.subf %mul3A_555, %mul3A_556 : vector<8x128xf32>
      %abs3A_558 = math.absf %sub3A_557 : vector<8x128xf32>
      %mul3A_559 = arith.mulf %sub3A_542, %sub3A_552 : vector<8x128xf32>
      %mul3A_560 = arith.mulf %sub3A_550, %sub3A_544 : vector<8x128xf32>
      %sub3A_561 = arith.subf %mul3A_559, %mul3A_560 : vector<8x128xf32>
      %abs3A_562 = math.absf %sub3A_561 : vector<8x128xf32>
      %mul3A_563 = arith.mulf %sub3A_544, %sub3A_554 : vector<8x128xf32>
      %mul3A_564 = arith.mulf %sub3A_552, %sub3A_546 : vector<8x128xf32>
      %sub3A_565 = arith.subf %mul3A_563, %mul3A_564 : vector<8x128xf32>
      %abs3A_566 = math.absf %sub3A_565 : vector<8x128xf32>
      %mul3A_567 = arith.mulf %sub3A_546, %sub3A_548 : vector<8x128xf32>
      %mul3A_568 = arith.mulf %sub3A_554, %sub3A_540 : vector<8x128xf32>
      %sub3A_569 = arith.subf %mul3A_567, %mul3A_568 : vector<8x128xf32>
      %abs3A_570 = math.absf %sub3A_569 : vector<8x128xf32>
      %add3A_571 = arith.addf %abs3A_558, %abs3A_562 : vector<8x128xf32>
      %add3A_572 = arith.addf %add3A_571, %abs3A_566 : vector<8x128xf32>
      %add3A_573 = arith.addf %add3A_572, %abs3A_570 : vector<8x128xf32>
      %mul3A_574 = vector.broadcast %get3A_411 : f32 to vector<8x128xf32>
      %mul3A_575 = arith.mulf %abs3A_558, %mul3A_574 : vector<8x128xf32>
      %mul3A_576 = vector.broadcast %get3A_417 : f32 to vector<8x128xf32>
      %mul3A_577 = arith.mulf %abs3A_562, %mul3A_576 : vector<8x128xf32>
      %mul3A_578 = vector.broadcast %get3A_423 : f32 to vector<8x128xf32>
      %mul3A_579 = arith.mulf %abs3A_566, %mul3A_578 : vector<8x128xf32>
      %mul3A_580 = vector.broadcast %get3A_429 : f32 to vector<8x128xf32>
      %mul3A_581 = arith.mulf %abs3A_570, %mul3A_580 : vector<8x128xf32>
      %max3A_582 = arith.maximumf %mul3A_575, %mul3A_579 : vector<8x128xf32>
      %max3A_583 = arith.maximumf %mul3A_577, %mul3A_581 : vector<8x128xf32>
      %max3A_584 = arith.maximumf %max3A_582, %max3A_583 : vector<8x128xf32>
      %le3A_585 = vector.broadcast %get3A_433 : f32 to vector<8x128xf32>
      %le3A_586 = arith.cmpf ole, %add3A_573, %le3A_585 : vector<8x128xf32>
      %select_n3A_587 = arith.select %le3A_586, %max3A_584, %broadcast_in_dim3A_0 : vector<8x128xi1>, vector<8x128xf32>
      %lt3A_588 = arith.cmpf olt, %select_n3A_587, %scan3A_360 : vector<8x128xf32>
      %select_n3A_589 = arith.select %lt3A_588, %select_n3A_587, %scan3A_360 : vector<8x128xi1>, vector<8x128xf32>
      %select_n3A_590 = arith.select %lt3A_588, %mul3A_575, %scan3A_361 : vector<8x128xi1>, vector<8x128xf32>
      %select_n3A_591 = arith.select %lt3A_588, %mul3A_577, %scan3A_362 : vector<8x128xi1>, vector<8x128xf32>
      %select_n3A_592 = arith.select %lt3A_588, %mul3A_579, %scan3A_363 : vector<8x128xi1>, vector<8x128xf32>
      %select_n3A_593 = arith.select %lt3A_588, %mul3A_581, %scan3A_364 : vector<8x128xi1>, vector<8x128xf32>
      scf.yield %select_n3A_479, %select_n3A_480, %select_n3A_481, %select_n3A_482, %select_n3A_483, %select_n3A_534, %select_n3A_535, %select_n3A_536, %select_n3A_537, %select_n3A_538, %select_n3A_589, %select_n3A_590, %select_n3A_591, %select_n3A_592, %select_n3A_593 : vector<8x128xf32>, vector<8x128xf32>, vector<8x128xf32>, vector<8x128xf32>, vector<8x128xf32>, vector<8x128xf32>, vector<8x128xf32>, vector<8x128xf32>, vector<8x128xf32>, vector<8x128xf32>, vector<8x128xf32>, vector<8x128xf32>, vector<8x128xf32>, vector<8x128xf32>, vector<8x128xf32>
    }
    %scan3A_170 = arith.constant 100 : i32
    %min3A_171 = arith.minimumf %scan3A_169#1, %scan3A_169#3 : vector<8x128xf32>
    %max3A_172 = arith.maximumf %scan3A_169#1, %scan3A_169#3 : vector<8x128xf32>
    %min3A_173 = arith.minimumf %scan3A_169#2, %scan3A_169#4 : vector<8x128xf32>
    %max3A_174 = arith.maximumf %scan3A_169#2, %scan3A_169#4 : vector<8x128xf32>
    %max3A_175 = arith.constant 9.99999996E-13 : f32
    %max3A_176 = vector.broadcast %max3A_175 : f32 to vector<8x128xf32>
    %max3A_177 = arith.maximumf %max3A_172, %max3A_176 : vector<8x128xf32>
    %div3A_178 = arith.divf %min3A_171, %max3A_177 : vector<8x128xf32>
    %max3A_179 = arith.constant 9.99999996E-13 : f32
    %max3A_180 = vector.broadcast %max3A_179 : f32 to vector<8x128xf32>
    %max3A_181 = arith.maximumf %max3A_174, %max3A_180 : vector<8x128xf32>
    %div3A_182 = arith.divf %min3A_173, %max3A_181 : vector<8x128xf32>
    %mul3A_183 = arith.mulf %div3A_178, %div3A_182 : vector<8x128xf32>
    %sqrt3A_184 = math.sqrt %mul3A_183 : vector<8x128xf32>
    %swap3A_185 = arith.constant 48 : index
    %swap3A_186 = arith.constant 0 : index
    %swap3A_187 = vector.load %arg3[%swap3A_185, %swap3A_186] : memref<112x128xf32, #tpu.memory_space<vmem>>, vector<8x128xf32>
    tpu.vector_store %arg3[%swap3A_185, %swap3A_186], %sqrt3A_184 {strides = array<i32>} : memref<112x128xf32, #tpu.memory_space<vmem>>, vector<8x128xf32>,
    %min3A_188 = arith.minimumf %scan3A_169#6, %scan3A_169#8 : vector<8x128xf32>
    %max3A_189 = arith.maximumf %scan3A_169#6, %scan3A_169#8 : vector<8x128xf32>
    %min3A_190 = arith.minimumf %scan3A_169#7, %scan3A_169#9 : vector<8x128xf32>
    %max3A_191 = arith.maximumf %scan3A_169#7, %scan3A_169#9 : vector<8x128xf32>
    %max3A_192 = arith.constant 9.99999996E-13 : f32
    %max3A_193 = vector.broadcast %max3A_192 : f32 to vector<8x128xf32>
    %max3A_194 = arith.maximumf %max3A_189, %max3A_193 : vector<8x128xf32>
    %div3A_195 = arith.divf %min3A_188, %max3A_194 : vector<8x128xf32>
    %max3A_196 = arith.constant 9.99999996E-13 : f32
    %max3A_197 = vector.broadcast %max3A_196 : f32 to vector<8x128xf32>
    %max3A_198 = arith.maximumf %max3A_191, %max3A_197 : vector<8x128xf32>
    %div3A_199 = arith.divf %min3A_190, %max3A_198 : vector<8x128xf32>
    %mul3A_200 = arith.mulf %div3A_195, %div3A_199 : vector<8x128xf32>
    %sqrt3A_201 = math.sqrt %mul3A_200 : vector<8x128xf32>
    %swap3A_202 = arith.constant 56 : index
    %swap3A_203 = arith.constant 0 : index
    %swap3A_204 = vector.load %arg3[%swap3A_202, %swap3A_203] : memref<112x128xf32, #tpu.memory_space<vmem>>, vector<8x128xf32>
    tpu.vector_store %arg3[%swap3A_202, %swap3A_203], %sqrt3A_201 {strides = array<i32>} : memref<112x128xf32, #tpu.memory_space<vmem>>, vector<8x128xf32>,
    %min3A_205 = arith.minimumf %scan3A_169#11, %scan3A_169#13 : vector<8x128xf32>
    %max3A_206 = arith.maximumf %scan3A_169#11, %scan3A_169#13 : vector<8x128xf32>
    %min3A_207 = arith.minimumf %scan3A_169#12, %scan3A_169#14 : vector<8x128xf32>
    %max3A_208 = arith.maximumf %scan3A_169#12, %scan3A_169#14 : vector<8x128xf32>
    %max3A_209 = arith.constant 9.99999996E-13 : f32
    %max3A_210 = vector.broadcast %max3A_209 : f32 to vector<8x128xf32>
    %max3A_211 = arith.maximumf %max3A_206, %max3A_210 : vector<8x128xf32>
    %div3A_212 = arith.divf %min3A_205, %max3A_211 : vector<8x128xf32>
    %max3A_213 = arith.constant 9.99999996E-13 : f32
    %max3A_214 = vector.broadcast %max3A_213 : f32 to vector<8x128xf32>
    %max3A_215 = arith.maximumf %max3A_208, %max3A_214 : vector<8x128xf32>
    %div3A_216 = arith.divf %min3A_207, %max3A_215 : vector<8x128xf32>
    %mul3A_217 = arith.mulf %div3A_212, %div3A_216 : vector<8x128xf32>
    %sqrt3A_218 = math.sqrt %mul3A_217 : vector<8x128xf32>
    %swap3A_219 = arith.constant 64 : index
    %swap3A_220 = arith.constant 0 : index
    %swap3A_221 = vector.load %arg3[%swap3A_219, %swap3A_220] : memref<112x128xf32, #tpu.memory_space<vmem>>, vector<8x128xf32>
    tpu.vector_store %arg3[%swap3A_219, %swap3A_220], %sqrt3A_218 {strides = array<i32>} : memref<112x128xf32, #tpu.memory_space<vmem>>, vector<8x128xf32>,
    %get3A_222 = arith.constant 72 : index
    %get3A_223 = arith.constant 0 : index
    %get3A_224 = vector.load %arg1[%get3A_222, %get3A_223] : memref<112x128xf32, #tpu.memory_space<vmem>>, vector<8x128xf32>
    %get3A_225 = arith.constant 80 : index
    %get3A_226 = arith.constant 0 : index
    %get3A_227 = vector.load %arg1[%get3A_225, %get3A_226] : memref<112x128xf32, #tpu.memory_space<vmem>>, vector<8x128xf32>
    %get3A_228 = arith.constant 88 : index
    %get3A_229 = arith.constant 0 : index
    %get3A_230 = vector.load %arg1[%get3A_228, %get3A_229] : memref<112x128xf32, #tpu.memory_space<vmem>>, vector<8x128xf32>
    %get3A_231 = arith.constant 72 : index
    %get3A_232 = arith.constant 0 : index
    %get3A_233 = vector.load %arg2[%get3A_231, %get3A_232] : memref<112x128xf32, #tpu.memory_space<vmem>>, vector<8x128xf32>
    %get3A_234 = arith.constant 80 : index
    %get3A_235 = arith.constant 0 : index
    %get3A_236 = vector.load %arg2[%get3A_234, %get3A_235] : memref<112x128xf32, #tpu.memory_space<vmem>>, vector<8x128xf32>
    %get3A_237 = arith.constant 88 : index
    %get3A_238 = arith.constant 0 : index
    %get3A_239 = vector.load %arg2[%get3A_237, %get3A_238] : memref<112x128xf32, #tpu.memory_space<vmem>>, vector<8x128xf32>
    %scan3A_240 = arith.constant 0 : i32
    %scan3A_241 = arith.constant 100 : i32
    %scan3A_242 = arith.addi %scan3A_240, %scan3A_241 : i32
    %scan3A_243 = arith.constant 1 : i32
    %scan3A_244:15 = scf.for %scan3A_349 = %scan3A_240 to %scan3A_242 step %scan3A_243 iter_args(%scan3A_350 = %broadcast_in_dim3A_2, %scan3A_351 = %broadcast_in_dim3A_4, %scan3A_352 = %broadcast_in_dim3A_4, %scan3A_353 = %broadcast_in_dim3A_4, %scan3A_354 = %broadcast_in_dim3A_4, %scan3A_355 = %broadcast_in_dim3A_2, %scan3A_356 = %broadcast_in_dim3A_4, %scan3A_357 = %broadcast_in_dim3A_4, %scan3A_358 = %broadcast_in_dim3A_4, %scan3A_359 = %broadcast_in_dim3A_4, %scan3A_360 = %broadcast_in_dim3A_2, %scan3A_361 = %broadcast_in_dim3A_4, %scan3A_362 = %broadcast_in_dim3A_4, %scan3A_363 = %broadcast_in_dim3A_4, %scan3A_364 = %broadcast_in_dim3A_4) -> (vector<8x128xf32>, vector<8x128xf32>, vector<8x128xf32>, vector<8x128xf32>, vector<8x128xf32>, vector<8x128xf32>, vector<8x128xf32>, vector<8x128xf32>, vector<8x128xf32>, vector<8x128xf32>, vector<8x128xf32>, vector<8x128xf32>, vector<8x128xf32>, vector<8x128xf32>, vector<8x128xf32>)  : i32 {
      %mul3A_365 = arith.constant 13 : i32
      %mul3A_366 = arith.muli %scan3A_349, %mul3A_365 : i32
      %add3A = arith.constant 0 : i32
      %add3A_367 = arith.addi %mul3A_366, %add3A : i32
      %get3A_368 = arith.index_cast %add3A_367 : i32 to index
      %get3A_369 = memref.load %arg0[%get3A_368] : memref<1300xf32, #tpu.memory_space<smem>>
      %add3A_370 = arith.constant 1 : i32
      %add3A_371 = arith.addi %mul3A_366, %add3A_370 : i32
      %get3A_372 = arith.index_cast %add3A_371 : i32 to index
      %get3A_373 = memref.load %arg0[%get3A_372] : memref<1300xf32, #tpu.memory_space<smem>>
      %add3A_374 = arith.constant 2 : i32
      %add3A_375 = arith.addi %mul3A_366, %add3A_374 : i32
      %get3A_376 = arith.index_cast %add3A_375 : i32 to index
      %get3A_377 = memref.load %arg0[%get3A_376] : memref<1300xf32, #tpu.memory_space<smem>>
      %add3A_378 = arith.constant 3 : i32
      %add3A_379 = arith.addi %mul3A_366, %add3A_378 : i32
      %get3A_380 = arith.index_cast %add3A_379 : i32 to index
      %get3A_381 = memref.load %arg0[%get3A_380] : memref<1300xf32, #tpu.memory_space<smem>>
      %add3A_382 = arith.constant 4 : i32
      %add3A_383 = arith.addi %mul3A_366, %add3A_382 : i32
      %add3A_384 = arith.constant 0 : i32
      %add3A_385 = arith.addi %add3A_383, %add3A_384 : i32
      %get3A_386 = arith.index_cast %add3A_385 : i32 to index
      %get3A_387 = memref.load %arg0[%get3A_386] : memref<1300xf32, #tpu.memory_space<smem>>
      %add3A_388 = arith.constant 4 : i32
      %add3A_389 = arith.addi %mul3A_366, %add3A_388 : i32
      %add3A_390 = arith.constant 1 : i32
      %add3A_391 = arith.addi %add3A_389, %add3A_390 : i32
      %get3A_392 = arith.index_cast %add3A_391 : i32 to index
      %get3A_393 = memref.load %arg0[%get3A_392] : memref<1300xf32, #tpu.memory_space<smem>>
      %add3A_394 = arith.constant 4 : i32
      %add3A_395 = arith.addi %mul3A_366, %add3A_394 : i32
      %add3A_396 = arith.constant 2 : i32
      %add3A_397 = arith.addi %add3A_395, %add3A_396 : i32
      %get3A_398 = arith.index_cast %add3A_397 : i32 to index
      %get3A_399 = memref.load %arg0[%get3A_398] : memref<1300xf32, #tpu.memory_space<smem>>
      %add3A_400 = arith.constant 4 : i32
      %add3A_401 = arith.addi %mul3A_366, %add3A_400 : i32
      %add3A_402 = arith.constant 3 : i32
      %add3A_403 = arith.addi %add3A_401, %add3A_402 : i32
      %get3A_404 = arith.index_cast %add3A_403 : i32 to index
      %get3A_405 = memref.load %arg0[%get3A_404] : memref<1300xf32, #tpu.memory_space<smem>>
      %add3A_406 = arith.constant 8 : i32
      %add3A_407 = arith.addi %mul3A_366, %add3A_406 : i32
      %add3A_408 = arith.constant 0 : i32
      %add3A_409 = arith.addi %add3A_407, %add3A_408 : i32
      %get3A_410 = arith.index_cast %add3A_409 : i32 to index
      %get3A_411 = memref.load %arg0[%get3A_410] : memref<1300xf32, #tpu.memory_space<smem>>
      %add3A_412 = arith.constant 8 : i32
      %add3A_413 = arith.addi %mul3A_366, %add3A_412 : i32
      %add3A_414 = arith.constant 1 : i32
      %add3A_415 = arith.addi %add3A_413, %add3A_414 : i32
      %get3A_416 = arith.index_cast %add3A_415 : i32 to index
      %get3A_417 = memref.load %arg0[%get3A_416] : memref<1300xf32, #tpu.memory_space<smem>>
      %add3A_418 = arith.constant 8 : i32
      %add3A_419 = arith.addi %mul3A_366, %add3A_418 : i32
      %add3A_420 = arith.constant 2 : i32
      %add3A_421 = arith.addi %add3A_419, %add3A_420 : i32
      %get3A_422 = arith.index_cast %add3A_421 : i32 to index
      %get3A_423 = memref.load %arg0[%get3A_422] : memref<1300xf32, #tpu.memory_space<smem>>
      %add3A_424 = arith.constant 8 : i32
      %add3A_425 = arith.addi %mul3A_366, %add3A_424 : i32
      %add3A_426 = arith.constant 3 : i32
      %add3A_427 = arith.addi %add3A_425, %add3A_426 : i32
      %get3A_428 = arith.index_cast %add3A_427 : i32 to index
      %get3A_429 = memref.load %arg0[%get3A_428] : memref<1300xf32, #tpu.memory_space<smem>>
      %add3A_430 = arith.constant 12 : i32
      %add3A_431 = arith.addi %mul3A_366, %add3A_430 : i32
      %get3A_432 = arith.index_cast %add3A_431 : i32 to index
      %get3A_433 = memref.load %arg0[%get3A_432] : memref<1300xf32, #tpu.memory_space<smem>>
      %sub3A = vector.broadcast %get3A_369 : f32 to vector<8x128xf32>
      %sub3A_434 = arith.subf %sub3A, %get3A_224 : vector<8x128xf32>
      %sub3A_435 = vector.broadcast %get3A_373 : f32 to vector<8x128xf32>
      %sub3A_436 = arith.subf %sub3A_435, %get3A_224 : vector<8x128xf32>
      %sub3A_437 = vector.broadcast %get3A_377 : f32 to vector<8x128xf32>
      %sub3A_438 = arith.subf %sub3A_437, %get3A_224 : vector<8x128xf32>
      %sub3A_439 = vector.broadcast %get3A_381 : f32 to vector<8x128xf32>
      %sub3A_440 = arith.subf %sub3A_439, %get3A_224 : vector<8x128xf32>
      %sub3A_441 = vector.broadcast %get3A_387 : f32 to vector<8x128xf32>
      %sub3A_442 = arith.subf %sub3A_441, %get3A_233 : vector<8x128xf32>
      %sub3A_443 = vector.broadcast %get3A_393 : f32 to vector<8x128xf32>
      %sub3A_444 = arith.subf %sub3A_443, %get3A_233 : vector<8x128xf32>
      %sub3A_445 = vector.broadcast %get3A_399 : f32 to vector<8x128xf32>
      %sub3A_446 = arith.subf %sub3A_445, %get3A_233 : vector<8x128xf32>
      %sub3A_447 = vector.broadcast %get3A_405 : f32 to vector<8x128xf32>
      %sub3A_448 = arith.subf %sub3A_447, %get3A_233 : vector<8x128xf32>
      %mul3A_449 = arith.mulf %sub3A_434, %sub3A_444 : vector<8x128xf32>
      %mul3A_450 = arith.mulf %sub3A_442, %sub3A_436 : vector<8x128xf32>
      %sub3A_451 = arith.subf %mul3A_449, %mul3A_450 : vector<8x128xf32>
      %abs3A = math.absf %sub3A_451 : vector<8x128xf32>
      %mul3A_452 = arith.mulf %sub3A_436, %sub3A_446 : vector<8x128xf32>
      %mul3A_453 = arith.mulf %sub3A_444, %sub3A_438 : vector<8x128xf32>
      %sub3A_454 = arith.subf %mul3A_452, %mul3A_453 : vector<8x128xf32>
      %abs3A_455 = math.absf %sub3A_454 : vector<8x128xf32>
      %mul3A_456 = arith.mulf %sub3A_438, %sub3A_448 : vector<8x128xf32>
      %mul3A_457 = arith.mulf %sub3A_446, %sub3A_440 : vector<8x128xf32>
      %sub3A_458 = arith.subf %mul3A_456, %mul3A_457 : vector<8x128xf32>
      %abs3A_459 = math.absf %sub3A_458 : vector<8x128xf32>
      %mul3A_460 = arith.mulf %sub3A_440, %sub3A_442 : vector<8x128xf32>
      %mul3A_461 = arith.mulf %sub3A_448, %sub3A_434 : vector<8x128xf32>
      %sub3A_462 = arith.subf %mul3A_460, %mul3A_461 : vector<8x128xf32>
      %abs3A_463 = math.absf %sub3A_462 : vector<8x128xf32>
      %add3A_464 = arith.addf %abs3A, %abs3A_455 : vector<8x128xf32>
      %add3A_465 = arith.addf %add3A_464, %abs3A_459 : vector<8x128xf32>
      %add3A_466 = arith.addf %add3A_465, %abs3A_463 : vector<8x128xf32>
      %mul3A_467 = vector.broadcast %get3A_411 : f32 to vector<8x128xf32>
      %mul3A_468 = arith.mulf %abs3A, %mul3A_467 : vector<8x128xf32>
      %mul3A_469 = vector.broadcast %get3A_417 : f32 to vector<8x128xf32>
      %mul3A_470 = arith.mulf %abs3A_455, %mul3A_469 : vector<8x128xf32>
      %mul3A_471 = vector.broadcast %get3A_423 : f32 to vector<8x128xf32>
      %mul3A_472 = arith.mulf %abs3A_459, %mul3A_471 : vector<8x128xf32>
      %mul3A_473 = vector.broadcast %get3A_429 : f32 to vector<8x128xf32>
      %mul3A_474 = arith.mulf %abs3A_463, %mul3A_473 : vector<8x128xf32>
      %max3A_475 = arith.maximumf %mul3A_468, %mul3A_472 : vector<8x128xf32>
      %max3A_476 = arith.maximumf %mul3A_470, %mul3A_474 : vector<8x128xf32>
      %max3A_477 = arith.maximumf %max3A_475, %max3A_476 : vector<8x128xf32>
      %le3A = vector.broadcast %get3A_433 : f32 to vector<8x128xf32>
      %le3A_478 = arith.cmpf ole, %add3A_466, %le3A : vector<8x128xf32>
      %select_n3A = arith.select %le3A_478, %max3A_477, %broadcast_in_dim3A_0 : vector<8x128xi1>, vector<8x128xf32>
      %lt3A = arith.cmpf olt, %select_n3A, %scan3A_350 : vector<8x128xf32>
      %select_n3A_479 = arith.select %lt3A, %select_n3A, %scan3A_350 : vector<8x128xi1>, vector<8x128xf32>
      %select_n3A_480 = arith.select %lt3A, %mul3A_468, %scan3A_351 : vector<8x128xi1>, vector<8x128xf32>
      %select_n3A_481 = arith.select %lt3A, %mul3A_470, %scan3A_352 : vector<8x128xi1>, vector<8x128xf32>
      %select_n3A_482 = arith.select %lt3A, %mul3A_472, %scan3A_353 : vector<8x128xi1>, vector<8x128xf32>
      %select_n3A_483 = arith.select %lt3A, %mul3A_474, %scan3A_354 : vector<8x128xi1>, vector<8x128xf32>
      %sub3A_484 = vector.broadcast %get3A_369 : f32 to vector<8x128xf32>
      %sub3A_485 = arith.subf %sub3A_484, %get3A_227 : vector<8x128xf32>
      %sub3A_486 = vector.broadcast %get3A_373 : f32 to vector<8x128xf32>
      %sub3A_487 = arith.subf %sub3A_486, %get3A_227 : vector<8x128xf32>
      %sub3A_488 = vector.broadcast %get3A_377 : f32 to vector<8x128xf32>
      %sub3A_489 = arith.subf %sub3A_488, %get3A_227 : vector<8x128xf32>
      %sub3A_490 = vector.broadcast %get3A_381 : f32 to vector<8x128xf32>
      %sub3A_491 = arith.subf %sub3A_490, %get3A_227 : vector<8x128xf32>
      %sub3A_492 = vector.broadcast %get3A_387 : f32 to vector<8x128xf32>
      %sub3A_493 = arith.subf %sub3A_492, %get3A_236 : vector<8x128xf32>
      %sub3A_494 = vector.broadcast %get3A_393 : f32 to vector<8x128xf32>
      %sub3A_495 = arith.subf %sub3A_494, %get3A_236 : vector<8x128xf32>
      %sub3A_496 = vector.broadcast %get3A_399 : f32 to vector<8x128xf32>
      %sub3A_497 = arith.subf %sub3A_496, %get3A_236 : vector<8x128xf32>
      %sub3A_498 = vector.broadcast %get3A_405 : f32 to vector<8x128xf32>
      %sub3A_499 = arith.subf %sub3A_498, %get3A_236 : vector<8x128xf32>
      %mul3A_500 = arith.mulf %sub3A_485, %sub3A_495 : vector<8x128xf32>
      %mul3A_501 = arith.mulf %sub3A_493, %sub3A_487 : vector<8x128xf32>
      %sub3A_502 = arith.subf %mul3A_500, %mul3A_501 : vector<8x128xf32>
      %abs3A_503 = math.absf %sub3A_502 : vector<8x128xf32>
      %mul3A_504 = arith.mulf %sub3A_487, %sub3A_497 : vector<8x128xf32>
      %mul3A_505 = arith.mulf %sub3A_495, %sub3A_489 : vector<8x128xf32>
      %sub3A_506 = arith.subf %mul3A_504, %mul3A_505 : vector<8x128xf32>
      %abs3A_507 = math.absf %sub3A_506 : vector<8x128xf32>
      %mul3A_508 = arith.mulf %sub3A_489, %sub3A_499 : vector<8x128xf32>
      %mul3A_509 = arith.mulf %sub3A_497, %sub3A_491 : vector<8x128xf32>
      %sub3A_510 = arith.subf %mul3A_508, %mul3A_509 : vector<8x128xf32>
      %abs3A_511 = math.absf %sub3A_510 : vector<8x128xf32>
      %mul3A_512 = arith.mulf %sub3A_491, %sub3A_493 : vector<8x128xf32>
      %mul3A_513 = arith.mulf %sub3A_499, %sub3A_485 : vector<8x128xf32>
      %sub3A_514 = arith.subf %mul3A_512, %mul3A_513 : vector<8x128xf32>
      %abs3A_515 = math.absf %sub3A_514 : vector<8x128xf32>
      %add3A_516 = arith.addf %abs3A_503, %abs3A_507 : vector<8x128xf32>
      %add3A_517 = arith.addf %add3A_516, %abs3A_511 : vector<8x128xf32>
      %add3A_518 = arith.addf %add3A_517, %abs3A_515 : vector<8x128xf32>
      %mul3A_519 = vector.broadcast %get3A_411 : f32 to vector<8x128xf32>
      %mul3A_520 = arith.mulf %abs3A_503, %mul3A_519 : vector<8x128xf32>
      %mul3A_521 = vector.broadcast %get3A_417 : f32 to vector<8x128xf32>
      %mul3A_522 = arith.mulf %abs3A_507, %mul3A_521 : vector<8x128xf32>
      %mul3A_523 = vector.broadcast %get3A_423 : f32 to vector<8x128xf32>
      %mul3A_524 = arith.mulf %abs3A_511, %mul3A_523 : vector<8x128xf32>
      %mul3A_525 = vector.broadcast %get3A_429 : f32 to vector<8x128xf32>
      %mul3A_526 = arith.mulf %abs3A_515, %mul3A_525 : vector<8x128xf32>
      %max3A_527 = arith.maximumf %mul3A_520, %mul3A_524 : vector<8x128xf32>
      %max3A_528 = arith.maximumf %mul3A_522, %mul3A_526 : vector<8x128xf32>
      %max3A_529 = arith.maximumf %max3A_527, %max3A_528 : vector<8x128xf32>
      %le3A_530 = vector.broadcast %get3A_433 : f32 to vector<8x128xf32>
      %le3A_531 = arith.cmpf ole, %add3A_518, %le3A_530 : vector<8x128xf32>
      %select_n3A_532 = arith.select %le3A_531, %max3A_529, %broadcast_in_dim3A_0 : vector<8x128xi1>, vector<8x128xf32>
      %lt3A_533 = arith.cmpf olt, %select_n3A_532, %scan3A_355 : vector<8x128xf32>
      %select_n3A_534 = arith.select %lt3A_533, %select_n3A_532, %scan3A_355 : vector<8x128xi1>, vector<8x128xf32>
      %select_n3A_535 = arith.select %lt3A_533, %mul3A_520, %scan3A_356 : vector<8x128xi1>, vector<8x128xf32>
      %select_n3A_536 = arith.select %lt3A_533, %mul3A_522, %scan3A_357 : vector<8x128xi1>, vector<8x128xf32>
      %select_n3A_537 = arith.select %lt3A_533, %mul3A_524, %scan3A_358 : vector<8x128xi1>, vector<8x128xf32>
      %select_n3A_538 = arith.select %lt3A_533, %mul3A_526, %scan3A_359 : vector<8x128xi1>, vector<8x128xf32>
      %sub3A_539 = vector.broadcast %get3A_369 : f32 to vector<8x128xf32>
      %sub3A_540 = arith.subf %sub3A_539, %get3A_230 : vector<8x128xf32>
      %sub3A_541 = vector.broadcast %get3A_373 : f32 to vector<8x128xf32>
      %sub3A_542 = arith.subf %sub3A_541, %get3A_230 : vector<8x128xf32>
      %sub3A_543 = vector.broadcast %get3A_377 : f32 to vector<8x128xf32>
      %sub3A_544 = arith.subf %sub3A_543, %get3A_230 : vector<8x128xf32>
      %sub3A_545 = vector.broadcast %get3A_381 : f32 to vector<8x128xf32>
      %sub3A_546 = arith.subf %sub3A_545, %get3A_230 : vector<8x128xf32>
      %sub3A_547 = vector.broadcast %get3A_387 : f32 to vector<8x128xf32>
      %sub3A_548 = arith.subf %sub3A_547, %get3A_239 : vector<8x128xf32>
      %sub3A_549 = vector.broadcast %get3A_393 : f32 to vector<8x128xf32>
      %sub3A_550 = arith.subf %sub3A_549, %get3A_239 : vector<8x128xf32>
      %sub3A_551 = vector.broadcast %get3A_399 : f32 to vector<8x128xf32>
      %sub3A_552 = arith.subf %sub3A_551, %get3A_239 : vector<8x128xf32>
      %sub3A_553 = vector.broadcast %get3A_405 : f32 to vector<8x128xf32>
      %sub3A_554 = arith.subf %sub3A_553, %get3A_239 : vector<8x128xf32>
      %mul3A_555 = arith.mulf %sub3A_540, %sub3A_550 : vector<8x128xf32>
      %mul3A_556 = arith.mulf %sub3A_548, %sub3A_542 : vector<8x128xf32>
      %sub3A_557 = arith.subf %mul3A_555, %mul3A_556 : vector<8x128xf32>
      %abs3A_558 = math.absf %sub3A_557 : vector<8x128xf32>
      %mul3A_559 = arith.mulf %sub3A_542, %sub3A_552 : vector<8x128xf32>
      %mul3A_560 = arith.mulf %sub3A_550, %sub3A_544 : vector<8x128xf32>
      %sub3A_561 = arith.subf %mul3A_559, %mul3A_560 : vector<8x128xf32>
      %abs3A_562 = math.absf %sub3A_561 : vector<8x128xf32>
      %mul3A_563 = arith.mulf %sub3A_544, %sub3A_554 : vector<8x128xf32>
      %mul3A_564 = arith.mulf %sub3A_552, %sub3A_546 : vector<8x128xf32>
      %sub3A_565 = arith.subf %mul3A_563, %mul3A_564 : vector<8x128xf32>
      %abs3A_566 = math.absf %sub3A_565 : vector<8x128xf32>
      %mul3A_567 = arith.mulf %sub3A_546, %sub3A_548 : vector<8x128xf32>
      %mul3A_568 = arith.mulf %sub3A_554, %sub3A_540 : vector<8x128xf32>
      %sub3A_569 = arith.subf %mul3A_567, %mul3A_568 : vector<8x128xf32>
      %abs3A_570 = math.absf %sub3A_569 : vector<8x128xf32>
      %add3A_571 = arith.addf %abs3A_558, %abs3A_562 : vector<8x128xf32>
      %add3A_572 = arith.addf %add3A_571, %abs3A_566 : vector<8x128xf32>
      %add3A_573 = arith.addf %add3A_572, %abs3A_570 : vector<8x128xf32>
      %mul3A_574 = vector.broadcast %get3A_411 : f32 to vector<8x128xf32>
      %mul3A_575 = arith.mulf %abs3A_558, %mul3A_574 : vector<8x128xf32>
      %mul3A_576 = vector.broadcast %get3A_417 : f32 to vector<8x128xf32>
      %mul3A_577 = arith.mulf %abs3A_562, %mul3A_576 : vector<8x128xf32>
      %mul3A_578 = vector.broadcast %get3A_423 : f32 to vector<8x128xf32>
      %mul3A_579 = arith.mulf %abs3A_566, %mul3A_578 : vector<8x128xf32>
      %mul3A_580 = vector.broadcast %get3A_429 : f32 to vector<8x128xf32>
      %mul3A_581 = arith.mulf %abs3A_570, %mul3A_580 : vector<8x128xf32>
      %max3A_582 = arith.maximumf %mul3A_575, %mul3A_579 : vector<8x128xf32>
      %max3A_583 = arith.maximumf %mul3A_577, %mul3A_581 : vector<8x128xf32>
      %max3A_584 = arith.maximumf %max3A_582, %max3A_583 : vector<8x128xf32>
      %le3A_585 = vector.broadcast %get3A_433 : f32 to vector<8x128xf32>
      %le3A_586 = arith.cmpf ole, %add3A_573, %le3A_585 : vector<8x128xf32>
      %select_n3A_587 = arith.select %le3A_586, %max3A_584, %broadcast_in_dim3A_0 : vector<8x128xi1>, vector<8x128xf32>
      %lt3A_588 = arith.cmpf olt, %select_n3A_587, %scan3A_360 : vector<8x128xf32>
      %select_n3A_589 = arith.select %lt3A_588, %select_n3A_587, %scan3A_360 : vector<8x128xi1>, vector<8x128xf32>
      %select_n3A_590 = arith.select %lt3A_588, %mul3A_575, %scan3A_361 : vector<8x128xi1>, vector<8x128xf32>
      %select_n3A_591 = arith.select %lt3A_588, %mul3A_577, %scan3A_362 : vector<8x128xi1>, vector<8x128xf32>
      %select_n3A_592 = arith.select %lt3A_588, %mul3A_579, %scan3A_363 : vector<8x128xi1>, vector<8x128xf32>
      %select_n3A_593 = arith.select %lt3A_588, %mul3A_581, %scan3A_364 : vector<8x128xi1>, vector<8x128xf32>
      scf.yield %select_n3A_479, %select_n3A_480, %select_n3A_481, %select_n3A_482, %select_n3A_483, %select_n3A_534, %select_n3A_535, %select_n3A_536, %select_n3A_537, %select_n3A_538, %select_n3A_589, %select_n3A_590, %select_n3A_591, %select_n3A_592, %select_n3A_593 : vector<8x128xf32>, vector<8x128xf32>, vector<8x128xf32>, vector<8x128xf32>, vector<8x128xf32>, vector<8x128xf32>, vector<8x128xf32>, vector<8x128xf32>, vector<8x128xf32>, vector<8x128xf32>, vector<8x128xf32>, vector<8x128xf32>, vector<8x128xf32>, vector<8x128xf32>, vector<8x128xf32>
    }
    %scan3A_245 = arith.constant 100 : i32
    %min3A_246 = arith.minimumf %scan3A_244#1, %scan3A_244#3 : vector<8x128xf32>
    %max3A_247 = arith.maximumf %scan3A_244#1, %scan3A_244#3 : vector<8x128xf32>
    %min3A_248 = arith.minimumf %scan3A_244#2, %scan3A_244#4 : vector<8x128xf32>
    %max3A_249 = arith.maximumf %scan3A_244#2, %scan3A_244#4 : vector<8x128xf32>
    %max3A_250 = arith.constant 9.99999996E-13 : f32
    %max3A_251 = vector.broadcast %max3A_250 : f32 to vector<8x128xf32>
    %max3A_252 = arith.maximumf %max3A_247, %max3A_251 : vector<8x128xf32>
    %div3A_253 = arith.divf %min3A_246, %max3A_252 : vector<8x128xf32>
    %max3A_254 = arith.constant 9.99999996E-13 : f32
    %max3A_255 = vector.broadcast %max3A_254 : f32 to vector<8x128xf32>
    %max3A_256 = arith.maximumf %max3A_249, %max3A_255 : vector<8x128xf32>
    %div3A_257 = arith.divf %min3A_248, %max3A_256 : vector<8x128xf32>
    %mul3A_258 = arith.mulf %div3A_253, %div3A_257 : vector<8x128xf32>
    %sqrt3A_259 = math.sqrt %mul3A_258 : vector<8x128xf32>
    %swap3A_260 = arith.constant 72 : index
    %swap3A_261 = arith.constant 0 : index
    %swap3A_262 = vector.load %arg3[%swap3A_260, %swap3A_261] : memref<112x128xf32, #tpu.memory_space<vmem>>, vector<8x128xf32>
    tpu.vector_store %arg3[%swap3A_260, %swap3A_261], %sqrt3A_259 {strides = array<i32>} : memref<112x128xf32, #tpu.memory_space<vmem>>, vector<8x128xf32>,
    %min3A_263 = arith.minimumf %scan3A_244#6, %scan3A_244#8 : vector<8x128xf32>
    %max3A_264 = arith.maximumf %scan3A_244#6, %scan3A_244#8 : vector<8x128xf32>
    %min3A_265 = arith.minimumf %scan3A_244#7, %scan3A_244#9 : vector<8x128xf32>
    %max3A_266 = arith.maximumf %scan3A_244#7, %scan3A_244#9 : vector<8x128xf32>
    %max3A_267 = arith.constant 9.99999996E-13 : f32
    %max3A_268 = vector.broadcast %max3A_267 : f32 to vector<8x128xf32>
    %max3A_269 = arith.maximumf %max3A_264, %max3A_268 : vector<8x128xf32>
    %div3A_270 = arith.divf %min3A_263, %max3A_269 : vector<8x128xf32>
    %max3A_271 = arith.constant 9.99999996E-13 : f32
    %max3A_272 = vector.broadcast %max3A_271 : f32 to vector<8x128xf32>
    %max3A_273 = arith.maximumf %max3A_266, %max3A_272 : vector<8x128xf32>
    %div3A_274 = arith.divf %min3A_265, %max3A_273 : vector<8x128xf32>
    %mul3A_275 = arith.mulf %div3A_270, %div3A_274 : vector<8x128xf32>
    %sqrt3A_276 = math.sqrt %mul3A_275 : vector<8x128xf32>
    %swap3A_277 = arith.constant 80 : index
    %swap3A_278 = arith.constant 0 : index
    %swap3A_279 = vector.load %arg3[%swap3A_277, %swap3A_278] : memref<112x128xf32, #tpu.memory_space<vmem>>, vector<8x128xf32>
    tpu.vector_store %arg3[%swap3A_277, %swap3A_278], %sqrt3A_276 {strides = array<i32>} : memref<112x128xf32, #tpu.memory_space<vmem>>, vector<8x128xf32>,
    %min3A_280 = arith.minimumf %scan3A_244#11, %scan3A_244#13 : vector<8x128xf32>
    %max3A_281 = arith.maximumf %scan3A_244#11, %scan3A_244#13 : vector<8x128xf32>
    %min3A_282 = arith.minimumf %scan3A_244#12, %scan3A_244#14 : vector<8x128xf32>
    %max3A_283 = arith.maximumf %scan3A_244#12, %scan3A_244#14 : vector<8x128xf32>
    %max3A_284 = arith.constant 9.99999996E-13 : f32
    %max3A_285 = vector.broadcast %max3A_284 : f32 to vector<8x128xf32>
    %max3A_286 = arith.maximumf %max3A_281, %max3A_285 : vector<8x128xf32>
    %div3A_287 = arith.divf %min3A_280, %max3A_286 : vector<8x128xf32>
    %max3A_288 = arith.constant 9.99999996E-13 : f32
    %max3A_289 = vector.broadcast %max3A_288 : f32 to vector<8x128xf32>
    %max3A_290 = arith.maximumf %max3A_283, %max3A_289 : vector<8x128xf32>
    %div3A_291 = arith.divf %min3A_282, %max3A_290 : vector<8x128xf32>
    %mul3A_292 = arith.mulf %div3A_287, %div3A_291 : vector<8x128xf32>
    %sqrt3A_293 = math.sqrt %mul3A_292 : vector<8x128xf32>
    %swap3A_294 = arith.constant 88 : index
    %swap3A_295 = arith.constant 0 : index
    %swap3A_296 = vector.load %arg3[%swap3A_294, %swap3A_295] : memref<112x128xf32, #tpu.memory_space<vmem>>, vector<8x128xf32>
    tpu.vector_store %arg3[%swap3A_294, %swap3A_295], %sqrt3A_293 {strides = array<i32>} : memref<112x128xf32, #tpu.memory_space<vmem>>, vector<8x128xf32>,
    %get3A_297 = arith.constant 96 : index
    %get3A_298 = arith.constant 0 : index
    %get3A_299 = vector.load %arg1[%get3A_297, %get3A_298] : memref<112x128xf32, #tpu.memory_space<vmem>>, vector<8x128xf32>
    %get3A_300 = arith.constant 104 : index
    %get3A_301 = arith.constant 0 : index
    %get3A_302 = vector.load %arg1[%get3A_300, %get3A_301] : memref<112x128xf32, #tpu.memory_space<vmem>>, vector<8x128xf32>
    %get3A_303 = arith.constant 96 : index
    %get3A_304 = arith.constant 0 : index
    %get3A_305 = vector.load %arg2[%get3A_303, %get3A_304] : memref<112x128xf32, #tpu.memory_space<vmem>>, vector<8x128xf32>
    %get3A_306 = arith.constant 104 : index
    %get3A_307 = arith.constant 0 : index
    %get3A_308 = vector.load %arg2[%get3A_306, %get3A_307] : memref<112x128xf32, #tpu.memory_space<vmem>>, vector<8x128xf32>
    %scan3A_309 = arith.constant 0 : i32
    %scan3A_310 = arith.constant 100 : i32
    %scan3A_311 = arith.addi %scan3A_309, %scan3A_310 : i32
    %scan3A_312 = arith.constant 1 : i32
    %scan3A_313:10 = scf.for %scan3A_349 = %scan3A_309 to %scan3A_311 step %scan3A_312 iter_args(%scan3A_350 = %broadcast_in_dim3A_2, %scan3A_351 = %broadcast_in_dim3A_4, %scan3A_352 = %broadcast_in_dim3A_4, %scan3A_353 = %broadcast_in_dim3A_4, %scan3A_354 = %broadcast_in_dim3A_4, %scan3A_355 = %broadcast_in_dim3A_2, %scan3A_356 = %broadcast_in_dim3A_4, %scan3A_357 = %broadcast_in_dim3A_4, %scan3A_358 = %broadcast_in_dim3A_4, %scan3A_359 = %broadcast_in_dim3A_4) -> (vector<8x128xf32>, vector<8x128xf32>, vector<8x128xf32>, vector<8x128xf32>, vector<8x128xf32>, vector<8x128xf32>, vector<8x128xf32>, vector<8x128xf32>, vector<8x128xf32>, vector<8x128xf32>)  : i32 {
      %mul3A_360 = arith.constant 13 : i32
      %mul3A_361 = arith.muli %scan3A_349, %mul3A_360 : i32
      %add3A = arith.constant 0 : i32
      %add3A_362 = arith.addi %mul3A_361, %add3A : i32
      %get3A_363 = arith.index_cast %add3A_362 : i32 to index
      %get3A_364 = memref.load %arg0[%get3A_363] : memref<1300xf32, #tpu.memory_space<smem>>
      %add3A_365 = arith.constant 1 : i32
      %add3A_366 = arith.addi %mul3A_361, %add3A_365 : i32
      %get3A_367 = arith.index_cast %add3A_366 : i32 to index
      %get3A_368 = memref.load %arg0[%get3A_367] : memref<1300xf32, #tpu.memory_space<smem>>
      %add3A_369 = arith.constant 2 : i32
      %add3A_370 = arith.addi %mul3A_361, %add3A_369 : i32
      %get3A_371 = arith.index_cast %add3A_370 : i32 to index
      %get3A_372 = memref.load %arg0[%get3A_371] : memref<1300xf32, #tpu.memory_space<smem>>
      %add3A_373 = arith.constant 3 : i32
      %add3A_374 = arith.addi %mul3A_361, %add3A_373 : i32
      %get3A_375 = arith.index_cast %add3A_374 : i32 to index
      %get3A_376 = memref.load %arg0[%get3A_375] : memref<1300xf32, #tpu.memory_space<smem>>
      %add3A_377 = arith.constant 4 : i32
      %add3A_378 = arith.addi %mul3A_361, %add3A_377 : i32
      %add3A_379 = arith.constant 0 : i32
      %add3A_380 = arith.addi %add3A_378, %add3A_379 : i32
      %get3A_381 = arith.index_cast %add3A_380 : i32 to index
      %get3A_382 = memref.load %arg0[%get3A_381] : memref<1300xf32, #tpu.memory_space<smem>>
      %add3A_383 = arith.constant 4 : i32
      %add3A_384 = arith.addi %mul3A_361, %add3A_383 : i32
      %add3A_385 = arith.constant 1 : i32
      %add3A_386 = arith.addi %add3A_384, %add3A_385 : i32
      %get3A_387 = arith.index_cast %add3A_386 : i32 to index
      %get3A_388 = memref.load %arg0[%get3A_387] : memref<1300xf32, #tpu.memory_space<smem>>
      %add3A_389 = arith.constant 4 : i32
      %add3A_390 = arith.addi %mul3A_361, %add3A_389 : i32
      %add3A_391 = arith.constant 2 : i32
      %add3A_392 = arith.addi %add3A_390, %add3A_391 : i32
      %get3A_393 = arith.index_cast %add3A_392 : i32 to index
      %get3A_394 = memref.load %arg0[%get3A_393] : memref<1300xf32, #tpu.memory_space<smem>>
      %add3A_395 = arith.constant 4 : i32
      %add3A_396 = arith.addi %mul3A_361, %add3A_395 : i32
      %add3A_397 = arith.constant 3 : i32
      %add3A_398 = arith.addi %add3A_396, %add3A_397 : i32
      %get3A_399 = arith.index_cast %add3A_398 : i32 to index
      %get3A_400 = memref.load %arg0[%get3A_399] : memref<1300xf32, #tpu.memory_space<smem>>
      %add3A_401 = arith.constant 8 : i32
      %add3A_402 = arith.addi %mul3A_361, %add3A_401 : i32
      %add3A_403 = arith.constant 0 : i32
      %add3A_404 = arith.addi %add3A_402, %add3A_403 : i32
      %get3A_405 = arith.index_cast %add3A_404 : i32 to index
      %get3A_406 = memref.load %arg0[%get3A_405] : memref<1300xf32, #tpu.memory_space<smem>>
      %add3A_407 = arith.constant 8 : i32
      %add3A_408 = arith.addi %mul3A_361, %add3A_407 : i32
      %add3A_409 = arith.constant 1 : i32
      %add3A_410 = arith.addi %add3A_408, %add3A_409 : i32
      %get3A_411 = arith.index_cast %add3A_410 : i32 to index
      %get3A_412 = memref.load %arg0[%get3A_411] : memref<1300xf32, #tpu.memory_space<smem>>
      %add3A_413 = arith.constant 8 : i32
      %add3A_414 = arith.addi %mul3A_361, %add3A_413 : i32
      %add3A_415 = arith.constant 2 : i32
      %add3A_416 = arith.addi %add3A_414, %add3A_415 : i32
      %get3A_417 = arith.index_cast %add3A_416 : i32 to index
      %get3A_418 = memref.load %arg0[%get3A_417] : memref<1300xf32, #tpu.memory_space<smem>>
      %add3A_419 = arith.constant 8 : i32
      %add3A_420 = arith.addi %mul3A_361, %add3A_419 : i32
      %add3A_421 = arith.constant 3 : i32
      %add3A_422 = arith.addi %add3A_420, %add3A_421 : i32
      %get3A_423 = arith.index_cast %add3A_422 : i32 to index
      %get3A_424 = memref.load %arg0[%get3A_423] : memref<1300xf32, #tpu.memory_space<smem>>
      %add3A_425 = arith.constant 12 : i32
      %add3A_426 = arith.addi %mul3A_361, %add3A_425 : i32
      %get3A_427 = arith.index_cast %add3A_426 : i32 to index
      %get3A_428 = memref.load %arg0[%get3A_427] : memref<1300xf32, #tpu.memory_space<smem>>
      %sub3A = vector.broadcast %get3A_364 : f32 to vector<8x128xf32>
      %sub3A_429 = arith.subf %sub3A, %get3A_299 : vector<8x128xf32>
      %sub3A_430 = vector.broadcast %get3A_368 : f32 to vector<8x128xf32>
      %sub3A_431 = arith.subf %sub3A_430, %get3A_299 : vector<8x128xf32>
      %sub3A_432 = vector.broadcast %get3A_372 : f32 to vector<8x128xf32>
      %sub3A_433 = arith.subf %sub3A_432, %get3A_299 : vector<8x128xf32>
      %sub3A_434 = vector.broadcast %get3A_376 : f32 to vector<8x128xf32>
      %sub3A_435 = arith.subf %sub3A_434, %get3A_299 : vector<8x128xf32>
      %sub3A_436 = vector.broadcast %get3A_382 : f32 to vector<8x128xf32>
      %sub3A_437 = arith.subf %sub3A_436, %get3A_305 : vector<8x128xf32>
      %sub3A_438 = vector.broadcast %get3A_388 : f32 to vector<8x128xf32>
      %sub3A_439 = arith.subf %sub3A_438, %get3A_305 : vector<8x128xf32>
      %sub3A_440 = vector.broadcast %get3A_394 : f32 to vector<8x128xf32>
      %sub3A_441 = arith.subf %sub3A_440, %get3A_305 : vector<8x128xf32>
      %sub3A_442 = vector.broadcast %get3A_400 : f32 to vector<8x128xf32>
      %sub3A_443 = arith.subf %sub3A_442, %get3A_305 : vector<8x128xf32>
      %mul3A_444 = arith.mulf %sub3A_429, %sub3A_439 : vector<8x128xf32>
      %mul3A_445 = arith.mulf %sub3A_437, %sub3A_431 : vector<8x128xf32>
      %sub3A_446 = arith.subf %mul3A_444, %mul3A_445 : vector<8x128xf32>
      %abs3A = math.absf %sub3A_446 : vector<8x128xf32>
      %mul3A_447 = arith.mulf %sub3A_431, %sub3A_441 : vector<8x128xf32>
      %mul3A_448 = arith.mulf %sub3A_439, %sub3A_433 : vector<8x128xf32>
      %sub3A_449 = arith.subf %mul3A_447, %mul3A_448 : vector<8x128xf32>
      %abs3A_450 = math.absf %sub3A_449 : vector<8x128xf32>
      %mul3A_451 = arith.mulf %sub3A_433, %sub3A_443 : vector<8x128xf32>
      %mul3A_452 = arith.mulf %sub3A_441, %sub3A_435 : vector<8x128xf32>
      %sub3A_453 = arith.subf %mul3A_451, %mul3A_452 : vector<8x128xf32>
      %abs3A_454 = math.absf %sub3A_453 : vector<8x128xf32>
      %mul3A_455 = arith.mulf %sub3A_435, %sub3A_437 : vector<8x128xf32>
      %mul3A_456 = arith.mulf %sub3A_443, %sub3A_429 : vector<8x128xf32>
      %sub3A_457 = arith.subf %mul3A_455, %mul3A_456 : vector<8x128xf32>
      %abs3A_458 = math.absf %sub3A_457 : vector<8x128xf32>
      %add3A_459 = arith.addf %abs3A, %abs3A_450 : vector<8x128xf32>
      %add3A_460 = arith.addf %add3A_459, %abs3A_454 : vector<8x128xf32>
      %add3A_461 = arith.addf %add3A_460, %abs3A_458 : vector<8x128xf32>
      %mul3A_462 = vector.broadcast %get3A_406 : f32 to vector<8x128xf32>
      %mul3A_463 = arith.mulf %abs3A, %mul3A_462 : vector<8x128xf32>
      %mul3A_464 = vector.broadcast %get3A_412 : f32 to vector<8x128xf32>
      %mul3A_465 = arith.mulf %abs3A_450, %mul3A_464 : vector<8x128xf32>
      %mul3A_466 = vector.broadcast %get3A_418 : f32 to vector<8x128xf32>
      %mul3A_467 = arith.mulf %abs3A_454, %mul3A_466 : vector<8x128xf32>
      %mul3A_468 = vector.broadcast %get3A_424 : f32 to vector<8x128xf32>
      %mul3A_469 = arith.mulf %abs3A_458, %mul3A_468 : vector<8x128xf32>
      %max3A_470 = arith.maximumf %mul3A_463, %mul3A_467 : vector<8x128xf32>
      %max3A_471 = arith.maximumf %mul3A_465, %mul3A_469 : vector<8x128xf32>
      %max3A_472 = arith.maximumf %max3A_470, %max3A_471 : vector<8x128xf32>
      %le3A = vector.broadcast %get3A_428 : f32 to vector<8x128xf32>
      %le3A_473 = arith.cmpf ole, %add3A_461, %le3A : vector<8x128xf32>
      %select_n3A = arith.select %le3A_473, %max3A_472, %broadcast_in_dim3A_0 : vector<8x128xi1>, vector<8x128xf32>
      %lt3A = arith.cmpf olt, %select_n3A, %scan3A_350 : vector<8x128xf32>
      %select_n3A_474 = arith.select %lt3A, %select_n3A, %scan3A_350 : vector<8x128xi1>, vector<8x128xf32>
      %select_n3A_475 = arith.select %lt3A, %mul3A_463, %scan3A_351 : vector<8x128xi1>, vector<8x128xf32>
      %select_n3A_476 = arith.select %lt3A, %mul3A_465, %scan3A_352 : vector<8x128xi1>, vector<8x128xf32>
      %select_n3A_477 = arith.select %lt3A, %mul3A_467, %scan3A_353 : vector<8x128xi1>, vector<8x128xf32>
      %select_n3A_478 = arith.select %lt3A, %mul3A_469, %scan3A_354 : vector<8x128xi1>, vector<8x128xf32>
      %sub3A_479 = vector.broadcast %get3A_364 : f32 to vector<8x128xf32>
      %sub3A_480 = arith.subf %sub3A_479, %get3A_302 : vector<8x128xf32>
      %sub3A_481 = vector.broadcast %get3A_368 : f32 to vector<8x128xf32>
      %sub3A_482 = arith.subf %sub3A_481, %get3A_302 : vector<8x128xf32>
      %sub3A_483 = vector.broadcast %get3A_372 : f32 to vector<8x128xf32>
      %sub3A_484 = arith.subf %sub3A_483, %get3A_302 : vector<8x128xf32>
      %sub3A_485 = vector.broadcast %get3A_376 : f32 to vector<8x128xf32>
      %sub3A_486 = arith.subf %sub3A_485, %get3A_302 : vector<8x128xf32>
      %sub3A_487 = vector.broadcast %get3A_382 : f32 to vector<8x128xf32>
      %sub3A_488 = arith.subf %sub3A_487, %get3A_308 : vector<8x128xf32>
      %sub3A_489 = vector.broadcast %get3A_388 : f32 to vector<8x128xf32>
      %sub3A_490 = arith.subf %sub3A_489, %get3A_308 : vector<8x128xf32>
      %sub3A_491 = vector.broadcast %get3A_394 : f32 to vector<8x128xf32>
      %sub3A_492 = arith.subf %sub3A_491, %get3A_308 : vector<8x128xf32>
      %sub3A_493 = vector.broadcast %get3A_400 : f32 to vector<8x128xf32>
      %sub3A_494 = arith.subf %sub3A_493, %get3A_308 : vector<8x128xf32>
      %mul3A_495 = arith.mulf %sub3A_480, %sub3A_490 : vector<8x128xf32>
      %mul3A_496 = arith.mulf %sub3A_488, %sub3A_482 : vector<8x128xf32>
      %sub3A_497 = arith.subf %mul3A_495, %mul3A_496 : vector<8x128xf32>
      %abs3A_498 = math.absf %sub3A_497 : vector<8x128xf32>
      %mul3A_499 = arith.mulf %sub3A_482, %sub3A_492 : vector<8x128xf32>
      %mul3A_500 = arith.mulf %sub3A_490, %sub3A_484 : vector<8x128xf32>
      %sub3A_501 = arith.subf %mul3A_499, %mul3A_500 : vector<8x128xf32>
      %abs3A_502 = math.absf %sub3A_501 : vector<8x128xf32>
      %mul3A_503 = arith.mulf %sub3A_484, %sub3A_494 : vector<8x128xf32>
      %mul3A_504 = arith.mulf %sub3A_492, %sub3A_486 : vector<8x128xf32>
      %sub3A_505 = arith.subf %mul3A_503, %mul3A_504 : vector<8x128xf32>
      %abs3A_506 = math.absf %sub3A_505 : vector<8x128xf32>
      %mul3A_507 = arith.mulf %sub3A_486, %sub3A_488 : vector<8x128xf32>
      %mul3A_508 = arith.mulf %sub3A_494, %sub3A_480 : vector<8x128xf32>
      %sub3A_509 = arith.subf %mul3A_507, %mul3A_508 : vector<8x128xf32>
      %abs3A_510 = math.absf %sub3A_509 : vector<8x128xf32>
      %add3A_511 = arith.addf %abs3A_498, %abs3A_502 : vector<8x128xf32>
      %add3A_512 = arith.addf %add3A_511, %abs3A_506 : vector<8x128xf32>
      %add3A_513 = arith.addf %add3A_512, %abs3A_510 : vector<8x128xf32>
      %mul3A_514 = vector.broadcast %get3A_406 : f32 to vector<8x128xf32>
      %mul3A_515 = arith.mulf %abs3A_498, %mul3A_514 : vector<8x128xf32>
      %mul3A_516 = vector.broadcast %get3A_412 : f32 to vector<8x128xf32>
      %mul3A_517 = arith.mulf %abs3A_502, %mul3A_516 : vector<8x128xf32>
      %mul3A_518 = vector.broadcast %get3A_418 : f32 to vector<8x128xf32>
      %mul3A_519 = arith.mulf %abs3A_506, %mul3A_518 : vector<8x128xf32>
      %mul3A_520 = vector.broadcast %get3A_424 : f32 to vector<8x128xf32>
      %mul3A_521 = arith.mulf %abs3A_510, %mul3A_520 : vector<8x128xf32>
      %max3A_522 = arith.maximumf %mul3A_515, %mul3A_519 : vector<8x128xf32>
      %max3A_523 = arith.maximumf %mul3A_517, %mul3A_521 : vector<8x128xf32>
      %max3A_524 = arith.maximumf %max3A_522, %max3A_523 : vector<8x128xf32>
      %le3A_525 = vector.broadcast %get3A_428 : f32 to vector<8x128xf32>
      %le3A_526 = arith.cmpf ole, %add3A_513, %le3A_525 : vector<8x128xf32>
      %select_n3A_527 = arith.select %le3A_526, %max3A_524, %broadcast_in_dim3A_0 : vector<8x128xi1>, vector<8x128xf32>
      %lt3A_528 = arith.cmpf olt, %select_n3A_527, %scan3A_355 : vector<8x128xf32>
      %select_n3A_529 = arith.select %lt3A_528, %select_n3A_527, %scan3A_355 : vector<8x128xi1>, vector<8x128xf32>
      %select_n3A_530 = arith.select %lt3A_528, %mul3A_515, %scan3A_356 : vector<8x128xi1>, vector<8x128xf32>
      %select_n3A_531 = arith.select %lt3A_528, %mul3A_517, %scan3A_357 : vector<8x128xi1>, vector<8x128xf32>
      %select_n3A_532 = arith.select %lt3A_528, %mul3A_519, %scan3A_358 : vector<8x128xi1>, vector<8x128xf32>
      %select_n3A_533 = arith.select %lt3A_528, %mul3A_521, %scan3A_359 : vector<8x128xi1>, vector<8x128xf32>
      scf.yield %select_n3A_474, %select_n3A_475, %select_n3A_476, %select_n3A_477, %select_n3A_478, %select_n3A_529, %select_n3A_530, %select_n3A_531, %select_n3A_532, %select_n3A_533 : vector<8x128xf32>, vector<8x128xf32>, vector<8x128xf32>, vector<8x128xf32>, vector<8x128xf32>, vector<8x128xf32>, vector<8x128xf32>, vector<8x128xf32>, vector<8x128xf32>, vector<8x128xf32>
    }
    %scan3A_314 = arith.constant 100 : i32
    %min3A_315 = arith.minimumf %scan3A_313#1, %scan3A_313#3 : vector<8x128xf32>
    %max3A_316 = arith.maximumf %scan3A_313#1, %scan3A_313#3 : vector<8x128xf32>
    %min3A_317 = arith.minimumf %scan3A_313#2, %scan3A_313#4 : vector<8x128xf32>
    %max3A_318 = arith.maximumf %scan3A_313#2, %scan3A_313#4 : vector<8x128xf32>
    %max3A_319 = arith.constant 9.99999996E-13 : f32
    %max3A_320 = vector.broadcast %max3A_319 : f32 to vector<8x128xf32>
    %max3A_321 = arith.maximumf %max3A_316, %max3A_320 : vector<8x128xf32>
    %div3A_322 = arith.divf %min3A_315, %max3A_321 : vector<8x128xf32>
    %max3A_323 = arith.constant 9.99999996E-13 : f32
    %max3A_324 = vector.broadcast %max3A_323 : f32 to vector<8x128xf32>
    %max3A_325 = arith.maximumf %max3A_318, %max3A_324 : vector<8x128xf32>
    %div3A_326 = arith.divf %min3A_317, %max3A_325 : vector<8x128xf32>
    %mul3A_327 = arith.mulf %div3A_322, %div3A_326 : vector<8x128xf32>
    %sqrt3A_328 = math.sqrt %mul3A_327 : vector<8x128xf32>
    %swap3A_329 = arith.constant 96 : index
    %swap3A_330 = arith.constant 0 : index
    %swap3A_331 = vector.load %arg3[%swap3A_329, %swap3A_330] : memref<112x128xf32, #tpu.memory_space<vmem>>, vector<8x128xf32>
    tpu.vector_store %arg3[%swap3A_329, %swap3A_330], %sqrt3A_328 {strides = array<i32>} : memref<112x128xf32, #tpu.memory_space<vmem>>, vector<8x128xf32>,
    %min3A_332 = arith.minimumf %scan3A_313#6, %scan3A_313#8 : vector<8x128xf32>
    %max3A_333 = arith.maximumf %scan3A_313#6, %scan3A_313#8 : vector<8x128xf32>
    %min3A_334 = arith.minimumf %scan3A_313#7, %scan3A_313#9 : vector<8x128xf32>
    %max3A_335 = arith.maximumf %scan3A_313#7, %scan3A_313#9 : vector<8x128xf32>
    %max3A_336 = arith.constant 9.99999996E-13 : f32
    %max3A_337 = vector.broadcast %max3A_336 : f32 to vector<8x128xf32>
    %max3A_338 = arith.maximumf %max3A_333, %max3A_337 : vector<8x128xf32>
    %div3A_339 = arith.divf %min3A_332, %max3A_338 : vector<8x128xf32>
    %max3A_340 = arith.constant 9.99999996E-13 : f32
    %max3A_341 = vector.broadcast %max3A_340 : f32 to vector<8x128xf32>
    %max3A_342 = arith.maximumf %max3A_335, %max3A_341 : vector<8x128xf32>
    %div3A_343 = arith.divf %min3A_334, %max3A_342 : vector<8x128xf32>
    %mul3A_344 = arith.mulf %div3A_339, %div3A_343 : vector<8x128xf32>
    %sqrt3A_345 = math.sqrt %mul3A_344 : vector<8x128xf32>
    %swap3A_346 = arith.constant 104 : index
    %swap3A_347 = arith.constant 0 : index
    %swap3A_348 = vector.load %arg3[%swap3A_346, %swap3A_347] : memref<112x128xf32, #tpu.memory_space<vmem>>, vector<8x128xf32>
    tpu.vector_store %arg3[%swap3A_346, %swap3A_347], %sqrt3A_345 {strides = array<i32>} : memref<112x128xf32, #tpu.memory_space<vmem>>, vector<8x128xf32>,
    return
  }
}

</mosaic_0001>

<sc_bundles>
// kernel: kernel.4.cloned.1.call-start
scs
__scs_entry_jumppad:
0x0: {  	(pc) =	sbr.rel $0x88, $3  }
0x1: {  	(tag) =	ssettag $0x0;
	lr =	simm.s32 $0x1  }
0x2: {  	[smem:$0x3F9E] =	sst lr;
	_ =	strace $0xD0000000  }
0x3: {  	_ = 	snop  }
0x4: {  	_ = 	snop  }
0x5: {  	_ = 	snop  }
0x6: {  	_ = 	snop  }
0x7: {  	_ = 	snop  }
__scs_overlays_trampoline_lowered:
0x8: {  	[smem:$0x3FAD] =	sst s0  }
0x9: {  	[smem:$0x3FAE] =	sst s1  }
0xa: {  	[smem:$0x3FAF] =	sst s2  }
0xb: {  	[smem:$0x3FB0] =	sst s3  }
0xc: {  	[smem:$0x3FB1] =	sst s4  }
0xd: {  	[smem:$0x3FB2] =	sst s5  }
0xe: {  	[smem:$0x3FB3] =	sst s6  }
0xf: {  	[smem:$0x3FB4] =	sst s7  }
0x10: {  	[smem:$0x3FB5] =	sst s8  }
0x11: {  	[smem:$0x3FB6] =	sst s9;
	s0 =	simm.s32 @!p0 $0x0  }
0x12: {  	s1 =	sld [smem:$0x3F9C];
	s0 =	simm.s32 @p0 $0x1  }
0x13: {  	[smem:$0x3FB7] =	sst s0;
	s0 =	simm.s32 @!p1 $0x0  }
0x14: {  	s2 =	sld [smem:$0x3F9B];
	s0 =	simm.s32 @p1 $0x1  }
0x15: {  	[smem:$0x3FB8] =	sst s0;
	s0 =	simm.s32 @!p2 $0x0  }
0x16: {  	s3 =	sld [smem:$0x3FDB];
	s0 =	simm.s32 @p2 $0x1  }
0x17: {  	s4 =	simm.s32 $0x1BF5;
	[smem:$0x3FBA] =	sst s0  }
0x18: {  	s0 =	sld [smem:$0x3F9D];
	_ =	swait.ge [sflag:s4], $0x0  }
0x19: {  	s7 =	sld [smem:$0x3F9E]  }
0x1a: {  	s8 =	sadd.s32 $0xFFFFE003, lr  }
0x1b: {  	s9 =	sadd.s32 $0xFFFFFEF7, lr;
	s5 =	simm.s32 $0xFFFFFFFF;
	p2 =	slt.u32 s8, $0xFFFFF086  }
0x1c: {  	p1 =	slt.u32 s9, $0xF7A;
	s5 =	simm.s32 @!p2 $0x0  }
0x1d: {  	s5 =	simm.s32 @p1 $0x1;
	p0 =	seq.s32 s7, s2  }
0x1e: {  	s7 =	smul.u32 @!p0 $0xF7A, s2;
	p2 =	seq.s32 @!p0 s5, $0x0  }
0x1f: {  	s9 =	smul.u32 $0xF7A, s1;
	s8 =	simm.s32 @!p0 $0x1BF5;
	p2 =	por !p2, p0  }
0x20: {  	[sflag:s8] =	ssyncset.s32 @!p0 $0xFFFFF086;
	s6 =	sadd.s32 @!p0 s3, s7;
	s7 =	simm.s32 @!p0 $0x108  }
0x21: {  	s3 =	sadd.s32 s3, s9;
	s6 =	sadd.s32 @!p0 $0x88, s6;
	s7 =	simm.s32 @p2 $0x1082  }
0x22: {  	[simem:s7], [sflag:s8] =	dma.local @!p0 [hbm:s6], $0xF7A  }
0x23: {  	s9 =	sor.u32 $0xD0000000, s2;
	s6 =	simm.s32 $0x108;
	_ =	swait.ge @!p0 [sflag:s8], $0x0  }
0x24: {  	s3 =	sadd.s32 $0x88, s3;
	s6 =	simm.s32 @!p1 $0x1082;
	[sflag:s4] =	ssyncset.s32 $0xFFFFF086  }
0x25: {  	[simem:s6], [sflag:s4] =	dma.local [hbm:s3], $0xF7A  }
0x26: {  	[smem:$0x3F9E] =	sst s1;
	(tag) =	ssettag s2;
	_ =	strace s9  }
0x27: {  	s1 =	sld [smem:$0x3FAE]  }
0x28: {  	s2 =	sld [smem:$0x3FAF]  }
0x29: {  	s4 =	sld [smem:$0x3FB1]  }
0x2a: {  	p0 =	seq.s32 s5, $0x0;
	s5 =	sld [smem:$0x3FB2]  }
0x2b: {  	s6 =	sld [smem:$0x3FB3]  }
0x2c: {  	s7 =	sld [smem:$0x3FB4]  }
0x2d: {  	s3 =	simm.s32 $0x108;
	s8 =	sld [smem:$0x3FB5]  }
0x2e: {  	s3 =	simm.s32 @!p0 $0x1082;
	s9 =	sld [smem:$0x3FB6]  }
0x2f: {  	lr =	sadd.s32 s0, s3;
	s0 =	sld [smem:$0x3FAD]  }
0x30: {  	s3 =	sld [smem:$0x3FB0]  }
0x31: {  	[smem:$0x3FB9] =	sst s10  }
0x32: {  	s10 =	sld [smem:$0x3FB7];
	_ =	sdelay $0x3  }
0x33: {  	p0 =	seq.s32 s10, $0x1;
	s10 =	sld [smem:$0x3FB9];
	_ =	sdelay $0x3  }
0x34: {  	[smem:$0x3FB9] =	sst s10  }
0x35: {  	s10 =	sld [smem:$0x3FB8];
	_ =	sdelay $0x3  }
0x36: {  	p1 =	seq.s32 s10, $0x1;
	s10 =	sld [smem:$0x3FB9];
	_ =	sdelay $0x3  }
0x37: {  	[smem:$0x3FB9] =	sst s10  }
0x38: {  	s10 =	sld [smem:$0x3FBA]  }
0x39: {  	_ = 	snop;
	(pc) =	sbr.ind lr, $3  }
0x3a: {  	_ = 	snop  }
0x3b: {  	_ = 	snop  }
0x3c: {  	p2 =	seq.s32 s10, $0x1;
	s10 =	sld [smem:$0x3FB9]  }
0x3d: {  	_ =	shalt  }
0x3e: {  	_ =	shalt  }
0x3f: {  	_ =	shalt  }
0x40: {  	_ =	shalt  }
0x41: {  	_ =	shalt  }
0x42: {  	_ =	shalt  }
0x43: {  	_ =	shalt  }
0x44: {  	_ =	shalt  }
0x45: {  	_ =	shalt  }
0x46: {  	_ =	shalt  }
0x47: {  	_ =	shalt  }
0x48: {  	_ =	shalt  }
0x49: {  	_ =	shalt  }
0x4a: {  	_ =	shalt  }
0x4b: {  	_ =	shalt  }
0x4c: {  	_ =	shalt  }
0x4d: {  	_ =	shalt  }
0x4e: {  	_ =	shalt  }
0x4f: {  	_ =	shalt  }
0x50: {  	_ =	shalt  }
0x51: {  	_ =	shalt  }
0x52: {  	_ =	shalt  }
0x53: {  	_ =	shalt  }
0x54: {  	_ =	shalt  }
0x55: {  	_ =	shalt  }
0x56: {  	_ =	shalt  }
0x57: {  	_ =	shalt  }
0x58: {  	_ =	shalt  }
0x59: {  	_ =	shalt  }
0x5a: {  	_ =	shalt  }
0x5b: {  	_ =	shalt  }
0x5c: {  	_ =	shalt  }
0x5d: {  	_ =	shalt  }
0x5e: {  	_ =	shalt  }
0x5f: {  	_ =	shalt  }
0x60: {  	_ =	shalt  }
0x61: {  	_ =	shalt  }
0x62: {  	_ =	shalt  }
0x63: {  	_ =	shalt  }
0x64: {  	_ =	shalt  }
0x65: {  	_ =	shalt  }
0x66: {  	_ =	shalt  }
0x67: {  	_ =	shalt  }
0x68: {  	_ =	shalt  }
0x69: {  	_ =	shalt  }
0x6a: {  	_ =	shalt  }
0x6b: {  	_ =	shalt  }
0x6c: {  	_ =	shalt  }
0x6d: {  	_ =	shalt  }
0x6e: {  	_ =	shalt  }
0x6f: {  	_ =	shalt  }
0x70: {  	_ =	shalt  }
0x71: {  	_ =	shalt  }
0x72: {  	_ =	shalt  }
0x73: {  	_ =	shalt  }
0x74: {  	_ =	shalt  }
0x75: {  	_ =	shalt  }
0x76: {  	_ =	shalt  }
0x77: {  	_ =	shalt  }
0x78: {  	_ =	shalt  }
0x79: {  	_ =	shalt  }
0x7a: {  	_ =	shalt  }
0x7b: {  	_ =	shalt  }
0x7c: {  	_ =	shalt  }
0x7d: {  	_ =	shalt  }
0x7e: {  	_ =	shalt  }
0x7f: {  	_ =	shalt  }
0x80: {  	_ =	shalt  }
0x81: {  	_ =	shalt  }
0x82: {  	_ =	shalt  }
0x83: {  	_ =	shalt  }
0x84: {  	_ =	shalt  }
0x85: {  	_ =	shalt  }
0x86: {  	_ =	shalt  }
0x87: {  	_ =	shalt  }
.Lfunc_end0:
.L_simem_size_0:
called_computation_lowered:
.L_overlay_start_0:
0x88: {  	s2 =	sld [smem:$0x3FD9]  }
0x89: {  	s3 =	sld [smem:$0x3FFE];
	_ =	sdelay $0x1  }
0x8a: {  	s1 =	srdreg.scid  }
0x8b: {  	s0 =	sand.u32 $0x1, s1  }
0x8c: {  	s17 =	sshll.u32 s0, $0xA;
	s2 =	sadd.s32 s3, s2  }
0x8d: {  	s2 =	sadd.s32 s2, s17  }
0x8e: {  	[smem:$0x3FC5] =	sst s2  }
0x8f: {  	_ = 	snop  }
0x90: {  	s2 =	sld [smem:$0x3FD0];
	(tm) =	ssettm $0x1  }
0x91: {  	s18 =	sld [smem:$0x3FFB];
	_ =	sdelay $0x3  }
0x92: {  	_ =	strace s18  }
0x93: {  	s3 =	sld [smem:$0x3FFC];
	_ =	sdelay $0x3  }
0x94: {  	_ =	strace s3  }
0x95: {  	s3 =	sld [smem:$0x3FFD];
	_ =	sdelay $0x3  }
0x96: {  	_ =	strace s3  }
0x97: {  	_ =	strace $0x8FFFFFFF  }
0x98: {  	s19 =	sld [smem:$0x3FDB];
	_ =	sdelay $0x1  }
0x99: {  	s4 =	simm.s32 $_scs_section_size  }
0x9a: {  	s5 =	simm.s32 $_size__tile_overlayer_lowered;
	s6 =	simm.s32 $_tile_overlayer_lowered  }
0x9b: {  	s22 =	simm.s32 $0x1BFF;
	s21 =	sshll.u32 s6, $0x1;
	s3 =	sadd.s32 s4, s19  }
0x9c: {  	s7 =	simm.s32 $0x0;
	s20 =	sshll.u32 s5, $0x1;
	s5 =	sadd.s32 s21, s3  }
0x9d: {  	[timem:s7], [sflag:s22] =	dma.local [hbm:s5], s20  }
0x9e: {  	_ =	swait.ge [sflag:s22], s20  }
0x9f: {  	s4 =	ssub.s32 $0x0, s20;
	[sflag:s22] =	ssyncset.done $0x0  }
0xa0: {  	[sflag:s22] =	ssyncadd.s32 s4;
	_ =	sdelay $0x1  }
0xa1: {  	s23 =	simm.s32 $0x1B8B  }
0xa2: {  	_ =	swait.ge [sflag:s23], $0x1  }
0xa3: {  	[sflag:s23] =	ssyncset.done $0x0  }
0xa4: {  	s25 =	simm.s32 $0x1B8E;
	s24 =	sld [smem:$0x3FFE];
	[sflag:s23] =	ssyncadd.s32 $0xFFFFFFFF  }
0xa5: {  	s26 =	simm.s32 $execute0_lowered;
	[smem:$0x3FD2] =	sst s25  }
0xa6: {  	s5 =	sshll.u32 s26, $0x1;
	_ =	strace $0x80000046;
	[dreg:$0x1] =	wrdreg $0xFFFFFFFF  }
0xa7: {  	s28 =	simm.s32 $_size_execute0_lowered;
	s3 =	sadd.s32 s3, s5;
	[dreg:$0x0] =	wrdreg $0x0  }
0xa8: {  	s5 =	sshll.u32 s28, $0x1;
	[dreg:$0x2] =	wrdreg s3  }
0xa9: {  	[dreg:$0x3] =	wrdreg s5  }
0xaa: {  	[dreg:$0x4] =	wrdreg $0xC0  }
0xab: {  	_ =	task [dreg:s7], $0x5FFFF  }
0xac: {  	[dreg:$0x1] =	wrdreg $0xFFFFFFFF  }
0xad: {  	[dreg:$0x0] =	wrdreg $0x60  }
0xae: {  	[dreg:$0x2] =	wrdreg s24  }
0xaf: {  	[dreg:$0x3] =	wrdreg s2  }
0xb0: {  	[dreg:$0x4] =	wrdreg $0x9  }
0xb1: {  	_ =	task.clear_ibuf [dreg:s7], $0x5FFFF;
	_ =	strace $0x90000046  }
0xb2: {  	s29 =	simm.s32 $0x9;
	_ =	strace $0x80000048  }
0xb3: {  	_ =	swait.ge [sflag:s29], $0x1  }
0xb4: {  	[sflag:s29] =	ssyncadd.s32 $0xFFFFFFFF  }
0xb5: {  	_ =	strace $0x90000048  }
0xb6: {  	_ =	sfence  }
0xb7: {  	s30 =	sld [smem:$0x0];
	_ =	sdelay $0x2  }
0xb8: {  	s31 =	sshll.u32 s1, $0xD;
	s1 =	sshrl.u32 s1, $0x2  }
0xb9: {  	s3 =	sand.u32 $0x4000, s31;
	s1 =	sadd.s32 s1, s30  }
0xba: {  	s0 =	sor.u32 s3, s0;
	s1 =	sshll.u32 s1, $0x11  }
0xbb: {  	s0 =	sor.u32 s1, s0  }
0xbc: {  	s0 =	sadd.s32 $0x8F2B, s0  }
0xbd: {  	[sflag:s0] =	ssyncadd.remote.s32 $0x1  }
0xbe: {  	_ =	sfence.sel $0xFFFF  }
0xbf: {  	[dreg:$0x0] =	wrdreg $0xFFFFFFFF;
	(pc) =	sbr.abs _section_cstart, $3  }
0xc0: {  	[dreg:$0x1] =	wrdreg $0xFFFFFFFF  }
0xc1: {  	_ =	task.clear_ibuf [dreg:s7], $0x2FFFF;
	_ =	strace $0x9FFFFFFF  }
0xc2: {  	(tm) =	ssettm $0x7FFFFFFF  }
0xc3: {  	_ =	shalt  }
tec
execute0_lowered:
.L_overlay_start_1:
0x0: {  	(tag) =	ssettag $0x1  }
0x1: {  	s4 =	rddreg [dreg:$0x0]  }
0x2: {  	s1 =	srdreg.scid;
	s0 =	stileid.u32  }
0x3: {  	s5 =	rddreg [dreg:$0x1];
	s2 =	simm.s32 $0x0;
	s10 =	simm.s32 $0x1  }
0x4: {  	s11 =	simm.s32 $0x5380;
	s12 =	simm.s32 $0x2;
	s13 =	simm.s32 $0x0  }
0x5: {  	s3 =	sand.u32 $0x1, s1;
	s6 =	sshll.u32 s0, $0x1;
	s1 =	rddreg [dreg:$0x2]  }
0x6: {  	[smem:$0x7FF] =	sst s2;
	s6 =	sor.u32 s3, s6;
	s7 =	ssub.s32 $0x2, s3  }
0x7: {  	_ =	strace $0x80000047;
	s6 =	smul.u32 $0x18, s6;
	s8 =	sshrl.u32 s7, $0x1  }
0x8: {  	s3 =	sadd.s32 $0x1800, s4;
	s7 =	ssub.s32 s7, s8;
	s8 =	simm.s32 $0x5180  }
0x9: {  	s9 =	sadd.s32 s6, s4;
	s4 =	sadd.s32 s5, s6;
	s7 =	smax.u32 s7, $0x1  }
0xa: {  	s5 =	sadd.s32 $0x2400, s9;
	s6 =	sadd.s32 $0x2800, s9;
	s9 =	simm.s32 $0x5280  }
.LBB2_1:
0xb: {  	[tilespmem:s2], [sflag:$0x1] =	stream.linear.gather [hbm4b:s3+s2], $0x5180, $0x38;
	[tilespmem:$0x5480] =	vst v63  }
0xc: {  	_ = 	snop  }
0xd: {  	[tilespmem:s8], [sflag:$0x1] =	stream.linear.gather [hbm4b:s4+s2], $0xC0, $0x38;
	[tilespmem:$0x5480] =	vst v63  }
0xe: {  	_ = 	snop  }
0xf: {  	[tilespmem:s9], [sflag:$0x1] =	stream.linear.gather [hbm4b:s5+s2], $0xC0, $0x38;
	[tilespmem:$0x5480] =	vst v63  }
0x10: {  	_ =	swait.ge [sflag:s10], $0x5180  }
0x11: {  	[sflag:s10] =	ssyncset.done $0x0  }
0x12: {  	[sflag:s10] =	ssyncadd.s32 $0xFFFFAE80  }
0x13: {  	_ =	swait.ge [sflag:s10], $0xC0  }
0x14: {  	[sflag:s10] =	ssyncset.done $0x0  }
0x15: {  	[sflag:s10] =	ssyncadd.s32 $0xFFFFFF40  }
0x16: {  	_ =	swait.ge [sflag:s10], $0xC0  }
0x17: {  	[sflag:s10] =	ssyncset.done $0x0  }
0x18: {  	[sflag:s10] =	ssyncadd.s32 $0xFFFFFF40  }
0x19: {  	v0 =	vld [tilespmem:$0x5180]  }
0x1a: {  	v1 =	vld [tilespmem:$0x5190]  }
0x1b: {  	v2 =	vld [tilespmem:$0x51A0]  }
0x1c: {  	v3 =	vld [tilespmem:$0x51B0]  }
0x1d: {  	v4 =	vld [tilespmem:$0x5280]  }
0x1e: {  	v5 =	vld [tilespmem:$0x5290]  }
0x1f: {  	v6 =	vld [tilespmem:$0x52A0]  }
0x20: {  	s14 =	simm.s32 $0x60;
	v7 =	vld [tilespmem:$0x52B0]  }
0x21: {  	v8 =	vld [tilespmem:s14+$0xFFFFFFD0]  }
0x22: {  	v9 =	vld [tilespmem:s14+$0x10]  }
0x23: {  	v10 =	vld [tilespmem:s14+$0xFFFFFFA0]  }
0x24: {  	v11 =	vld [tilespmem:s14+$0xFFFFFFB0]  }
0x25: {  	v12 =	vld [tilespmem:s14+$0xFFFFFFC0]  }
0x26: {  	v13 =	vld [tilespmem:s14+$0xFFFFFFE0];
	v14 =	vsub.f32 v8, v0  }
0x27: {  	v15 =	vld [tilespmem:s14+$0x0];
	v16 =	vsub.f32 v9, v4;
	v17 =	vsub.f32 v8, v1  }
0x28: {  	v18 =	vsub.f32 v9, v5;
	v19 =	vsub.f32 v8, v2  }
0x29: {  	v20 =	vsub.f32 v9, v6;
	v8 =	vsub.f32 v8, v3  }
0x2a: {  	v21 =	vsub.f32 v10, v0;
	v9 =	vsub.f32 v9, v7  }
0x2b: {  	v22 =	vsub.f32 v11, v0;
	v23 =	vsub.f32 v12, v0  }
0x2c: {  	v24 =	vsub.f32 v13, v4;
	v25 =	vsub.f32 v15, v4  }
0x2d: {  	v26 =	vsub.f32 v10, v1;
	v27 =	vsub.f32 v12, v1  }
0x2e: {  	v28 =	vsub.f32 v13, v5;
	v29 =	vsub.f32 v15, v5  }
0x2f: {  	v30 =	vsub.f32 v10, v2;
	v31 =	vsub.f32 v13, v6  }
0x30: {  	v10 =	vsub.f32 v10, v3;
	v32 =	vmul.f32 v24, v14;
	v33 =	vmul.f32 v16, v21  }
0x31: {  	v34 =	vld [tilespmem:s14+$0xFFFFFFF0];
	v13 =	vsub.f32 v13, v7;
	v35 =	vmul.f32 v28, v17;
	v36 =	vmul.f32 v18, v26  }
0x32: {  	v37 =	vsub.f32 v12, v2;
	v38 =	vmul.f32 v31, v19;
	v39 =	vmul.f32 v20, v30  }
0x33: {  	v40 =	vsub.f32 v15, v6;
	v41 =	vmul.f32 v13, v8;
	v42 =	vmul.f32 v9, v10  }
0x34: {  	v12 =	vsub.f32 v12, v3;
	v16 =	vmul.f32 v16, v23;
	v14 =	vmul.f32 v25, v14  }
0x35: {  	v15 =	vsub.f32 v15, v7;
	v18 =	vmul.f32 v18, v27;
	v17 =	vmul.f32 v29, v17  }
0x36: {  	v43 =	vsub.f32 v34, v4;
	v20 =	vmul.f32 v20, v37;
	v19 =	vmul.f32 v40, v19  }
0x37: {  	v44 =	vsub.f32 v11, v1;
	v9 =	vmul.f32 v9, v12;
	v8 =	vmul.f32 v15, v8  }
0x38: {  	v45 =	vsub.f32 v34, v5;
	v21 =	vmul.f32 v43, v21;
	v24 =	vmul.f32 v24, v22  }
0x39: {  	v59 =	vsub.f32 v34, v6;
	v22 =	vmul.f32 v25, v22;
	v23 =	vmul.f32 v43, v23  }
0x3a: {  	v60 =	vsub.f32 v34, v7;
	v26 =	vmul.f32 v45, v26;
	v28 =	vmul.f32 v28, v44  }
0x3b: {  	v25 =	vsub.f32 v11, v2;
	v29 =	vmul.f32 v29, v44;
	v27 =	vmul.f32 v45, v27  }
0x3c: {  	v11 =	vsub.f32 v11, v3;
	v30 =	vmul.f32 v59, v30;
	v61 =	vmul.f32 v59, v37  }
0x3d: {  	v10 =	vmul.f32 v60, v10;
	v32 =	vsub.f32 v32, v33;
	v35 =	vsub.f32 v35, v36  }
0x3e: {  	v12 =	vmul.f32 v60, v12;
	v62 =	vsub.f32 v38, v39;
	v63 =	vsub.f32 v41, v42  }
0x3f: {  	v31 =	vmul.f32 v31, v25;
	v14 =	vsub.f32 v16, v14;
	v16 =	vsub.f32 v18, v17  }
0x40: {  	v25 =	vmul.f32 v40, v25;
	v17 =	vsub.f32 v20, v19;
	v34 =	vsub.f32 v9, v8  }
0x41: {  	v13 =	vmul.f32 v13, v11;
	v18 =	vsub.f32 v21, v24;
	v19 =	vsub.f32 v22, v23  }
0x42: {  	v11 =	vmul.f32 v15, v11;
	v47 =	vsub.f32 v26, v28;
	v44 =	vsub.f32 v29, v27  }
0x43: {  	v9 =	vimm.f32 $2.000000000e+08;
	v8 =	vimm.f32 $0.0e+00;
	v15 =	vimm.f32 $2.000000000e+08  }
0x44: {  	v21 =	vimm.f32 $0.0e+00;
	v22 =	vimm.f32 $0.0e+00;
	v23 =	vimm.f32 $0.0e+00  }
0x45: {  	v26 =	vimm.f32 $0.0e+00;
	v27 =	vimm.f32 $0.0e+00;
	v24 =	vimm.f32 $0.0e+00  }
0x46: {  	v20 =	vimm.f32 $0.0e+00;
	v45 =	vsub.f32 v30, v31;
	v42 =	vsub.f32 v25, v61  }
0x47: {  	v40 =	vsub.f32 v10, v13;
	v29 =	vsub.f32 v11, v12;
	v33 =	vand.u32 $0x7FFFFFFF, v32  }
0x48: {  	[tilespmem:$0x1FFA0] =	vst v0;
	v30 =	vand.u32 $0x7FFFFFFF, v35;
	v31 =	vand.u32 $0x7FFFFFFF, v62;
	v35 =	vand.u32 $0x7FFFFFFF, v14  }
0x49: {  	s15 =	sand.u32 $0x7FF0, s2;
	[tilespmem:$0x1FFB0] =	vst v4;
	v36 =	vand.u32 $0x7FFFFFFF, v16;
	v32 =	vand.u32 $0x7FFFFFFF, v63;
	v28 =	vand.u32 $0x7FFFFFFF, v18  }
0x4a: {  	v46 =	vld [tilespmem:s15+$0x80];
	[tilespmem:$0x1FFC0] =	vst v1;
	v43 =	vand.u32 $0x7FFFFFFF, v19;
	v37 =	vand.u32 $0x7FFFFFFF, v17;
	v14 =	vimm.f32 $2.000000000e+08  }
0x4b: {  	[tilespmem:$0x1FFD0] =	vst v5;
	v38 =	vld [tilespmem:s14+$0x30];
	v16 =	vimm.f32 $2.000000000e+08;
	v11 =	vimm.f32 $0.0e+00;
	v12 =	vimm.f32 $0.0e+00  }
0x4c: {  	[tilespmem:$0x1FFE0] =	vst v2;
	v39 =	vld [tilespmem:s14+$0x40];
	v13 =	vimm.f32 $0.0e+00;
	v17 =	vimm.f32 $0.0e+00;
	v18 =	vimm.f32 $0.0e+00  }
0x4d: {  	s15 =	simm.s32 $0xD0;
	[tilespmem:$0x1FFF0] =	vst v3;
	v41 =	vld [tilespmem:s14+$0x50];
	v19 =	vimm.f32 $0.0e+00;
	v25 =	vimm.f32 $0.0e+00;
	v10 =	vimm.f32 $0.0e+00  }
.LBB2_2:
0x4e: {  	_ =	sdelay $0x2  }
0x4f: {  	v34 =	vand.u32 $0x7FFFFFFF, v34;
	v1 =	vadd.f32 v43, v28;
	v47 =	vand.u32 $0x7FFFFFFF, v47  }
0x50: {  	v44 =	vand.u32 $0x7FFFFFFF, v44;
	v48 =	vmul.f32 v28, v46;
	v49 =	vmul.f32 v43, v38  }
0x51: {  	v45 =	vand.u32 $0x7FFFFFFF, v45;
	v50 =	vmul.f32 v35, v39;
	v51 =	vmul.f32 v41, v33  }
0x52: {  	v42 =	vand.u32 $0x7FFFFFFF, v42;
	v52 =	vmul.f32 v47, v46;
	v53 =	vmul.f32 v44, v38  }
0x53: {  	v40 =	vand.u32 $0x7FFFFFFF, v40;
	v54 =	vmul.f32 v36, v39;
	v55 =	vmul.f32 v41, v30  }
0x54: {  	v60 =	vand.u32 $0x7FFFFFFF, v29;
	v56 =	vmul.f32 v45, v46;
	v57 =	vmul.f32 v42, v38  }
0x55: {  	v2 =	vadd.f32 v42, v45;
	v58 =	vmul.f32 v37, v39;
	v59 =	vmul.f32 v41, v31  }
0x56: {  	v3 =	vadd.f32 v35, v1;
	v46 =	vmul.f32 v40, v46;
	v38 =	vmul.f32 v60, v38  }
0x57: {  	v44 =	vadd.f32 v44, v47;
	v29 =	vmul.f32 v34, v39;
	v40 =	vadd.f32 v60, v40  }
0x58: {  	v28 =	vmul.f32 v41, v32;
	v0 =	vadd.f32 v37, v2;
	v2 =	vadd.f32 v3, v33  }
0x59: {  	v47 =	vld [tilespmem:s14+$0x60];
	v41 =	vmax.f32 v48, v50;
	v42 =	vmax.f32 v49, v51;
	v45 =	vmax.f32 v52, v54  }
0x5a: {  	v60 =	vmax.f32 v53, v55;
	v61 =	vmax.f32 v56, v58;
	v62 =	vmax.f32 v57, v59  }
0x5b: {  	v36 =	vadd.f32 v36, v44;
	v63 =	vmax.f32 v46, v29;
	v34 =	vadd.f32 v34, v40  }
0x5c: {  	v1 =	vmax.f32 v38, v28;
	v31 =	vadd.f32 v0, v31;
	v3 =	vmax.f32 v41, v42  }
0x5d: {  	v4 =	vld [tilespmem:$0x1FFE0];
	s14 =	sadd.s32 $0xD0, s14;
	v44 =	vmax.f32 v45, v60;
	v45 =	vmax.f32 v61, v62;
	v30 =	vadd.f32 v36, v30  }
0x5e: {  	v61 =	vmax.f32 v63, v1;
	v63 =	vld [tilespmem:s14+$0x10];
	v60 =	vadd.f32 v34, v32;
	vm0 =	vle.f32 v2, v47  }
0x5f: {  	v1 =	vld [tilespmem:$0x1FFB0];
	vm1 =	vle.f32 v31, v47;
	v62 =	vnsel vm0, $0x4CBEBC20, v3;
	vm14 =	vle.f32 v30, v47  }
0x60: {  	v37 =	vld [tilespmem:s14+$0x0];
	vm15 =	vle.f32 v60, v47;
	v47 =	vnsel vm1, $0x4CBEBC20, v45;
	vm2 =	vlt.f32 v62, v9  }
0x61: {  	v0 =	vld [tilespmem:$0x1FFA0];
	v31 =	vnsel vm14, $0x4CBEBC20, v44;
	v33 =	vnsel vm15, $0x4CBEBC20, v61;
	vm1 =	vlt.f32 v47, v15  }
0x62: {  	v36 =	vld [tilespmem:s14+$0xFFFFFFB0];
	v9 =	vsel vm2, v62, v9;
	vm3 =	vlt.f32 v31, v14;
	vm0 =	vlt.f32 v33, v16  }
0x63: {  	v2 =	vld [tilespmem:$0x1FFC0];
	v15 =	vsel vm1, v47, v15;
	v8 =	vsel vm2, v48, v8;
	v11 =	vsel vm2, v49, v11  }
0x64: {  	v30 =	vld [tilespmem:s14+$0xFFFFFFD0];
	v12 =	vsel vm2, v50, v12;
	v13 =	vsel vm2, v51, v13;
	v39 =	vsub.f32 v63, v1  }
0x65: {  	v3 =	vld [tilespmem:$0x1FFD0];
	v43 =	vsub.f32 v63, v6;
	v32 =	vsub.f32 v63, v7;
	v22 =	vsel vm1, v56, v22  }
0x66: {  	v5 =	vld [tilespmem:$0x1FFF0];
	v23 =	vsel vm1, v57, v23;
	v49 =	vsub.f32 v37, v1;
	v26 =	vsel vm1, v58, v26  }
0x67: {  	v60 =	vld [tilespmem:s14+$0xFFFFFFA0];
	v27 =	vsel vm1, v59, v27;
	v62 =	vsub.f32 v37, v6;
	v14 =	vsel vm3, v31, v14  }
0x68: {  	v16 =	vsel vm0, v33, v16;
	v17 =	vsel vm3, v52, v17;
	v18 =	vsel vm3, v53, v18  }
0x69: {  	v61 =	vld [tilespmem:s14+$0xFFFFFFE0];
	v19 =	vsel vm3, v54, v19;
	v45 =	vsub.f32 v36, v0;
	v34 =	vsub.f32 v30, v0  }
0x6a: {  	v21 =	vsel vm3, v55, v21;
	v40 =	vsub.f32 v30, v2;
	v41 =	vsub.f32 v63, v3  }
0x6b: {  	v24 =	vsel vm0, v46, v24;
	v42 =	vsub.f32 v30, v4;
	v30 =	vsub.f32 v30, v5  }
0x6c: {  	v25 =	vsel vm0, v38, v25;
	v44 =	vsub.f32 v60, v0;
	v50 =	vsub.f32 v60, v2  }
0x6d: {  	v56 =	vld [tilespmem:s14+$0xFFFFFFF0];
	v20 =	vsel vm0, v29, v20;
	v53 =	vsub.f32 v37, v3;
	v46 =	vsub.f32 v60, v4  }
0x6e: {  	v31 =	vld [tilespmem:s14+$0xFFFFFFC0];
	v10 =	vsel vm0, v28, v10;
	v35 =	vsub.f32 v60, v5;
	v48 =	vsub.f32 v61, v1  }
0x6f: {  	v52 =	vsub.f32 v61, v3;
	v54 =	vsub.f32 v61, v6;
	v55 =	vmul.f32 v39, v44  }
0x70: {  	v33 =	vsub.f32 v61, v7;
	v58 =	vmul.f32 v41, v50;
	v61 =	vmul.f32 v43, v46  }
0x71: {  	v37 =	vsub.f32 v37, v7;
	v38 =	vmul.f32 v48, v34;
	v57 =	vmul.f32 v52, v40  }
0x72: {  	v1 =	vsub.f32 v56, v1;
	v60 =	vmul.f32 v54, v42;
	v63 =	vmul.f32 v33, v30  }
0x73: {  	v47 =	vsub.f32 v31, v0;
	v0 =	vmul.f32 v32, v35;
	v34 =	vmul.f32 v49, v34  }
0x74: {  	v3 =	vsub.f32 v56, v3;
	v40 =	vmul.f32 v53, v40;
	v42 =	vmul.f32 v62, v42  }
0x75: {  	v51 =	vsub.f32 v31, v2;
	v30 =	vmul.f32 v37, v30;
	v48 =	vmul.f32 v48, v45  }
0x76: {  	v59 =	vsub.f32 v31, v4;
	v45 =	vmul.f32 v49, v45;
	v44 =	vmul.f32 v1, v44  }
0x77: {  	v2 =	vsub.f32 v36, v2;
	v49 =	vmul.f32 v3, v50;
	v39 =	vmul.f32 v39, v47  }
0x78: {  	v31 =	vsub.f32 v31, v5;
	v41 =	vmul.f32 v41, v51;
	v43 =	vmul.f32 v43, v59  }
0x79: {  	v1 =	vmul.f32 v1, v47;
	v50 =	vmul.f32 v52, v2;
	v52 =	vsub.f32 v56, v6  }
0x7a: {  	v47 =	vsub.f32 v36, v4;
	v2 =	vmul.f32 v53, v2;
	v3 =	vmul.f32 v3, v51  }
0x7b: {  	v36 =	vsub.f32 v36, v5;
	v0 =	vsub.f32 v63, v0;
	v51 =	vmul.f32 v52, v46  }
0x7c: {  	v53 =	vmul.f32 v54, v47;
	v46 =	vsub.f32 v56, v7;
	v54 =	vsub.f32 v38, v55  }
0x7d: {  	v32 =	vmul.f32 v32, v31;
	v55 =	vsub.f32 v57, v58;
	v57 =	vsub.f32 v60, v61  }
0x7e: {  	v52 =	vmul.f32 v52, v59;
	v58 =	vsub.f32 v39, v34;
	v59 =	vsub.f32 v41, v40  }
0x7f: {  	v56 =	vmul.f32 v62, v47;
	v60 =	vsub.f32 v43, v42;
	v34 =	vsub.f32 v32, v30  }
0x80: {  	v33 =	vmul.f32 v33, v36;
	v62 =	vsub.f32 v44, v48;
	v1 =	vsub.f32 v45, v1  }
0x81: {  	p0 =	sne.s32 s15, $0x5070;
	v30 =	vmul.f32 v37, v36;
	v47 =	vsub.f32 v49, v50;
	v44 =	vsub.f32 v2, v3  }
.Ltmp0:
0x82: {  	v32 =	vand.u32 $0x7FFFFFFF, v0;
	v35 =	vmul.f32 v46, v35;
	v63 =	vmul.f32 v46, v31;
	(pc) =	sbr.rel @p0 .LBB2_2-.Ltmp0, $4  }
0x83: {  	v38 =	vld [tilespmem:s14+$0x30];
	v45 =	vsub.f32 v51, v53;
	v42 =	vsub.f32 v56, v52;
	v31 =	vand.u32 $0x7FFFFFFF, v57  }
0x84: {  	v39 =	vld [tilespmem:s14+$0x40];
	v36 =	vand.u32 $0x7FFFFFFF, v59;
	v28 =	vand.u32 $0x7FFFFFFF, v62;
	v43 =	vand.u32 $0x7FFFFFFF, v1  }
0x85: {  	s16 =	sand.u32 $0x7FF0, s15;
	v41 =	vld [tilespmem:s14+$0x50];
	v37 =	vand.u32 $0x7FFFFFFF, v60;
	v40 =	vsub.f32 v35, v33;
	v29 =	vsub.f32 v30, v63  }
0x86: {  	s15 =	sadd.s32 $0xD0, s15;
	v46 =	vld [tilespmem:s16+$0x80];
	v33 =	vand.u32 $0x7FFFFFFF, v54;
	v30 =	vand.u32 $0x7FFFFFFF, v55;
	v35 =	vand.u32 $0x7FFFFFFF, v58  }
0x87: {  	v2 =	vand.u32 $0x7FFFFFFF, v47;
	v5 =	vand.u32 $0x7FFFFFFF, v44;
	v42 =	vand.u32 $0x7FFFFFFF, v42  }
0x88: {  	v29 =	vand.u32 $0x7FFFFFFF, v29;
	v1 =	vmul.f32 v43, v38;
	v7 =	vmul.f32 v5, v38  }
0x89: {  	v60 =	vand.u32 $0x7FFFFFFF, v45;
	v49 =	vmul.f32 v42, v38;
	v38 =	vmul.f32 v29, v38  }
0x8a: {  	v40 =	vand.u32 $0x7FFFFFFF, v40;
	v3 =	vmul.f32 v35, v39;
	v45 =	vmul.f32 v36, v39  }
0x8b: {  	v34 =	vand.u32 $0x7FFFFFFF, v34;
	v50 =	vmul.f32 v37, v39;
	v4 =	vmul.f32 v41, v33  }
0x8c: {  	v29 =	vadd.f32 v29, v40;
	v47 =	vmul.f32 v41, v30;
	v51 =	vmul.f32 v41, v31  }
0x8d: {  	v61 =	vadd.f32 v42, v60;
	v0 =	vmul.f32 v28, v46;
	v6 =	vmul.f32 v2, v46  }
0x8e: {  	v29 =	vadd.f32 v34, v29;
	v48 =	vmul.f32 v60, v46;
	v46 =	vmul.f32 v40, v46  }
0x8f: {  	v28 =	vadd.f32 v43, v28;
	v2 =	vadd.f32 v5, v2;
	v5 =	vmul.f32 v34, v39  }
0x90: {  	v40 =	vmul.f32 v41, v32;
	v60 =	vadd.f32 v37, v61;
	v63 =	vmax.f32 v1, v4  }
0x91: {  	v58 =	vld [tilespmem:s14+$0x60];
	v52 =	vmax.f32 v7, v47;
	v54 =	vmax.f32 v49, v51;
	v62 =	vmax.f32 v0, v3  }
0x92: {  	v57 =	vmax.f32 v6, v45;
	v53 =	vmax.f32 v48, v50;
	v28 =	vadd.f32 v35, v28  }
0x93: {  	v2 =	vadd.f32 v36, v2;
	v59 =	vmax.f32 v46, v5;
	v61 =	vmax.f32 v38, v40  }
0x94: {  	v62 =	vmax.f32 v62, v63;
	v63 =	vmax.f32 v57, v52;
	v28 =	vadd.f32 v28, v33  }
0x95: {  	v2 =	vadd.f32 v2, v30;
	v30 =	vadd.f32 v60, v31;
	v31 =	vmax.f32 v53, v54  }
0x96: {  	vm0 =	vle.f32 v28, v58;
	v28 =	vadd.f32 v29, v32;
	v29 =	vmax.f32 v59, v61  }
0x97: {  	vm9 =	vle.f32 v2, v58;
	vm1 =	vle.f32 v30, v58;
	v41 =	vnsel vm0, $0x4CBEBC20, v62  }
0x98: {  	v2 =	vnsel vm9, $0x4CBEBC20, v63;
	vm2 =	vlt.f32 v41, v9;
	vm10 =	vle.f32 v28, v58  }
0x99: {  	v9 =	vnsel vm1, $0x4CBEBC20, v31;
	vm11 =	vlt.f32 v2, v14;
	v28 =	vnsel vm10, $0x4CBEBC20, v29  }
0x9a: {  	vm1 =	vlt.f32 v9, v15;
	v0 =	vsel vm2, v0, v8;
	v1 =	vsel vm2, v1, v11  }
0x9b: {  	v42 =	vsel vm2, v3, v12;
	v43 =	vsel vm2, v4, v13;
	v4 =	vsel vm11, v6, v17  }
0x9c: {  	v6 =	vsel vm11, v7, v18;
	v7 =	vsel vm11, v45, v19;
	v8 =	vsel vm11, v47, v21  }
0x9d: {  	vm3 =	vlt.f32 v28, v16;
	v9 =	vsel vm1, v48, v22;
	v11 =	vsel vm1, v49, v23  }
0x9e: {  	v12 =	vsel vm1, v50, v26;
	v13 =	vsel vm1, v51, v27;
	v14 =	vmax.f32 v0, v42  }
0x9f: {  	v16 =	vmax.f32 v1, v43;
	v15 =	vsel vm3, v46, v24;
	v14 =	vmax.f32 v14, $9.999999960e-13  }
0xa0: {  	v17 =	vsel vm3, v38, v25;
	(erf) = vrcp.f32 v14;
	v14 =	vmax.f32 v16, $9.999999960e-13  }
0xa1: {  	v5 =	vsel vm3, v5, v20;
	(erf) = vrcp.f32 v14;
	v14 =	vmax.f32 v4, v7  }
0xa2: {  	v10 =	vsel vm3, v40, v10;
	v16 =	vmax.f32 v6, v8;
	v14 =	vmax.f32 v14, $9.999999960e-13  }
0xa3: {  	(erf) = vrcp.f32 v14;
	v14 =	vmax.f32 v16, $9.999999960e-13;
	v16 =	vmax.f32 v9, v12  }
0xa4: {  	(erf) = vrcp.f32 v14;
	v14 =	vmax.f32 v11, v13;
	v16 =	vmax.f32 v16, $9.999999960e-13  }
0xa5: {  	(erf) = vrcp.f32 v16;
	v14 =	vmax.f32 v14, $9.999999960e-13;
	v16 =	vmax.f32 v15, v5  }
0xa6: {  	(erf) = vrcp.f32 v14;
	v14 =	vmax.f32 v17, v10;
	v16 =	vmax.f32 v16, $9.999999960e-13  }
0xa7: {  	(erf) = vrcp.f32 v16;
	v14 =	vmax.f32 v14, $9.999999960e-13  }
0xa8: {  	(erf) = vrcp.f32 v14;
	_ =	sdelay $0x1  }
0xa9: {  	v14 =	vpop (erf)  }
0xaa: {  	v0 =	vmin.f32 v0, v42;
	v1 =	vmin.f32 v1, v43;
	v16 =	vpop (erf)  }
0xab: {  	v0 =	vmul.f32 v14, v0;
	v1 =	vmul.f32 v16, v1;
	v44 =	vpop (erf)  }
0xac: {  	v47 =	vmin.f32 v6, v8;
	v46 =	vmin.f32 v4, v7;
	v45 =	vpop (erf)  }
0xad: {  	v50 =	vmin.f32 v11, v13;
	v52 =	vmin.f32 v15, v5;
	v14 =	vmul.f32 v1, v0;
	v4 =	vpop (erf)  }
0xae: {  	v7 =	vmin.f32 v9, v12;
	v0 =	vmul.f32 v44, v46;
	v1 =	vmul.f32 v45, v47;
	v48 =	vpop (erf)  }
0xaf: {  	v51 =	vmul.f32 v4, v7;
	v4 =	vmin.f32 v17, v10;
	v6 =	vmul.f32 $5.000000000e-01, v14;
	v8 =	vpop (erf)  }
0xb0: {  	v49 =	vshra.s32 v14, $0x1;
	v9 =	vmul.f32 v1, v0;
	v0 =	vmul.f32 v48, v50;
	v5 =	vpop (erf)  }
0xb1: {  	v3 =	vsub.s32 $0x5F3759DF, v49;
	v2 =	vmul.f32 v8, v52;
	v4 =	vmul.f32 v5, v4  }
0xb2: {  	v5 =	vshra.s32 v9, $0x1;
	v7 =	vmul.f32 $5.000000000e-01, v9;
	v8 =	vmul.f32 v0, v51  }
0xb3: {  	v53 =	vmul.f32 v3, v6;
	v54 =	vsub.s32 $0x5F3759DF, v5;
	v5 =	vmul.f32 v4, v2  }
0xb4: {  	v55 =	vmul.f32 v54, v7;
	v4 =	vshra.s32 v8, $0x1;
	v10 =	vmul.f32 $5.000000000e-01, v8  }
0xb5: {  	v4 =	vsub.s32 $0x5F3759DF, v4;
	v11 =	vshra.s32 v5, $0x1;
	v12 =	vmul.f32 $5.000000000e-01, v5  }
0xb6: {  	v0 =	vmul.f32 v3, v53;
	v13 =	vmul.f32 v4, v10;
	v11 =	vsub.s32 $0x5F3759DF, v11  }
0xb7: {  	v2 =	vmul.f32 v54, v55;
	v15 =	vmul.f32 v11, v12  }
0xb8: {  	v0 =	vsub.f32 $1.500000000e+00, v0;
	v13 =	vmul.f32 v4, v13  }
0xb9: {  	v2 =	vsub.f32 $1.500000000e+00, v2;
	v15 =	vmul.f32 v11, v15  }
0xba: {  	v0 =	vmul.f32 v3, v0;
	v56 =	vsub.f32 $1.500000000e+00, v13  }
0xbb: {  	v1 =	vmul.f32 v54, v2;
	v57 =	vsub.f32 $1.500000000e+00, v15  }
0xbc: {  	v13 =	vmul.f32 v0, v6;
	v3 =	vmul.f32 v4, v56  }
0xbd: {  	v4 =	vmul.f32 v1, v7;
	v2 =	vmul.f32 v11, v57  }
0xbe: {  	v11 =	vmul.f32 v13, v0;
	v13 =	vmul.f32 v3, v10  }
0xbf: {  	v4 =	vmul.f32 v4, v1;
	v15 =	vmul.f32 v2, v12  }
0xc0: {  	v11 =	vsub.f32 $1.500000000e+00, v11;
	v13 =	vmul.f32 v13, v3  }
0xc1: {  	v4 =	vsub.f32 $1.500000000e+00, v4;
	v15 =	vmul.f32 v15, v2  }
0xc2: {  	v0 =	vmul.f32 v11, v0;
	v11 =	vsub.f32 $1.500000000e+00, v13  }
0xc3: {  	v1 =	vmul.f32 v4, v1;
	v4 =	vsub.f32 $1.500000000e+00, v15  }
0xc4: {  	v6 =	vmul.f32 v0, v6;
	v3 =	vmul.f32 v11, v3  }
0xc5: {  	v7 =	vmul.f32 v1, v7;
	v2 =	vmul.f32 v4, v2  }
0xc6: {  	v4 =	vmul.f32 v6, v0;
	v6 =	vmul.f32 v3, v10  }
0xc7: {  	v7 =	vmul.f32 v7, v1;
	v10 =	vmul.f32 v2, v12  }
0xc8: {  	v4 =	vsub.f32 $1.500000000e+00, v4;
	v6 =	vmul.f32 v6, v3  }
0xc9: {  	v7 =	vsub.f32 $1.500000000e+00, v7;
	v10 =	vmul.f32 v10, v2  }
0xca: {  	v4 =	vmul.f32 v4, v0;
	v6 =	vsub.f32 $1.500000000e+00, v6  }
0xcb: {  	v60 =	vld [tilespmem:$0x51E0];
	v7 =	vmul.f32 v7, v1;
	v10 =	vsub.f32 $1.500000000e+00, v10  }
0xcc: {  	v59 =	vld [tilespmem:$0x51D0];
	v4 =	vmul.f32 v4, v14;
	v3 =	vmul.f32 v6, v3  }
0xcd: {  	v61 =	vld [tilespmem:$0x51F0];
	vm12 =	vgt.f32 v14, $0.0e+00;
	v6 =	vmul.f32 v7, v9;
	v7 =	vmul.f32 v10, v2  }
0xce: {  	v58 =	vld [tilespmem:$0x51C0];
	vm13 =	vgt.f32 v9, $0.0e+00;
	v4 =	vnsel vm12, $0x0, v4;
	v9 =	vmul.f32 v3, v8  }
0xcf: {  	vm14 =	vgt.f32 v8, $0.0e+00;
	v6 =	vnsel vm13, $0x0, v6;
	[tilespmem:$0x5380] =	vst v4;
	v4 =	vld [tilespmem:$0x52C0];
	v7 =	vmul.f32 v7, v5  }
0xd0: {  	vm15 =	vgt.f32 v5, $0.0e+00;
	[tilespmem:$0x5390] =	vst v6;
	v6 =	vnsel vm14, $0x0, v9;
	v5 =	vld [tilespmem:$0x52D0]  }
0xd1: {  	[tilespmem:$0x53A0] =	vst v6;
	v6 =	vld [tilespmem:$0x52E0];
	v7 =	vnsel vm15, $0x0, v7  }
0xd2: {  	s14 =	simm.s32 $0x60;
	[tilespmem:$0x53B0] =	vst v7;
	v7 =	vld [tilespmem:$0x52F0]  }
0xd3: {  	v8 =	vld [tilespmem:s14+$0xFFFFFFD0]  }
0xd4: {  	v9 =	vld [tilespmem:s14+$0x10]  }
0xd5: {  	v10 =	vld [tilespmem:s14+$0xFFFFFFA0]  }
0xd6: {  	v11 =	vld [tilespmem:s14+$0xFFFFFFB0]  }
0xd7: {  	v12 =	vld [tilespmem:s14+$0xFFFFFFC0]  }
0xd8: {  	v13 =	vld [tilespmem:s14+$0xFFFFFFE0];
	v14 =	vsub.f32 v8, v58  }
0xd9: {  	v15 =	vld [tilespmem:s14+$0x0];
	v16 =	vsub.f32 v9, v4;
	v17 =	vsub.f32 v8, v59  }
0xda: {  	v18 =	vsub.f32 v9, v5;
	v19 =	vsub.f32 v8, v60  }
0xdb: {  	v20 =	vsub.f32 v9, v6;
	v8 =	vsub.f32 v8, v61  }
0xdc: {  	v21 =	vsub.f32 v10, v58;
	v9 =	vsub.f32 v9, v7  }
0xdd: {  	v22 =	vsub.f32 v11, v58;
	v23 =	vsub.f32 v12, v58  }
0xde: {  	v24 =	vsub.f32 v13, v4;
	v25 =	vsub.f32 v15, v4  }
0xdf: {  	v26 =	vsub.f32 v10, v59;
	v27 =	vsub.f32 v12, v59  }
0xe0: {  	v28 =	vsub.f32 v13, v5;
	v29 =	vsub.f32 v15, v5  }
0xe1: {  	v30 =	vsub.f32 v10, v60;
	v31 =	vsub.f32 v13, v6  }
0xe2: {  	v10 =	vsub.f32 v10, v61;
	v62 =	vmul.f32 v24, v14;
	v63 =	vmul.f32 v16, v21  }
0xe3: {  	v0 =	vld [tilespmem:s14+$0xFFFFFFF0];
	v13 =	vsub.f32 v13, v7;
	v48 =	vmul.f32 v28, v17;
	v49 =	vmul.f32 v18, v26  }
0xe4: {  	v50 =	vsub.f32 v12, v60;
	v51 =	vmul.f32 v31, v19;
	v52 =	vmul.f32 v20, v30  }
0xe5: {  	v53 =	vsub.f32 v15, v6;
	v54 =	vmul.f32 v13, v8;
	v55 =	vmul.f32 v9, v10  }
0xe6: {  	v12 =	vsub.f32 v12, v61;
	v16 =	vmul.f32 v16, v23;
	v14 =	vmul.f32 v25, v14  }
0xe7: {  	v15 =	vsub.f32 v15, v7;
	v18 =	vmul.f32 v18, v27;
	v17 =	vmul.f32 v29, v17  }
0xe8: {  	v56 =	vsub.f32 v0, v4;
	v20 =	vmul.f32 v20, v50;
	v19 =	vmul.f32 v53, v19  }
0xe9: {  	v57 =	vsub.f32 v11, v59;
	v9 =	vmul.f32 v9, v12;
	v8 =	vmul.f32 v15, v8  }
0xea: {  	[tilespmem:$0x1FF40] =	vst v58;
	v58 =	vsub.f32 v0, v5;
	v21 =	vmul.f32 v56, v21;
	v24 =	vmul.f32 v24, v22  }
0xeb: {  	[tilespmem:$0x1FF60] =	vst v59;
	v59 =	vsub.f32 v0, v6;
	v22 =	vmul.f32 v25, v22;
	v23 =	vmul.f32 v56, v23  }
0xec: {  	v25 =	vsub.f32 v11, v60;
	v26 =	vmul.f32 v58, v26;
	v28 =	vmul.f32 v28, v57  }
0xed: {  	[tilespmem:$0x1FF80] =	vst v60;
	v29 =	vmul.f32 v29, v57;
	v27 =	vmul.f32 v58, v27;
	v11 =	vsub.f32 v11, v61  }
0xee: {  	[tilespmem:$0x1FF90] =	vst v61;
	v30 =	vmul.f32 v59, v30;
	v60 =	vsub.f32 v0, v7;
	v61 =	vmul.f32 v59, v50  }
0xef: {  	v31 =	vmul.f32 v31, v25;
	v32 =	vsub.f32 v62, v63;
	v35 =	vsub.f32 v48, v49  }
0xf0: {  	v25 =	vmul.f32 v53, v25;
	v62 =	vsub.f32 v51, v52;
	v63 =	vsub.f32 v54, v55  }
0xf1: {  	v14 =	vsub.f32 v16, v14;
	v16 =	vsub.f32 v18, v17;
	v10 =	vmul.f32 v60, v10  }
0xf2: {  	v17 =	vsub.f32 v20, v19;
	v13 =	vmul.f32 v13, v11;
	v34 =	vsub.f32 v9, v8  }
0xf3: {  	v18 =	vsub.f32 v21, v24;
	v19 =	vsub.f32 v22, v23;
	v11 =	vmul.f32 v15, v11  }
0xf4: {  	v47 =	vsub.f32 v26, v28;
	v44 =	vsub.f32 v29, v27;
	v12 =	vmul.f32 v60, v12  }
0xf5: {  	v8 =	vimm.f32 $0.0e+00;
	v9 =	vimm.f32 $2.000000000e+08;
	v15 =	vimm.f32 $2.000000000e+08  }
0xf6: {  	v21 =	vimm.f32 $0.0e+00;
	v22 =	vimm.f32 $0.0e+00;
	v23 =	vimm.f32 $0.0e+00  }
0xf7: {  	v26 =	vimm.f32 $0.0e+00;
	v27 =	vimm.f32 $0.0e+00;
	v24 =	vimm.f32 $0.0e+00  }
0xf8: {  	v20 =	vimm.f32 $0.0e+00;
	v45 =	vsub.f32 v30, v31;
	v41 =	vsub.f32 v25, v61  }
0xf9: {  	v40 =	vsub.f32 v10, v13;
	v29 =	vsub.f32 v11, v12;
	v33 =	vand.u32 $0x7FFFFFFF, v32  }
0xfa: {  	v30 =	vand.u32 $0x7FFFFFFF, v35;
	v31 =	vand.u32 $0x7FFFFFFF, v62;
	v35 =	vand.u32 $0x7FFFFFFF, v14  }
0xfb: {  	v36 =	vand.u32 $0x7FFFFFFF, v16;
	v32 =	vand.u32 $0x7FFFFFFF, v63;
	v28 =	vand.u32 $0x7FFFFFFF, v18  }
0xfc: {  	s15 =	simm.s32 $0x0;
	v38 =	vld [tilespmem:s14+$0x30];
	v43 =	vand.u32 $0x7FFFFFFF, v19;
	v37 =	vand.u32 $0x7FFFFFFF, v17;
	v14 =	vimm.f32 $2.000000000e+08  }
0xfd: {  	s15 =	sand.u32 $0x7FF0, s15;
	v39 =	vld [tilespmem:s14+$0x40];
	v16 =	vimm.f32 $2.000000000e+08;
	v10 =	vimm.f32 $0.0e+00;
	v11 =	vimm.f32 $0.0e+00  }
0xfe: {  	[tilespmem:$0x1FF50] =	vst v4;
	v46 =	vld [tilespmem:s15+$0x80];
	v12 =	vimm.f32 $0.0e+00;
	v17 =	vimm.f32 $0.0e+00;
	v18 =	vimm.f32 $0.0e+00  }
0xff: {  	v42 =	vld [tilespmem:s14+$0x50];
	s15 =	simm.s32 $0xD0;
	[tilespmem:$0x1FF70] =	vst v5;
	v19 =	vimm.f32 $0.0e+00;
	v25 =	vimm.f32 $0.0e+00;
	v13 =	vimm.f32 $0.0e+00  }
.LBB2_4:
0x100: {  	_ =	sdelay $0x2  }
0x101: {  	v34 =	vand.u32 $0x7FFFFFFF, v34;
	v1 =	vadd.f32 v43, v28;
	v47 =	vand.u32 $0x7FFFFFFF, v47  }
0x102: {  	v44 =	vand.u32 $0x7FFFFFFF, v44;
	v48 =	vmul.f32 v28, v46;
	v49 =	vmul.f32 v43, v38  }
0x103: {  	v45 =	vand.u32 $0x7FFFFFFF, v45;
	v50 =	vmul.f32 v35, v39;
	v51 =	vmul.f32 v42, v33  }
0x104: {  	v41 =	vand.u32 $0x7FFFFFFF, v41;
	v52 =	vmul.f32 v47, v46;
	v53 =	vmul.f32 v44, v38  }
0x105: {  	v40 =	vand.u32 $0x7FFFFFFF, v40;
	v54 =	vmul.f32 v36, v39;
	v55 =	vmul.f32 v42, v30  }
0x106: {  	v60 =	vand.u32 $0x7FFFFFFF, v29;
	v56 =	vmul.f32 v45, v46;
	v57 =	vmul.f32 v41, v38  }
0x107: {  	v2 =	vadd.f32 v41, v45;
	v58 =	vmul.f32 v37, v39;
	v59 =	vmul.f32 v42, v31  }
0x108: {  	v3 =	vadd.f32 v35, v1;
	v46 =	vmul.f32 v40, v46;
	v38 =	vmul.f32 v60, v38  }
0x109: {  	v44 =	vadd.f32 v44, v47;
	v29 =	vmul.f32 v34, v39;
	v40 =	vadd.f32 v60, v40  }
0x10a: {  	v28 =	vmul.f32 v42, v32;
	v0 =	vadd.f32 v37, v2;
	v2 =	vadd.f32 v3, v33  }
0x10b: {  	v47 =	vld [tilespmem:s14+$0x60];
	v41 =	vmax.f32 v48, v50;
	v42 =	vmax.f32 v49, v51;
	v45 =	vmax.f32 v52, v54  }
0x10c: {  	v60 =	vmax.f32 v53, v55;
	v61 =	vmax.f32 v56, v58;
	v62 =	vmax.f32 v57, v59  }
0x10d: {  	v36 =	vadd.f32 v36, v44;
	v63 =	vmax.f32 v46, v29;
	v34 =	vadd.f32 v34, v40  }
0x10e: {  	v1 =	vmax.f32 v38, v28;
	v31 =	vadd.f32 v0, v31;
	v3 =	vmax.f32 v41, v42  }
0x10f: {  	v4 =	vld [tilespmem:$0x1FF80];
	s14 =	sadd.s32 $0xD0, s14;
	v44 =	vmax.f32 v45, v60;
	v45 =	vmax.f32 v61, v62;
	v30 =	vadd.f32 v36, v30  }
0x110: {  	v61 =	vmax.f32 v63, v1;
	v63 =	vld [tilespmem:s14+$0x10];
	v60 =	vadd.f32 v34, v32;
	vm0 =	vle.f32 v2, v47  }
0x111: {  	v1 =	vld [tilespmem:$0x1FF50];
	vm1 =	vle.f32 v31, v47;
	v62 =	vnsel vm0, $0x4CBEBC20, v3;
	vm14 =	vle.f32 v30, v47  }
0x112: {  	v37 =	vld [tilespmem:s14+$0x0];
	vm15 =	vle.f32 v60, v47;
	v47 =	vnsel vm1, $0x4CBEBC20, v45;
	vm2 =	vlt.f32 v62, v9  }
0x113: {  	v0 =	vld [tilespmem:$0x1FF40];
	v31 =	vnsel vm14, $0x4CBEBC20, v44;
	v33 =	vnsel vm15, $0x4CBEBC20, v61;
	vm1 =	vlt.f32 v47, v15  }
0x114: {  	v36 =	vld [tilespmem:s14+$0xFFFFFFB0];
	v9 =	vsel vm2, v62, v9;
	vm3 =	vlt.f32 v31, v14;
	vm0 =	vlt.f32 v33, v16  }
0x115: {  	v2 =	vld [tilespmem:$0x1FF60];
	v15 =	vsel vm1, v47, v15;
	v8 =	vsel vm2, v48, v8;
	v10 =	vsel vm2, v49, v10  }
0x116: {  	v30 =	vld [tilespmem:s14+$0xFFFFFFD0];
	v11 =	vsel vm2, v50, v11;
	v12 =	vsel vm2, v51, v12;
	v39 =	vsub.f32 v63, v1  }
0x117: {  	v3 =	vld [tilespmem:$0x1FF70];
	v43 =	vsub.f32 v63, v6;
	v32 =	vsub.f32 v63, v7;
	v22 =	vsel vm1, v56, v22  }
0x118: {  	v5 =	vld [tilespmem:$0x1FF90];
	v23 =	vsel vm1, v57, v23;
	v49 =	vsub.f32 v37, v1;
	v26 =	vsel vm1, v58, v26  }
0x119: {  	v60 =	vld [tilespmem:s14+$0xFFFFFFA0];
	v27 =	vsel vm1, v59, v27;
	v62 =	vsub.f32 v37, v6;
	v14 =	vsel vm3, v31, v14  }
0x11a: {  	v16 =	vsel vm0, v33, v16;
	v17 =	vsel vm3, v52, v17;
	v18 =	vsel vm3, v53, v18  }
0x11b: {  	v61 =	vld [tilespmem:s14+$0xFFFFFFE0];
	v19 =	vsel vm3, v54, v19;
	v45 =	vsub.f32 v36, v0;
	v34 =	vsub.f32 v30, v0  }
0x11c: {  	v21 =	vsel vm3, v55, v21;
	v40 =	vsub.f32 v30, v2;
	v41 =	vsub.f32 v63, v3  }
0x11d: {  	v24 =	vsel vm0, v46, v24;
	v42 =	vsub.f32 v30, v4;
	v30 =	vsub.f32 v30, v5  }
0x11e: {  	v25 =	vsel vm0, v38, v25;
	v44 =	vsub.f32 v60, v0;
	v50 =	vsub.f32 v60, v2  }
0x11f: {  	v56 =	vld [tilespmem:s14+$0xFFFFFFF0];
	v20 =	vsel vm0, v29, v20;
	v53 =	vsub.f32 v37, v3;
	v46 =	vsub.f32 v60, v4  }
0x120: {  	v31 =	vld [tilespmem:s14+$0xFFFFFFC0];
	v13 =	vsel vm0, v28, v13;
	v35 =	vsub.f32 v60, v5;
	v48 =	vsub.f32 v61, v1  }
0x121: {  	v52 =	vsub.f32 v61, v3;
	v54 =	vsub.f32 v61, v6;
	v55 =	vmul.f32 v39, v44  }
0x122: {  	v33 =	vsub.f32 v61, v7;
	v58 =	vmul.f32 v41, v50;
	v61 =	vmul.f32 v43, v46  }
0x123: {  	v37 =	vsub.f32 v37, v7;
	v38 =	vmul.f32 v48, v34;
	v57 =	vmul.f32 v52, v40  }
0x124: {  	v1 =	vsub.f32 v56, v1;
	v60 =	vmul.f32 v54, v42;
	v63 =	vmul.f32 v33, v30  }
0x125: {  	v47 =	vsub.f32 v31, v0;
	v0 =	vmul.f32 v32, v35;
	v34 =	vmul.f32 v49, v34  }
0x126: {  	v3 =	vsub.f32 v56, v3;
	v40 =	vmul.f32 v53, v40;
	v42 =	vmul.f32 v62, v42  }
0x127: {  	v51 =	vsub.f32 v31, v2;
	v30 =	vmul.f32 v37, v30;
	v48 =	vmul.f32 v48, v45  }
0x128: {  	v59 =	vsub.f32 v31, v4;
	v45 =	vmul.f32 v49, v45;
	v44 =	vmul.f32 v1, v44  }
0x129: {  	v2 =	vsub.f32 v36, v2;
	v49 =	vmul.f32 v3, v50;
	v39 =	vmul.f32 v39, v47  }
0x12a: {  	v31 =	vsub.f32 v31, v5;
	v41 =	vmul.f32 v41, v51;
	v43 =	vmul.f32 v43, v59  }
0x12b: {  	v1 =	vmul.f32 v1, v47;
	v50 =	vmul.f32 v52, v2;
	v52 =	vsub.f32 v56, v6  }
0x12c: {  	v47 =	vsub.f32 v36, v4;
	v2 =	vmul.f32 v53, v2;
	v3 =	vmul.f32 v3, v51  }
0x12d: {  	v36 =	vsub.f32 v36, v5;
	v0 =	vsub.f32 v63, v0;
	v51 =	vmul.f32 v52, v46  }
0x12e: {  	v53 =	vmul.f32 v54, v47;
	v46 =	vsub.f32 v56, v7;
	v54 =	vsub.f32 v38, v55  }
0x12f: {  	v32 =	vmul.f32 v32, v31;
	v55 =	vsub.f32 v57, v58;
	v57 =	vsub.f32 v60, v61  }
0x130: {  	v52 =	vmul.f32 v52, v59;
	v58 =	vsub.f32 v39, v34;
	v59 =	vsub.f32 v41, v40  }
0x131: {  	v56 =	vmul.f32 v62, v47;
	v60 =	vsub.f32 v43, v42;
	v34 =	vsub.f32 v32, v30  }
0x132: {  	v33 =	vmul.f32 v33, v36;
	v62 =	vsub.f32 v44, v48;
	v1 =	vsub.f32 v45, v1  }
0x133: {  	p0 =	sne.s32 s15, $0x5070;
	v30 =	vmul.f32 v37, v36;
	v47 =	vsub.f32 v49, v50;
	v44 =	vsub.f32 v2, v3  }
.Ltmp1:
0x134: {  	v32 =	vand.u32 $0x7FFFFFFF, v0;
	v35 =	vmul.f32 v46, v35;
	v63 =	vmul.f32 v46, v31;
	(pc) =	sbr.rel @p0 .LBB2_4-.Ltmp1, $4  }
0x135: {  	v38 =	vld [tilespmem:s14+$0x30];
	v45 =	vsub.f32 v51, v53;
	v41 =	vsub.f32 v56, v52;
	v31 =	vand.u32 $0x7FFFFFFF, v57  }
0x136: {  	v39 =	vld [tilespmem:s14+$0x40];
	v36 =	vand.u32 $0x7FFFFFFF, v59;
	v28 =	vand.u32 $0x7FFFFFFF, v62;
	v43 =	vand.u32 $0x7FFFFFFF, v1  }
0x137: {  	s16 =	sand.u32 $0x7FF0, s15;
	v42 =	vld [tilespmem:s14+$0x50];
	v37 =	vand.u32 $0x7FFFFFFF, v60;
	v40 =	vsub.f32 v35, v33;
	v29 =	vsub.f32 v30, v63  }
0x138: {  	s15 =	sadd.s32 $0xD0, s15;
	v46 =	vld [tilespmem:s16+$0x80];
	v33 =	vand.u32 $0x7FFFFFFF, v54;
	v30 =	vand.u32 $0x7FFFFFFF, v55;
	v35 =	vand.u32 $0x7FFFFFFF, v58  }
0x139: {  	v2 =	vand.u32 $0x7FFFFFFF, v47;
	v5 =	vand.u32 $0x7FFFFFFF, v44;
	v41 =	vand.u32 $0x7FFFFFFF, v41  }
0x13a: {  	v29 =	vand.u32 $0x7FFFFFFF, v29;
	v1 =	vmul.f32 v43, v38;
	v7 =	vmul.f32 v5, v38  }
0x13b: {  	v60 =	vand.u32 $0x7FFFFFFF, v45;
	v49 =	vmul.f32 v41, v38;
	v38 =	vmul.f32 v29, v38  }
0x13c: {  	v40 =	vand.u32 $0x7FFFFFFF, v40;
	v3 =	vmul.f32 v35, v39;
	v45 =	vmul.f32 v36, v39  }
0x13d: {  	v34 =	vand.u32 $0x7FFFFFFF, v34;
	v50 =	vmul.f32 v37, v39;
	v4 =	vmul.f32 v42, v33  }
0x13e: {  	v29 =	vadd.f32 v29, v40;
	v47 =	vmul.f32 v42, v30;
	v51 =	vmul.f32 v42, v31  }
0x13f: {  	v61 =	vadd.f32 v41, v60;
	v0 =	vmul.f32 v28, v46;
	v6 =	vmul.f32 v2, v46  }
0x140: {  	v29 =	vadd.f32 v34, v29;
	v48 =	vmul.f32 v60, v46;
	v46 =	vmul.f32 v40, v46  }
0x141: {  	v28 =	vadd.f32 v43, v28;
	v2 =	vadd.f32 v5, v2;
	v5 =	vmul.f32 v34, v39  }
0x142: {  	v40 =	vmul.f32 v42, v32;
	v60 =	vadd.f32 v37, v61;
	v63 =	vmax.f32 v1, v4  }
0x143: {  	v58 =	vld [tilespmem:s14+$0x60];
	v52 =	vmax.f32 v7, v47;
	v54 =	vmax.f32 v49, v51;
	v62 =	vmax.f32 v0, v3  }
0x144: {  	v57 =	vmax.f32 v6, v45;
	v53 =	vmax.f32 v48, v50;
	v28 =	vadd.f32 v35, v28  }
0x145: {  	v2 =	vadd.f32 v36, v2;
	v59 =	vmax.f32 v46, v5;
	v61 =	vmax.f32 v38, v40  }
0x146: {  	v62 =	vmax.f32 v62, v63;
	v63 =	vmax.f32 v57, v52;
	v28 =	vadd.f32 v28, v33  }
0x147: {  	v2 =	vadd.f32 v2, v30;
	v30 =	vadd.f32 v60, v31;
	v31 =	vmax.f32 v53, v54  }
0x148: {  	vm0 =	vle.f32 v28, v58;
	v28 =	vadd.f32 v29, v32;
	v29 =	vmax.f32 v59, v61  }
0x149: {  	vm9 =	vle.f32 v2, v58;
	vm1 =	vle.f32 v30, v58;
	v41 =	vnsel vm0, $0x4CBEBC20, v62  }
0x14a: {  	v2 =	vnsel vm9, $0x4CBEBC20, v63;
	vm2 =	vlt.f32 v41, v9;
	vm10 =	vle.f32 v28, v58  }
0x14b: {  	v9 =	vnsel vm1, $0x4CBEBC20, v31;
	vm11 =	vlt.f32 v2, v14;
	v28 =	vnsel vm10, $0x4CBEBC20, v29  }
0x14c: {  	vm1 =	vlt.f32 v9, v15;
	v0 =	vsel vm2, v0, v8;
	v1 =	vsel vm2, v1, v10  }
0x14d: {  	v42 =	vsel vm2, v3, v11;
	v43 =	vsel vm2, v4, v12;
	v4 =	vsel vm11, v6, v17  }
0x14e: {  	v6 =	vsel vm11, v7, v18;
	v7 =	vsel vm11, v45, v19;
	v8 =	vsel vm11, v47, v21  }
0x14f: {  	vm3 =	vlt.f32 v28, v16;
	v9 =	vsel vm1, v48, v22;
	v10 =	vsel vm1, v49, v23  }
0x150: {  	v11 =	vsel vm1, v50, v26;
	v12 =	vsel vm1, v51, v27;
	v14 =	vmax.f32 v0, v42  }
0x151: {  	v16 =	vmax.f32 v1, v43;
	v15 =	vsel vm3, v46, v24;
	v14 =	vmax.f32 v14, $9.999999960e-13  }
0x152: {  	v17 =	vsel vm3, v38, v25;
	(erf) = vrcp.f32 v14;
	v14 =	vmax.f32 v16, $9.999999960e-13  }
0x153: {  	v5 =	vsel vm3, v5, v20;
	(erf) = vrcp.f32 v14;
	v14 =	vmax.f32 v4, v7  }
0x154: {  	v13 =	vsel vm3, v40, v13;
	v16 =	vmax.f32 v6, v8;
	v14 =	vmax.f32 v14, $9.999999960e-13  }
0x155: {  	(erf) = vrcp.f32 v14;
	v14 =	vmax.f32 v16, $9.999999960e-13;
	v16 =	vmax.f32 v9, v11  }
0x156: {  	(erf) = vrcp.f32 v14;
	v14 =	vmax.f32 v10, v12;
	v16 =	vmax.f32 v16, $9.999999960e-13  }
0x157: {  	(erf) = vrcp.f32 v16;
	v14 =	vmax.f32 v14, $9.999999960e-13;
	v16 =	vmax.f32 v15, v5  }
0x158: {  	(erf) = vrcp.f32 v14;
	v14 =	vmax.f32 v17, v13;
	v16 =	vmax.f32 v16, $9.999999960e-13  }
0x159: {  	(erf) = vrcp.f32 v16;
	v14 =	vmax.f32 v14, $9.999999960e-13  }
0x15a: {  	(erf) = vrcp.f32 v14;
	_ =	sdelay $0x1  }
0x15b: {  	v14 =	vpop (erf)  }
0x15c: {  	v0 =	vmin.f32 v0, v42;
	v1 =	vmin.f32 v1, v43;
	v16 =	vpop (erf)  }
0x15d: {  	v0 =	vmul.f32 v14, v0;
	v1 =	vmul.f32 v16, v1;
	v44 =	vpop (erf)  }
0x15e: {  	v47 =	vmin.f32 v6, v8;
	v46 =	vmin.f32 v4, v7;
	v45 =	vpop (erf)  }
0x15f: {  	v50 =	vmin.f32 v10, v12;
	v52 =	vmin.f32 v15, v5;
	v14 =	vmul.f32 v1, v0;
	v4 =	vpop (erf)  }
0x160: {  	v7 =	vmin.f32 v9, v11;
	v0 =	vmul.f32 v44, v46;
	v1 =	vmul.f32 v45, v47;
	v48 =	vpop (erf)  }
0x161: {  	v51 =	vmul.f32 v4, v7;
	v4 =	vmin.f32 v17, v13;
	v6 =	vmul.f32 $5.000000000e-01, v14;
	v8 =	vpop (erf)  }
0x162: {  	v49 =	vshra.s32 v14, $0x1;
	v9 =	vmul.f32 v1, v0;
	v0 =	vmul.f32 v48, v50;
	v5 =	vpop (erf)  }
0x163: {  	v3 =	vsub.s32 $0x5F3759DF, v49;
	v2 =	vmul.f32 v8, v52;
	v4 =	vmul.f32 v5, v4  }
0x164: {  	v5 =	vshra.s32 v9, $0x1;
	v7 =	vmul.f32 $5.000000000e-01, v9;
	v8 =	vmul.f32 v0, v51  }
0x165: {  	v53 =	vmul.f32 v3, v6;
	v54 =	vsub.s32 $0x5F3759DF, v5;
	v5 =	vmul.f32 v4, v2  }
0x166: {  	v55 =	vmul.f32 v54, v7;
	v4 =	vshra.s32 v8, $0x1;
	v10 =	vmul.f32 $5.000000000e-01, v8  }
0x167: {  	v4 =	vsub.s32 $0x5F3759DF, v4;
	v11 =	vshra.s32 v5, $0x1;
	v12 =	vmul.f32 $5.000000000e-01, v5  }
0x168: {  	v0 =	vmul.f32 v3, v53;
	v13 =	vmul.f32 v4, v10;
	v11 =	vsub.s32 $0x5F3759DF, v11  }
0x169: {  	v2 =	vmul.f32 v54, v55;
	v15 =	vmul.f32 v11, v12  }
0x16a: {  	v0 =	vsub.f32 $1.500000000e+00, v0;
	v13 =	vmul.f32 v4, v13  }
0x16b: {  	v2 =	vsub.f32 $1.500000000e+00, v2;
	v15 =	vmul.f32 v11, v15  }
0x16c: {  	v0 =	vmul.f32 v3, v0;
	v56 =	vsub.f32 $1.500000000e+00, v13  }
0x16d: {  	v1 =	vmul.f32 v54, v2;
	v57 =	vsub.f32 $1.500000000e+00, v15  }
0x16e: {  	v13 =	vmul.f32 v0, v6;
	v3 =	vmul.f32 v4, v56  }
0x16f: {  	v4 =	vmul.f32 v1, v7;
	v2 =	vmul.f32 v11, v57  }
0x170: {  	v11 =	vmul.f32 v13, v0;
	v13 =	vmul.f32 v3, v10  }
0x171: {  	v4 =	vmul.f32 v4, v1;
	v15 =	vmul.f32 v2, v12  }
0x172: {  	v11 =	vsub.f32 $1.500000000e+00, v11;
	v13 =	vmul.f32 v13, v3  }
0x173: {  	v4 =	vsub.f32 $1.500000000e+00, v4;
	v15 =	vmul.f32 v15, v2  }
0x174: {  	v0 =	vmul.f32 v11, v0;
	v11 =	vsub.f32 $1.500000000e+00, v13  }
0x175: {  	v1 =	vmul.f32 v4, v1;
	v4 =	vsub.f32 $1.500000000e+00, v15  }
0x176: {  	v6 =	vmul.f32 v0, v6;
	v3 =	vmul.f32 v11, v3  }
0x177: {  	v7 =	vmul.f32 v1, v7;
	v2 =	vmul.f32 v4, v2  }
0x178: {  	v4 =	vmul.f32 v6, v0;
	v6 =	vmul.f32 v3, v10  }
0x179: {  	v7 =	vmul.f32 v7, v1;
	v10 =	vmul.f32 v2, v12  }
0x17a: {  	v4 =	vsub.f32 $1.500000000e+00, v4;
	v6 =	vmul.f32 v6, v3  }
0x17b: {  	v7 =	vsub.f32 $1.500000000e+00, v7;
	v10 =	vmul.f32 v10, v2  }
0x17c: {  	v4 =	vmul.f32 v4, v0;
	v6 =	vsub.f32 $1.500000000e+00, v6  }
0x17d: {  	v60 =	vld [tilespmem:$0x5220];
	v7 =	vmul.f32 v7, v1;
	v10 =	vsub.f32 $1.500000000e+00, v10  }
0x17e: {  	v59 =	vld [tilespmem:$0x5210];
	v4 =	vmul.f32 v4, v14;
	v3 =	vmul.f32 v6, v3  }
0x17f: {  	v61 =	vld [tilespmem:$0x5230];
	vm12 =	vgt.f32 v14, $0.0e+00;
	v6 =	vmul.f32 v7, v9;
	v7 =	vmul.f32 v10, v2  }
0x180: {  	v58 =	vld [tilespmem:$0x5200];
	vm13 =	vgt.f32 v9, $0.0e+00;
	v4 =	vnsel vm12, $0x0, v4;
	v9 =	vmul.f32 v3, v8  }
0x181: {  	vm14 =	vgt.f32 v8, $0.0e+00;
	v6 =	vnsel vm13, $0x0, v6;
	[tilespmem:$0x53C0] =	vst v4;
	v4 =	vld [tilespmem:$0x5300];
	v7 =	vmul.f32 v7, v5  }
0x182: {  	vm15 =	vgt.f32 v5, $0.0e+00;
	[tilespmem:$0x53D0] =	vst v6;
	v6 =	vnsel vm14, $0x0, v9;
	v5 =	vld [tilespmem:$0x5310]  }
0x183: {  	[tilespmem:$0x53E0] =	vst v6;
	v6 =	vld [tilespmem:$0x5320];
	v7 =	vnsel vm15, $0x0, v7  }
0x184: {  	s14 =	simm.s32 $0x60;
	[tilespmem:$0x53F0] =	vst v7;
	v7 =	vld [tilespmem:$0x5330]  }
0x185: {  	v8 =	vld [tilespmem:s14+$0xFFFFFFD0]  }
0x186: {  	v9 =	vld [tilespmem:s14+$0x10]  }
0x187: {  	v10 =	vld [tilespmem:s14+$0xFFFFFFA0]  }
0x188: {  	v11 =	vld [tilespmem:s14+$0xFFFFFFB0]  }
0x189: {  	v12 =	vld [tilespmem:s14+$0xFFFFFFC0]  }
0x18a: {  	v13 =	vld [tilespmem:s14+$0xFFFFFFE0];
	v14 =	vsub.f32 v8, v58  }
0x18b: {  	v15 =	vld [tilespmem:s14+$0x0];
	v16 =	vsub.f32 v9, v4;
	v17 =	vsub.f32 v8, v59  }
0x18c: {  	v18 =	vsub.f32 v9, v5;
	v19 =	vsub.f32 v8, v60  }
0x18d: {  	v20 =	vsub.f32 v9, v6;
	v8 =	vsub.f32 v8, v61  }
0x18e: {  	v21 =	vsub.f32 v10, v58;
	v9 =	vsub.f32 v9, v7  }
0x18f: {  	v22 =	vsub.f32 v11, v58;
	v23 =	vsub.f32 v12, v58  }
0x190: {  	v24 =	vsub.f32 v13, v4;
	v25 =	vsub.f32 v15, v4  }
0x191: {  	v26 =	vsub.f32 v10, v59;
	v27 =	vsub.f32 v12, v59  }
0x192: {  	v28 =	vsub.f32 v13, v5;
	v29 =	vsub.f32 v15, v5  }
0x193: {  	v30 =	vsub.f32 v10, v60;
	v31 =	vsub.f32 v13, v6  }
0x194: {  	v10 =	vsub.f32 v10, v61;
	v62 =	vmul.f32 v24, v14;
	v63 =	vmul.f32 v16, v21  }
0x195: {  	v0 =	vld [tilespmem:s14+$0xFFFFFFF0];
	v13 =	vsub.f32 v13, v7;
	v48 =	vmul.f32 v28, v17;
	v49 =	vmul.f32 v18, v26  }
0x196: {  	v50 =	vsub.f32 v12, v60;
	v51 =	vmul.f32 v31, v19;
	v52 =	vmul.f32 v20, v30  }
0x197: {  	v53 =	vsub.f32 v15, v6;
	v54 =	vmul.f32 v13, v8;
	v55 =	vmul.f32 v9, v10  }
0x198: {  	v12 =	vsub.f32 v12, v61;
	v16 =	vmul.f32 v16, v23;
	v14 =	vmul.f32 v25, v14  }
0x199: {  	v15 =	vsub.f32 v15, v7;
	v18 =	vmul.f32 v18, v27;
	v17 =	vmul.f32 v29, v17  }
0x19a: {  	v56 =	vsub.f32 v0, v4;
	v20 =	vmul.f32 v20, v50;
	v19 =	vmul.f32 v53, v19  }
0x19b: {  	v57 =	vsub.f32 v11, v59;
	v9 =	vmul.f32 v9, v12;
	v8 =	vmul.f32 v15, v8  }
0x19c: {  	[tilespmem:$0x1FEE0] =	vst v58;
	v58 =	vsub.f32 v0, v5;
	v21 =	vmul.f32 v56, v21;
	v24 =	vmul.f32 v24, v22  }
0x19d: {  	[tilespmem:$0x1FF00] =	vst v59;
	v59 =	vsub.f32 v0, v6;
	v22 =	vmul.f32 v25, v22;
	v23 =	vmul.f32 v56, v23  }
0x19e: {  	v25 =	vsub.f32 v11, v60;
	v26 =	vmul.f32 v58, v26;
	v28 =	vmul.f32 v28, v57  }
0x19f: {  	[tilespmem:$0x1FF20] =	vst v60;
	v29 =	vmul.f32 v29, v57;
	v27 =	vmul.f32 v58, v27;
	v11 =	vsub.f32 v11, v61  }
0x1a0: {  	[tilespmem:$0x1FF30] =	vst v61;
	v30 =	vmul.f32 v59, v30;
	v60 =	vsub.f32 v0, v7;
	v61 =	vmul.f32 v59, v50  }
0x1a1: {  	v31 =	vmul.f32 v31, v25;
	v32 =	vsub.f32 v62, v63;
	v35 =	vsub.f32 v48, v49  }
0x1a2: {  	v25 =	vmul.f32 v53, v25;
	v62 =	vsub.f32 v51, v52;
	v63 =	vsub.f32 v54, v55  }
0x1a3: {  	v14 =	vsub.f32 v16, v14;
	v16 =	vsub.f32 v18, v17;
	v10 =	vmul.f32 v60, v10  }
0x1a4: {  	v17 =	vsub.f32 v20, v19;
	v13 =	vmul.f32 v13, v11;
	v34 =	vsub.f32 v9, v8  }
0x1a5: {  	v18 =	vsub.f32 v21, v24;
	v19 =	vsub.f32 v22, v23;
	v11 =	vmul.f32 v15, v11  }
0x1a6: {  	v47 =	vsub.f32 v26, v28;
	v44 =	vsub.f32 v29, v27;
	v12 =	vmul.f32 v60, v12  }
0x1a7: {  	v8 =	vimm.f32 $0.0e+00;
	v9 =	vimm.f32 $2.000000000e+08;
	v15 =	vimm.f32 $2.000000000e+08  }
0x1a8: {  	v21 =	vimm.f32 $0.0e+00;
	v22 =	vimm.f32 $0.0e+00;
	v23 =	vimm.f32 $0.0e+00  }
0x1a9: {  	v26 =	vimm.f32 $0.0e+00;
	v27 =	vimm.f32 $0.0e+00;
	v24 =	vimm.f32 $0.0e+00  }
0x1aa: {  	v20 =	vimm.f32 $0.0e+00;
	v45 =	vsub.f32 v30, v31;
	v41 =	vsub.f32 v25, v61  }
0x1ab: {  	v40 =	vsub.f32 v10, v13;
	v29 =	vsub.f32 v11, v12;
	v33 =	vand.u32 $0x7FFFFFFF, v32  }
0x1ac: {  	v30 =	vand.u32 $0x7FFFFFFF, v35;
	v31 =	vand.u32 $0x7FFFFFFF, v62;
	v35 =	vand.u32 $0x7FFFFFFF, v14  }
0x1ad: {  	v36 =	vand.u32 $0x7FFFFFFF, v16;
	v32 =	vand.u32 $0x7FFFFFFF, v63;
	v28 =	vand.u32 $0x7FFFFFFF, v18  }
0x1ae: {  	s15 =	simm.s32 $0x0;
	v38 =	vld [tilespmem:s14+$0x30];
	v43 =	vand.u32 $0x7FFFFFFF, v19;
	v37 =	vand.u32 $0x7FFFFFFF, v17;
	v14 =	vimm.f32 $2.000000000e+08  }
0x1af: {  	s15 =	sand.u32 $0x7FF0, s15;
	v39 =	vld [tilespmem:s14+$0x40];
	v16 =	vimm.f32 $2.000000000e+08;
	v10 =	vimm.f32 $0.0e+00;
	v11 =	vimm.f32 $0.0e+00  }
0x1b0: {  	[tilespmem:$0x1FEF0] =	vst v4;
	v46 =	vld [tilespmem:s15+$0x80];
	v12 =	vimm.f32 $0.0e+00;
	v17 =	vimm.f32 $0.0e+00;
	v18 =	vimm.f32 $0.0e+00  }
0x1b1: {  	v42 =	vld [tilespmem:s14+$0x50];
	s15 =	simm.s32 $0xD0;
	[tilespmem:$0x1FF10] =	vst v5;
	v19 =	vimm.f32 $0.0e+00;
	v25 =	vimm.f32 $0.0e+00;
	v13 =	vimm.f32 $0.0e+00  }
.LBB2_6:
0x1b2: {  	_ =	sdelay $0x2  }
0x1b3: {  	v34 =	vand.u32 $0x7FFFFFFF, v34;
	v1 =	vadd.f32 v43, v28;
	v47 =	vand.u32 $0x7FFFFFFF, v47  }
0x1b4: {  	v44 =	vand.u32 $0x7FFFFFFF, v44;
	v48 =	vmul.f32 v28, v46;
	v49 =	vmul.f32 v43, v38  }
0x1b5: {  	v45 =	vand.u32 $0x7FFFFFFF, v45;
	v50 =	vmul.f32 v35, v39;
	v51 =	vmul.f32 v42, v33  }
0x1b6: {  	v41 =	vand.u32 $0x7FFFFFFF, v41;
	v52 =	vmul.f32 v47, v46;
	v53 =	vmul.f32 v44, v38  }
0x1b7: {  	v40 =	vand.u32 $0x7FFFFFFF, v40;
	v54 =	vmul.f32 v36, v39;
	v55 =	vmul.f32 v42, v30  }
0x1b8: {  	v60 =	vand.u32 $0x7FFFFFFF, v29;
	v56 =	vmul.f32 v45, v46;
	v57 =	vmul.f32 v41, v38  }
0x1b9: {  	v2 =	vadd.f32 v41, v45;
	v58 =	vmul.f32 v37, v39;
	v59 =	vmul.f32 v42, v31  }
0x1ba: {  	v3 =	vadd.f32 v35, v1;
	v46 =	vmul.f32 v40, v46;
	v38 =	vmul.f32 v60, v38  }
0x1bb: {  	v44 =	vadd.f32 v44, v47;
	v29 =	vmul.f32 v34, v39;
	v40 =	vadd.f32 v60, v40  }
0x1bc: {  	v28 =	vmul.f32 v42, v32;
	v0 =	vadd.f32 v37, v2;
	v2 =	vadd.f32 v3, v33  }
0x1bd: {  	v47 =	vld [tilespmem:s14+$0x60];
	v41 =	vmax.f32 v48, v50;
	v42 =	vmax.f32 v49, v51;
	v45 =	vmax.f32 v52, v54  }
0x1be: {  	v60 =	vmax.f32 v53, v55;
	v61 =	vmax.f32 v56, v58;
	v62 =	vmax.f32 v57, v59  }
0x1bf: {  	v36 =	vadd.f32 v36, v44;
	v63 =	vmax.f32 v46, v29;
	v34 =	vadd.f32 v34, v40  }
0x1c0: {  	v1 =	vmax.f32 v38, v28;
	v31 =	vadd.f32 v0, v31;
	v3 =	vmax.f32 v41, v42  }
0x1c1: {  	v4 =	vld [tilespmem:$0x1FF20];
	s14 =	sadd.s32 $0xD0, s14;
	v44 =	vmax.f32 v45, v60;
	v45 =	vmax.f32 v61, v62;
	v30 =	vadd.f32 v36, v30  }
0x1c2: {  	v61 =	vmax.f32 v63, v1;
	v63 =	vld [tilespmem:s14+$0x10];
	v60 =	vadd.f32 v34, v32;
	vm0 =	vle.f32 v2, v47  }
0x1c3: {  	v1 =	vld [tilespmem:$0x1FEF0];
	vm1 =	vle.f32 v31, v47;
	v62 =	vnsel vm0, $0x4CBEBC20, v3;
	vm14 =	vle.f32 v30, v47  }
0x1c4: {  	v37 =	vld [tilespmem:s14+$0x0];
	vm15 =	vle.f32 v60, v47;
	v47 =	vnsel vm1, $0x4CBEBC20, v45;
	vm2 =	vlt.f32 v62, v9  }
0x1c5: {  	v0 =	vld [tilespmem:$0x1FEE0];
	v31 =	vnsel vm14, $0x4CBEBC20, v44;
	v33 =	vnsel vm15, $0x4CBEBC20, v61;
	vm1 =	vlt.f32 v47, v15  }
0x1c6: {  	v36 =	vld [tilespmem:s14+$0xFFFFFFB0];
	v9 =	vsel vm2, v62, v9;
	vm3 =	vlt.f32 v31, v14;
	vm0 =	vlt.f32 v33, v16  }
0x1c7: {  	v2 =	vld [tilespmem:$0x1FF00];
	v15 =	vsel vm1, v47, v15;
	v8 =	vsel vm2, v48, v8;
	v10 =	vsel vm2, v49, v10  }
0x1c8: {  	v30 =	vld [tilespmem:s14+$0xFFFFFFD0];
	v11 =	vsel vm2, v50, v11;
	v12 =	vsel vm2, v51, v12;
	v39 =	vsub.f32 v63, v1  }
0x1c9: {  	v3 =	vld [tilespmem:$0x1FF10];
	v43 =	vsub.f32 v63, v6;
	v32 =	vsub.f32 v63, v7;
	v22 =	vsel vm1, v56, v22  }
0x1ca: {  	v5 =	vld [tilespmem:$0x1FF30];
	v23 =	vsel vm1, v57, v23;
	v49 =	vsub.f32 v37, v1;
	v26 =	vsel vm1, v58, v26  }
0x1cb: {  	v60 =	vld [tilespmem:s14+$0xFFFFFFA0];
	v27 =	vsel vm1, v59, v27;
	v62 =	vsub.f32 v37, v6;
	v14 =	vsel vm3, v31, v14  }
0x1cc: {  	v16 =	vsel vm0, v33, v16;
	v17 =	vsel vm3, v52, v17;
	v18 =	vsel vm3, v53, v18  }
0x1cd: {  	v61 =	vld [tilespmem:s14+$0xFFFFFFE0];
	v19 =	vsel vm3, v54, v19;
	v45 =	vsub.f32 v36, v0;
	v34 =	vsub.f32 v30, v0  }
0x1ce: {  	v21 =	vsel vm3, v55, v21;
	v40 =	vsub.f32 v30, v2;
	v41 =	vsub.f32 v63, v3  }
0x1cf: {  	v24 =	vsel vm0, v46, v24;
	v42 =	vsub.f32 v30, v4;
	v30 =	vsub.f32 v30, v5  }
0x1d0: {  	v25 =	vsel vm0, v38, v25;
	v44 =	vsub.f32 v60, v0;
	v50 =	vsub.f32 v60, v2  }
0x1d1: {  	v56 =	vld [tilespmem:s14+$0xFFFFFFF0];
	v20 =	vsel vm0, v29, v20;
	v53 =	vsub.f32 v37, v3;
	v46 =	vsub.f32 v60, v4  }
0x1d2: {  	v31 =	vld [tilespmem:s14+$0xFFFFFFC0];
	v13 =	vsel vm0, v28, v13;
	v35 =	vsub.f32 v60, v5;
	v48 =	vsub.f32 v61, v1  }
0x1d3: {  	v52 =	vsub.f32 v61, v3;
	v54 =	vsub.f32 v61, v6;
	v55 =	vmul.f32 v39, v44  }
0x1d4: {  	v33 =	vsub.f32 v61, v7;
	v58 =	vmul.f32 v41, v50;
	v61 =	vmul.f32 v43, v46  }
0x1d5: {  	v37 =	vsub.f32 v37, v7;
	v38 =	vmul.f32 v48, v34;
	v57 =	vmul.f32 v52, v40  }
0x1d6: {  	v1 =	vsub.f32 v56, v1;
	v60 =	vmul.f32 v54, v42;
	v63 =	vmul.f32 v33, v30  }
0x1d7: {  	v47 =	vsub.f32 v31, v0;
	v0 =	vmul.f32 v32, v35;
	v34 =	vmul.f32 v49, v34  }
0x1d8: {  	v3 =	vsub.f32 v56, v3;
	v40 =	vmul.f32 v53, v40;
	v42 =	vmul.f32 v62, v42  }
0x1d9: {  	v51 =	vsub.f32 v31, v2;
	v30 =	vmul.f32 v37, v30;
	v48 =	vmul.f32 v48, v45  }
0x1da: {  	v59 =	vsub.f32 v31, v4;
	v45 =	vmul.f32 v49, v45;
	v44 =	vmul.f32 v1, v44  }
0x1db: {  	v2 =	vsub.f32 v36, v2;
	v49 =	vmul.f32 v3, v50;
	v39 =	vmul.f32 v39, v47  }
0x1dc: {  	v31 =	vsub.f32 v31, v5;
	v41 =	vmul.f32 v41, v51;
	v43 =	vmul.f32 v43, v59  }
0x1dd: {  	v1 =	vmul.f32 v1, v47;
	v50 =	vmul.f32 v52, v2;
	v52 =	vsub.f32 v56, v6  }
0x1de: {  	v47 =	vsub.f32 v36, v4;
	v2 =	vmul.f32 v53, v2;
	v3 =	vmul.f32 v3, v51  }
0x1df: {  	v36 =	vsub.f32 v36, v5;
	v0 =	vsub.f32 v63, v0;
	v51 =	vmul.f32 v52, v46  }
0x1e0: {  	v53 =	vmul.f32 v54, v47;
	v46 =	vsub.f32 v56, v7;
	v54 =	vsub.f32 v38, v55  }
0x1e1: {  	v32 =	vmul.f32 v32, v31;
	v55 =	vsub.f32 v57, v58;
	v57 =	vsub.f32 v60, v61  }
0x1e2: {  	v52 =	vmul.f32 v52, v59;
	v58 =	vsub.f32 v39, v34;
	v59 =	vsub.f32 v41, v40  }
0x1e3: {  	v56 =	vmul.f32 v62, v47;
	v60 =	vsub.f32 v43, v42;
	v34 =	vsub.f32 v32, v30  }
0x1e4: {  	v33 =	vmul.f32 v33, v36;
	v62 =	vsub.f32 v44, v48;
	v1 =	vsub.f32 v45, v1  }
0x1e5: {  	p0 =	sne.s32 s15, $0x5070;
	v30 =	vmul.f32 v37, v36;
	v47 =	vsub.f32 v49, v50;
	v44 =	vsub.f32 v2, v3  }
.Ltmp2:
0x1e6: {  	v32 =	vand.u32 $0x7FFFFFFF, v0;
	v35 =	vmul.f32 v46, v35;
	v63 =	vmul.f32 v46, v31;
	(pc) =	sbr.rel @p0 .LBB2_6-.Ltmp2, $4  }
0x1e7: {  	v38 =	vld [tilespmem:s14+$0x30];
	v45 =	vsub.f32 v51, v53;
	v41 =	vsub.f32 v56, v52;
	v31 =	vand.u32 $0x7FFFFFFF, v57  }
0x1e8: {  	v39 =	vld [tilespmem:s14+$0x40];
	v36 =	vand.u32 $0x7FFFFFFF, v59;
	v28 =	vand.u32 $0x7FFFFFFF, v62;
	v43 =	vand.u32 $0x7FFFFFFF, v1  }
0x1e9: {  	s16 =	sand.u32 $0x7FF0, s15;
	v42 =	vld [tilespmem:s14+$0x50];
	v37 =	vand.u32 $0x7FFFFFFF, v60;
	v40 =	vsub.f32 v35, v33;
	v29 =	vsub.f32 v30, v63  }
0x1ea: {  	s15 =	sadd.s32 $0xD0, s15;
	v46 =	vld [tilespmem:s16+$0x80];
	v33 =	vand.u32 $0x7FFFFFFF, v54;
	v30 =	vand.u32 $0x7FFFFFFF, v55;
	v35 =	vand.u32 $0x7FFFFFFF, v58  }
0x1eb: {  	v2 =	vand.u32 $0x7FFFFFFF, v47;
	v5 =	vand.u32 $0x7FFFFFFF, v44;
	v58 =	vand.u32 $0x7FFFFFFF, v45  }
0x1ec: {  	v41 =	vand.u32 $0x7FFFFFFF, v41;
	v40 =	vand.u32 $0x7FFFFFFF, v40;
	v29 =	vand.u32 $0x7FFFFFFF, v29  }
0x1ed: {  	v34 =	vand.u32 $0x7FFFFFFF, v34;
	v1 =	vmul.f32 v43, v38;
	v7 =	vmul.f32 v5, v38  }
0x1ee: {  	v59 =	vadd.f32 v43, v28;
	v49 =	vmul.f32 v41, v38;
	v38 =	vmul.f32 v29, v38  }
0x1ef: {  	v60 =	vadd.f32 v41, v58;
	v3 =	vmul.f32 v35, v39;
	v45 =	vmul.f32 v36, v39  }
0x1f0: {  	v29 =	vadd.f32 v29, v40;
	v50 =	vmul.f32 v37, v39;
	v4 =	vmul.f32 v42, v33  }
0x1f1: {  	v47 =	vmul.f32 v42, v30;
	v51 =	vmul.f32 v42, v31;
	v56 =	vadd.f32 v37, v60  }
0x1f2: {  	v29 =	vadd.f32 v34, v29;
	v0 =	vmul.f32 v28, v46;
	v6 =	vmul.f32 v2, v46  }
0x1f3: {  	v48 =	vmul.f32 v58, v46;
	v46 =	vmul.f32 v40, v46;
	v2 =	vadd.f32 v5, v2  }
0x1f4: {  	v5 =	vmul.f32 v34, v39;
	v40 =	vmul.f32 v42, v32;
	v28 =	vadd.f32 v35, v59  }
0x1f5: {  	v44 =	vld [tilespmem:s14+$0x60];
	v62 =	vmax.f32 v1, v4;
	v52 =	vmax.f32 v7, v47;
	v54 =	vmax.f32 v49, v51  }
0x1f6: {  	v60 =	vadd.f32 v56, v31;
	v61 =	vmax.f32 v0, v3;
	v63 =	vmax.f32 v6, v45  }
0x1f7: {  	v53 =	vmax.f32 v48, v50;
	v2 =	vadd.f32 v36, v2;
	v55 =	vmax.f32 v46, v5  }
0x1f8: {  	v57 =	vmax.f32 v38, v40;
	v28 =	vadd.f32 v28, v33;
	v58 =	vmax.f32 v61, v62  }
0x1f9: {  	v59 =	vmax.f32 v63, v52;
	v61 =	vmax.f32 v53, v54;
	v62 =	vadd.f32 v29, v32  }
0x1fa: {  	vm1 =	vle.f32 v60, v44;
	v2 =	vadd.f32 v2, v30;
	vm0 =	vle.f32 v28, v44  }
0x1fb: {  	v63 =	vmax.f32 v55, v57;
	v37 =	vnsel vm1, $0x4CBEBC20, v61;
	v36 =	vnsel vm0, $0x4CBEBC20, v58  }
0x1fc: {  	vm10 =	vle.f32 v62, v44;
	vm1 =	vlt.f32 v37, v15;
	vm9 =	vle.f32 v2, v44  }
0x1fd: {  	vm2 =	vlt.f32 v36, v9;
	v28 =	vnsel vm10, $0x4CBEBC20, v63;
	v9 =	vsel vm1, v48, v22  }
0x1fe: {  	v48 =	vsel vm1, v50, v26;
	v2 =	vnsel vm9, $0x4CBEBC20, v59;
	vm3 =	vlt.f32 v28, v16  }
0x1ff: {  	v0 =	vsel vm2, v0, v8;
	v1 =	vsel vm2, v1, v10;
	v39 =	vsel vm2, v3, v11  }
0x200: {  	v41 =	vsel vm2, v4, v12;
	v58 =	vmax.f32 v9, v48;
	vm11 =	vlt.f32 v2, v14  }
0x201: {  	v50 =	vmax.f32 v0, v39;
	v52 =	vmax.f32 v1, v41;
	v53 =	vsel vm3, v38, v25  }
0x202: {  	v5 =	vsel vm3, v5, v20;
	v13 =	vsel vm3, v40, v13;
	v16 =	vmax.f32 v58, $9.999999960e-13  }
0x203: {  	v42 =	vsel vm11, v6, v17;
	v43 =	vsel vm11, v7, v18;
	v44 =	vsel vm11, v45, v19  }
0x204: {  	v45 =	vsel vm11, v47, v21;
	v47 =	vsel vm1, v49, v23;
	v14 =	vmax.f32 v50, $9.999999960e-13  }
0x205: {  	v54 =	vmax.f32 v52, $9.999999960e-13;
	(erf) = vrcp.f32 v14;
	v55 =	vmax.f32 v42, v44  }
0x206: {  	v56 =	vmax.f32 v43, v45;
	(erf) = vrcp.f32 v54;
	v14 =	vmax.f32 v55, $9.999999960e-13  }
0x207: {  	v49 =	vsel vm1, v51, v27;
	v57 =	vmax.f32 v56, $9.999999960e-13;
	(erf) = vrcp.f32 v14  }
0x208: {  	v51 =	vsel vm3, v46, v24;
	v59 =	vmax.f32 v47, v49;
	(erf) = vrcp.f32 v57  }
0x209: {  	v60 =	vmax.f32 v51, v5;
	v14 =	vmax.f32 v59, $9.999999960e-13;
	(erf) = vrcp.f32 v16  }
0x20a: {  	v61 =	vmax.f32 v53, v13;
	v16 =	vmax.f32 v60, $9.999999960e-13;
	(erf) = vrcp.f32 v14  }
0x20b: {  	v14 =	vmax.f32 v61, $9.999999960e-13;
	(erf) = vrcp.f32 v16  }
0x20c: {  	(erf) = vrcp.f32 v14;
	_ =	sdelay $0x1  }
0x20d: {  	v62 =	vpop (erf)  }
0x20e: {  	v0 =	vmin.f32 v0, v39;
	v1 =	vmin.f32 v1, v41;
	v63 =	vpop (erf)  }
0x20f: {  	v0 =	vmul.f32 v62, v0;
	v1 =	vmul.f32 v63, v1;
	v20 =	vpop (erf)  }
0x210: {  	v29 =	vmin.f32 v9, v48;
	v33 =	vmin.f32 v53, v13;
	v21 =	vpop (erf)  }
0x211: {  	v22 =	vmin.f32 v42, v44;
	v23 =	vmin.f32 v43, v45;
	v0 =	vmul.f32 v1, v0;
	v24 =	vpop (erf)  }
0x212: {  	v31 =	vmin.f32 v47, v49;
	v1 =	vmul.f32 v20, v22;
	v25 =	vmul.f32 v21, v23;
	v26 =	vpop (erf)  }
0x213: {  	v32 =	vmin.f32 v51, v5;
	v6 =	vmul.f32 v24, v29;
	v28 =	vmul.f32 $5.000000000e-01, v0;
	v30 =	vpop (erf)  }
0x214: {  	v27 =	vshra.s32 v0, $0x1;
	v1 =	vmul.f32 v25, v1;
	v2 =	vmul.f32 v26, v31;
	v34 =	vpop (erf)  }
0x215: {  	v4 =	vsub.s32 $0x5F3759DF, v27;
	v3 =	vmul.f32 v30, v32;
	v5 =	vmul.f32 v34, v33  }
0x216: {  	v35 =	vshra.s32 v1, $0x1;
	v36 =	vmul.f32 $5.000000000e-01, v1;
	v2 =	vmul.f32 v2, v6  }
0x217: {  	v37 =	vmul.f32 v4, v28;
	v8 =	vsub.s32 $0x5F3759DF, v35;
	v3 =	vmul.f32 v5, v3  }
0x218: {  	v38 =	vmul.f32 v8, v36;
	v39 =	vshra.s32 v2, $0x1;
	v40 =	vmul.f32 $5.000000000e-01, v2  }
0x219: {  	v10 =	vsub.s32 $0x5F3759DF, v39;
	v41 =	vshra.s32 v3, $0x1;
	v42 =	vmul.f32 $5.000000000e-01, v3  }
0x21a: {  	v6 =	vmul.f32 v4, v37;
	v43 =	vmul.f32 v10, v40;
	v12 =	vsub.s32 $0x5F3759DF, v41  }
0x21b: {  	v5 =	vmul.f32 v8, v38;
	v44 =	vmul.f32 v12, v42  }
0x21c: {  	v6 =	vsub.f32 $1.500000000e+00, v6;
	v14 =	vmul.f32 v10, v43  }
0x21d: {  	v5 =	vsub.f32 $1.500000000e+00, v5;
	v15 =	vmul.f32 v12, v44  }
0x21e: {  	v4 =	vmul.f32 v4, v6;
	v45 =	vsub.f32 $1.500000000e+00, v14  }
0x21f: {  	v5 =	vmul.f32 v8, v5;
	v46 =	vsub.f32 $1.500000000e+00, v15  }
0x220: {  	v47 =	vmul.f32 v4, v28;
	v6 =	vmul.f32 v10, v45  }
0x221: {  	v48 =	vmul.f32 v5, v36;
	v8 =	vmul.f32 v12, v46  }
0x222: {  	v49 =	vmul.f32 v47, v4;
	v50 =	vmul.f32 v6, v40  }
0x223: {  	v10 =	vmul.f32 v48, v5;
	v51 =	vmul.f32 v8, v42  }
0x224: {  	v12 =	vsub.f32 $1.500000000e+00, v49;
	v14 =	vmul.f32 v50, v6  }
0x225: {  	v10 =	vsub.f32 $1.500000000e+00, v10;
	v15 =	vmul.f32 v51, v8  }
0x226: {  	v4 =	vmul.f32 v12, v4;
	v52 =	vsub.f32 $1.500000000e+00, v14  }
0x227: {  	v5 =	vmul.f32 v10, v5;
	v53 =	vsub.f32 $1.500000000e+00, v15  }
0x228: {  	v7 =	vmul.f32 v4, v28;
	v6 =	vmul.f32 v52, v6  }
0x229: {  	v9 =	vmul.f32 v5, v36;
	v8 =	vmul.f32 v53, v8  }
0x22a: {  	v7 =	vmul.f32 v7, v4;
	v54 =	vmul.f32 v6, v40  }
0x22b: {  	v9 =	vmul.f32 v9, v5;
	v55 =	vmul.f32 v8, v42  }
0x22c: {  	v7 =	vsub.f32 $1.500000000e+00, v7;
	v10 =	vmul.f32 v54, v6  }
0x22d: {  	v9 =	vsub.f32 $1.500000000e+00, v9;
	v11 =	vmul.f32 v55, v8  }
0x22e: {  	v4 =	vmul.f32 v7, v4;
	v56 =	vsub.f32 $1.500000000e+00, v10  }
0x22f: {  	v5 =	vmul.f32 v9, v5;
	v57 =	vsub.f32 $1.500000000e+00, v11  }
0x230: {  	v4 =	vmul.f32 v4, v0;
	v6 =	vmul.f32 v56, v6  }
0x231: {  	vm12 =	vgt.f32 v0, $0.0e+00;
	v58 =	vmul.f32 v5, v1;
	v59 =	vmul.f32 v57, v8  }
0x232: {  	vm13 =	vgt.f32 v1, $0.0e+00;
	v4 =	vnsel vm12, $0x0, v4;
	v60 =	vmul.f32 v6, v2  }
0x233: {  	vm14 =	vgt.f32 v2, $0.0e+00;
	[tilespmem:$0x5400] =	vst v4;
	v0 =	vnsel vm13, $0x0, v58;
	v61 =	vmul.f32 v59, v3  }
0x234: {  	s13 =	sadd.s32 $0x1, s13;
	vm15 =	vgt.f32 v3, $0.0e+00;
	[tilespmem:$0x5410] =	vst v0;
	v62 =	vnsel vm14, $0x0, v60  }
0x235: {  	p0 =	sne.s32 s13, s7;
	[tilespmem:$0x5420] =	vst v62;
	v63 =	vnsel vm15, $0x0, v61  }
.Ltmp3:
0x236: {  	[tilespmem:$0x5430] =	vst v63;
	(pc) =	sbr.rel @p0 .LBB2_1-.Ltmp3, $4  }
0x237: {  	[hbm4b:s6+s2] =	stream.linear.scatter [tilespmem:s11], [sflag:$0x2], $0xC0, $0x38;
	[tilespmem:$0x5480] =	vst v63  }
0x238: {  	_ =	swait.ge [sflag:s12], $0xC0  }
0x239: {  	[sflag:s12] =	ssyncset.done $0x0  }
0x23a: {  	[sflag:s12] =	ssyncadd.s32 $0xFFFFFF40  }
0x23b: {  	_ =	sfence.sel $0x180000  }
0x23c: {  	[bflag:$0x0] =	sbarrier.arrive $0xFFFF  }
0x23d: {  	p0 =	sne.s32 s0, $0x0;
	_ =	strace $0x90000047  }
0x23e: {  	s0 =	sadd.s32 @!p0 $0x100000, s1;
	[bflag:$0x2] =	sbarrier.arrive $0xFFFF  }
0x23f: {  	[sflag:s0] =	ssyncadd.tile.s32 @!p0 $0x1;
	_ =	shalt  }
.Lfunc_end2:
_tile_overlayer_lowered:
.L_overlay_start_2:
0x240: {  	(tag) =	ssettag $0x2  }
0x241: {  	s0 =	rddreg [dreg:$0x0];
	s2 =	stileid.u32  }
0x242: {  	s1 =	rddreg [dreg:$0x1];
	p0 =	sne.s32 s2, $0x0  }
0x243: {  	s3 =	rddreg [dreg:$0x2];
	[bflag:$0x3] =	sbarrier.arrive $0xFFFF;
	s2 =	simm.s32 @!p0 $0x1C02  }
0x244: {  	[timem:s3], [sflag:s2] =	dma.local @!p0 [hbm:s0], s1  }
0x245: {  	s0 =	simm.s32 @!p0 $0x2  }
0x246: {  	_ =	swait.ge @!p0 [sflag:s0], s1  }
0x247: {  	s1 =	ssub.s32 @!p0 $0x0, s1;
	[sflag:s0] =	ssyncset.done @!p0 $0x0  }
0x248: {  	[sflag:s0] =	ssyncadd.s32 @!p0 s1  }
0x249: {  	[bflag:$0x3] =	sbarrier.arrive $0xFFFF  }
0x24a: {  	_ =	shalt  }

</sc_bundles>
